<compile_context>
chip_gen: v7x
topology: tpu7x:2x2x1
jax: 0.10.2.dev20260603
libtpu: 0.0.44.dev20260713+nightly
codegen_flags: <defaults>
</compile_context>

<pallas_src>
import jax
import jax.numpy as jnp
from jax import lax
from jax.experimental import pallas as pl
from jax.experimental.pallas import tpu as pltpu
from jax.experimental.pallas import tpu_sc as plsc

VOCAB = 100000
DIM = 1024
MAX_SEQ = 8192
B = 4
S = 4096
G = DIM // 128
LANES = 16

NC = 2
NS = 16
NW = NC * NS
SW = S // NW
SCH = 2
RPC = B * SCH
NCH = SW // SCH
NBUFG = 4
NBUFS = 4
SCH_BITS = SCH.bit_length() - 1


def _body(tok_idx, pos_idx, word_tbl, pos_tbl, out,
          idx_t, idx_p, wbufs, pbufs, sbufs, semw, semp, sems):
    wid = lax.axis_index("s") * NC + lax.axis_index("c")
    s0 = wid * SW

    pltpu.sync_copy(tok_idx.at[:, pl.ds(s0, SW)], idx_t)
    pltpu.sync_copy(pos_idx.at[:, pl.ds(s0, SW)], idx_p)

    def fire(c, bslot):
        for bb in range(B):
            pltpu.async_copy(
                word_tbl.at[idx_t.at[bb, pl.ds(c * SCH, SCH)]],
                wbufs[bslot].at[bb], semw[bslot])
            pltpu.async_copy(
                pos_tbl.at[idx_p.at[bb, pl.ds(c * SCH, SCH)]],
                pbufs[bslot].at[bb], semp[bslot])

    for bslot in range(NBUFG):
        fire(bslot, bslot)

    def outer(g_it, carry):
        for bslot in range(NBUFG):
            c = g_it * NBUFG + bslot
            sslot = bslot % NBUFS
            wb = wbufs[bslot]
            pb = pbufs[bslot]
            sb = sbufs[sslot]

            for bb in range(B):
                pltpu.make_async_copy(
                    word_tbl.at[idx_t.at[bb, pl.ds(c * SCH, SCH)]],
                    wb.at[bb], semw[bslot]).wait()
                pltpu.make_async_copy(
                    pos_tbl.at[idx_p.at[bb, pl.ds(c * SCH, SCH)]],
                    pb.at[bb], semp[bslot]).wait()

            @pl.when(c >= NBUFS)
            def _():
                pltpu.make_async_copy(
                    sb, out.at[pl.ds(s0, SCH)], sems[sslot]).wait()

            @plsc.parallel_loop(0, RPC * G, step=1, unroll=8)
            def _add(it):
                r = lax.shift_right_logical(it, 3)
                g = lax.bitwise_and(it, 7)
                bb = lax.shift_right_logical(r, SCH_BITS)
                si = lax.bitwise_and(r, SCH - 1)
                for lq in range(8):
                    sb[si, g, bb, pl.ds(lq * LANES, LANES)] = (
                        wb[bb, si, pl.ds(g * 128 + lq * LANES, LANES)]
                        + pb[bb, si, pl.ds(g * 128 + lq * LANES, LANES)])

            cn = c + NBUFG

            @pl.when(cn < NCH)
            def _():
                fire(cn, bslot)

            pltpu.async_copy(
                sb, out.at[pl.ds(s0 + c * SCH, SCH)], sems[sslot])
        return carry

    lax.fori_loop(0, NCH // NBUFG, outer, 0)

    for sslot in range(NBUFS):
        c = NCH - NBUFS + sslot
        pltpu.make_async_copy(
            sbufs[(c % NBUFS)], out.at[pl.ds(s0 + c * SCH, SCH)],
            sems[(c % NBUFS)]).wait()


@jax.jit
def _run(tok_idx, pos_idx, word_table, pos_table):
    mesh = plsc.VectorSubcoreMesh(
        core_axis_name="c", subcore_axis_name="s",
        num_cores=NC, num_subcores=NS)
    kfn = pl.kernel(
        _body,
        out_type=jax.ShapeDtypeStruct((S, G, B, 128), jnp.float32),
        mesh=mesh,
        scratch_types=[
            pltpu.VMEM((B, SW), jnp.int32),
            pltpu.VMEM((B, SW), jnp.int32),
            [pltpu.VMEM((B, SCH, DIM), jnp.float32) for _ in range(NBUFG)],
            [pltpu.VMEM((B, SCH, DIM), jnp.float32) for _ in range(NBUFG)],
            [pltpu.VMEM((SCH, G, B, 128), jnp.float32) for _ in range(NBUFS)],
            [pltpu.SemaphoreType.DMA for _ in range(NBUFG)],
            [pltpu.SemaphoreType.DMA for _ in range(NBUFG)],
            [pltpu.SemaphoreType.DMA for _ in range(NBUFS)],
        ],
    )
    return kfn(tok_idx, pos_idx, word_table, pos_table)


def kernel(tokens, position_ids, word_table, pos_table):
    out4 = _run(tokens.astype(jnp.int32), position_ids.astype(jnp.int32),
                word_table, pos_table)
    return out4.transpose(0, 2, 1, 3).reshape(S, B, DIM)

# --- scband reference (transcript-rebuilt; emitter-appended) ---
"""Pipeline reference for scband-embedding-42880953484129 (READ-ONLY COPY).

The authoritative reference and input builder live on the scoring server;
editing this copy changes nothing except your own understanding.
"""

import jax, jax.numpy as jnp
import numpy as np

VOCAB = 100000
DIM = 1024
MAX_SEQ = 8192
B = 4
S = 4096

def setup_inputs(seed: int = 0) -> dict:
    key = jax.random.key(seed)
    k1, k2, k3, k4 = jax.random.split(key, 4)
    tokens = jax.random.randint(k1, (B, S), 0, VOCAB)
    position_ids = jax.random.randint(k2, (B, S), 0, MAX_SEQ)
    # learned parameters sized per init_kwargs
    word_table = jax.random.normal(k3, (VOCAB, DIM), dtype=jnp.float32) * 0.02
    pos_table = jax.random.normal(k4, (MAX_SEQ, DIM), dtype=jnp.float32) * 0.02
    return {"tokens": tokens, "position_ids": position_ids, "word_table": word_table, "pos_table": pos_table}

def reference(tokens, position_ids, word_table, pos_table):
    # word_embeddings(tokens): gather rows from the vocab table
    words_embeddings = jnp.take(word_table, tokens, axis=0)           # [B, S, D]
    # position_embeddings(position_ids)
    position_embeddings = jnp.take(pos_table, position_ids, axis=0)   # [B, S, D]
    embeddings = words_embeddings + position_embeddings               # [B, S, D]
    # transpose(0, 1).contiguous() -> [S, B, D]
    embeddings = jnp.transpose(embeddings, (1, 0, 2))
    # fp32_residual_connection: already float32
    # embedding_dropout with p=0.0 (eval/identity)
    return embeddings

if __name__ == "__main__":
    import jax
    _d = setup_inputs()
    print(jax.jit(kernel)(*tuple(_d.values())))

</pallas_src>

<mosaic_0001>
#map = affine_map<(d0, d1) -> (0, 0)>
#map1 = affine_map<(d0, d1) -> (0, 0, 0, 0)>
module attributes {stable_mosaic.version = 14 : i64} {
  func.func @_body(%arg0: i32, %arg1: i32, %arg2: memref<4x4096xi32, #tpu.memory_space<hbm>>, %arg3: memref<4x4096xi32, #tpu.memory_space<hbm>>, %arg4: memref<100000x1024xf32, #tpu.memory_space<hbm>>, %arg5: memref<8192x1024xf32, #tpu.memory_space<hbm>>, %arg6: memref<4096x8x4x128xf32, #tpu.memory_space<hbm>>, %arg7: memref<4x128xi32, #tpu.memory_space<vmem>>, %arg8: memref<4x128xi32, #tpu.memory_space<vmem>>, %arg9: memref<4x2x1024xf32, #tpu.memory_space<vmem>>, %arg10: memref<4x2x1024xf32, #tpu.memory_space<vmem>>, %arg11: memref<4x2x1024xf32, #tpu.memory_space<vmem>>, %arg12: memref<4x2x1024xf32, #tpu.memory_space<vmem>>, %arg13: memref<4x2x1024xf32, #tpu.memory_space<vmem>>, %arg14: memref<4x2x1024xf32, #tpu.memory_space<vmem>>, %arg15: memref<4x2x1024xf32, #tpu.memory_space<vmem>>, %arg16: memref<4x2x1024xf32, #tpu.memory_space<vmem>>, %arg17: memref<2x8x4x128xf32, #tpu.memory_space<vmem>>, %arg18: memref<2x8x4x128xf32, #tpu.memory_space<vmem>>, %arg19: memref<2x8x4x128xf32, #tpu.memory_space<vmem>>, %arg20: memref<2x8x4x128xf32, #tpu.memory_space<vmem>>, %arg21: memref<!tpu.dma_semaphore, #tpu.memory_space<semaphore_mem>>, %arg22: memref<!tpu.dma_semaphore, #tpu.memory_space<semaphore_mem>>, %arg23: memref<!tpu.dma_semaphore, #tpu.memory_space<semaphore_mem>>, %arg24: memref<!tpu.dma_semaphore, #tpu.memory_space<semaphore_mem>>, %arg25: memref<!tpu.dma_semaphore, #tpu.memory_space<semaphore_mem>>, %arg26: memref<!tpu.dma_semaphore, #tpu.memory_space<semaphore_mem>>, %arg27: memref<!tpu.dma_semaphore, #tpu.memory_space<semaphore_mem>>, %arg28: memref<!tpu.dma_semaphore, #tpu.memory_space<semaphore_mem>>, %arg29: memref<!tpu.dma_semaphore, #tpu.memory_space<semaphore_mem>>, %arg30: memref<!tpu.dma_semaphore, #tpu.memory_space<semaphore_mem>>, %arg31: memref<!tpu.dma_semaphore, #tpu.memory_space<semaphore_mem>>, %arg32: memref<!tpu.dma_semaphore, #tpu.memory_space<semaphore_mem>>) attributes {dimension_semantics = [#tpu.dimension_semantics<core_parallel>, #tpu.dimension_semantics<subcore_parallel>], iteration_bounds = array<i64: 2, 16>, scalar_prefetch = 0 : i64, scratch_operands = 26 : i64, tpu.core_type = #tpu.core_type<sc_vector_subcore>, window_params = [{transform_indices = #map}, {transform_indices = #map}, {transform_indices = #map}, {transform_indices = #map}, {transform_indices = #map1}]} {
    %mul3A = arith.constant 2 : i32
    %mul3A_0 = arith.muli %arg1, %mul3A : i32
    %add3A = arith.addi %mul3A_0, %arg0 : i32
    %mul3A_1 = arith.constant 128 : i32
    %mul3A_2 = arith.muli %add3A, %mul3A_1 : i32
    "tpu.region"() ({
      %run_scoped3A = tpu.sem_alloc : memref<!tpu.dma_semaphore, #tpu.memory_space<semaphore_mem>>
      %dma_start3A_430 = arith.constant 0 : i32
      %dma_start3A_431 = tpu.memref_slice %arg2[%dma_start3A_430, %mul3A_2] : memref<4x4096xi32, #tpu.memory_space<hbm>> -> memref<4x128xi32, #tpu.memory_space<hbm>>
      %dma_start3A_432 = arith.constant 0 : i32
      %dma_start3A_433 = tpu.memref_slice %arg2[%dma_start3A_432, %mul3A_2] : memref<4x4096xi32, #tpu.memory_space<hbm>> -> memref<4x128xi32, #tpu.memory_space<hbm>>
      tpu.enqueue_dma source(%dma_start3A_433 : memref<4x128xi32, #tpu.memory_space<hbm>>) target(%arg7 : memref<4x128xi32, #tpu.memory_space<vmem>>) target_semaphore(%run_scoped3A : memref<!tpu.dma_semaphore, #tpu.memory_space<semaphore_mem>>)
      %dma_wait3A_434 = arith.constant 0 : i32
      %dma_wait3A_435 = tpu.memref_slice %arg2[%dma_wait3A_434, %mul3A_2] : memref<4x4096xi32, #tpu.memory_space<hbm>> -> memref<4x128xi32, #tpu.memory_space<hbm>>
      %dma_wait3A_436 = arith.constant 0 : i32
      %dma_wait3A_437 = tpu.memref_slice %arg2[%dma_wait3A_436, %mul3A_2] : memref<4x4096xi32, #tpu.memory_space<hbm>> -> memref<4x128xi32, #tpu.memory_space<hbm>>
      tpu.wait_dma2 semaphore(%run_scoped3A : memref<!tpu.dma_semaphore, #tpu.memory_space<semaphore_mem>>) src(%dma_wait3A_437 : memref<4x128xi32, #tpu.memory_space<hbm>>) dst(%arg7 : memref<4x128xi32, #tpu.memory_space<vmem>>)
      tpu.yield
    }) : () -> ()
    "tpu.region"() ({
      %run_scoped3A = tpu.sem_alloc : memref<!tpu.dma_semaphore, #tpu.memory_space<semaphore_mem>>
      %dma_start3A_430 = arith.constant 0 : i32
      %dma_start3A_431 = tpu.memref_slice %arg3[%dma_start3A_430, %mul3A_2] : memref<4x4096xi32, #tpu.memory_space<hbm>> -> memref<4x128xi32, #tpu.memory_space<hbm>>
      %dma_start3A_432 = arith.constant 0 : i32
      %dma_start3A_433 = tpu.memref_slice %arg3[%dma_start3A_432, %mul3A_2] : memref<4x4096xi32, #tpu.memory_space<hbm>> -> memref<4x128xi32, #tpu.memory_space<hbm>>
      tpu.enqueue_dma source(%dma_start3A_433 : memref<4x128xi32, #tpu.memory_space<hbm>>) target(%arg8 : memref<4x128xi32, #tpu.memory_space<vmem>>) target_semaphore(%run_scoped3A : memref<!tpu.dma_semaphore, #tpu.memory_space<semaphore_mem>>)
      %dma_wait3A_434 = arith.constant 0 : i32
      %dma_wait3A_435 = tpu.memref_slice %arg3[%dma_wait3A_434, %mul3A_2] : memref<4x4096xi32, #tpu.memory_space<hbm>> -> memref<4x128xi32, #tpu.memory_space<hbm>>
      %dma_wait3A_436 = arith.constant 0 : i32
      %dma_wait3A_437 = tpu.memref_slice %arg3[%dma_wait3A_436, %mul3A_2] : memref<4x4096xi32, #tpu.memory_space<hbm>> -> memref<4x128xi32, #tpu.memory_space<hbm>>
      tpu.wait_dma2 semaphore(%run_scoped3A : memref<!tpu.dma_semaphore, #tpu.memory_space<semaphore_mem>>) src(%dma_wait3A_437 : memref<4x128xi32, #tpu.memory_space<hbm>>) dst(%arg8 : memref<4x128xi32, #tpu.memory_space<vmem>>)
      tpu.yield
    }) : () -> ()
    %dma_start3A = arith.constant 0 : i32
    %dma_start3A_3 = arith.constant 0 : i32
    %dma_start3A_4 = arith.constant 0 : i32
    %dma_start3A_5 = arith.constant 0 : i32
    %dma_start3A_6 = tpu.memref_slice %arg9[%dma_start3A_3, %dma_start3A_4, %dma_start3A_5] : memref<4x2x1024xf32, #tpu.memory_space<vmem>> -> memref<1x2x1024xf32, #tpu.memory_space<vmem>>
    %dma_start3A_7 = tpu.memref_squeeze %dma_start3A_6 : memref<1x2x1024xf32, #tpu.memory_space<vmem>> -> memref<2x1024xf32, #tpu.memory_space<vmem>>
    %dma_start3A_8 = arith.constant 0 : i32
    %dma_start3A_9 = tpu.memref_slice %arg7[%dma_start3A, %dma_start3A_8] : memref<4x128xi32, #tpu.memory_space<vmem>> -> memref<1x2xi32, #tpu.memory_space<vmem>>
    %dma_start3A_10 = tpu.memref_squeeze %dma_start3A_9 : memref<1x2xi32, #tpu.memory_space<vmem>> -> memref<2xi32, #tpu.memory_space<vmem>>
    %dma_start3A_11 = arith.constant 0 : i32
    %dma_start3A_12 = arith.constant 0 : i32
    %dma_start3A_13 = tpu.memref_slice %arg4[%dma_start3A_11, %dma_start3A_12] : memref<100000x1024xf32, #tpu.memory_space<hbm>> -> memref<100000x1024xf32, #tpu.memory_space<hbm>>
    tpu.enqueue_indirect_dma source(%dma_start3A_13 : memref<100000x1024xf32, #tpu.memory_space<hbm>>) target(%dma_start3A_7 : memref<2x1024xf32, #tpu.memory_space<vmem>>) offsets(%dma_start3A_10 : memref<2xi32, #tpu.memory_space<vmem>>) semaphore(%arg21 : memref<!tpu.dma_semaphore, #tpu.memory_space<semaphore_mem>>)
    %dma_start3A_14 = arith.constant 0 : i32
    %dma_start3A_15 = arith.constant 0 : i32
    %dma_start3A_16 = arith.constant 0 : i32
    %dma_start3A_17 = arith.constant 0 : i32
    %dma_start3A_18 = tpu.memref_slice %arg13[%dma_start3A_15, %dma_start3A_16, %dma_start3A_17] : memref<4x2x1024xf32, #tpu.memory_space<vmem>> -> memref<1x2x1024xf32, #tpu.memory_space<vmem>>
    %dma_start3A_19 = tpu.memref_squeeze %dma_start3A_18 : memref<1x2x1024xf32, #tpu.memory_space<vmem>> -> memref<2x1024xf32, #tpu.memory_space<vmem>>
    %dma_start3A_20 = arith.constant 0 : i32
    %dma_start3A_21 = tpu.memref_slice %arg8[%dma_start3A_14, %dma_start3A_20] : memref<4x128xi32, #tpu.memory_space<vmem>> -> memref<1x2xi32, #tpu.memory_space<vmem>>
    %dma_start3A_22 = tpu.memref_squeeze %dma_start3A_21 : memref<1x2xi32, #tpu.memory_space<vmem>> -> memref<2xi32, #tpu.memory_space<vmem>>
    %dma_start3A_23 = arith.constant 0 : i32
    %dma_start3A_24 = arith.constant 0 : i32
    %dma_start3A_25 = tpu.memref_slice %arg5[%dma_start3A_23, %dma_start3A_24] : memref<8192x1024xf32, #tpu.memory_space<hbm>> -> memref<8192x1024xf32, #tpu.memory_space<hbm>>
    tpu.enqueue_indirect_dma source(%dma_start3A_25 : memref<8192x1024xf32, #tpu.memory_space<hbm>>) target(%dma_start3A_19 : memref<2x1024xf32, #tpu.memory_space<vmem>>) offsets(%dma_start3A_22 : memref<2xi32, #tpu.memory_space<vmem>>) semaphore(%arg25 : memref<!tpu.dma_semaphore, #tpu.memory_space<semaphore_mem>>)
    %dma_start3A_26 = arith.constant 1 : i32
    %dma_start3A_27 = arith.constant 1 : i32
    %dma_start3A_28 = arith.constant 0 : i32
    %dma_start3A_29 = arith.constant 0 : i32
    %dma_start3A_30 = tpu.memref_slice %arg9[%dma_start3A_27, %dma_start3A_28, %dma_start3A_29] : memref<4x2x1024xf32, #tpu.memory_space<vmem>> -> memref<1x2x1024xf32, #tpu.memory_space<vmem>>
    %dma_start3A_31 = tpu.memref_squeeze %dma_start3A_30 : memref<1x2x1024xf32, #tpu.memory_space<vmem>> -> memref<2x1024xf32, #tpu.memory_space<vmem>>
    %dma_start3A_32 = arith.constant 0 : i32
    %dma_start3A_33 = tpu.memref_slice %arg7[%dma_start3A_26, %dma_start3A_32] : memref<4x128xi32, #tpu.memory_space<vmem>> -> memref<1x2xi32, #tpu.memory_space<vmem>>
    %dma_start3A_34 = tpu.memref_squeeze %dma_start3A_33 : memref<1x2xi32, #tpu.memory_space<vmem>> -> memref<2xi32, #tpu.memory_space<vmem>>
    %dma_start3A_35 = arith.constant 0 : i32
    %dma_start3A_36 = arith.constant 0 : i32
    %dma_start3A_37 = tpu.memref_slice %arg4[%dma_start3A_35, %dma_start3A_36] : memref<100000x1024xf32, #tpu.memory_space<hbm>> -> memref<100000x1024xf32, #tpu.memory_space<hbm>>
    tpu.enqueue_indirect_dma source(%dma_start3A_37 : memref<100000x1024xf32, #tpu.memory_space<hbm>>) target(%dma_start3A_31 : memref<2x1024xf32, #tpu.memory_space<vmem>>) offsets(%dma_start3A_34 : memref<2xi32, #tpu.memory_space<vmem>>) semaphore(%arg21 : memref<!tpu.dma_semaphore, #tpu.memory_space<semaphore_mem>>)
    %dma_start3A_38 = arith.constant 1 : i32
    %dma_start3A_39 = arith.constant 1 : i32
    %dma_start3A_40 = arith.constant 0 : i32
    %dma_start3A_41 = arith.constant 0 : i32
    %dma_start3A_42 = tpu.memref_slice %arg13[%dma_start3A_39, %dma_start3A_40, %dma_start3A_41] : memref<4x2x1024xf32, #tpu.memory_space<vmem>> -> memref<1x2x1024xf32, #tpu.memory_space<vmem>>
    %dma_start3A_43 = tpu.memref_squeeze %dma_start3A_42 : memref<1x2x1024xf32, #tpu.memory_space<vmem>> -> memref<2x1024xf32, #tpu.memory_space<vmem>>
    %dma_start3A_44 = arith.constant 0 : i32
    %dma_start3A_45 = tpu.memref_slice %arg8[%dma_start3A_38, %dma_start3A_44] : memref<4x128xi32, #tpu.memory_space<vmem>> -> memref<1x2xi32, #tpu.memory_space<vmem>>
    %dma_start3A_46 = tpu.memref_squeeze %dma_start3A_45 : memref<1x2xi32, #tpu.memory_space<vmem>> -> memref<2xi32, #tpu.memory_space<vmem>>
    %dma_start3A_47 = arith.constant 0 : i32
    %dma_start3A_48 = arith.constant 0 : i32
    %dma_start3A_49 = tpu.memref_slice %arg5[%dma_start3A_47, %dma_start3A_48] : memref<8192x1024xf32, #tpu.memory_space<hbm>> -> memref<8192x1024xf32, #tpu.memory_space<hbm>>
    tpu.enqueue_indirect_dma source(%dma_start3A_49 : memref<8192x1024xf32, #tpu.memory_space<hbm>>) target(%dma_start3A_43 : memref<2x1024xf32, #tpu.memory_space<vmem>>) offsets(%dma_start3A_46 : memref<2xi32, #tpu.memory_space<vmem>>) semaphore(%arg25 : memref<!tpu.dma_semaphore, #tpu.memory_space<semaphore_mem>>)
    %dma_start3A_50 = arith.constant 2 : i32
    %dma_start3A_51 = arith.constant 2 : i32
    %dma_start3A_52 = arith.constant 0 : i32
    %dma_start3A_53 = arith.constant 0 : i32
    %dma_start3A_54 = tpu.memref_slice %arg9[%dma_start3A_51, %dma_start3A_52, %dma_start3A_53] : memref<4x2x1024xf32, #tpu.memory_space<vmem>> -> memref<1x2x1024xf32, #tpu.memory_space<vmem>>
    %dma_start3A_55 = tpu.memref_squeeze %dma_start3A_54 : memref<1x2x1024xf32, #tpu.memory_space<vmem>> -> memref<2x1024xf32, #tpu.memory_space<vmem>>
    %dma_start3A_56 = arith.constant 0 : i32
    %dma_start3A_57 = tpu.memref_slice %arg7[%dma_start3A_50, %dma_start3A_56] : memref<4x128xi32, #tpu.memory_space<vmem>> -> memref<1x2xi32, #tpu.memory_space<vmem>>
    %dma_start3A_58 = tpu.memref_squeeze %dma_start3A_57 : memref<1x2xi32, #tpu.memory_space<vmem>> -> memref<2xi32, #tpu.memory_space<vmem>>
    %dma_start3A_59 = arith.constant 0 : i32
    %dma_start3A_60 = arith.constant 0 : i32
    %dma_start3A_61 = tpu.memref_slice %arg4[%dma_start3A_59, %dma_start3A_60] : memref<100000x1024xf32, #tpu.memory_space<hbm>> -> memref<100000x1024xf32, #tpu.memory_space<hbm>>
    tpu.enqueue_indirect_dma source(%dma_start3A_61 : memref<100000x1024xf32, #tpu.memory_space<hbm>>) target(%dma_start3A_55 : memref<2x1024xf32, #tpu.memory_space<vmem>>) offsets(%dma_start3A_58 : memref<2xi32, #tpu.memory_space<vmem>>) semaphore(%arg21 : memref<!tpu.dma_semaphore, #tpu.memory_space<semaphore_mem>>)
    %dma_start3A_62 = arith.constant 2 : i32
    %dma_start3A_63 = arith.constant 2 : i32
    %dma_start3A_64 = arith.constant 0 : i32
    %dma_start3A_65 = arith.constant 0 : i32
    %dma_start3A_66 = tpu.memref_slice %arg13[%dma_start3A_63, %dma_start3A_64, %dma_start3A_65] : memref<4x2x1024xf32, #tpu.memory_space<vmem>> -> memref<1x2x1024xf32, #tpu.memory_space<vmem>>
    %dma_start3A_67 = tpu.memref_squeeze %dma_start3A_66 : memref<1x2x1024xf32, #tpu.memory_space<vmem>> -> memref<2x1024xf32, #tpu.memory_space<vmem>>
    %dma_start3A_68 = arith.constant 0 : i32
    %dma_start3A_69 = tpu.memref_slice %arg8[%dma_start3A_62, %dma_start3A_68] : memref<4x128xi32, #tpu.memory_space<vmem>> -> memref<1x2xi32, #tpu.memory_space<vmem>>
    %dma_start3A_70 = tpu.memref_squeeze %dma_start3A_69 : memref<1x2xi32, #tpu.memory_space<vmem>> -> memref<2xi32, #tpu.memory_space<vmem>>
    %dma_start3A_71 = arith.constant 0 : i32
    %dma_start3A_72 = arith.constant 0 : i32
    %dma_start3A_73 = tpu.memref_slice %arg5[%dma_start3A_71, %dma_start3A_72] : memref<8192x1024xf32, #tpu.memory_space<hbm>> -> memref<8192x1024xf32, #tpu.memory_space<hbm>>
    tpu.enqueue_indirect_dma source(%dma_start3A_73 : memref<8192x1024xf32, #tpu.memory_space<hbm>>) target(%dma_start3A_67 : memref<2x1024xf32, #tpu.memory_space<vmem>>) offsets(%dma_start3A_70 : memref<2xi32, #tpu.memory_space<vmem>>) semaphore(%arg25 : memref<!tpu.dma_semaphore, #tpu.memory_space<semaphore_mem>>)
    %dma_start3A_74 = arith.constant 3 : i32
    %dma_start3A_75 = arith.constant 3 : i32
    %dma_start3A_76 = arith.constant 0 : i32
    %dma_start3A_77 = arith.constant 0 : i32
    %dma_start3A_78 = tpu.memref_slice %arg9[%dma_start3A_75, %dma_start3A_76, %dma_start3A_77] : memref<4x2x1024xf32, #tpu.memory_space<vmem>> -> memref<1x2x1024xf32, #tpu.memory_space<vmem>>
    %dma_start3A_79 = tpu.memref_squeeze %dma_start3A_78 : memref<1x2x1024xf32, #tpu.memory_space<vmem>> -> memref<2x1024xf32, #tpu.memory_space<vmem>>
    %dma_start3A_80 = arith.constant 0 : i32
    %dma_start3A_81 = tpu.memref_slice %arg7[%dma_start3A_74, %dma_start3A_80] : memref<4x128xi32, #tpu.memory_space<vmem>> -> memref<1x2xi32, #tpu.memory_space<vmem>>
    %dma_start3A_82 = tpu.memref_squeeze %dma_start3A_81 : memref<1x2xi32, #tpu.memory_space<vmem>> -> memref<2xi32, #tpu.memory_space<vmem>>
    %dma_start3A_83 = arith.constant 0 : i32
    %dma_start3A_84 = arith.constant 0 : i32
    %dma_start3A_85 = tpu.memref_slice %arg4[%dma_start3A_83, %dma_start3A_84] : memref<100000x1024xf32, #tpu.memory_space<hbm>> -> memref<100000x1024xf32, #tpu.memory_space<hbm>>
    tpu.enqueue_indirect_dma source(%dma_start3A_85 : memref<100000x1024xf32, #tpu.memory_space<hbm>>) target(%dma_start3A_79 : memref<2x1024xf32, #tpu.memory_space<vmem>>) offsets(%dma_start3A_82 : memref<2xi32, #tpu.memory_space<vmem>>) semaphore(%arg21 : memref<!tpu.dma_semaphore, #tpu.memory_space<semaphore_mem>>)
    %dma_start3A_86 = arith.constant 3 : i32
    %dma_start3A_87 = arith.constant 3 : i32
    %dma_start3A_88 = arith.constant 0 : i32
    %dma_start3A_89 = arith.constant 0 : i32
    %dma_start3A_90 = tpu.memref_slice %arg13[%dma_start3A_87, %dma_start3A_88, %dma_start3A_89] : memref<4x2x1024xf32, #tpu.memory_space<vmem>> -> memref<1x2x1024xf32, #tpu.memory_space<vmem>>
    %dma_start3A_91 = tpu.memref_squeeze %dma_start3A_90 : memref<1x2x1024xf32, #tpu.memory_space<vmem>> -> memref<2x1024xf32, #tpu.memory_space<vmem>>
    %dma_start3A_92 = arith.constant 0 : i32
    %dma_start3A_93 = tpu.memref_slice %arg8[%dma_start3A_86, %dma_start3A_92] : memref<4x128xi32, #tpu.memory_space<vmem>> -> memref<1x2xi32, #tpu.memory_space<vmem>>
    %dma_start3A_94 = tpu.memref_squeeze %dma_start3A_93 : memref<1x2xi32, #tpu.memory_space<vmem>> -> memref<2xi32, #tpu.memory_space<vmem>>
    %dma_start3A_95 = arith.constant 0 : i32
    %dma_start3A_96 = arith.constant 0 : i32
    %dma_start3A_97 = tpu.memref_slice %arg5[%dma_start3A_95, %dma_start3A_96] : memref<8192x1024xf32, #tpu.memory_space<hbm>> -> memref<8192x1024xf32, #tpu.memory_space<hbm>>
    tpu.enqueue_indirect_dma source(%dma_start3A_97 : memref<8192x1024xf32, #tpu.memory_space<hbm>>) target(%dma_start3A_91 : memref<2x1024xf32, #tpu.memory_space<vmem>>) offsets(%dma_start3A_94 : memref<2xi32, #tpu.memory_space<vmem>>) semaphore(%arg25 : memref<!tpu.dma_semaphore, #tpu.memory_space<semaphore_mem>>)
    %dma_start3A_98 = arith.constant 0 : i32
    %dma_start3A_99 = arith.constant 0 : i32
    %dma_start3A_100 = arith.constant 0 : i32
    %dma_start3A_101 = arith.constant 0 : i32
    %dma_start3A_102 = tpu.memref_slice %arg10[%dma_start3A_99, %dma_start3A_100, %dma_start3A_101] : memref<4x2x1024xf32, #tpu.memory_space<vmem>> -> memref<1x2x1024xf32, #tpu.memory_space<vmem>>
    %dma_start3A_103 = tpu.memref_squeeze %dma_start3A_102 : memref<1x2x1024xf32, #tpu.memory_space<vmem>> -> memref<2x1024xf32, #tpu.memory_space<vmem>>
    %dma_start3A_104 = arith.constant 2 : i32
    %dma_start3A_105 = tpu.memref_slice %arg7[%dma_start3A_98, %dma_start3A_104] : memref<4x128xi32, #tpu.memory_space<vmem>> -> memref<1x2xi32, #tpu.memory_space<vmem>>
    %dma_start3A_106 = tpu.memref_squeeze %dma_start3A_105 : memref<1x2xi32, #tpu.memory_space<vmem>> -> memref<2xi32, #tpu.memory_space<vmem>>
    %dma_start3A_107 = arith.constant 0 : i32
    %dma_start3A_108 = arith.constant 0 : i32
    %dma_start3A_109 = tpu.memref_slice %arg4[%dma_start3A_107, %dma_start3A_108] : memref<100000x1024xf32, #tpu.memory_space<hbm>> -> memref<100000x1024xf32, #tpu.memory_space<hbm>>
    tpu.enqueue_indirect_dma source(%dma_start3A_109 : memref<100000x1024xf32, #tpu.memory_space<hbm>>) target(%dma_start3A_103 : memref<2x1024xf32, #tpu.memory_space<vmem>>) offsets(%dma_start3A_106 : memref<2xi32, #tpu.memory_space<vmem>>) semaphore(%arg22 : memref<!tpu.dma_semaphore, #tpu.memory_space<semaphore_mem>>)
    %dma_start3A_110 = arith.constant 0 : i32
    %dma_start3A_111 = arith.constant 0 : i32
    %dma_start3A_112 = arith.constant 0 : i32
    %dma_start3A_113 = arith.constant 0 : i32
    %dma_start3A_114 = tpu.memref_slice %arg14[%dma_start3A_111, %dma_start3A_112, %dma_start3A_113] : memref<4x2x1024xf32, #tpu.memory_space<vmem>> -> memref<1x2x1024xf32, #tpu.memory_space<vmem>>
    %dma_start3A_115 = tpu.memref_squeeze %dma_start3A_114 : memref<1x2x1024xf32, #tpu.memory_space<vmem>> -> memref<2x1024xf32, #tpu.memory_space<vmem>>
    %dma_start3A_116 = arith.constant 2 : i32
    %dma_start3A_117 = tpu.memref_slice %arg8[%dma_start3A_110, %dma_start3A_116] : memref<4x128xi32, #tpu.memory_space<vmem>> -> memref<1x2xi32, #tpu.memory_space<vmem>>
    %dma_start3A_118 = tpu.memref_squeeze %dma_start3A_117 : memref<1x2xi32, #tpu.memory_space<vmem>> -> memref<2xi32, #tpu.memory_space<vmem>>
    %dma_start3A_119 = arith.constant 0 : i32
    %dma_start3A_120 = arith.constant 0 : i32
    %dma_start3A_121 = tpu.memref_slice %arg5[%dma_start3A_119, %dma_start3A_120] : memref<8192x1024xf32, #tpu.memory_space<hbm>> -> memref<8192x1024xf32, #tpu.memory_space<hbm>>
    tpu.enqueue_indirect_dma source(%dma_start3A_121 : memref<8192x1024xf32, #tpu.memory_space<hbm>>) target(%dma_start3A_115 : memref<2x1024xf32, #tpu.memory_space<vmem>>) offsets(%dma_start3A_118 : memref<2xi32, #tpu.memory_space<vmem>>) semaphore(%arg26 : memref<!tpu.dma_semaphore, #tpu.memory_space<semaphore_mem>>)
    %dma_start3A_122 = arith.constant 1 : i32
    %dma_start3A_123 = arith.constant 1 : i32
    %dma_start3A_124 = arith.constant 0 : i32
    %dma_start3A_125 = arith.constant 0 : i32
    %dma_start3A_126 = tpu.memref_slice %arg10[%dma_start3A_123, %dma_start3A_124, %dma_start3A_125] : memref<4x2x1024xf32, #tpu.memory_space<vmem>> -> memref<1x2x1024xf32, #tpu.memory_space<vmem>>
    %dma_start3A_127 = tpu.memref_squeeze %dma_start3A_126 : memref<1x2x1024xf32, #tpu.memory_space<vmem>> -> memref<2x1024xf32, #tpu.memory_space<vmem>>
    %dma_start3A_128 = arith.constant 2 : i32
    %dma_start3A_129 = tpu.memref_slice %arg7[%dma_start3A_122, %dma_start3A_128] : memref<4x128xi32, #tpu.memory_space<vmem>> -> memref<1x2xi32, #tpu.memory_space<vmem>>
    %dma_start3A_130 = tpu.memref_squeeze %dma_start3A_129 : memref<1x2xi32, #tpu.memory_space<vmem>> -> memref<2xi32, #tpu.memory_space<vmem>>
    %dma_start3A_131 = arith.constant 0 : i32
    %dma_start3A_132 = arith.constant 0 : i32
    %dma_start3A_133 = tpu.memref_slice %arg4[%dma_start3A_131, %dma_start3A_132] : memref<100000x1024xf32, #tpu.memory_space<hbm>> -> memref<100000x1024xf32, #tpu.memory_space<hbm>>
    tpu.enqueue_indirect_dma source(%dma_start3A_133 : memref<100000x1024xf32, #tpu.memory_space<hbm>>) target(%dma_start3A_127 : memref<2x1024xf32, #tpu.memory_space<vmem>>) offsets(%dma_start3A_130 : memref<2xi32, #tpu.memory_space<vmem>>) semaphore(%arg22 : memref<!tpu.dma_semaphore, #tpu.memory_space<semaphore_mem>>)
    %dma_start3A_134 = arith.constant 1 : i32
    %dma_start3A_135 = arith.constant 1 : i32
    %dma_start3A_136 = arith.constant 0 : i32
    %dma_start3A_137 = arith.constant 0 : i32
    %dma_start3A_138 = tpu.memref_slice %arg14[%dma_start3A_135, %dma_start3A_136, %dma_start3A_137] : memref<4x2x1024xf32, #tpu.memory_space<vmem>> -> memref<1x2x1024xf32, #tpu.memory_space<vmem>>
    %dma_start3A_139 = tpu.memref_squeeze %dma_start3A_138 : memref<1x2x1024xf32, #tpu.memory_space<vmem>> -> memref<2x1024xf32, #tpu.memory_space<vmem>>
    %dma_start3A_140 = arith.constant 2 : i32
    %dma_start3A_141 = tpu.memref_slice %arg8[%dma_start3A_134, %dma_start3A_140] : memref<4x128xi32, #tpu.memory_space<vmem>> -> memref<1x2xi32, #tpu.memory_space<vmem>>
    %dma_start3A_142 = tpu.memref_squeeze %dma_start3A_141 : memref<1x2xi32, #tpu.memory_space<vmem>> -> memref<2xi32, #tpu.memory_space<vmem>>
    %dma_start3A_143 = arith.constant 0 : i32
    %dma_start3A_144 = arith.constant 0 : i32
    %dma_start3A_145 = tpu.memref_slice %arg5[%dma_start3A_143, %dma_start3A_144] : memref<8192x1024xf32, #tpu.memory_space<hbm>> -> memref<8192x1024xf32, #tpu.memory_space<hbm>>
    tpu.enqueue_indirect_dma source(%dma_start3A_145 : memref<8192x1024xf32, #tpu.memory_space<hbm>>) target(%dma_start3A_139 : memref<2x1024xf32, #tpu.memory_space<vmem>>) offsets(%dma_start3A_142 : memref<2xi32, #tpu.memory_space<vmem>>) semaphore(%arg26 : memref<!tpu.dma_semaphore, #tpu.memory_space<semaphore_mem>>)
    %dma_start3A_146 = arith.constant 2 : i32
    %dma_start3A_147 = arith.constant 2 : i32
    %dma_start3A_148 = arith.constant 0 : i32
    %dma_start3A_149 = arith.constant 0 : i32
    %dma_start3A_150 = tpu.memref_slice %arg10[%dma_start3A_147, %dma_start3A_148, %dma_start3A_149] : memref<4x2x1024xf32, #tpu.memory_space<vmem>> -> memref<1x2x1024xf32, #tpu.memory_space<vmem>>
    %dma_start3A_151 = tpu.memref_squeeze %dma_start3A_150 : memref<1x2x1024xf32, #tpu.memory_space<vmem>> -> memref<2x1024xf32, #tpu.memory_space<vmem>>
    %dma_start3A_152 = arith.constant 2 : i32
    %dma_start3A_153 = tpu.memref_slice %arg7[%dma_start3A_146, %dma_start3A_152] : memref<4x128xi32, #tpu.memory_space<vmem>> -> memref<1x2xi32, #tpu.memory_space<vmem>>
    %dma_start3A_154 = tpu.memref_squeeze %dma_start3A_153 : memref<1x2xi32, #tpu.memory_space<vmem>> -> memref<2xi32, #tpu.memory_space<vmem>>
    %dma_start3A_155 = arith.constant 0 : i32
    %dma_start3A_156 = arith.constant 0 : i32
    %dma_start3A_157 = tpu.memref_slice %arg4[%dma_start3A_155, %dma_start3A_156] : memref<100000x1024xf32, #tpu.memory_space<hbm>> -> memref<100000x1024xf32, #tpu.memory_space<hbm>>
    tpu.enqueue_indirect_dma source(%dma_start3A_157 : memref<100000x1024xf32, #tpu.memory_space<hbm>>) target(%dma_start3A_151 : memref<2x1024xf32, #tpu.memory_space<vmem>>) offsets(%dma_start3A_154 : memref<2xi32, #tpu.memory_space<vmem>>) semaphore(%arg22 : memref<!tpu.dma_semaphore, #tpu.memory_space<semaphore_mem>>)
    %dma_start3A_158 = arith.constant 2 : i32
    %dma_start3A_159 = arith.constant 2 : i32
    %dma_start3A_160 = arith.constant 0 : i32
    %dma_start3A_161 = arith.constant 0 : i32
    %dma_start3A_162 = tpu.memref_slice %arg14[%dma_start3A_159, %dma_start3A_160, %dma_start3A_161] : memref<4x2x1024xf32, #tpu.memory_space<vmem>> -> memref<1x2x1024xf32, #tpu.memory_space<vmem>>
    %dma_start3A_163 = tpu.memref_squeeze %dma_start3A_162 : memref<1x2x1024xf32, #tpu.memory_space<vmem>> -> memref<2x1024xf32, #tpu.memory_space<vmem>>
    %dma_start3A_164 = arith.constant 2 : i32
    %dma_start3A_165 = tpu.memref_slice %arg8[%dma_start3A_158, %dma_start3A_164] : memref<4x128xi32, #tpu.memory_space<vmem>> -> memref<1x2xi32, #tpu.memory_space<vmem>>
    %dma_start3A_166 = tpu.memref_squeeze %dma_start3A_165 : memref<1x2xi32, #tpu.memory_space<vmem>> -> memref<2xi32, #tpu.memory_space<vmem>>
    %dma_start3A_167 = arith.constant 0 : i32
    %dma_start3A_168 = arith.constant 0 : i32
    %dma_start3A_169 = tpu.memref_slice %arg5[%dma_start3A_167, %dma_start3A_168] : memref<8192x1024xf32, #tpu.memory_space<hbm>> -> memref<8192x1024xf32, #tpu.memory_space<hbm>>
    tpu.enqueue_indirect_dma source(%dma_start3A_169 : memref<8192x1024xf32, #tpu.memory_space<hbm>>) target(%dma_start3A_163 : memref<2x1024xf32, #tpu.memory_space<vmem>>) offsets(%dma_start3A_166 : memref<2xi32, #tpu.memory_space<vmem>>) semaphore(%arg26 : memref<!tpu.dma_semaphore, #tpu.memory_space<semaphore_mem>>)
    %dma_start3A_170 = arith.constant 3 : i32
    %dma_start3A_171 = arith.constant 3 : i32
    %dma_start3A_172 = arith.constant 0 : i32
    %dma_start3A_173 = arith.constant 0 : i32
    %dma_start3A_174 = tpu.memref_slice %arg10[%dma_start3A_171, %dma_start3A_172, %dma_start3A_173] : memref<4x2x1024xf32, #tpu.memory_space<vmem>> -> memref<1x2x1024xf32, #tpu.memory_space<vmem>>
    %dma_start3A_175 = tpu.memref_squeeze %dma_start3A_174 : memref<1x2x1024xf32, #tpu.memory_space<vmem>> -> memref<2x1024xf32, #tpu.memory_space<vmem>>
    %dma_start3A_176 = arith.constant 2 : i32
    %dma_start3A_177 = tpu.memref_slice %arg7[%dma_start3A_170, %dma_start3A_176] : memref<4x128xi32, #tpu.memory_space<vmem>> -> memref<1x2xi32, #tpu.memory_space<vmem>>
    %dma_start3A_178 = tpu.memref_squeeze %dma_start3A_177 : memref<1x2xi32, #tpu.memory_space<vmem>> -> memref<2xi32, #tpu.memory_space<vmem>>
    %dma_start3A_179 = arith.constant 0 : i32
    %dma_start3A_180 = arith.constant 0 : i32
    %dma_start3A_181 = tpu.memref_slice %arg4[%dma_start3A_179, %dma_start3A_180] : memref<100000x1024xf32, #tpu.memory_space<hbm>> -> memref<100000x1024xf32, #tpu.memory_space<hbm>>
    tpu.enqueue_indirect_dma source(%dma_start3A_181 : memref<100000x1024xf32, #tpu.memory_space<hbm>>) target(%dma_start3A_175 : memref<2x1024xf32, #tpu.memory_space<vmem>>) offsets(%dma_start3A_178 : memref<2xi32, #tpu.memory_space<vmem>>) semaphore(%arg22 : memref<!tpu.dma_semaphore, #tpu.memory_space<semaphore_mem>>)
    %dma_start3A_182 = arith.constant 3 : i32
    %dma_start3A_183 = arith.constant 3 : i32
    %dma_start3A_184 = arith.constant 0 : i32
    %dma_start3A_185 = arith.constant 0 : i32
    %dma_start3A_186 = tpu.memref_slice %arg14[%dma_start3A_183, %dma_start3A_184, %dma_start3A_185] : memref<4x2x1024xf32, #tpu.memory_space<vmem>> -> memref<1x2x1024xf32, #tpu.memory_space<vmem>>
    %dma_start3A_187 = tpu.memref_squeeze %dma_start3A_186 : memref<1x2x1024xf32, #tpu.memory_space<vmem>> -> memref<2x1024xf32, #tpu.memory_space<vmem>>
    %dma_start3A_188 = arith.constant 2 : i32
    %dma_start3A_189 = tpu.memref_slice %arg8[%dma_start3A_182, %dma_start3A_188] : memref<4x128xi32, #tpu.memory_space<vmem>> -> memref<1x2xi32, #tpu.memory_space<vmem>>
    %dma_start3A_190 = tpu.memref_squeeze %dma_start3A_189 : memref<1x2xi32, #tpu.memory_space<vmem>> -> memref<2xi32, #tpu.memory_space<vmem>>
    %dma_start3A_191 = arith.constant 0 : i32
    %dma_start3A_192 = arith.constant 0 : i32
    %dma_start3A_193 = tpu.memref_slice %arg5[%dma_start3A_191, %dma_start3A_192] : memref<8192x1024xf32, #tpu.memory_space<hbm>> -> memref<8192x1024xf32, #tpu.memory_space<hbm>>
    tpu.enqueue_indirect_dma source(%dma_start3A_193 : memref<8192x1024xf32, #tpu.memory_space<hbm>>) target(%dma_start3A_187 : memref<2x1024xf32, #tpu.memory_space<vmem>>) offsets(%dma_start3A_190 : memref<2xi32, #tpu.memory_space<vmem>>) semaphore(%arg26 : memref<!tpu.dma_semaphore, #tpu.memory_space<semaphore_mem>>)
    %dma_start3A_194 = arith.constant 0 : i32
    %dma_start3A_195 = arith.constant 0 : i32
    %dma_start3A_196 = arith.constant 0 : i32
    %dma_start3A_197 = arith.constant 0 : i32
    %dma_start3A_198 = tpu.memref_slice %arg11[%dma_start3A_195, %dma_start3A_196, %dma_start3A_197] : memref<4x2x1024xf32, #tpu.memory_space<vmem>> -> memref<1x2x1024xf32, #tpu.memory_space<vmem>>
    %dma_start3A_199 = tpu.memref_squeeze %dma_start3A_198 : memref<1x2x1024xf32, #tpu.memory_space<vmem>> -> memref<2x1024xf32, #tpu.memory_space<vmem>>
    %dma_start3A_200 = arith.constant 4 : i32
    %dma_start3A_201 = tpu.memref_slice %arg7[%dma_start3A_194, %dma_start3A_200] : memref<4x128xi32, #tpu.memory_space<vmem>> -> memref<1x2xi32, #tpu.memory_space<vmem>>
    %dma_start3A_202 = tpu.memref_squeeze %dma_start3A_201 : memref<1x2xi32, #tpu.memory_space<vmem>> -> memref<2xi32, #tpu.memory_space<vmem>>
    %dma_start3A_203 = arith.constant 0 : i32
    %dma_start3A_204 = arith.constant 0 : i32
    %dma_start3A_205 = tpu.memref_slice %arg4[%dma_start3A_203, %dma_start3A_204] : memref<100000x1024xf32, #tpu.memory_space<hbm>> -> memref<100000x1024xf32, #tpu.memory_space<hbm>>
    tpu.enqueue_indirect_dma source(%dma_start3A_205 : memref<100000x1024xf32, #tpu.memory_space<hbm>>) target(%dma_start3A_199 : memref<2x1024xf32, #tpu.memory_space<vmem>>) offsets(%dma_start3A_202 : memref<2xi32, #tpu.memory_space<vmem>>) semaphore(%arg23 : memref<!tpu.dma_semaphore, #tpu.memory_space<semaphore_mem>>)
    %dma_start3A_206 = arith.constant 0 : i32
    %dma_start3A_207 = arith.constant 0 : i32
    %dma_start3A_208 = arith.constant 0 : i32
    %dma_start3A_209 = arith.constant 0 : i32
    %dma_start3A_210 = tpu.memref_slice %arg15[%dma_start3A_207, %dma_start3A_208, %dma_start3A_209] : memref<4x2x1024xf32, #tpu.memory_space<vmem>> -> memref<1x2x1024xf32, #tpu.memory_space<vmem>>
    %dma_start3A_211 = tpu.memref_squeeze %dma_start3A_210 : memref<1x2x1024xf32, #tpu.memory_space<vmem>> -> memref<2x1024xf32, #tpu.memory_space<vmem>>
    %dma_start3A_212 = arith.constant 4 : i32
    %dma_start3A_213 = tpu.memref_slice %arg8[%dma_start3A_206, %dma_start3A_212] : memref<4x128xi32, #tpu.memory_space<vmem>> -> memref<1x2xi32, #tpu.memory_space<vmem>>
    %dma_start3A_214 = tpu.memref_squeeze %dma_start3A_213 : memref<1x2xi32, #tpu.memory_space<vmem>> -> memref<2xi32, #tpu.memory_space<vmem>>
    %dma_start3A_215 = arith.constant 0 : i32
    %dma_start3A_216 = arith.constant 0 : i32
    %dma_start3A_217 = tpu.memref_slice %arg5[%dma_start3A_215, %dma_start3A_216] : memref<8192x1024xf32, #tpu.memory_space<hbm>> -> memref<8192x1024xf32, #tpu.memory_space<hbm>>
    tpu.enqueue_indirect_dma source(%dma_start3A_217 : memref<8192x1024xf32, #tpu.memory_space<hbm>>) target(%dma_start3A_211 : memref<2x1024xf32, #tpu.memory_space<vmem>>) offsets(%dma_start3A_214 : memref<2xi32, #tpu.memory_space<vmem>>) semaphore(%arg27 : memref<!tpu.dma_semaphore, #tpu.memory_space<semaphore_mem>>)
    %dma_start3A_218 = arith.constant 1 : i32
    %dma_start3A_219 = arith.constant 1 : i32
    %dma_start3A_220 = arith.constant 0 : i32
    %dma_start3A_221 = arith.constant 0 : i32
    %dma_start3A_222 = tpu.memref_slice %arg11[%dma_start3A_219, %dma_start3A_220, %dma_start3A_221] : memref<4x2x1024xf32, #tpu.memory_space<vmem>> -> memref<1x2x1024xf32, #tpu.memory_space<vmem>>
    %dma_start3A_223 = tpu.memref_squeeze %dma_start3A_222 : memref<1x2x1024xf32, #tpu.memory_space<vmem>> -> memref<2x1024xf32, #tpu.memory_space<vmem>>
    %dma_start3A_224 = arith.constant 4 : i32
    %dma_start3A_225 = tpu.memref_slice %arg7[%dma_start3A_218, %dma_start3A_224] : memref<4x128xi32, #tpu.memory_space<vmem>> -> memref<1x2xi32, #tpu.memory_space<vmem>>
    %dma_start3A_226 = tpu.memref_squeeze %dma_start3A_225 : memref<1x2xi32, #tpu.memory_space<vmem>> -> memref<2xi32, #tpu.memory_space<vmem>>
    %dma_start3A_227 = arith.constant 0 : i32
    %dma_start3A_228 = arith.constant 0 : i32
    %dma_start3A_229 = tpu.memref_slice %arg4[%dma_start3A_227, %dma_start3A_228] : memref<100000x1024xf32, #tpu.memory_space<hbm>> -> memref<100000x1024xf32, #tpu.memory_space<hbm>>
    tpu.enqueue_indirect_dma source(%dma_start3A_229 : memref<100000x1024xf32, #tpu.memory_space<hbm>>) target(%dma_start3A_223 : memref<2x1024xf32, #tpu.memory_space<vmem>>) offsets(%dma_start3A_226 : memref<2xi32, #tpu.memory_space<vmem>>) semaphore(%arg23 : memref<!tpu.dma_semaphore, #tpu.memory_space<semaphore_mem>>)
    %dma_start3A_230 = arith.constant 1 : i32
    %dma_start3A_231 = arith.constant 1 : i32
    %dma_start3A_232 = arith.constant 0 : i32
    %dma_start3A_233 = arith.constant 0 : i32
    %dma_start3A_234 = tpu.memref_slice %arg15[%dma_start3A_231, %dma_start3A_232, %dma_start3A_233] : memref<4x2x1024xf32, #tpu.memory_space<vmem>> -> memref<1x2x1024xf32, #tpu.memory_space<vmem>>
    %dma_start3A_235 = tpu.memref_squeeze %dma_start3A_234 : memref<1x2x1024xf32, #tpu.memory_space<vmem>> -> memref<2x1024xf32, #tpu.memory_space<vmem>>
    %dma_start3A_236 = arith.constant 4 : i32
    %dma_start3A_237 = tpu.memref_slice %arg8[%dma_start3A_230, %dma_start3A_236] : memref<4x128xi32, #tpu.memory_space<vmem>> -> memref<1x2xi32, #tpu.memory_space<vmem>>
    %dma_start3A_238 = tpu.memref_squeeze %dma_start3A_237 : memref<1x2xi32, #tpu.memory_space<vmem>> -> memref<2xi32, #tpu.memory_space<vmem>>
    %dma_start3A_239 = arith.constant 0 : i32
    %dma_start3A_240 = arith.constant 0 : i32
    %dma_start3A_241 = tpu.memref_slice %arg5[%dma_start3A_239, %dma_start3A_240] : memref<8192x1024xf32, #tpu.memory_space<hbm>> -> memref<8192x1024xf32, #tpu.memory_space<hbm>>
    tpu.enqueue_indirect_dma source(%dma_start3A_241 : memref<8192x1024xf32, #tpu.memory_space<hbm>>) target(%dma_start3A_235 : memref<2x1024xf32, #tpu.memory_space<vmem>>) offsets(%dma_start3A_238 : memref<2xi32, #tpu.memory_space<vmem>>) semaphore(%arg27 : memref<!tpu.dma_semaphore, #tpu.memory_space<semaphore_mem>>)
    %dma_start3A_242 = arith.constant 2 : i32
    %dma_start3A_243 = arith.constant 2 : i32
    %dma_start3A_244 = arith.constant 0 : i32
    %dma_start3A_245 = arith.constant 0 : i32
    %dma_start3A_246 = tpu.memref_slice %arg11[%dma_start3A_243, %dma_start3A_244, %dma_start3A_245] : memref<4x2x1024xf32, #tpu.memory_space<vmem>> -> memref<1x2x1024xf32, #tpu.memory_space<vmem>>
    %dma_start3A_247 = tpu.memref_squeeze %dma_start3A_246 : memref<1x2x1024xf32, #tpu.memory_space<vmem>> -> memref<2x1024xf32, #tpu.memory_space<vmem>>
    %dma_start3A_248 = arith.constant 4 : i32
    %dma_start3A_249 = tpu.memref_slice %arg7[%dma_start3A_242, %dma_start3A_248] : memref<4x128xi32, #tpu.memory_space<vmem>> -> memref<1x2xi32, #tpu.memory_space<vmem>>
    %dma_start3A_250 = tpu.memref_squeeze %dma_start3A_249 : memref<1x2xi32, #tpu.memory_space<vmem>> -> memref<2xi32, #tpu.memory_space<vmem>>
    %dma_start3A_251 = arith.constant 0 : i32
    %dma_start3A_252 = arith.constant 0 : i32
    %dma_start3A_253 = tpu.memref_slice %arg4[%dma_start3A_251, %dma_start3A_252] : memref<100000x1024xf32, #tpu.memory_space<hbm>> -> memref<100000x1024xf32, #tpu.memory_space<hbm>>
    tpu.enqueue_indirect_dma source(%dma_start3A_253 : memref<100000x1024xf32, #tpu.memory_space<hbm>>) target(%dma_start3A_247 : memref<2x1024xf32, #tpu.memory_space<vmem>>) offsets(%dma_start3A_250 : memref<2xi32, #tpu.memory_space<vmem>>) semaphore(%arg23 : memref<!tpu.dma_semaphore, #tpu.memory_space<semaphore_mem>>)
    %dma_start3A_254 = arith.constant 2 : i32
    %dma_start3A_255 = arith.constant 2 : i32
    %dma_start3A_256 = arith.constant 0 : i32
    %dma_start3A_257 = arith.constant 0 : i32
    %dma_start3A_258 = tpu.memref_slice %arg15[%dma_start3A_255, %dma_start3A_256, %dma_start3A_257] : memref<4x2x1024xf32, #tpu.memory_space<vmem>> -> memref<1x2x1024xf32, #tpu.memory_space<vmem>>
    %dma_start3A_259 = tpu.memref_squeeze %dma_start3A_258 : memref<1x2x1024xf32, #tpu.memory_space<vmem>> -> memref<2x1024xf32, #tpu.memory_space<vmem>>
    %dma_start3A_260 = arith.constant 4 : i32
    %dma_start3A_261 = tpu.memref_slice %arg8[%dma_start3A_254, %dma_start3A_260] : memref<4x128xi32, #tpu.memory_space<vmem>> -> memref<1x2xi32, #tpu.memory_space<vmem>>
    %dma_start3A_262 = tpu.memref_squeeze %dma_start3A_261 : memref<1x2xi32, #tpu.memory_space<vmem>> -> memref<2xi32, #tpu.memory_space<vmem>>
    %dma_start3A_263 = arith.constant 0 : i32
    %dma_start3A_264 = arith.constant 0 : i32
    %dma_start3A_265 = tpu.memref_slice %arg5[%dma_start3A_263, %dma_start3A_264] : memref<8192x1024xf32, #tpu.memory_space<hbm>> -> memref<8192x1024xf32, #tpu.memory_space<hbm>>
    tpu.enqueue_indirect_dma source(%dma_start3A_265 : memref<8192x1024xf32, #tpu.memory_space<hbm>>) target(%dma_start3A_259 : memref<2x1024xf32, #tpu.memory_space<vmem>>) offsets(%dma_start3A_262 : memref<2xi32, #tpu.memory_space<vmem>>) semaphore(%arg27 : memref<!tpu.dma_semaphore, #tpu.memory_space<semaphore_mem>>)
    %dma_start3A_266 = arith.constant 3 : i32
    %dma_start3A_267 = arith.constant 3 : i32
    %dma_start3A_268 = arith.constant 0 : i32
    %dma_start3A_269 = arith.constant 0 : i32
    %dma_start3A_270 = tpu.memref_slice %arg11[%dma_start3A_267, %dma_start3A_268, %dma_start3A_269] : memref<4x2x1024xf32, #tpu.memory_space<vmem>> -> memref<1x2x1024xf32, #tpu.memory_space<vmem>>
    %dma_start3A_271 = tpu.memref_squeeze %dma_start3A_270 : memref<1x2x1024xf32, #tpu.memory_space<vmem>> -> memref<2x1024xf32, #tpu.memory_space<vmem>>
    %dma_start3A_272 = arith.constant 4 : i32
    %dma_start3A_273 = tpu.memref_slice %arg7[%dma_start3A_266, %dma_start3A_272] : memref<4x128xi32, #tpu.memory_space<vmem>> -> memref<1x2xi32, #tpu.memory_space<vmem>>
    %dma_start3A_274 = tpu.memref_squeeze %dma_start3A_273 : memref<1x2xi32, #tpu.memory_space<vmem>> -> memref<2xi32, #tpu.memory_space<vmem>>
    %dma_start3A_275 = arith.constant 0 : i32
    %dma_start3A_276 = arith.constant 0 : i32
    %dma_start3A_277 = tpu.memref_slice %arg4[%dma_start3A_275, %dma_start3A_276] : memref<100000x1024xf32, #tpu.memory_space<hbm>> -> memref<100000x1024xf32, #tpu.memory_space<hbm>>
    tpu.enqueue_indirect_dma source(%dma_start3A_277 : memref<100000x1024xf32, #tpu.memory_space<hbm>>) target(%dma_start3A_271 : memref<2x1024xf32, #tpu.memory_space<vmem>>) offsets(%dma_start3A_274 : memref<2xi32, #tpu.memory_space<vmem>>) semaphore(%arg23 : memref<!tpu.dma_semaphore, #tpu.memory_space<semaphore_mem>>)
    %dma_start3A_278 = arith.constant 3 : i32
    %dma_start3A_279 = arith.constant 3 : i32
    %dma_start3A_280 = arith.constant 0 : i32
    %dma_start3A_281 = arith.constant 0 : i32
    %dma_start3A_282 = tpu.memref_slice %arg15[%dma_start3A_279, %dma_start3A_280, %dma_start3A_281] : memref<4x2x1024xf32, #tpu.memory_space<vmem>> -> memref<1x2x1024xf32, #tpu.memory_space<vmem>>
    %dma_start3A_283 = tpu.memref_squeeze %dma_start3A_282 : memref<1x2x1024xf32, #tpu.memory_space<vmem>> -> memref<2x1024xf32, #tpu.memory_space<vmem>>
    %dma_start3A_284 = arith.constant 4 : i32
    %dma_start3A_285 = tpu.memref_slice %arg8[%dma_start3A_278, %dma_start3A_284] : memref<4x128xi32, #tpu.memory_space<vmem>> -> memref<1x2xi32, #tpu.memory_space<vmem>>
    %dma_start3A_286 = tpu.memref_squeeze %dma_start3A_285 : memref<1x2xi32, #tpu.memory_space<vmem>> -> memref<2xi32, #tpu.memory_space<vmem>>
    %dma_start3A_287 = arith.constant 0 : i32
    %dma_start3A_288 = arith.constant 0 : i32
    %dma_start3A_289 = tpu.memref_slice %arg5[%dma_start3A_287, %dma_start3A_288] : memref<8192x1024xf32, #tpu.memory_space<hbm>> -> memref<8192x1024xf32, #tpu.memory_space<hbm>>
    tpu.enqueue_indirect_dma source(%dma_start3A_289 : memref<8192x1024xf32, #tpu.memory_space<hbm>>) target(%dma_start3A_283 : memref<2x1024xf32, #tpu.memory_space<vmem>>) offsets(%dma_start3A_286 : memref<2xi32, #tpu.memory_space<vmem>>) semaphore(%arg27 : memref<!tpu.dma_semaphore, #tpu.memory_space<semaphore_mem>>)
    %dma_start3A_290 = arith.constant 0 : i32
    %dma_start3A_291 = arith.constant 0 : i32
    %dma_start3A_292 = arith.constant 0 : i32
    %dma_start3A_293 = arith.constant 0 : i32
    %dma_start3A_294 = tpu.memref_slice %arg12[%dma_start3A_291, %dma_start3A_292, %dma_start3A_293] : memref<4x2x1024xf32, #tpu.memory_space<vmem>> -> memref<1x2x1024xf32, #tpu.memory_space<vmem>>
    %dma_start3A_295 = tpu.memref_squeeze %dma_start3A_294 : memref<1x2x1024xf32, #tpu.memory_space<vmem>> -> memref<2x1024xf32, #tpu.memory_space<vmem>>
    %dma_start3A_296 = arith.constant 6 : i32
    %dma_start3A_297 = tpu.memref_slice %arg7[%dma_start3A_290, %dma_start3A_296] : memref<4x128xi32, #tpu.memory_space<vmem>> -> memref<1x2xi32, #tpu.memory_space<vmem>>
    %dma_start3A_298 = tpu.memref_squeeze %dma_start3A_297 : memref<1x2xi32, #tpu.memory_space<vmem>> -> memref<2xi32, #tpu.memory_space<vmem>>
    %dma_start3A_299 = arith.constant 0 : i32
    %dma_start3A_300 = arith.constant 0 : i32
    %dma_start3A_301 = tpu.memref_slice %arg4[%dma_start3A_299, %dma_start3A_300] : memref<100000x1024xf32, #tpu.memory_space<hbm>> -> memref<100000x1024xf32, #tpu.memory_space<hbm>>
    tpu.enqueue_indirect_dma source(%dma_start3A_301 : memref<100000x1024xf32, #tpu.memory_space<hbm>>) target(%dma_start3A_295 : memref<2x1024xf32, #tpu.memory_space<vmem>>) offsets(%dma_start3A_298 : memref<2xi32, #tpu.memory_space<vmem>>) semaphore(%arg24 : memref<!tpu.dma_semaphore, #tpu.memory_space<semaphore_mem>>)
    %dma_start3A_302 = arith.constant 0 : i32
    %dma_start3A_303 = arith.constant 0 : i32
    %dma_start3A_304 = arith.constant 0 : i32
    %dma_start3A_305 = arith.constant 0 : i32
    %dma_start3A_306 = tpu.memref_slice %arg16[%dma_start3A_303, %dma_start3A_304, %dma_start3A_305] : memref<4x2x1024xf32, #tpu.memory_space<vmem>> -> memref<1x2x1024xf32, #tpu.memory_space<vmem>>
    %dma_start3A_307 = tpu.memref_squeeze %dma_start3A_306 : memref<1x2x1024xf32, #tpu.memory_space<vmem>> -> memref<2x1024xf32, #tpu.memory_space<vmem>>
    %dma_start3A_308 = arith.constant 6 : i32
    %dma_start3A_309 = tpu.memref_slice %arg8[%dma_start3A_302, %dma_start3A_308] : memref<4x128xi32, #tpu.memory_space<vmem>> -> memref<1x2xi32, #tpu.memory_space<vmem>>
    %dma_start3A_310 = tpu.memref_squeeze %dma_start3A_309 : memref<1x2xi32, #tpu.memory_space<vmem>> -> memref<2xi32, #tpu.memory_space<vmem>>
    %dma_start3A_311 = arith.constant 0 : i32
    %dma_start3A_312 = arith.constant 0 : i32
    %dma_start3A_313 = tpu.memref_slice %arg5[%dma_start3A_311, %dma_start3A_312] : memref<8192x1024xf32, #tpu.memory_space<hbm>> -> memref<8192x1024xf32, #tpu.memory_space<hbm>>
    tpu.enqueue_indirect_dma source(%dma_start3A_313 : memref<8192x1024xf32, #tpu.memory_space<hbm>>) target(%dma_start3A_307 : memref<2x1024xf32, #tpu.memory_space<vmem>>) offsets(%dma_start3A_310 : memref<2xi32, #tpu.memory_space<vmem>>) semaphore(%arg28 : memref<!tpu.dma_semaphore, #tpu.memory_space<semaphore_mem>>)
    %dma_start3A_314 = arith.constant 1 : i32
    %dma_start3A_315 = arith.constant 1 : i32
    %dma_start3A_316 = arith.constant 0 : i32
    %dma_start3A_317 = arith.constant 0 : i32
    %dma_start3A_318 = tpu.memref_slice %arg12[%dma_start3A_315, %dma_start3A_316, %dma_start3A_317] : memref<4x2x1024xf32, #tpu.memory_space<vmem>> -> memref<1x2x1024xf32, #tpu.memory_space<vmem>>
    %dma_start3A_319 = tpu.memref_squeeze %dma_start3A_318 : memref<1x2x1024xf32, #tpu.memory_space<vmem>> -> memref<2x1024xf32, #tpu.memory_space<vmem>>
    %dma_start3A_320 = arith.constant 6 : i32
    %dma_start3A_321 = tpu.memref_slice %arg7[%dma_start3A_314, %dma_start3A_320] : memref<4x128xi32, #tpu.memory_space<vmem>> -> memref<1x2xi32, #tpu.memory_space<vmem>>
    %dma_start3A_322 = tpu.memref_squeeze %dma_start3A_321 : memref<1x2xi32, #tpu.memory_space<vmem>> -> memref<2xi32, #tpu.memory_space<vmem>>
    %dma_start3A_323 = arith.constant 0 : i32
    %dma_start3A_324 = arith.constant 0 : i32
    %dma_start3A_325 = tpu.memref_slice %arg4[%dma_start3A_323, %dma_start3A_324] : memref<100000x1024xf32, #tpu.memory_space<hbm>> -> memref<100000x1024xf32, #tpu.memory_space<hbm>>
    tpu.enqueue_indirect_dma source(%dma_start3A_325 : memref<100000x1024xf32, #tpu.memory_space<hbm>>) target(%dma_start3A_319 : memref<2x1024xf32, #tpu.memory_space<vmem>>) offsets(%dma_start3A_322 : memref<2xi32, #tpu.memory_space<vmem>>) semaphore(%arg24 : memref<!tpu.dma_semaphore, #tpu.memory_space<semaphore_mem>>)
    %dma_start3A_326 = arith.constant 1 : i32
    %dma_start3A_327 = arith.constant 1 : i32
    %dma_start3A_328 = arith.constant 0 : i32
    %dma_start3A_329 = arith.constant 0 : i32
    %dma_start3A_330 = tpu.memref_slice %arg16[%dma_start3A_327, %dma_start3A_328, %dma_start3A_329] : memref<4x2x1024xf32, #tpu.memory_space<vmem>> -> memref<1x2x1024xf32, #tpu.memory_space<vmem>>
    %dma_start3A_331 = tpu.memref_squeeze %dma_start3A_330 : memref<1x2x1024xf32, #tpu.memory_space<vmem>> -> memref<2x1024xf32, #tpu.memory_space<vmem>>
    %dma_start3A_332 = arith.constant 6 : i32
    %dma_start3A_333 = tpu.memref_slice %arg8[%dma_start3A_326, %dma_start3A_332] : memref<4x128xi32, #tpu.memory_space<vmem>> -> memref<1x2xi32, #tpu.memory_space<vmem>>
    %dma_start3A_334 = tpu.memref_squeeze %dma_start3A_333 : memref<1x2xi32, #tpu.memory_space<vmem>> -> memref<2xi32, #tpu.memory_space<vmem>>
    %dma_start3A_335 = arith.constant 0 : i32
    %dma_start3A_336 = arith.constant 0 : i32
    %dma_start3A_337 = tpu.memref_slice %arg5[%dma_start3A_335, %dma_start3A_336] : memref<8192x1024xf32, #tpu.memory_space<hbm>> -> memref<8192x1024xf32, #tpu.memory_space<hbm>>
    tpu.enqueue_indirect_dma source(%dma_start3A_337 : memref<8192x1024xf32, #tpu.memory_space<hbm>>) target(%dma_start3A_331 : memref<2x1024xf32, #tpu.memory_space<vmem>>) offsets(%dma_start3A_334 : memref<2xi32, #tpu.memory_space<vmem>>) semaphore(%arg28 : memref<!tpu.dma_semaphore, #tpu.memory_space<semaphore_mem>>)
    %dma_start3A_338 = arith.constant 2 : i32
    %dma_start3A_339 = arith.constant 2 : i32
    %dma_start3A_340 = arith.constant 0 : i32
    %dma_start3A_341 = arith.constant 0 : i32
    %dma_start3A_342 = tpu.memref_slice %arg12[%dma_start3A_339, %dma_start3A_340, %dma_start3A_341] : memref<4x2x1024xf32, #tpu.memory_space<vmem>> -> memref<1x2x1024xf32, #tpu.memory_space<vmem>>
    %dma_start3A_343 = tpu.memref_squeeze %dma_start3A_342 : memref<1x2x1024xf32, #tpu.memory_space<vmem>> -> memref<2x1024xf32, #tpu.memory_space<vmem>>
    %dma_start3A_344 = arith.constant 6 : i32
    %dma_start3A_345 = tpu.memref_slice %arg7[%dma_start3A_338, %dma_start3A_344] : memref<4x128xi32, #tpu.memory_space<vmem>> -> memref<1x2xi32, #tpu.memory_space<vmem>>
    %dma_start3A_346 = tpu.memref_squeeze %dma_start3A_345 : memref<1x2xi32, #tpu.memory_space<vmem>> -> memref<2xi32, #tpu.memory_space<vmem>>
    %dma_start3A_347 = arith.constant 0 : i32
    %dma_start3A_348 = arith.constant 0 : i32
    %dma_start3A_349 = tpu.memref_slice %arg4[%dma_start3A_347, %dma_start3A_348] : memref<100000x1024xf32, #tpu.memory_space<hbm>> -> memref<100000x1024xf32, #tpu.memory_space<hbm>>
    tpu.enqueue_indirect_dma source(%dma_start3A_349 : memref<100000x1024xf32, #tpu.memory_space<hbm>>) target(%dma_start3A_343 : memref<2x1024xf32, #tpu.memory_space<vmem>>) offsets(%dma_start3A_346 : memref<2xi32, #tpu.memory_space<vmem>>) semaphore(%arg24 : memref<!tpu.dma_semaphore, #tpu.memory_space<semaphore_mem>>)
    %dma_start3A_350 = arith.constant 2 : i32
    %dma_start3A_351 = arith.constant 2 : i32
    %dma_start3A_352 = arith.constant 0 : i32
    %dma_start3A_353 = arith.constant 0 : i32
    %dma_start3A_354 = tpu.memref_slice %arg16[%dma_start3A_351, %dma_start3A_352, %dma_start3A_353] : memref<4x2x1024xf32, #tpu.memory_space<vmem>> -> memref<1x2x1024xf32, #tpu.memory_space<vmem>>
    %dma_start3A_355 = tpu.memref_squeeze %dma_start3A_354 : memref<1x2x1024xf32, #tpu.memory_space<vmem>> -> memref<2x1024xf32, #tpu.memory_space<vmem>>
    %dma_start3A_356 = arith.constant 6 : i32
    %dma_start3A_357 = tpu.memref_slice %arg8[%dma_start3A_350, %dma_start3A_356] : memref<4x128xi32, #tpu.memory_space<vmem>> -> memref<1x2xi32, #tpu.memory_space<vmem>>
    %dma_start3A_358 = tpu.memref_squeeze %dma_start3A_357 : memref<1x2xi32, #tpu.memory_space<vmem>> -> memref<2xi32, #tpu.memory_space<vmem>>
    %dma_start3A_359 = arith.constant 0 : i32
    %dma_start3A_360 = arith.constant 0 : i32
    %dma_start3A_361 = tpu.memref_slice %arg5[%dma_start3A_359, %dma_start3A_360] : memref<8192x1024xf32, #tpu.memory_space<hbm>> -> memref<8192x1024xf32, #tpu.memory_space<hbm>>
    tpu.enqueue_indirect_dma source(%dma_start3A_361 : memref<8192x1024xf32, #tpu.memory_space<hbm>>) target(%dma_start3A_355 : memref<2x1024xf32, #tpu.memory_space<vmem>>) offsets(%dma_start3A_358 : memref<2xi32, #tpu.memory_space<vmem>>) semaphore(%arg28 : memref<!tpu.dma_semaphore, #tpu.memory_space<semaphore_mem>>)
    %dma_start3A_362 = arith.constant 3 : i32
    %dma_start3A_363 = arith.constant 3 : i32
    %dma_start3A_364 = arith.constant 0 : i32
    %dma_start3A_365 = arith.constant 0 : i32
    %dma_start3A_366 = tpu.memref_slice %arg12[%dma_start3A_363, %dma_start3A_364, %dma_start3A_365] : memref<4x2x1024xf32, #tpu.memory_space<vmem>> -> memref<1x2x1024xf32, #tpu.memory_space<vmem>>
    %dma_start3A_367 = tpu.memref_squeeze %dma_start3A_366 : memref<1x2x1024xf32, #tpu.memory_space<vmem>> -> memref<2x1024xf32, #tpu.memory_space<vmem>>
    %dma_start3A_368 = arith.constant 6 : i32
    %dma_start3A_369 = tpu.memref_slice %arg7[%dma_start3A_362, %dma_start3A_368] : memref<4x128xi32, #tpu.memory_space<vmem>> -> memref<1x2xi32, #tpu.memory_space<vmem>>
    %dma_start3A_370 = tpu.memref_squeeze %dma_start3A_369 : memref<1x2xi32, #tpu.memory_space<vmem>> -> memref<2xi32, #tpu.memory_space<vmem>>
    %dma_start3A_371 = arith.constant 0 : i32
    %dma_start3A_372 = arith.constant 0 : i32
    %dma_start3A_373 = tpu.memref_slice %arg4[%dma_start3A_371, %dma_start3A_372] : memref<100000x1024xf32, #tpu.memory_space<hbm>> -> memref<100000x1024xf32, #tpu.memory_space<hbm>>
    tpu.enqueue_indirect_dma source(%dma_start3A_373 : memref<100000x1024xf32, #tpu.memory_space<hbm>>) target(%dma_start3A_367 : memref<2x1024xf32, #tpu.memory_space<vmem>>) offsets(%dma_start3A_370 : memref<2xi32, #tpu.memory_space<vmem>>) semaphore(%arg24 : memref<!tpu.dma_semaphore, #tpu.memory_space<semaphore_mem>>)
    %dma_start3A_374 = arith.constant 3 : i32
    %dma_start3A_375 = arith.constant 3 : i32
    %dma_start3A_376 = arith.constant 0 : i32
    %dma_start3A_377 = arith.constant 0 : i32
    %dma_start3A_378 = tpu.memref_slice %arg16[%dma_start3A_375, %dma_start3A_376, %dma_start3A_377] : memref<4x2x1024xf32, #tpu.memory_space<vmem>> -> memref<1x2x1024xf32, #tpu.memory_space<vmem>>
    %dma_start3A_379 = tpu.memref_squeeze %dma_start3A_378 : memref<1x2x1024xf32, #tpu.memory_space<vmem>> -> memref<2x1024xf32, #tpu.memory_space<vmem>>
    %dma_start3A_380 = arith.constant 6 : i32
    %dma_start3A_381 = tpu.memref_slice %arg8[%dma_start3A_374, %dma_start3A_380] : memref<4x128xi32, #tpu.memory_space<vmem>> -> memref<1x2xi32, #tpu.memory_space<vmem>>
    %dma_start3A_382 = tpu.memref_squeeze %dma_start3A_381 : memref<1x2xi32, #tpu.memory_space<vmem>> -> memref<2xi32, #tpu.memory_space<vmem>>
    %dma_start3A_383 = arith.constant 0 : i32
    %dma_start3A_384 = arith.constant 0 : i32
    %dma_start3A_385 = tpu.memref_slice %arg5[%dma_start3A_383, %dma_start3A_384] : memref<8192x1024xf32, #tpu.memory_space<hbm>> -> memref<8192x1024xf32, #tpu.memory_space<hbm>>
    tpu.enqueue_indirect_dma source(%dma_start3A_385 : memref<8192x1024xf32, #tpu.memory_space<hbm>>) target(%dma_start3A_379 : memref<2x1024xf32, #tpu.memory_space<vmem>>) offsets(%dma_start3A_382 : memref<2xi32, #tpu.memory_space<vmem>>) semaphore(%arg28 : memref<!tpu.dma_semaphore, #tpu.memory_space<semaphore_mem>>)
    %scan3A = arith.constant 0 : i32
    %scan3A_386 = arith.constant 0 : i32
    %scan3A_387 = arith.constant 16 : i32
    %scan3A_388 = arith.addi %scan3A_386, %scan3A_387 : i32
    %scan3A_389 = arith.constant 1 : i32
    scf.for %scan3A_430 = %scan3A_386 to %scan3A_388 step %scan3A_389  : i32 {
      %mul3A_431 = arith.constant 4 : i32
      %mul3A_432 = arith.muli %scan3A_430, %mul3A_431 : i32
      %add3A_433 = arith.constant 0 : i32
      %add3A_434 = arith.addi %mul3A_432, %add3A_433 : i32
      %mul3A_435 = arith.constant 2 : i32
      %mul3A_436 = arith.muli %add3A_434, %mul3A_435 : i32
      %dma_wait3A_437 = arith.constant 0 : i32
      %dma_wait3A_438 = arith.constant 0 : i32
      %dma_wait3A_439 = arith.constant 0 : i32
      %dma_wait3A_440 = arith.constant 0 : i32
      %dma_wait3A_441 = tpu.memref_slice %arg9[%dma_wait3A_438, %dma_wait3A_439, %dma_wait3A_440] : memref<4x2x1024xf32, #tpu.memory_space<vmem>> -> memref<1x2x1024xf32, #tpu.memory_space<vmem>>
      %dma_wait3A_442 = tpu.memref_squeeze %dma_wait3A_441 : memref<1x2x1024xf32, #tpu.memory_space<vmem>> -> memref<2x1024xf32, #tpu.memory_space<vmem>>
      %dma_wait3A_443 = tpu.memref_slice %arg7[%dma_wait3A_437, %mul3A_436] : memref<4x128xi32, #tpu.memory_space<vmem>> -> memref<1x2xi32, #tpu.memory_space<vmem>>
      %dma_wait3A_444 = tpu.memref_squeeze %dma_wait3A_443 : memref<1x2xi32, #tpu.memory_space<vmem>> -> memref<2xi32, #tpu.memory_space<vmem>>
      %dma_wait3A_445 = arith.constant 0 : i32
      %dma_wait3A_446 = arith.constant 0 : i32
      %dma_wait3A_447 = tpu.memref_slice %arg4[%dma_wait3A_445, %dma_wait3A_446] : memref<100000x1024xf32, #tpu.memory_space<hbm>> -> memref<100000x1024xf32, #tpu.memory_space<hbm>>
      tpu.wait_indirect_dma semaphore(%arg21 : memref<!tpu.dma_semaphore, #tpu.memory_space<semaphore_mem>>) src(%dma_wait3A_447 : memref<100000x1024xf32, #tpu.memory_space<hbm>>) dst(%dma_wait3A_442 : memref<2x1024xf32, #tpu.memory_space<vmem>>)
      %mul3A_448 = arith.constant 2 : i32
      %mul3A_449 = arith.muli %add3A_434, %mul3A_448 : i32
      %dma_wait3A_450 = arith.constant 0 : i32
      %dma_wait3A_451 = arith.constant 0 : i32
      %dma_wait3A_452 = arith.constant 0 : i32
      %dma_wait3A_453 = arith.constant 0 : i32
      %dma_wait3A_454 = tpu.memref_slice %arg13[%dma_wait3A_451, %dma_wait3A_452, %dma_wait3A_453] : memref<4x2x1024xf32, #tpu.memory_space<vmem>> -> memref<1x2x1024xf32, #tpu.memory_space<vmem>>
      %dma_wait3A_455 = tpu.memref_squeeze %dma_wait3A_454 : memref<1x2x1024xf32, #tpu.memory_space<vmem>> -> memref<2x1024xf32, #tpu.memory_space<vmem>>
      %dma_wait3A_456 = tpu.memref_slice %arg8[%dma_wait3A_450, %mul3A_449] : memref<4x128xi32, #tpu.memory_space<vmem>> -> memref<1x2xi32, #tpu.memory_space<vmem>>
      %dma_wait3A_457 = tpu.memref_squeeze %dma_wait3A_456 : memref<1x2xi32, #tpu.memory_space<vmem>> -> memref<2xi32, #tpu.memory_space<vmem>>
      %dma_wait3A_458 = arith.constant 0 : i32
      %dma_wait3A_459 = arith.constant 0 : i32
      %dma_wait3A_460 = tpu.memref_slice %arg5[%dma_wait3A_458, %dma_wait3A_459] : memref<8192x1024xf32, #tpu.memory_space<hbm>> -> memref<8192x1024xf32, #tpu.memory_space<hbm>>
      tpu.wait_indirect_dma semaphore(%arg25 : memref<!tpu.dma_semaphore, #tpu.memory_space<semaphore_mem>>) src(%dma_wait3A_460 : memref<8192x1024xf32, #tpu.memory_space<hbm>>) dst(%dma_wait3A_455 : memref<2x1024xf32, #tpu.memory_space<vmem>>)
      %mul3A_461 = arith.constant 2 : i32
      %mul3A_462 = arith.muli %add3A_434, %mul3A_461 : i32
      %dma_wait3A_463 = arith.constant 1 : i32
      %dma_wait3A_464 = arith.constant 1 : i32
      %dma_wait3A_465 = arith.constant 0 : i32
      %dma_wait3A_466 = arith.constant 0 : i32
      %dma_wait3A_467 = tpu.memref_slice %arg9[%dma_wait3A_464, %dma_wait3A_465, %dma_wait3A_466] : memref<4x2x1024xf32, #tpu.memory_space<vmem>> -> memref<1x2x1024xf32, #tpu.memory_space<vmem>>
      %dma_wait3A_468 = tpu.memref_squeeze %dma_wait3A_467 : memref<1x2x1024xf32, #tpu.memory_space<vmem>> -> memref<2x1024xf32, #tpu.memory_space<vmem>>
      %dma_wait3A_469 = tpu.memref_slice %arg7[%dma_wait3A_463, %mul3A_462] : memref<4x128xi32, #tpu.memory_space<vmem>> -> memref<1x2xi32, #tpu.memory_space<vmem>>
      %dma_wait3A_470 = tpu.memref_squeeze %dma_wait3A_469 : memref<1x2xi32, #tpu.memory_space<vmem>> -> memref<2xi32, #tpu.memory_space<vmem>>
      %dma_wait3A_471 = arith.constant 0 : i32
      %dma_wait3A_472 = arith.constant 0 : i32
      %dma_wait3A_473 = tpu.memref_slice %arg4[%dma_wait3A_471, %dma_wait3A_472] : memref<100000x1024xf32, #tpu.memory_space<hbm>> -> memref<100000x1024xf32, #tpu.memory_space<hbm>>
      tpu.wait_indirect_dma semaphore(%arg21 : memref<!tpu.dma_semaphore, #tpu.memory_space<semaphore_mem>>) src(%dma_wait3A_473 : memref<100000x1024xf32, #tpu.memory_space<hbm>>) dst(%dma_wait3A_468 : memref<2x1024xf32, #tpu.memory_space<vmem>>)
      %mul3A_474 = arith.constant 2 : i32
      %mul3A_475 = arith.muli %add3A_434, %mul3A_474 : i32
      %dma_wait3A_476 = arith.constant 1 : i32
      %dma_wait3A_477 = arith.constant 1 : i32
      %dma_wait3A_478 = arith.constant 0 : i32
      %dma_wait3A_479 = arith.constant 0 : i32
      %dma_wait3A_480 = tpu.memref_slice %arg13[%dma_wait3A_477, %dma_wait3A_478, %dma_wait3A_479] : memref<4x2x1024xf32, #tpu.memory_space<vmem>> -> memref<1x2x1024xf32, #tpu.memory_space<vmem>>
      %dma_wait3A_481 = tpu.memref_squeeze %dma_wait3A_480 : memref<1x2x1024xf32, #tpu.memory_space<vmem>> -> memref<2x1024xf32, #tpu.memory_space<vmem>>
      %dma_wait3A_482 = tpu.memref_slice %arg8[%dma_wait3A_476, %mul3A_475] : memref<4x128xi32, #tpu.memory_space<vmem>> -> memref<1x2xi32, #tpu.memory_space<vmem>>
      %dma_wait3A_483 = tpu.memref_squeeze %dma_wait3A_482 : memref<1x2xi32, #tpu.memory_space<vmem>> -> memref<2xi32, #tpu.memory_space<vmem>>
      %dma_wait3A_484 = arith.constant 0 : i32
      %dma_wait3A_485 = arith.constant 0 : i32
      %dma_wait3A_486 = tpu.memref_slice %arg5[%dma_wait3A_484, %dma_wait3A_485] : memref<8192x1024xf32, #tpu.memory_space<hbm>> -> memref<8192x1024xf32, #tpu.memory_space<hbm>>
      tpu.wait_indirect_dma semaphore(%arg25 : memref<!tpu.dma_semaphore, #tpu.memory_space<semaphore_mem>>) src(%dma_wait3A_486 : memref<8192x1024xf32, #tpu.memory_space<hbm>>) dst(%dma_wait3A_481 : memref<2x1024xf32, #tpu.memory_space<vmem>>)
      %mul3A_487 = arith.constant 2 : i32
      %mul3A_488 = arith.muli %add3A_434, %mul3A_487 : i32
      %dma_wait3A_489 = arith.constant 2 : i32
      %dma_wait3A_490 = arith.constant 2 : i32
      %dma_wait3A_491 = arith.constant 0 : i32
      %dma_wait3A_492 = arith.constant 0 : i32
      %dma_wait3A_493 = tpu.memref_slice %arg9[%dma_wait3A_490, %dma_wait3A_491, %dma_wait3A_492] : memref<4x2x1024xf32, #tpu.memory_space<vmem>> -> memref<1x2x1024xf32, #tpu.memory_space<vmem>>
      %dma_wait3A_494 = tpu.memref_squeeze %dma_wait3A_493 : memref<1x2x1024xf32, #tpu.memory_space<vmem>> -> memref<2x1024xf32, #tpu.memory_space<vmem>>
      %dma_wait3A_495 = tpu.memref_slice %arg7[%dma_wait3A_489, %mul3A_488] : memref<4x128xi32, #tpu.memory_space<vmem>> -> memref<1x2xi32, #tpu.memory_space<vmem>>
      %dma_wait3A_496 = tpu.memref_squeeze %dma_wait3A_495 : memref<1x2xi32, #tpu.memory_space<vmem>> -> memref<2xi32, #tpu.memory_space<vmem>>
      %dma_wait3A_497 = arith.constant 0 : i32
      %dma_wait3A_498 = arith.constant 0 : i32
      %dma_wait3A_499 = tpu.memref_slice %arg4[%dma_wait3A_497, %dma_wait3A_498] : memref<100000x1024xf32, #tpu.memory_space<hbm>> -> memref<100000x1024xf32, #tpu.memory_space<hbm>>
      tpu.wait_indirect_dma semaphore(%arg21 : memref<!tpu.dma_semaphore, #tpu.memory_space<semaphore_mem>>) src(%dma_wait3A_499 : memref<100000x1024xf32, #tpu.memory_space<hbm>>) dst(%dma_wait3A_494 : memref<2x1024xf32, #tpu.memory_space<vmem>>)
      %mul3A_500 = arith.constant 2 : i32
      %mul3A_501 = arith.muli %add3A_434, %mul3A_500 : i32
      %dma_wait3A_502 = arith.constant 2 : i32
      %dma_wait3A_503 = arith.constant 2 : i32
      %dma_wait3A_504 = arith.constant 0 : i32
      %dma_wait3A_505 = arith.constant 0 : i32
      %dma_wait3A_506 = tpu.memref_slice %arg13[%dma_wait3A_503, %dma_wait3A_504, %dma_wait3A_505] : memref<4x2x1024xf32, #tpu.memory_space<vmem>> -> memref<1x2x1024xf32, #tpu.memory_space<vmem>>
      %dma_wait3A_507 = tpu.memref_squeeze %dma_wait3A_506 : memref<1x2x1024xf32, #tpu.memory_space<vmem>> -> memref<2x1024xf32, #tpu.memory_space<vmem>>
      %dma_wait3A_508 = tpu.memref_slice %arg8[%dma_wait3A_502, %mul3A_501] : memref<4x128xi32, #tpu.memory_space<vmem>> -> memref<1x2xi32, #tpu.memory_space<vmem>>
      %dma_wait3A_509 = tpu.memref_squeeze %dma_wait3A_508 : memref<1x2xi32, #tpu.memory_space<vmem>> -> memref<2xi32, #tpu.memory_space<vmem>>
      %dma_wait3A_510 = arith.constant 0 : i32
      %dma_wait3A_511 = arith.constant 0 : i32
      %dma_wait3A_512 = tpu.memref_slice %arg5[%dma_wait3A_510, %dma_wait3A_511] : memref<8192x1024xf32, #tpu.memory_space<hbm>> -> memref<8192x1024xf32, #tpu.memory_space<hbm>>
      tpu.wait_indirect_dma semaphore(%arg25 : memref<!tpu.dma_semaphore, #tpu.memory_space<semaphore_mem>>) src(%dma_wait3A_512 : memref<8192x1024xf32, #tpu.memory_space<hbm>>) dst(%dma_wait3A_507 : memref<2x1024xf32, #tpu.memory_space<vmem>>)
      %mul3A_513 = arith.constant 2 : i32
      %mul3A_514 = arith.muli %add3A_434, %mul3A_513 : i32
      %dma_wait3A_515 = arith.constant 3 : i32
      %dma_wait3A_516 = arith.constant 3 : i32
      %dma_wait3A_517 = arith.constant 0 : i32
      %dma_wait3A_518 = arith.constant 0 : i32
      %dma_wait3A_519 = tpu.memref_slice %arg9[%dma_wait3A_516, %dma_wait3A_517, %dma_wait3A_518] : memref<4x2x1024xf32, #tpu.memory_space<vmem>> -> memref<1x2x1024xf32, #tpu.memory_space<vmem>>
      %dma_wait3A_520 = tpu.memref_squeeze %dma_wait3A_519 : memref<1x2x1024xf32, #tpu.memory_space<vmem>> -> memref<2x1024xf32, #tpu.memory_space<vmem>>
      %dma_wait3A_521 = tpu.memref_slice %arg7[%dma_wait3A_515, %mul3A_514] : memref<4x128xi32, #tpu.memory_space<vmem>> -> memref<1x2xi32, #tpu.memory_space<vmem>>
      %dma_wait3A_522 = tpu.memref_squeeze %dma_wait3A_521 : memref<1x2xi32, #tpu.memory_space<vmem>> -> memref<2xi32, #tpu.memory_space<vmem>>
      %dma_wait3A_523 = arith.constant 0 : i32
      %dma_wait3A_524 = arith.constant 0 : i32
      %dma_wait3A_525 = tpu.memref_slice %arg4[%dma_wait3A_523, %dma_wait3A_524] : memref<100000x1024xf32, #tpu.memory_space<hbm>> -> memref<100000x1024xf32, #tpu.memory_space<hbm>>
      tpu.wait_indirect_dma semaphore(%arg21 : memref<!tpu.dma_semaphore, #tpu.memory_space<semaphore_mem>>) src(%dma_wait3A_525 : memref<100000x1024xf32, #tpu.memory_space<hbm>>) dst(%dma_wait3A_520 : memref<2x1024xf32, #tpu.memory_space<vmem>>)
      %mul3A_526 = arith.constant 2 : i32
      %mul3A_527 = arith.muli %add3A_434, %mul3A_526 : i32
      %dma_wait3A_528 = arith.constant 3 : i32
      %dma_wait3A_529 = arith.constant 3 : i32
      %dma_wait3A_530 = arith.constant 0 : i32
      %dma_wait3A_531 = arith.constant 0 : i32
      %dma_wait3A_532 = tpu.memref_slice %arg13[%dma_wait3A_529, %dma_wait3A_530, %dma_wait3A_531] : memref<4x2x1024xf32, #tpu.memory_space<vmem>> -> memref<1x2x1024xf32, #tpu.memory_space<vmem>>
      %dma_wait3A_533 = tpu.memref_squeeze %dma_wait3A_532 : memref<1x2x1024xf32, #tpu.memory_space<vmem>> -> memref<2x1024xf32, #tpu.memory_space<vmem>>
      %dma_wait3A_534 = tpu.memref_slice %arg8[%dma_wait3A_528, %mul3A_527] : memref<4x128xi32, #tpu.memory_space<vmem>> -> memref<1x2xi32, #tpu.memory_space<vmem>>
      %dma_wait3A_535 = tpu.memref_squeeze %dma_wait3A_534 : memref<1x2xi32, #tpu.memory_space<vmem>> -> memref<2xi32, #tpu.memory_space<vmem>>
      %dma_wait3A_536 = arith.constant 0 : i32
      %dma_wait3A_537 = arith.constant 0 : i32
      %dma_wait3A_538 = tpu.memref_slice %arg5[%dma_wait3A_536, %dma_wait3A_537] : memref<8192x1024xf32, #tpu.memory_space<hbm>> -> memref<8192x1024xf32, #tpu.memory_space<hbm>>
      tpu.wait_indirect_dma semaphore(%arg25 : memref<!tpu.dma_semaphore, #tpu.memory_space<semaphore_mem>>) src(%dma_wait3A_538 : memref<8192x1024xf32, #tpu.memory_space<hbm>>) dst(%dma_wait3A_533 : memref<2x1024xf32, #tpu.memory_space<vmem>>)
      %ge3A = arith.constant 4 : i32
      %ge3A_539 = arith.cmpi sge, %add3A_434, %ge3A : i32
      %convert_element_type3A = arith.extui %ge3A_539 : i1 to i32
      %cond3A = arith.constant 0 : i32
      %cond3A_540 = arith.cmpi ne, %convert_element_type3A, %cond3A : i32
      scf.if %cond3A_540 {
        %dma_wait3A_962 = arith.constant 0 : i32
        %dma_wait3A_963 = arith.constant 0 : i32
        %dma_wait3A_964 = arith.constant 0 : i32
        %dma_wait3A_965 = tpu.memref_slice %arg6[%mul3A_2, %dma_wait3A_962, %dma_wait3A_963, %dma_wait3A_964] : memref<4096x8x4x128xf32, #tpu.memory_space<hbm>> -> memref<2x8x4x128xf32, #tpu.memory_space<hbm>>
        %dma_wait3A_966 = arith.constant 0 : i32
        %dma_wait3A_967 = arith.constant 0 : i32
        %dma_wait3A_968 = arith.constant 0 : i32
        %dma_wait3A_969 = tpu.memref_slice %arg6[%mul3A_2, %dma_wait3A_966, %dma_wait3A_967, %dma_wait3A_968] : memref<4096x8x4x128xf32, #tpu.memory_space<hbm>> -> memref<2x8x4x128xf32, #tpu.memory_space<hbm>>
        tpu.wait_dma2 semaphore(%arg29 : memref<!tpu.dma_semaphore, #tpu.memory_space<semaphore_mem>>) src(%arg17 : memref<2x8x4x128xf32, #tpu.memory_space<vmem>>) dst(%dma_wait3A_969 : memref<2x8x4x128xf32, #tpu.memory_space<hbm>>)
      } else {
      }
      %parallel_loop3A = arith.constant 0 : i32
      %parallel_loop3A_541 = arith.constant 64 : i32
      %parallel_loop3A_542 = arith.constant 1 : i32
      scf.for %parallel_loop3A_962 = %parallel_loop3A to %parallel_loop3A_541 step %parallel_loop3A_542  : i32 {
        %parallel_loop3A_963 = arith.constant 3 : i32
        %parallel_loop3A_964 = arith.shrui %parallel_loop3A_962, %parallel_loop3A_963 : i32
        %parallel_loop3A_965 = arith.constant 7 : i32
        %parallel_loop3A_966 = arith.andi %parallel_loop3A_962, %parallel_loop3A_965 : i32
        %parallel_loop3A_967 = arith.constant 1 : i32
        %parallel_loop3A_968 = arith.shrui %parallel_loop3A_964, %parallel_loop3A_967 : i32
        %parallel_loop3A_969 = arith.constant 1 : i32
        %parallel_loop3A_970 = arith.andi %parallel_loop3A_964, %parallel_loop3A_969 : i32
        %parallel_loop3A_971 = arith.constant 128 : i32
        %parallel_loop3A_972 = arith.muli %parallel_loop3A_966, %parallel_loop3A_971 : i32
        %parallel_loop3A_973 = arith.constant 0 : i32
        %parallel_loop3A_974 = arith.addi %parallel_loop3A_972, %parallel_loop3A_973 : i32
        %parallel_loop3A_975 = arith.index_cast %parallel_loop3A_968 : i32 to index
        %parallel_loop3A_976 = arith.index_cast %parallel_loop3A_970 : i32 to index
        %parallel_loop3A_977 = arith.index_cast %parallel_loop3A_974 : i32 to index
        %parallel_loop3A_978 = tpu.vector_load %arg9[%parallel_loop3A_975, %parallel_loop3A_976, %parallel_loop3A_977] {strides = array<i32>} : memref<4x2x1024xf32, #tpu.memory_space<vmem>>, vector<1x1x16xf32>,
        %parallel_loop3A_979 = vector.shape_cast %parallel_loop3A_978 : vector<1x1x16xf32> to vector<16xf32>
        %parallel_loop3A_980 = arith.constant 128 : i32
        %parallel_loop3A_981 = arith.muli %parallel_loop3A_966, %parallel_loop3A_980 : i32
        %parallel_loop3A_982 = arith.constant 0 : i32
        %parallel_loop3A_983 = arith.addi %parallel_loop3A_981, %parallel_loop3A_982 : i32
        %parallel_loop3A_984 = arith.index_cast %parallel_loop3A_968 : i32 to index
        %parallel_loop3A_985 = arith.index_cast %parallel_loop3A_970 : i32 to index
        %parallel_loop3A_986 = arith.index_cast %parallel_loop3A_983 : i32 to index
        %parallel_loop3A_987 = tpu.vector_load %arg13[%parallel_loop3A_984, %parallel_loop3A_985, %parallel_loop3A_986] {strides = array<i32>} : memref<4x2x1024xf32, #tpu.memory_space<vmem>>, vector<1x1x16xf32>,
        %parallel_loop3A_988 = vector.shape_cast %parallel_loop3A_987 : vector<1x1x16xf32> to vector<16xf32>
        %parallel_loop3A_989 = arith.addf %parallel_loop3A_979, %parallel_loop3A_988 : vector<16xf32>
        %parallel_loop3A_990 = arith.index_cast %parallel_loop3A_970 : i32 to index
        %parallel_loop3A_991 = arith.index_cast %parallel_loop3A_966 : i32 to index
        %parallel_loop3A_992 = arith.index_cast %parallel_loop3A_968 : i32 to index
        %parallel_loop3A_993 = arith.constant 0 : index
        %parallel_loop3A_994 = tpu.vector_load %arg17[%parallel_loop3A_990, %parallel_loop3A_991, %parallel_loop3A_992, %parallel_loop3A_993] {strides = array<i32>} : memref<2x8x4x128xf32, #tpu.memory_space<vmem>>, vector<1x1x1x16xf32>,
        %parallel_loop3A_995 = vector.shape_cast %parallel_loop3A_994 : vector<1x1x1x16xf32> to vector<16xf32>
        %parallel_loop3A_996 = vector.shape_cast %parallel_loop3A_989 : vector<16xf32> to vector<1x1x1x16xf32>
        tpu.vector_store %arg17[%parallel_loop3A_990, %parallel_loop3A_991, %parallel_loop3A_992, %parallel_loop3A_993], %parallel_loop3A_996 {strides = array<i32>} : memref<2x8x4x128xf32, #tpu.memory_space<vmem>>, vector<1x1x1x16xf32>,
        %parallel_loop3A_997 = arith.constant 128 : i32
        %parallel_loop3A_998 = arith.muli %parallel_loop3A_966, %parallel_loop3A_997 : i32
        %parallel_loop3A_999 = arith.constant 16 : i32
        %parallel_loop3A_1000 = arith.addi %parallel_loop3A_998, %parallel_loop3A_999 : i32
        %parallel_loop3A_1001 = arith.index_cast %parallel_loop3A_968 : i32 to index
        %parallel_loop3A_1002 = arith.index_cast %parallel_loop3A_970 : i32 to index
        %parallel_loop3A_1003 = arith.index_cast %parallel_loop3A_1000 : i32 to index
        %parallel_loop3A_1004 = tpu.vector_load %arg9[%parallel_loop3A_1001, %parallel_loop3A_1002, %parallel_loop3A_1003] {strides = array<i32>} : memref<4x2x1024xf32, #tpu.memory_space<vmem>>, vector<1x1x16xf32>,
        %parallel_loop3A_1005 = vector.shape_cast %parallel_loop3A_1004 : vector<1x1x16xf32> to vector<16xf32>
        %parallel_loop3A_1006 = arith.constant 128 : i32
        %parallel_loop3A_1007 = arith.muli %parallel_loop3A_966, %parallel_loop3A_1006 : i32
        %parallel_loop3A_1008 = arith.constant 16 : i32
        %parallel_loop3A_1009 = arith.addi %parallel_loop3A_1007, %parallel_loop3A_1008 : i32
        %parallel_loop3A_1010 = arith.index_cast %parallel_loop3A_968 : i32 to index
        %parallel_loop3A_1011 = arith.index_cast %parallel_loop3A_970 : i32 to index
        %parallel_loop3A_1012 = arith.index_cast %parallel_loop3A_1009 : i32 to index
        %parallel_loop3A_1013 = tpu.vector_load %arg13[%parallel_loop3A_1010, %parallel_loop3A_1011, %parallel_loop3A_1012] {strides = array<i32>} : memref<4x2x1024xf32, #tpu.memory_space<vmem>>, vector<1x1x16xf32>,
        %parallel_loop3A_1014 = vector.shape_cast %parallel_loop3A_1013 : vector<1x1x16xf32> to vector<16xf32>
        %parallel_loop3A_1015 = arith.addf %parallel_loop3A_1005, %parallel_loop3A_1014 : vector<16xf32>
        %parallel_loop3A_1016 = arith.index_cast %parallel_loop3A_970 : i32 to index
        %parallel_loop3A_1017 = arith.index_cast %parallel_loop3A_966 : i32 to index
        %parallel_loop3A_1018 = arith.index_cast %parallel_loop3A_968 : i32 to index
        %parallel_loop3A_1019 = arith.constant 16 : index
        %parallel_loop3A_1020 = tpu.vector_load %arg17[%parallel_loop3A_1016, %parallel_loop3A_1017, %parallel_loop3A_1018, %parallel_loop3A_1019] {strides = array<i32>} : memref<2x8x4x128xf32, #tpu.memory_space<vmem>>, vector<1x1x1x16xf32>,
        %parallel_loop3A_1021 = vector.shape_cast %parallel_loop3A_1020 : vector<1x1x1x16xf32> to vector<16xf32>
        %parallel_loop3A_1022 = vector.shape_cast %parallel_loop3A_1015 : vector<16xf32> to vector<1x1x1x16xf32>
        tpu.vector_store %arg17[%parallel_loop3A_1016, %parallel_loop3A_1017, %parallel_loop3A_1018, %parallel_loop3A_1019], %parallel_loop3A_1022 {strides = array<i32>} : memref<2x8x4x128xf32, #tpu.memory_space<vmem>>, vector<1x1x1x16xf32>,
        %parallel_loop3A_1023 = arith.constant 128 : i32
        %parallel_loop3A_1024 = arith.muli %parallel_loop3A_966, %parallel_loop3A_1023 : i32
        %parallel_loop3A_1025 = arith.constant 32 : i32
        %parallel_loop3A_1026 = arith.addi %parallel_loop3A_1024, %parallel_loop3A_1025 : i32
        %parallel_loop3A_1027 = arith.index_cast %parallel_loop3A_968 : i32 to index
        %parallel_loop3A_1028 = arith.index_cast %parallel_loop3A_970 : i32 to index
        %parallel_loop3A_1029 = arith.index_cast %parallel_loop3A_1026 : i32 to index
        %parallel_loop3A_1030 = tpu.vector_load %arg9[%parallel_loop3A_1027, %parallel_loop3A_1028, %parallel_loop3A_1029] {strides = array<i32>} : memref<4x2x1024xf32, #tpu.memory_space<vmem>>, vector<1x1x16xf32>,
        %parallel_loop3A_1031 = vector.shape_cast %parallel_loop3A_1030 : vector<1x1x16xf32> to vector<16xf32>
        %parallel_loop3A_1032 = arith.constant 128 : i32
        %parallel_loop3A_1033 = arith.muli %parallel_loop3A_966, %parallel_loop3A_1032 : i32
        %parallel_loop3A_1034 = arith.constant 32 : i32
        %parallel_loop3A_1035 = arith.addi %parallel_loop3A_1033, %parallel_loop3A_1034 : i32
        %parallel_loop3A_1036 = arith.index_cast %parallel_loop3A_968 : i32 to index
        %parallel_loop3A_1037 = arith.index_cast %parallel_loop3A_970 : i32 to index
        %parallel_loop3A_1038 = arith.index_cast %parallel_loop3A_1035 : i32 to index
        %parallel_loop3A_1039 = tpu.vector_load %arg13[%parallel_loop3A_1036, %parallel_loop3A_1037, %parallel_loop3A_1038] {strides = array<i32>} : memref<4x2x1024xf32, #tpu.memory_space<vmem>>, vector<1x1x16xf32>,
        %parallel_loop3A_1040 = vector.shape_cast %parallel_loop3A_1039 : vector<1x1x16xf32> to vector<16xf32>
        %parallel_loop3A_1041 = arith.addf %parallel_loop3A_1031, %parallel_loop3A_1040 : vector<16xf32>
        %parallel_loop3A_1042 = arith.index_cast %parallel_loop3A_970 : i32 to index
        %parallel_loop3A_1043 = arith.index_cast %parallel_loop3A_966 : i32 to index
        %parallel_loop3A_1044 = arith.index_cast %parallel_loop3A_968 : i32 to index
        %parallel_loop3A_1045 = arith.constant 32 : index
        %parallel_loop3A_1046 = tpu.vector_load %arg17[%parallel_loop3A_1042, %parallel_loop3A_1043, %parallel_loop3A_1044, %parallel_loop3A_1045] {strides = array<i32>} : memref<2x8x4x128xf32, #tpu.memory_space<vmem>>, vector<1x1x1x16xf32>,
        %parallel_loop3A_1047 = vector.shape_cast %parallel_loop3A_1046 : vector<1x1x1x16xf32> to vector<16xf32>
        %parallel_loop3A_1048 = vector.shape_cast %parallel_loop3A_1041 : vector<16xf32> to vector<1x1x1x16xf32>
        tpu.vector_store %arg17[%parallel_loop3A_1042, %parallel_loop3A_1043, %parallel_loop3A_1044, %parallel_loop3A_1045], %parallel_loop3A_1048 {strides = array<i32>} : memref<2x8x4x128xf32, #tpu.memory_space<vmem>>, vector<1x1x1x16xf32>,
        %parallel_loop3A_1049 = arith.constant 128 : i32
        %parallel_loop3A_1050 = arith.muli %parallel_loop3A_966, %parallel_loop3A_1049 : i32
        %parallel_loop3A_1051 = arith.constant 48 : i32
        %parallel_loop3A_1052 = arith.addi %parallel_loop3A_1050, %parallel_loop3A_1051 : i32
        %parallel_loop3A_1053 = arith.index_cast %parallel_loop3A_968 : i32 to index
        %parallel_loop3A_1054 = arith.index_cast %parallel_loop3A_970 : i32 to index
        %parallel_loop3A_1055 = arith.index_cast %parallel_loop3A_1052 : i32 to index
        %parallel_loop3A_1056 = tpu.vector_load %arg9[%parallel_loop3A_1053, %parallel_loop3A_1054, %parallel_loop3A_1055] {strides = array<i32>} : memref<4x2x1024xf32, #tpu.memory_space<vmem>>, vector<1x1x16xf32>,
        %parallel_loop3A_1057 = vector.shape_cast %parallel_loop3A_1056 : vector<1x1x16xf32> to vector<16xf32>
        %parallel_loop3A_1058 = arith.constant 128 : i32
        %parallel_loop3A_1059 = arith.muli %parallel_loop3A_966, %parallel_loop3A_1058 : i32
        %parallel_loop3A_1060 = arith.constant 48 : i32
        %parallel_loop3A_1061 = arith.addi %parallel_loop3A_1059, %parallel_loop3A_1060 : i32
        %parallel_loop3A_1062 = arith.index_cast %parallel_loop3A_968 : i32 to index
        %parallel_loop3A_1063 = arith.index_cast %parallel_loop3A_970 : i32 to index
        %parallel_loop3A_1064 = arith.index_cast %parallel_loop3A_1061 : i32 to index
        %parallel_loop3A_1065 = tpu.vector_load %arg13[%parallel_loop3A_1062, %parallel_loop3A_1063, %parallel_loop3A_1064] {strides = array<i32>} : memref<4x2x1024xf32, #tpu.memory_space<vmem>>, vector<1x1x16xf32>,
        %parallel_loop3A_1066 = vector.shape_cast %parallel_loop3A_1065 : vector<1x1x16xf32> to vector<16xf32>
        %parallel_loop3A_1067 = arith.addf %parallel_loop3A_1057, %parallel_loop3A_1066 : vector<16xf32>
        %parallel_loop3A_1068 = arith.index_cast %parallel_loop3A_970 : i32 to index
        %parallel_loop3A_1069 = arith.index_cast %parallel_loop3A_966 : i32 to index
        %parallel_loop3A_1070 = arith.index_cast %parallel_loop3A_968 : i32 to index
        %parallel_loop3A_1071 = arith.constant 48 : index
        %parallel_loop3A_1072 = tpu.vector_load %arg17[%parallel_loop3A_1068, %parallel_loop3A_1069, %parallel_loop3A_1070, %parallel_loop3A_1071] {strides = array<i32>} : memref<2x8x4x128xf32, #tpu.memory_space<vmem>>, vector<1x1x1x16xf32>,
        %parallel_loop3A_1073 = vector.shape_cast %parallel_loop3A_1072 : vector<1x1x1x16xf32> to vector<16xf32>
        %parallel_loop3A_1074 = vector.shape_cast %parallel_loop3A_1067 : vector<16xf32> to vector<1x1x1x16xf32>
        tpu.vector_store %arg17[%parallel_loop3A_1068, %parallel_loop3A_1069, %parallel_loop3A_1070, %parallel_loop3A_1071], %parallel_loop3A_1074 {strides = array<i32>} : memref<2x8x4x128xf32, #tpu.memory_space<vmem>>, vector<1x1x1x16xf32>,
        %parallel_loop3A_1075 = arith.constant 128 : i32
        %parallel_loop3A_1076 = arith.muli %parallel_loop3A_966, %parallel_loop3A_1075 : i32
        %parallel_loop3A_1077 = arith.constant 64 : i32
        %parallel_loop3A_1078 = arith.addi %parallel_loop3A_1076, %parallel_loop3A_1077 : i32
        %parallel_loop3A_1079 = arith.index_cast %parallel_loop3A_968 : i32 to index
        %parallel_loop3A_1080 = arith.index_cast %parallel_loop3A_970 : i32 to index
        %parallel_loop3A_1081 = arith.index_cast %parallel_loop3A_1078 : i32 to index
        %parallel_loop3A_1082 = tpu.vector_load %arg9[%parallel_loop3A_1079, %parallel_loop3A_1080, %parallel_loop3A_1081] {strides = array<i32>} : memref<4x2x1024xf32, #tpu.memory_space<vmem>>, vector<1x1x16xf32>,
        %parallel_loop3A_1083 = vector.shape_cast %parallel_loop3A_1082 : vector<1x1x16xf32> to vector<16xf32>
        %parallel_loop3A_1084 = arith.constant 128 : i32
        %parallel_loop3A_1085 = arith.muli %parallel_loop3A_966, %parallel_loop3A_1084 : i32
        %parallel_loop3A_1086 = arith.constant 64 : i32
        %parallel_loop3A_1087 = arith.addi %parallel_loop3A_1085, %parallel_loop3A_1086 : i32
        %parallel_loop3A_1088 = arith.index_cast %parallel_loop3A_968 : i32 to index
        %parallel_loop3A_1089 = arith.index_cast %parallel_loop3A_970 : i32 to index
        %parallel_loop3A_1090 = arith.index_cast %parallel_loop3A_1087 : i32 to index
        %parallel_loop3A_1091 = tpu.vector_load %arg13[%parallel_loop3A_1088, %parallel_loop3A_1089, %parallel_loop3A_1090] {strides = array<i32>} : memref<4x2x1024xf32, #tpu.memory_space<vmem>>, vector<1x1x16xf32>,
        %parallel_loop3A_1092 = vector.shape_cast %parallel_loop3A_1091 : vector<1x1x16xf32> to vector<16xf32>
        %parallel_loop3A_1093 = arith.addf %parallel_loop3A_1083, %parallel_loop3A_1092 : vector<16xf32>
        %parallel_loop3A_1094 = arith.index_cast %parallel_loop3A_970 : i32 to index
        %parallel_loop3A_1095 = arith.index_cast %parallel_loop3A_966 : i32 to index
        %parallel_loop3A_1096 = arith.index_cast %parallel_loop3A_968 : i32 to index
        %parallel_loop3A_1097 = arith.constant 64 : index
        %parallel_loop3A_1098 = tpu.vector_load %arg17[%parallel_loop3A_1094, %parallel_loop3A_1095, %parallel_loop3A_1096, %parallel_loop3A_1097] {strides = array<i32>} : memref<2x8x4x128xf32, #tpu.memory_space<vmem>>, vector<1x1x1x16xf32>,
        %parallel_loop3A_1099 = vector.shape_cast %parallel_loop3A_1098 : vector<1x1x1x16xf32> to vector<16xf32>
        %parallel_loop3A_1100 = vector.shape_cast %parallel_loop3A_1093 : vector<16xf32> to vector<1x1x1x16xf32>
        tpu.vector_store %arg17[%parallel_loop3A_1094, %parallel_loop3A_1095, %parallel_loop3A_1096, %parallel_loop3A_1097], %parallel_loop3A_1100 {strides = array<i32>} : memref<2x8x4x128xf32, #tpu.memory_space<vmem>>, vector<1x1x1x16xf32>,
        %parallel_loop3A_1101 = arith.constant 128 : i32
        %parallel_loop3A_1102 = arith.muli %parallel_loop3A_966, %parallel_loop3A_1101 : i32
        %parallel_loop3A_1103 = arith.constant 80 : i32
        %parallel_loop3A_1104 = arith.addi %parallel_loop3A_1102, %parallel_loop3A_1103 : i32
        %parallel_loop3A_1105 = arith.index_cast %parallel_loop3A_968 : i32 to index
        %parallel_loop3A_1106 = arith.index_cast %parallel_loop3A_970 : i32 to index
        %parallel_loop3A_1107 = arith.index_cast %parallel_loop3A_1104 : i32 to index
        %parallel_loop3A_1108 = tpu.vector_load %arg9[%parallel_loop3A_1105, %parallel_loop3A_1106, %parallel_loop3A_1107] {strides = array<i32>} : memref<4x2x1024xf32, #tpu.memory_space<vmem>>, vector<1x1x16xf32>,
        %parallel_loop3A_1109 = vector.shape_cast %parallel_loop3A_1108 : vector<1x1x16xf32> to vector<16xf32>
        %parallel_loop3A_1110 = arith.constant 128 : i32
        %parallel_loop3A_1111 = arith.muli %parallel_loop3A_966, %parallel_loop3A_1110 : i32
        %parallel_loop3A_1112 = arith.constant 80 : i32
        %parallel_loop3A_1113 = arith.addi %parallel_loop3A_1111, %parallel_loop3A_1112 : i32
        %parallel_loop3A_1114 = arith.index_cast %parallel_loop3A_968 : i32 to index
        %parallel_loop3A_1115 = arith.index_cast %parallel_loop3A_970 : i32 to index
        %parallel_loop3A_1116 = arith.index_cast %parallel_loop3A_1113 : i32 to index
        %parallel_loop3A_1117 = tpu.vector_load %arg13[%parallel_loop3A_1114, %parallel_loop3A_1115, %parallel_loop3A_1116] {strides = array<i32>} : memref<4x2x1024xf32, #tpu.memory_space<vmem>>, vector<1x1x16xf32>,
        %parallel_loop3A_1118 = vector.shape_cast %parallel_loop3A_1117 : vector<1x1x16xf32> to vector<16xf32>
        %parallel_loop3A_1119 = arith.addf %parallel_loop3A_1109, %parallel_loop3A_1118 : vector<16xf32>
        %parallel_loop3A_1120 = arith.index_cast %parallel_loop3A_970 : i32 to index
        %parallel_loop3A_1121 = arith.index_cast %parallel_loop3A_966 : i32 to index
        %parallel_loop3A_1122 = arith.index_cast %parallel_loop3A_968 : i32 to index
        %parallel_loop3A_1123 = arith.constant 80 : index
        %parallel_loop3A_1124 = tpu.vector_load %arg17[%parallel_loop3A_1120, %parallel_loop3A_1121, %parallel_loop3A_1122, %parallel_loop3A_1123] {strides = array<i32>} : memref<2x8x4x128xf32, #tpu.memory_space<vmem>>, vector<1x1x1x16xf32>,
        %parallel_loop3A_1125 = vector.shape_cast %parallel_loop3A_1124 : vector<1x1x1x16xf32> to vector<16xf32>
        %parallel_loop3A_1126 = vector.shape_cast %parallel_loop3A_1119 : vector<16xf32> to vector<1x1x1x16xf32>
        tpu.vector_store %arg17[%parallel_loop3A_1120, %parallel_loop3A_1121, %parallel_loop3A_1122, %parallel_loop3A_1123], %parallel_loop3A_1126 {strides = array<i32>} : memref<2x8x4x128xf32, #tpu.memory_space<vmem>>, vector<1x1x1x16xf32>,
        %parallel_loop3A_1127 = arith.constant 128 : i32
        %parallel_loop3A_1128 = arith.muli %parallel_loop3A_966, %parallel_loop3A_1127 : i32
        %parallel_loop3A_1129 = arith.constant 96 : i32
        %parallel_loop3A_1130 = arith.addi %parallel_loop3A_1128, %parallel_loop3A_1129 : i32
        %parallel_loop3A_1131 = arith.index_cast %parallel_loop3A_968 : i32 to index
        %parallel_loop3A_1132 = arith.index_cast %parallel_loop3A_970 : i32 to index
        %parallel_loop3A_1133 = arith.index_cast %parallel_loop3A_1130 : i32 to index
        %parallel_loop3A_1134 = tpu.vector_load %arg9[%parallel_loop3A_1131, %parallel_loop3A_1132, %parallel_loop3A_1133] {strides = array<i32>} : memref<4x2x1024xf32, #tpu.memory_space<vmem>>, vector<1x1x16xf32>,
        %parallel_loop3A_1135 = vector.shape_cast %parallel_loop3A_1134 : vector<1x1x16xf32> to vector<16xf32>
        %parallel_loop3A_1136 = arith.constant 128 : i32
        %parallel_loop3A_1137 = arith.muli %parallel_loop3A_966, %parallel_loop3A_1136 : i32
        %parallel_loop3A_1138 = arith.constant 96 : i32
        %parallel_loop3A_1139 = arith.addi %parallel_loop3A_1137, %parallel_loop3A_1138 : i32
        %parallel_loop3A_1140 = arith.index_cast %parallel_loop3A_968 : i32 to index
        %parallel_loop3A_1141 = arith.index_cast %parallel_loop3A_970 : i32 to index
        %parallel_loop3A_1142 = arith.index_cast %parallel_loop3A_1139 : i32 to index
        %parallel_loop3A_1143 = tpu.vector_load %arg13[%parallel_loop3A_1140, %parallel_loop3A_1141, %parallel_loop3A_1142] {strides = array<i32>} : memref<4x2x1024xf32, #tpu.memory_space<vmem>>, vector<1x1x16xf32>,
        %parallel_loop3A_1144 = vector.shape_cast %parallel_loop3A_1143 : vector<1x1x16xf32> to vector<16xf32>
        %parallel_loop3A_1145 = arith.addf %parallel_loop3A_1135, %parallel_loop3A_1144 : vector<16xf32>
        %parallel_loop3A_1146 = arith.index_cast %parallel_loop3A_970 : i32 to index
        %parallel_loop3A_1147 = arith.index_cast %parallel_loop3A_966 : i32 to index
        %parallel_loop3A_1148 = arith.index_cast %parallel_loop3A_968 : i32 to index
        %parallel_loop3A_1149 = arith.constant 96 : index
        %parallel_loop3A_1150 = tpu.vector_load %arg17[%parallel_loop3A_1146, %parallel_loop3A_1147, %parallel_loop3A_1148, %parallel_loop3A_1149] {strides = array<i32>} : memref<2x8x4x128xf32, #tpu.memory_space<vmem>>, vector<1x1x1x16xf32>,
        %parallel_loop3A_1151 = vector.shape_cast %parallel_loop3A_1150 : vector<1x1x1x16xf32> to vector<16xf32>
        %parallel_loop3A_1152 = vector.shape_cast %parallel_loop3A_1145 : vector<16xf32> to vector<1x1x1x16xf32>
        tpu.vector_store %arg17[%parallel_loop3A_1146, %parallel_loop3A_1147, %parallel_loop3A_1148, %parallel_loop3A_1149], %parallel_loop3A_1152 {strides = array<i32>} : memref<2x8x4x128xf32, #tpu.memory_space<vmem>>, vector<1x1x1x16xf32>,
        %parallel_loop3A_1153 = arith.constant 128 : i32
        %parallel_loop3A_1154 = arith.muli %parallel_loop3A_966, %parallel_loop3A_1153 : i32
        %parallel_loop3A_1155 = arith.constant 112 : i32
        %parallel_loop3A_1156 = arith.addi %parallel_loop3A_1154, %parallel_loop3A_1155 : i32
        %parallel_loop3A_1157 = arith.index_cast %parallel_loop3A_968 : i32 to index
        %parallel_loop3A_1158 = arith.index_cast %parallel_loop3A_970 : i32 to index
        %parallel_loop3A_1159 = arith.index_cast %parallel_loop3A_1156 : i32 to index
        %parallel_loop3A_1160 = tpu.vector_load %arg9[%parallel_loop3A_1157, %parallel_loop3A_1158, %parallel_loop3A_1159] {strides = array<i32>} : memref<4x2x1024xf32, #tpu.memory_space<vmem>>, vector<1x1x16xf32>,
        %parallel_loop3A_1161 = vector.shape_cast %parallel_loop3A_1160 : vector<1x1x16xf32> to vector<16xf32>
        %parallel_loop3A_1162 = arith.constant 128 : i32
        %parallel_loop3A_1163 = arith.muli %parallel_loop3A_966, %parallel_loop3A_1162 : i32
        %parallel_loop3A_1164 = arith.constant 112 : i32
        %parallel_loop3A_1165 = arith.addi %parallel_loop3A_1163, %parallel_loop3A_1164 : i32
        %parallel_loop3A_1166 = arith.index_cast %parallel_loop3A_968 : i32 to index
        %parallel_loop3A_1167 = arith.index_cast %parallel_loop3A_970 : i32 to index
        %parallel_loop3A_1168 = arith.index_cast %parallel_loop3A_1165 : i32 to index
        %parallel_loop3A_1169 = tpu.vector_load %arg13[%parallel_loop3A_1166, %parallel_loop3A_1167, %parallel_loop3A_1168] {strides = array<i32>} : memref<4x2x1024xf32, #tpu.memory_space<vmem>>, vector<1x1x16xf32>,
        %parallel_loop3A_1170 = vector.shape_cast %parallel_loop3A_1169 : vector<1x1x16xf32> to vector<16xf32>
        %parallel_loop3A_1171 = arith.addf %parallel_loop3A_1161, %parallel_loop3A_1170 : vector<16xf32>
        %parallel_loop3A_1172 = arith.index_cast %parallel_loop3A_970 : i32 to index
        %parallel_loop3A_1173 = arith.index_cast %parallel_loop3A_966 : i32 to index
        %parallel_loop3A_1174 = arith.index_cast %parallel_loop3A_968 : i32 to index
        %parallel_loop3A_1175 = arith.constant 112 : index
        %parallel_loop3A_1176 = tpu.vector_load %arg17[%parallel_loop3A_1172, %parallel_loop3A_1173, %parallel_loop3A_1174, %parallel_loop3A_1175] {strides = array<i32>} : memref<2x8x4x128xf32, #tpu.memory_space<vmem>>, vector<1x1x1x16xf32>,
        %parallel_loop3A_1177 = vector.shape_cast %parallel_loop3A_1176 : vector<1x1x1x16xf32> to vector<16xf32>
        %parallel_loop3A_1178 = vector.shape_cast %parallel_loop3A_1171 : vector<16xf32> to vector<1x1x1x16xf32>
        tpu.vector_store %arg17[%parallel_loop3A_1172, %parallel_loop3A_1173, %parallel_loop3A_1174, %parallel_loop3A_1175], %parallel_loop3A_1178 {strides = array<i32>} : memref<2x8x4x128xf32, #tpu.memory_space<vmem>>, vector<1x1x1x16xf32>,
      } {sc.loop_unroll_factor = 8 : i64, sc.parallel_access}
      %add3A_543 = arith.constant 4 : i32
      %add3A_544 = arith.addi %add3A_434, %add3A_543 : i32
      %lt3A = arith.constant 64 : i32
      %lt3A_545 = arith.cmpi slt, %add3A_544, %lt3A : i32
      %convert_element_type3A_546 = arith.extui %lt3A_545 : i1 to i32
      %cond3A_547 = arith.constant 0 : i32
      %cond3A_548 = arith.cmpi ne, %convert_element_type3A_546, %cond3A_547 : i32
      scf.if %cond3A_548 {
        %mul3A_962 = arith.constant 2 : i32
        %mul3A_963 = arith.muli %add3A_544, %mul3A_962 : i32
        %dma_start3A_964 = arith.constant 0 : i32
        %dma_start3A_965 = arith.constant 0 : i32
        %dma_start3A_966 = arith.constant 0 : i32
        %dma_start3A_967 = arith.constant 0 : i32
        %dma_start3A_968 = tpu.memref_slice %arg9[%dma_start3A_965, %dma_start3A_966, %dma_start3A_967] : memref<4x2x1024xf32, #tpu.memory_space<vmem>> -> memref<1x2x1024xf32, #tpu.memory_space<vmem>>
        %dma_start3A_969 = tpu.memref_squeeze %dma_start3A_968 : memref<1x2x1024xf32, #tpu.memory_space<vmem>> -> memref<2x1024xf32, #tpu.memory_space<vmem>>
        %dma_start3A_970 = tpu.memref_slice %arg7[%dma_start3A_964, %mul3A_963] : memref<4x128xi32, #tpu.memory_space<vmem>> -> memref<1x2xi32, #tpu.memory_space<vmem>>
        %dma_start3A_971 = tpu.memref_squeeze %dma_start3A_970 : memref<1x2xi32, #tpu.memory_space<vmem>> -> memref<2xi32, #tpu.memory_space<vmem>>
        %dma_start3A_972 = arith.constant 0 : i32
        %dma_start3A_973 = arith.constant 0 : i32
        %dma_start3A_974 = tpu.memref_slice %arg4[%dma_start3A_972, %dma_start3A_973] : memref<100000x1024xf32, #tpu.memory_space<hbm>> -> memref<100000x1024xf32, #tpu.memory_space<hbm>>
        tpu.enqueue_indirect_dma source(%dma_start3A_974 : memref<100000x1024xf32, #tpu.memory_space<hbm>>) target(%dma_start3A_969 : memref<2x1024xf32, #tpu.memory_space<vmem>>) offsets(%dma_start3A_971 : memref<2xi32, #tpu.memory_space<vmem>>) semaphore(%arg21 : memref<!tpu.dma_semaphore, #tpu.memory_space<semaphore_mem>>)
        %mul3A_975 = arith.constant 2 : i32
        %mul3A_976 = arith.muli %add3A_544, %mul3A_975 : i32
        %dma_start3A_977 = arith.constant 0 : i32
        %dma_start3A_978 = arith.constant 0 : i32
        %dma_start3A_979 = arith.constant 0 : i32
        %dma_start3A_980 = arith.constant 0 : i32
        %dma_start3A_981 = tpu.memref_slice %arg13[%dma_start3A_978, %dma_start3A_979, %dma_start3A_980] : memref<4x2x1024xf32, #tpu.memory_space<vmem>> -> memref<1x2x1024xf32, #tpu.memory_space<vmem>>
        %dma_start3A_982 = tpu.memref_squeeze %dma_start3A_981 : memref<1x2x1024xf32, #tpu.memory_space<vmem>> -> memref<2x1024xf32, #tpu.memory_space<vmem>>
        %dma_start3A_983 = tpu.memref_slice %arg8[%dma_start3A_977, %mul3A_976] : memref<4x128xi32, #tpu.memory_space<vmem>> -> memref<1x2xi32, #tpu.memory_space<vmem>>
        %dma_start3A_984 = tpu.memref_squeeze %dma_start3A_983 : memref<1x2xi32, #tpu.memory_space<vmem>> -> memref<2xi32, #tpu.memory_space<vmem>>
        %dma_start3A_985 = arith.constant 0 : i32
        %dma_start3A_986 = arith.constant 0 : i32
        %dma_start3A_987 = tpu.memref_slice %arg5[%dma_start3A_985, %dma_start3A_986] : memref<8192x1024xf32, #tpu.memory_space<hbm>> -> memref<8192x1024xf32, #tpu.memory_space<hbm>>
        tpu.enqueue_indirect_dma source(%dma_start3A_987 : memref<8192x1024xf32, #tpu.memory_space<hbm>>) target(%dma_start3A_982 : memref<2x1024xf32, #tpu.memory_space<vmem>>) offsets(%dma_start3A_984 : memref<2xi32, #tpu.memory_space<vmem>>) semaphore(%arg25 : memref<!tpu.dma_semaphore, #tpu.memory_space<semaphore_mem>>)
        %mul3A_988 = arith.constant 2 : i32
        %mul3A_989 = arith.muli %add3A_544, %mul3A_988 : i32
        %dma_start3A_990 = arith.constant 1 : i32
        %dma_start3A_991 = arith.constant 1 : i32
        %dma_start3A_992 = arith.constant 0 : i32
        %dma_start3A_993 = arith.constant 0 : i32
        %dma_start3A_994 = tpu.memref_slice %arg9[%dma_start3A_991, %dma_start3A_992, %dma_start3A_993] : memref<4x2x1024xf32, #tpu.memory_space<vmem>> -> memref<1x2x1024xf32, #tpu.memory_space<vmem>>
        %dma_start3A_995 = tpu.memref_squeeze %dma_start3A_994 : memref<1x2x1024xf32, #tpu.memory_space<vmem>> -> memref<2x1024xf32, #tpu.memory_space<vmem>>
        %dma_start3A_996 = tpu.memref_slice %arg7[%dma_start3A_990, %mul3A_989] : memref<4x128xi32, #tpu.memory_space<vmem>> -> memref<1x2xi32, #tpu.memory_space<vmem>>
        %dma_start3A_997 = tpu.memref_squeeze %dma_start3A_996 : memref<1x2xi32, #tpu.memory_space<vmem>> -> memref<2xi32, #tpu.memory_space<vmem>>
        %dma_start3A_998 = arith.constant 0 : i32
        %dma_start3A_999 = arith.constant 0 : i32
        %dma_start3A_1000 = tpu.memref_slice %arg4[%dma_start3A_998, %dma_start3A_999] : memref<100000x1024xf32, #tpu.memory_space<hbm>> -> memref<100000x1024xf32, #tpu.memory_space<hbm>>
        tpu.enqueue_indirect_dma source(%dma_start3A_1000 : memref<100000x1024xf32, #tpu.memory_space<hbm>>) target(%dma_start3A_995 : memref<2x1024xf32, #tpu.memory_space<vmem>>) offsets(%dma_start3A_997 : memref<2xi32, #tpu.memory_space<vmem>>) semaphore(%arg21 : memref<!tpu.dma_semaphore, #tpu.memory_space<semaphore_mem>>)
        %mul3A_1001 = arith.constant 2 : i32
        %mul3A_1002 = arith.muli %add3A_544, %mul3A_1001 : i32
        %dma_start3A_1003 = arith.constant 1 : i32
        %dma_start3A_1004 = arith.constant 1 : i32
        %dma_start3A_1005 = arith.constant 0 : i32
        %dma_start3A_1006 = arith.constant 0 : i32
        %dma_start3A_1007 = tpu.memref_slice %arg13[%dma_start3A_1004, %dma_start3A_1005, %dma_start3A_1006] : memref<4x2x1024xf32, #tpu.memory_space<vmem>> -> memref<1x2x1024xf32, #tpu.memory_space<vmem>>
        %dma_start3A_1008 = tpu.memref_squeeze %dma_start3A_1007 : memref<1x2x1024xf32, #tpu.memory_space<vmem>> -> memref<2x1024xf32, #tpu.memory_space<vmem>>
        %dma_start3A_1009 = tpu.memref_slice %arg8[%dma_start3A_1003, %mul3A_1002] : memref<4x128xi32, #tpu.memory_space<vmem>> -> memref<1x2xi32, #tpu.memory_space<vmem>>
        %dma_start3A_1010 = tpu.memref_squeeze %dma_start3A_1009 : memref<1x2xi32, #tpu.memory_space<vmem>> -> memref<2xi32, #tpu.memory_space<vmem>>
        %dma_start3A_1011 = arith.constant 0 : i32
        %dma_start3A_1012 = arith.constant 0 : i32
        %dma_start3A_1013 = tpu.memref_slice %arg5[%dma_start3A_1011, %dma_start3A_1012] : memref<8192x1024xf32, #tpu.memory_space<hbm>> -> memref<8192x1024xf32, #tpu.memory_space<hbm>>
        tpu.enqueue_indirect_dma source(%dma_start3A_1013 : memref<8192x1024xf32, #tpu.memory_space<hbm>>) target(%dma_start3A_1008 : memref<2x1024xf32, #tpu.memory_space<vmem>>) offsets(%dma_start3A_1010 : memref<2xi32, #tpu.memory_space<vmem>>) semaphore(%arg25 : memref<!tpu.dma_semaphore, #tpu.memory_space<semaphore_mem>>)
        %mul3A_1014 = arith.constant 2 : i32
        %mul3A_1015 = arith.muli %add3A_544, %mul3A_1014 : i32
        %dma_start3A_1016 = arith.constant 2 : i32
        %dma_start3A_1017 = arith.constant 2 : i32
        %dma_start3A_1018 = arith.constant 0 : i32
        %dma_start3A_1019 = arith.constant 0 : i32
        %dma_start3A_1020 = tpu.memref_slice %arg9[%dma_start3A_1017, %dma_start3A_1018, %dma_start3A_1019] : memref<4x2x1024xf32, #tpu.memory_space<vmem>> -> memref<1x2x1024xf32, #tpu.memory_space<vmem>>
        %dma_start3A_1021 = tpu.memref_squeeze %dma_start3A_1020 : memref<1x2x1024xf32, #tpu.memory_space<vmem>> -> memref<2x1024xf32, #tpu.memory_space<vmem>>
        %dma_start3A_1022 = tpu.memref_slice %arg7[%dma_start3A_1016, %mul3A_1015] : memref<4x128xi32, #tpu.memory_space<vmem>> -> memref<1x2xi32, #tpu.memory_space<vmem>>
        %dma_start3A_1023 = tpu.memref_squeeze %dma_start3A_1022 : memref<1x2xi32, #tpu.memory_space<vmem>> -> memref<2xi32, #tpu.memory_space<vmem>>
        %dma_start3A_1024 = arith.constant 0 : i32
        %dma_start3A_1025 = arith.constant 0 : i32
        %dma_start3A_1026 = tpu.memref_slice %arg4[%dma_start3A_1024, %dma_start3A_1025] : memref<100000x1024xf32, #tpu.memory_space<hbm>> -> memref<100000x1024xf32, #tpu.memory_space<hbm>>
        tpu.enqueue_indirect_dma source(%dma_start3A_1026 : memref<100000x1024xf32, #tpu.memory_space<hbm>>) target(%dma_start3A_1021 : memref<2x1024xf32, #tpu.memory_space<vmem>>) offsets(%dma_start3A_1023 : memref<2xi32, #tpu.memory_space<vmem>>) semaphore(%arg21 : memref<!tpu.dma_semaphore, #tpu.memory_space<semaphore_mem>>)
        %mul3A_1027 = arith.constant 2 : i32
        %mul3A_1028 = arith.muli %add3A_544, %mul3A_1027 : i32
        %dma_start3A_1029 = arith.constant 2 : i32
        %dma_start3A_1030 = arith.constant 2 : i32
        %dma_start3A_1031 = arith.constant 0 : i32
        %dma_start3A_1032 = arith.constant 0 : i32
        %dma_start3A_1033 = tpu.memref_slice %arg13[%dma_start3A_1030, %dma_start3A_1031, %dma_start3A_1032] : memref<4x2x1024xf32, #tpu.memory_space<vmem>> -> memref<1x2x1024xf32, #tpu.memory_space<vmem>>
        %dma_start3A_1034 = tpu.memref_squeeze %dma_start3A_1033 : memref<1x2x1024xf32, #tpu.memory_space<vmem>> -> memref<2x1024xf32, #tpu.memory_space<vmem>>
        %dma_start3A_1035 = tpu.memref_slice %arg8[%dma_start3A_1029, %mul3A_1028] : memref<4x128xi32, #tpu.memory_space<vmem>> -> memref<1x2xi32, #tpu.memory_space<vmem>>
        %dma_start3A_1036 = tpu.memref_squeeze %dma_start3A_1035 : memref<1x2xi32, #tpu.memory_space<vmem>> -> memref<2xi32, #tpu.memory_space<vmem>>
        %dma_start3A_1037 = arith.constant 0 : i32
        %dma_start3A_1038 = arith.constant 0 : i32
        %dma_start3A_1039 = tpu.memref_slice %arg5[%dma_start3A_1037, %dma_start3A_1038] : memref<8192x1024xf32, #tpu.memory_space<hbm>> -> memref<8192x1024xf32, #tpu.memory_space<hbm>>
        tpu.enqueue_indirect_dma source(%dma_start3A_1039 : memref<8192x1024xf32, #tpu.memory_space<hbm>>) target(%dma_start3A_1034 : memref<2x1024xf32, #tpu.memory_space<vmem>>) offsets(%dma_start3A_1036 : memref<2xi32, #tpu.memory_space<vmem>>) semaphore(%arg25 : memref<!tpu.dma_semaphore, #tpu.memory_space<semaphore_mem>>)
        %mul3A_1040 = arith.constant 2 : i32
        %mul3A_1041 = arith.muli %add3A_544, %mul3A_1040 : i32
        %dma_start3A_1042 = arith.constant 3 : i32
        %dma_start3A_1043 = arith.constant 3 : i32
        %dma_start3A_1044 = arith.constant 0 : i32
        %dma_start3A_1045 = arith.constant 0 : i32
        %dma_start3A_1046 = tpu.memref_slice %arg9[%dma_start3A_1043, %dma_start3A_1044, %dma_start3A_1045] : memref<4x2x1024xf32, #tpu.memory_space<vmem>> -> memref<1x2x1024xf32, #tpu.memory_space<vmem>>
        %dma_start3A_1047 = tpu.memref_squeeze %dma_start3A_1046 : memref<1x2x1024xf32, #tpu.memory_space<vmem>> -> memref<2x1024xf32, #tpu.memory_space<vmem>>
        %dma_start3A_1048 = tpu.memref_slice %arg7[%dma_start3A_1042, %mul3A_1041] : memref<4x128xi32, #tpu.memory_space<vmem>> -> memref<1x2xi32, #tpu.memory_space<vmem>>
        %dma_start3A_1049 = tpu.memref_squeeze %dma_start3A_1048 : memref<1x2xi32, #tpu.memory_space<vmem>> -> memref<2xi32, #tpu.memory_space<vmem>>
        %dma_start3A_1050 = arith.constant 0 : i32
        %dma_start3A_1051 = arith.constant 0 : i32
        %dma_start3A_1052 = tpu.memref_slice %arg4[%dma_start3A_1050, %dma_start3A_1051] : memref<100000x1024xf32, #tpu.memory_space<hbm>> -> memref<100000x1024xf32, #tpu.memory_space<hbm>>
        tpu.enqueue_indirect_dma source(%dma_start3A_1052 : memref<100000x1024xf32, #tpu.memory_space<hbm>>) target(%dma_start3A_1047 : memref<2x1024xf32, #tpu.memory_space<vmem>>) offsets(%dma_start3A_1049 : memref<2xi32, #tpu.memory_space<vmem>>) semaphore(%arg21 : memref<!tpu.dma_semaphore, #tpu.memory_space<semaphore_mem>>)
        %mul3A_1053 = arith.constant 2 : i32
        %mul3A_1054 = arith.muli %add3A_544, %mul3A_1053 : i32
        %dma_start3A_1055 = arith.constant 3 : i32
        %dma_start3A_1056 = arith.constant 3 : i32
        %dma_start3A_1057 = arith.constant 0 : i32
        %dma_start3A_1058 = arith.constant 0 : i32
        %dma_start3A_1059 = tpu.memref_slice %arg13[%dma_start3A_1056, %dma_start3A_1057, %dma_start3A_1058] : memref<4x2x1024xf32, #tpu.memory_space<vmem>> -> memref<1x2x1024xf32, #tpu.memory_space<vmem>>
        %dma_start3A_1060 = tpu.memref_squeeze %dma_start3A_1059 : memref<1x2x1024xf32, #tpu.memory_space<vmem>> -> memref<2x1024xf32, #tpu.memory_space<vmem>>
        %dma_start3A_1061 = tpu.memref_slice %arg8[%dma_start3A_1055, %mul3A_1054] : memref<4x128xi32, #tpu.memory_space<vmem>> -> memref<1x2xi32, #tpu.memory_space<vmem>>
        %dma_start3A_1062 = tpu.memref_squeeze %dma_start3A_1061 : memref<1x2xi32, #tpu.memory_space<vmem>> -> memref<2xi32, #tpu.memory_space<vmem>>
        %dma_start3A_1063 = arith.constant 0 : i32
        %dma_start3A_1064 = arith.constant 0 : i32
        %dma_start3A_1065 = tpu.memref_slice %arg5[%dma_start3A_1063, %dma_start3A_1064] : memref<8192x1024xf32, #tpu.memory_space<hbm>> -> memref<8192x1024xf32, #tpu.memory_space<hbm>>
        tpu.enqueue_indirect_dma source(%dma_start3A_1065 : memref<8192x1024xf32, #tpu.memory_space<hbm>>) target(%dma_start3A_1060 : memref<2x1024xf32, #tpu.memory_space<vmem>>) offsets(%dma_start3A_1062 : memref<2xi32, #tpu.memory_space<vmem>>) semaphore(%arg25 : memref<!tpu.dma_semaphore, #tpu.memory_space<semaphore_mem>>)
      } else {
      }
      %mul3A_549 = arith.constant 2 : i32
      %mul3A_550 = arith.muli %add3A_434, %mul3A_549 : i32
      %add3A_551 = arith.addi %mul3A_2, %mul3A_550 : i32
      %dma_start3A_552 = arith.constant 0 : i32
      %dma_start3A_553 = arith.constant 0 : i32
      %dma_start3A_554 = arith.constant 0 : i32
      %dma_start3A_555 = tpu.memref_slice %arg6[%add3A_551, %dma_start3A_552, %dma_start3A_553, %dma_start3A_554] : memref<4096x8x4x128xf32, #tpu.memory_space<hbm>> -> memref<2x8x4x128xf32, #tpu.memory_space<hbm>>
      %dma_start3A_556 = arith.constant 0 : i32
      %dma_start3A_557 = arith.constant 0 : i32
      %dma_start3A_558 = arith.constant 0 : i32
      %dma_start3A_559 = tpu.memref_slice %arg6[%add3A_551, %dma_start3A_556, %dma_start3A_557, %dma_start3A_558] : memref<4096x8x4x128xf32, #tpu.memory_space<hbm>> -> memref<2x8x4x128xf32, #tpu.memory_space<hbm>>
      tpu.enqueue_dma source(%arg17 : memref<2x8x4x128xf32, #tpu.memory_space<vmem>>) target(%dma_start3A_559 : memref<2x8x4x128xf32, #tpu.memory_space<hbm>>) target_semaphore(%arg29 : memref<!tpu.dma_semaphore, #tpu.memory_space<semaphore_mem>>)
      %mul3A_560 = arith.constant 4 : i32
      %mul3A_561 = arith.muli %scan3A_430, %mul3A_560 : i32
      %add3A_562 = arith.constant 1 : i32
      %add3A_563 = arith.addi %mul3A_561, %add3A_562 : i32
      %mul3A_564 = arith.constant 2 : i32
      %mul3A_565 = arith.muli %add3A_563, %mul3A_564 : i32
      %dma_wait3A_566 = arith.constant 0 : i32
      %dma_wait3A_567 = arith.constant 0 : i32
      %dma_wait3A_568 = arith.constant 0 : i32
      %dma_wait3A_569 = arith.constant 0 : i32
      %dma_wait3A_570 = tpu.memref_slice %arg10[%dma_wait3A_567, %dma_wait3A_568, %dma_wait3A_569] : memref<4x2x1024xf32, #tpu.memory_space<vmem>> -> memref<1x2x1024xf32, #tpu.memory_space<vmem>>
      %dma_wait3A_571 = tpu.memref_squeeze %dma_wait3A_570 : memref<1x2x1024xf32, #tpu.memory_space<vmem>> -> memref<2x1024xf32, #tpu.memory_space<vmem>>
      %dma_wait3A_572 = tpu.memref_slice %arg7[%dma_wait3A_566, %mul3A_565] : memref<4x128xi32, #tpu.memory_space<vmem>> -> memref<1x2xi32, #tpu.memory_space<vmem>>
      %dma_wait3A_573 = tpu.memref_squeeze %dma_wait3A_572 : memref<1x2xi32, #tpu.memory_space<vmem>> -> memref<2xi32, #tpu.memory_space<vmem>>
      %dma_wait3A_574 = arith.constant 0 : i32
      %dma_wait3A_575 = arith.constant 0 : i32
      %dma_wait3A_576 = tpu.memref_slice %arg4[%dma_wait3A_574, %dma_wait3A_575] : memref<100000x1024xf32, #tpu.memory_space<hbm>> -> memref<100000x1024xf32, #tpu.memory_space<hbm>>
      tpu.wait_indirect_dma semaphore(%arg22 : memref<!tpu.dma_semaphore, #tpu.memory_space<semaphore_mem>>) src(%dma_wait3A_576 : memref<100000x1024xf32, #tpu.memory_space<hbm>>) dst(%dma_wait3A_571 : memref<2x1024xf32, #tpu.memory_space<vmem>>)
      %mul3A_577 = arith.constant 2 : i32
      %mul3A_578 = arith.muli %add3A_563, %mul3A_577 : i32
      %dma_wait3A_579 = arith.constant 0 : i32
      %dma_wait3A_580 = arith.constant 0 : i32
      %dma_wait3A_581 = arith.constant 0 : i32
      %dma_wait3A_582 = arith.constant 0 : i32
      %dma_wait3A_583 = tpu.memref_slice %arg14[%dma_wait3A_580, %dma_wait3A_581, %dma_wait3A_582] : memref<4x2x1024xf32, #tpu.memory_space<vmem>> -> memref<1x2x1024xf32, #tpu.memory_space<vmem>>
      %dma_wait3A_584 = tpu.memref_squeeze %dma_wait3A_583 : memref<1x2x1024xf32, #tpu.memory_space<vmem>> -> memref<2x1024xf32, #tpu.memory_space<vmem>>
      %dma_wait3A_585 = tpu.memref_slice %arg8[%dma_wait3A_579, %mul3A_578] : memref<4x128xi32, #tpu.memory_space<vmem>> -> memref<1x2xi32, #tpu.memory_space<vmem>>
      %dma_wait3A_586 = tpu.memref_squeeze %dma_wait3A_585 : memref<1x2xi32, #tpu.memory_space<vmem>> -> memref<2xi32, #tpu.memory_space<vmem>>
      %dma_wait3A_587 = arith.constant 0 : i32
      %dma_wait3A_588 = arith.constant 0 : i32
      %dma_wait3A_589 = tpu.memref_slice %arg5[%dma_wait3A_587, %dma_wait3A_588] : memref<8192x1024xf32, #tpu.memory_space<hbm>> -> memref<8192x1024xf32, #tpu.memory_space<hbm>>
      tpu.wait_indirect_dma semaphore(%arg26 : memref<!tpu.dma_semaphore, #tpu.memory_space<semaphore_mem>>) src(%dma_wait3A_589 : memref<8192x1024xf32, #tpu.memory_space<hbm>>) dst(%dma_wait3A_584 : memref<2x1024xf32, #tpu.memory_space<vmem>>)
      %mul3A_590 = arith.constant 2 : i32
      %mul3A_591 = arith.muli %add3A_563, %mul3A_590 : i32
      %dma_wait3A_592 = arith.constant 1 : i32
      %dma_wait3A_593 = arith.constant 1 : i32
      %dma_wait3A_594 = arith.constant 0 : i32
      %dma_wait3A_595 = arith.constant 0 : i32
      %dma_wait3A_596 = tpu.memref_slice %arg10[%dma_wait3A_593, %dma_wait3A_594, %dma_wait3A_595] : memref<4x2x1024xf32, #tpu.memory_space<vmem>> -> memref<1x2x1024xf32, #tpu.memory_space<vmem>>
      %dma_wait3A_597 = tpu.memref_squeeze %dma_wait3A_596 : memref<1x2x1024xf32, #tpu.memory_space<vmem>> -> memref<2x1024xf32, #tpu.memory_space<vmem>>
      %dma_wait3A_598 = tpu.memref_slice %arg7[%dma_wait3A_592, %mul3A_591] : memref<4x128xi32, #tpu.memory_space<vmem>> -> memref<1x2xi32, #tpu.memory_space<vmem>>
      %dma_wait3A_599 = tpu.memref_squeeze %dma_wait3A_598 : memref<1x2xi32, #tpu.memory_space<vmem>> -> memref<2xi32, #tpu.memory_space<vmem>>
      %dma_wait3A_600 = arith.constant 0 : i32
      %dma_wait3A_601 = arith.constant 0 : i32
      %dma_wait3A_602 = tpu.memref_slice %arg4[%dma_wait3A_600, %dma_wait3A_601] : memref<100000x1024xf32, #tpu.memory_space<hbm>> -> memref<100000x1024xf32, #tpu.memory_space<hbm>>
      tpu.wait_indirect_dma semaphore(%arg22 : memref<!tpu.dma_semaphore, #tpu.memory_space<semaphore_mem>>) src(%dma_wait3A_602 : memref<100000x1024xf32, #tpu.memory_space<hbm>>) dst(%dma_wait3A_597 : memref<2x1024xf32, #tpu.memory_space<vmem>>)
      %mul3A_603 = arith.constant 2 : i32
      %mul3A_604 = arith.muli %add3A_563, %mul3A_603 : i32
      %dma_wait3A_605 = arith.constant 1 : i32
      %dma_wait3A_606 = arith.constant 1 : i32
      %dma_wait3A_607 = arith.constant 0 : i32
      %dma_wait3A_608 = arith.constant 0 : i32
      %dma_wait3A_609 = tpu.memref_slice %arg14[%dma_wait3A_606, %dma_wait3A_607, %dma_wait3A_608] : memref<4x2x1024xf32, #tpu.memory_space<vmem>> -> memref<1x2x1024xf32, #tpu.memory_space<vmem>>
      %dma_wait3A_610 = tpu.memref_squeeze %dma_wait3A_609 : memref<1x2x1024xf32, #tpu.memory_space<vmem>> -> memref<2x1024xf32, #tpu.memory_space<vmem>>
      %dma_wait3A_611 = tpu.memref_slice %arg8[%dma_wait3A_605, %mul3A_604] : memref<4x128xi32, #tpu.memory_space<vmem>> -> memref<1x2xi32, #tpu.memory_space<vmem>>
      %dma_wait3A_612 = tpu.memref_squeeze %dma_wait3A_611 : memref<1x2xi32, #tpu.memory_space<vmem>> -> memref<2xi32, #tpu.memory_space<vmem>>
      %dma_wait3A_613 = arith.constant 0 : i32
      %dma_wait3A_614 = arith.constant 0 : i32
      %dma_wait3A_615 = tpu.memref_slice %arg5[%dma_wait3A_613, %dma_wait3A_614] : memref<8192x1024xf32, #tpu.memory_space<hbm>> -> memref<8192x1024xf32, #tpu.memory_space<hbm>>
      tpu.wait_indirect_dma semaphore(%arg26 : memref<!tpu.dma_semaphore, #tpu.memory_space<semaphore_mem>>) src(%dma_wait3A_615 : memref<8192x1024xf32, #tpu.memory_space<hbm>>) dst(%dma_wait3A_610 : memref<2x1024xf32, #tpu.memory_space<vmem>>)
      %mul3A_616 = arith.constant 2 : i32
      %mul3A_617 = arith.muli %add3A_563, %mul3A_616 : i32
      %dma_wait3A_618 = arith.constant 2 : i32
      %dma_wait3A_619 = arith.constant 2 : i32
      %dma_wait3A_620 = arith.constant 0 : i32
      %dma_wait3A_621 = arith.constant 0 : i32
      %dma_wait3A_622 = tpu.memref_slice %arg10[%dma_wait3A_619, %dma_wait3A_620, %dma_wait3A_621] : memref<4x2x1024xf32, #tpu.memory_space<vmem>> -> memref<1x2x1024xf32, #tpu.memory_space<vmem>>
      %dma_wait3A_623 = tpu.memref_squeeze %dma_wait3A_622 : memref<1x2x1024xf32, #tpu.memory_space<vmem>> -> memref<2x1024xf32, #tpu.memory_space<vmem>>
      %dma_wait3A_624 = tpu.memref_slice %arg7[%dma_wait3A_618, %mul3A_617] : memref<4x128xi32, #tpu.memory_space<vmem>> -> memref<1x2xi32, #tpu.memory_space<vmem>>
      %dma_wait3A_625 = tpu.memref_squeeze %dma_wait3A_624 : memref<1x2xi32, #tpu.memory_space<vmem>> -> memref<2xi32, #tpu.memory_space<vmem>>
      %dma_wait3A_626 = arith.constant 0 : i32
      %dma_wait3A_627 = arith.constant 0 : i32
      %dma_wait3A_628 = tpu.memref_slice %arg4[%dma_wait3A_626, %dma_wait3A_627] : memref<100000x1024xf32, #tpu.memory_space<hbm>> -> memref<100000x1024xf32, #tpu.memory_space<hbm>>
      tpu.wait_indirect_dma semaphore(%arg22 : memref<!tpu.dma_semaphore, #tpu.memory_space<semaphore_mem>>) src(%dma_wait3A_628 : memref<100000x1024xf32, #tpu.memory_space<hbm>>) dst(%dma_wait3A_623 : memref<2x1024xf32, #tpu.memory_space<vmem>>)
      %mul3A_629 = arith.constant 2 : i32
      %mul3A_630 = arith.muli %add3A_563, %mul3A_629 : i32
      %dma_wait3A_631 = arith.constant 2 : i32
      %dma_wait3A_632 = arith.constant 2 : i32
      %dma_wait3A_633 = arith.constant 0 : i32
      %dma_wait3A_634 = arith.constant 0 : i32
      %dma_wait3A_635 = tpu.memref_slice %arg14[%dma_wait3A_632, %dma_wait3A_633, %dma_wait3A_634] : memref<4x2x1024xf32, #tpu.memory_space<vmem>> -> memref<1x2x1024xf32, #tpu.memory_space<vmem>>
      %dma_wait3A_636 = tpu.memref_squeeze %dma_wait3A_635 : memref<1x2x1024xf32, #tpu.memory_space<vmem>> -> memref<2x1024xf32, #tpu.memory_space<vmem>>
      %dma_wait3A_637 = tpu.memref_slice %arg8[%dma_wait3A_631, %mul3A_630] : memref<4x128xi32, #tpu.memory_space<vmem>> -> memref<1x2xi32, #tpu.memory_space<vmem>>
      %dma_wait3A_638 = tpu.memref_squeeze %dma_wait3A_637 : memref<1x2xi32, #tpu.memory_space<vmem>> -> memref<2xi32, #tpu.memory_space<vmem>>
      %dma_wait3A_639 = arith.constant 0 : i32
      %dma_wait3A_640 = arith.constant 0 : i32
      %dma_wait3A_641 = tpu.memref_slice %arg5[%dma_wait3A_639, %dma_wait3A_640] : memref<8192x1024xf32, #tpu.memory_space<hbm>> -> memref<8192x1024xf32, #tpu.memory_space<hbm>>
      tpu.wait_indirect_dma semaphore(%arg26 : memref<!tpu.dma_semaphore, #tpu.memory_space<semaphore_mem>>) src(%dma_wait3A_641 : memref<8192x1024xf32, #tpu.memory_space<hbm>>) dst(%dma_wait3A_636 : memref<2x1024xf32, #tpu.memory_space<vmem>>)
      %mul3A_642 = arith.constant 2 : i32
      %mul3A_643 = arith.muli %add3A_563, %mul3A_642 : i32
      %dma_wait3A_644 = arith.constant 3 : i32
      %dma_wait3A_645 = arith.constant 3 : i32
      %dma_wait3A_646 = arith.constant 0 : i32
      %dma_wait3A_647 = arith.constant 0 : i32
      %dma_wait3A_648 = tpu.memref_slice %arg10[%dma_wait3A_645, %dma_wait3A_646, %dma_wait3A_647] : memref<4x2x1024xf32, #tpu.memory_space<vmem>> -> memref<1x2x1024xf32, #tpu.memory_space<vmem>>
      %dma_wait3A_649 = tpu.memref_squeeze %dma_wait3A_648 : memref<1x2x1024xf32, #tpu.memory_space<vmem>> -> memref<2x1024xf32, #tpu.memory_space<vmem>>
      %dma_wait3A_650 = tpu.memref_slice %arg7[%dma_wait3A_644, %mul3A_643] : memref<4x128xi32, #tpu.memory_space<vmem>> -> memref<1x2xi32, #tpu.memory_space<vmem>>
      %dma_wait3A_651 = tpu.memref_squeeze %dma_wait3A_650 : memref<1x2xi32, #tpu.memory_space<vmem>> -> memref<2xi32, #tpu.memory_space<vmem>>
      %dma_wait3A_652 = arith.constant 0 : i32
      %dma_wait3A_653 = arith.constant 0 : i32
      %dma_wait3A_654 = tpu.memref_slice %arg4[%dma_wait3A_652, %dma_wait3A_653] : memref<100000x1024xf32, #tpu.memory_space<hbm>> -> memref<100000x1024xf32, #tpu.memory_space<hbm>>
      tpu.wait_indirect_dma semaphore(%arg22 : memref<!tpu.dma_semaphore, #tpu.memory_space<semaphore_mem>>) src(%dma_wait3A_654 : memref<100000x1024xf32, #tpu.memory_space<hbm>>) dst(%dma_wait3A_649 : memref<2x1024xf32, #tpu.memory_space<vmem>>)
      %mul3A_655 = arith.constant 2 : i32
      %mul3A_656 = arith.muli %add3A_563, %mul3A_655 : i32
      %dma_wait3A_657 = arith.constant 3 : i32
      %dma_wait3A_658 = arith.constant 3 : i32
      %dma_wait3A_659 = arith.constant 0 : i32
      %dma_wait3A_660 = arith.constant 0 : i32
      %dma_wait3A_661 = tpu.memref_slice %arg14[%dma_wait3A_658, %dma_wait3A_659, %dma_wait3A_660] : memref<4x2x1024xf32, #tpu.memory_space<vmem>> -> memref<1x2x1024xf32, #tpu.memory_space<vmem>>
      %dma_wait3A_662 = tpu.memref_squeeze %dma_wait3A_661 : memref<1x2x1024xf32, #tpu.memory_space<vmem>> -> memref<2x1024xf32, #tpu.memory_space<vmem>>
      %dma_wait3A_663 = tpu.memref_slice %arg8[%dma_wait3A_657, %mul3A_656] : memref<4x128xi32, #tpu.memory_space<vmem>> -> memref<1x2xi32, #tpu.memory_space<vmem>>
      %dma_wait3A_664 = tpu.memref_squeeze %dma_wait3A_663 : memref<1x2xi32, #tpu.memory_space<vmem>> -> memref<2xi32, #tpu.memory_space<vmem>>
      %dma_wait3A_665 = arith.constant 0 : i32
      %dma_wait3A_666 = arith.constant 0 : i32
      %dma_wait3A_667 = tpu.memref_slice %arg5[%dma_wait3A_665, %dma_wait3A_666] : memref<8192x1024xf32, #tpu.memory_space<hbm>> -> memref<8192x1024xf32, #tpu.memory_space<hbm>>
      tpu.wait_indirect_dma semaphore(%arg26 : memref<!tpu.dma_semaphore, #tpu.memory_space<semaphore_mem>>) src(%dma_wait3A_667 : memref<8192x1024xf32, #tpu.memory_space<hbm>>) dst(%dma_wait3A_662 : memref<2x1024xf32, #tpu.memory_space<vmem>>)
      %ge3A_668 = arith.constant 4 : i32
      %ge3A_669 = arith.cmpi sge, %add3A_563, %ge3A_668 : i32
      %convert_element_type3A_670 = arith.extui %ge3A_669 : i1 to i32
      %cond3A_671 = arith.constant 0 : i32
      %cond3A_672 = arith.cmpi ne, %convert_element_type3A_670, %cond3A_671 : i32
      scf.if %cond3A_672 {
        %dma_wait3A_962 = arith.constant 0 : i32
        %dma_wait3A_963 = arith.constant 0 : i32
        %dma_wait3A_964 = arith.constant 0 : i32
        %dma_wait3A_965 = tpu.memref_slice %arg6[%mul3A_2, %dma_wait3A_962, %dma_wait3A_963, %dma_wait3A_964] : memref<4096x8x4x128xf32, #tpu.memory_space<hbm>> -> memref<2x8x4x128xf32, #tpu.memory_space<hbm>>
        %dma_wait3A_966 = arith.constant 0 : i32
        %dma_wait3A_967 = arith.constant 0 : i32
        %dma_wait3A_968 = arith.constant 0 : i32
        %dma_wait3A_969 = tpu.memref_slice %arg6[%mul3A_2, %dma_wait3A_966, %dma_wait3A_967, %dma_wait3A_968] : memref<4096x8x4x128xf32, #tpu.memory_space<hbm>> -> memref<2x8x4x128xf32, #tpu.memory_space<hbm>>
        tpu.wait_dma2 semaphore(%arg30 : memref<!tpu.dma_semaphore, #tpu.memory_space<semaphore_mem>>) src(%arg18 : memref<2x8x4x128xf32, #tpu.memory_space<vmem>>) dst(%dma_wait3A_969 : memref<2x8x4x128xf32, #tpu.memory_space<hbm>>)
      } else {
      }
      %parallel_loop3A_673 = arith.constant 0 : i32
      %parallel_loop3A_674 = arith.constant 64 : i32
      %parallel_loop3A_675 = arith.constant 1 : i32
      scf.for %parallel_loop3A_962 = %parallel_loop3A_673 to %parallel_loop3A_674 step %parallel_loop3A_675  : i32 {
        %parallel_loop3A_963 = arith.constant 3 : i32
        %parallel_loop3A_964 = arith.shrui %parallel_loop3A_962, %parallel_loop3A_963 : i32
        %parallel_loop3A_965 = arith.constant 7 : i32
        %parallel_loop3A_966 = arith.andi %parallel_loop3A_962, %parallel_loop3A_965 : i32
        %parallel_loop3A_967 = arith.constant 1 : i32
        %parallel_loop3A_968 = arith.shrui %parallel_loop3A_964, %parallel_loop3A_967 : i32
        %parallel_loop3A_969 = arith.constant 1 : i32
        %parallel_loop3A_970 = arith.andi %parallel_loop3A_964, %parallel_loop3A_969 : i32
        %parallel_loop3A_971 = arith.constant 128 : i32
        %parallel_loop3A_972 = arith.muli %parallel_loop3A_966, %parallel_loop3A_971 : i32
        %parallel_loop3A_973 = arith.constant 0 : i32
        %parallel_loop3A_974 = arith.addi %parallel_loop3A_972, %parallel_loop3A_973 : i32
        %parallel_loop3A_975 = arith.index_cast %parallel_loop3A_968 : i32 to index
        %parallel_loop3A_976 = arith.index_cast %parallel_loop3A_970 : i32 to index
        %parallel_loop3A_977 = arith.index_cast %parallel_loop3A_974 : i32 to index
        %parallel_loop3A_978 = tpu.vector_load %arg10[%parallel_loop3A_975, %parallel_loop3A_976, %parallel_loop3A_977] {strides = array<i32>} : memref<4x2x1024xf32, #tpu.memory_space<vmem>>, vector<1x1x16xf32>,
        %parallel_loop3A_979 = vector.shape_cast %parallel_loop3A_978 : vector<1x1x16xf32> to vector<16xf32>
        %parallel_loop3A_980 = arith.constant 128 : i32
        %parallel_loop3A_981 = arith.muli %parallel_loop3A_966, %parallel_loop3A_980 : i32
        %parallel_loop3A_982 = arith.constant 0 : i32
        %parallel_loop3A_983 = arith.addi %parallel_loop3A_981, %parallel_loop3A_982 : i32
        %parallel_loop3A_984 = arith.index_cast %parallel_loop3A_968 : i32 to index
        %parallel_loop3A_985 = arith.index_cast %parallel_loop3A_970 : i32 to index
        %parallel_loop3A_986 = arith.index_cast %parallel_loop3A_983 : i32 to index
        %parallel_loop3A_987 = tpu.vector_load %arg14[%parallel_loop3A_984, %parallel_loop3A_985, %parallel_loop3A_986] {strides = array<i32>} : memref<4x2x1024xf32, #tpu.memory_space<vmem>>, vector<1x1x16xf32>,
        %parallel_loop3A_988 = vector.shape_cast %parallel_loop3A_987 : vector<1x1x16xf32> to vector<16xf32>
        %parallel_loop3A_989 = arith.addf %parallel_loop3A_979, %parallel_loop3A_988 : vector<16xf32>
        %parallel_loop3A_990 = arith.index_cast %parallel_loop3A_970 : i32 to index
        %parallel_loop3A_991 = arith.index_cast %parallel_loop3A_966 : i32 to index
        %parallel_loop3A_992 = arith.index_cast %parallel_loop3A_968 : i32 to index
        %parallel_loop3A_993 = arith.constant 0 : index
        %parallel_loop3A_994 = tpu.vector_load %arg18[%parallel_loop3A_990, %parallel_loop3A_991, %parallel_loop3A_992, %parallel_loop3A_993] {strides = array<i32>} : memref<2x8x4x128xf32, #tpu.memory_space<vmem>>, vector<1x1x1x16xf32>,
        %parallel_loop3A_995 = vector.shape_cast %parallel_loop3A_994 : vector<1x1x1x16xf32> to vector<16xf32>
        %parallel_loop3A_996 = vector.shape_cast %parallel_loop3A_989 : vector<16xf32> to vector<1x1x1x16xf32>
        tpu.vector_store %arg18[%parallel_loop3A_990, %parallel_loop3A_991, %parallel_loop3A_992, %parallel_loop3A_993], %parallel_loop3A_996 {strides = array<i32>} : memref<2x8x4x128xf32, #tpu.memory_space<vmem>>, vector<1x1x1x16xf32>,
        %parallel_loop3A_997 = arith.constant 128 : i32
        %parallel_loop3A_998 = arith.muli %parallel_loop3A_966, %parallel_loop3A_997 : i32
        %parallel_loop3A_999 = arith.constant 16 : i32
        %parallel_loop3A_1000 = arith.addi %parallel_loop3A_998, %parallel_loop3A_999 : i32
        %parallel_loop3A_1001 = arith.index_cast %parallel_loop3A_968 : i32 to index
        %parallel_loop3A_1002 = arith.index_cast %parallel_loop3A_970 : i32 to index
        %parallel_loop3A_1003 = arith.index_cast %parallel_loop3A_1000 : i32 to index
        %parallel_loop3A_1004 = tpu.vector_load %arg10[%parallel_loop3A_1001, %parallel_loop3A_1002, %parallel_loop3A_1003] {strides = array<i32>} : memref<4x2x1024xf32, #tpu.memory_space<vmem>>, vector<1x1x16xf32>,
        %parallel_loop3A_1005 = vector.shape_cast %parallel_loop3A_1004 : vector<1x1x16xf32> to vector<16xf32>
        %parallel_loop3A_1006 = arith.constant 128 : i32
        %parallel_loop3A_1007 = arith.muli %parallel_loop3A_966, %parallel_loop3A_1006 : i32
        %parallel_loop3A_1008 = arith.constant 16 : i32
        %parallel_loop3A_1009 = arith.addi %parallel_loop3A_1007, %parallel_loop3A_1008 : i32
        %parallel_loop3A_1010 = arith.index_cast %parallel_loop3A_968 : i32 to index
        %parallel_loop3A_1011 = arith.index_cast %parallel_loop3A_970 : i32 to index
        %parallel_loop3A_1012 = arith.index_cast %parallel_loop3A_1009 : i32 to index
        %parallel_loop3A_1013 = tpu.vector_load %arg14[%parallel_loop3A_1010, %parallel_loop3A_1011, %parallel_loop3A_1012] {strides = array<i32>} : memref<4x2x1024xf32, #tpu.memory_space<vmem>>, vector<1x1x16xf32>,
        %parallel_loop3A_1014 = vector.shape_cast %parallel_loop3A_1013 : vector<1x1x16xf32> to vector<16xf32>
        %parallel_loop3A_1015 = arith.addf %parallel_loop3A_1005, %parallel_loop3A_1014 : vector<16xf32>
        %parallel_loop3A_1016 = arith.index_cast %parallel_loop3A_970 : i32 to index
        %parallel_loop3A_1017 = arith.index_cast %parallel_loop3A_966 : i32 to index
        %parallel_loop3A_1018 = arith.index_cast %parallel_loop3A_968 : i32 to index
        %parallel_loop3A_1019 = arith.constant 16 : index
        %parallel_loop3A_1020 = tpu.vector_load %arg18[%parallel_loop3A_1016, %parallel_loop3A_1017, %parallel_loop3A_1018, %parallel_loop3A_1019] {strides = array<i32>} : memref<2x8x4x128xf32, #tpu.memory_space<vmem>>, vector<1x1x1x16xf32>,
        %parallel_loop3A_1021 = vector.shape_cast %parallel_loop3A_1020 : vector<1x1x1x16xf32> to vector<16xf32>
        %parallel_loop3A_1022 = vector.shape_cast %parallel_loop3A_1015 : vector<16xf32> to vector<1x1x1x16xf32>
        tpu.vector_store %arg18[%parallel_loop3A_1016, %parallel_loop3A_1017, %parallel_loop3A_1018, %parallel_loop3A_1019], %parallel_loop3A_1022 {strides = array<i32>} : memref<2x8x4x128xf32, #tpu.memory_space<vmem>>, vector<1x1x1x16xf32>,
        %parallel_loop3A_1023 = arith.constant 128 : i32
        %parallel_loop3A_1024 = arith.muli %parallel_loop3A_966, %parallel_loop3A_1023 : i32
        %parallel_loop3A_1025 = arith.constant 32 : i32
        %parallel_loop3A_1026 = arith.addi %parallel_loop3A_1024, %parallel_loop3A_1025 : i32
        %parallel_loop3A_1027 = arith.index_cast %parallel_loop3A_968 : i32 to index
        %parallel_loop3A_1028 = arith.index_cast %parallel_loop3A_970 : i32 to index
        %parallel_loop3A_1029 = arith.index_cast %parallel_loop3A_1026 : i32 to index
        %parallel_loop3A_1030 = tpu.vector_load %arg10[%parallel_loop3A_1027, %parallel_loop3A_1028, %parallel_loop3A_1029] {strides = array<i32>} : memref<4x2x1024xf32, #tpu.memory_space<vmem>>, vector<1x1x16xf32>,
        %parallel_loop3A_1031 = vector.shape_cast %parallel_loop3A_1030 : vector<1x1x16xf32> to vector<16xf32>
        %parallel_loop3A_1032 = arith.constant 128 : i32
        %parallel_loop3A_1033 = arith.muli %parallel_loop3A_966, %parallel_loop3A_1032 : i32
        %parallel_loop3A_1034 = arith.constant 32 : i32
        %parallel_loop3A_1035 = arith.addi %parallel_loop3A_1033, %parallel_loop3A_1034 : i32
        %parallel_loop3A_1036 = arith.index_cast %parallel_loop3A_968 : i32 to index
        %parallel_loop3A_1037 = arith.index_cast %parallel_loop3A_970 : i32 to index
        %parallel_loop3A_1038 = arith.index_cast %parallel_loop3A_1035 : i32 to index
        %parallel_loop3A_1039 = tpu.vector_load %arg14[%parallel_loop3A_1036, %parallel_loop3A_1037, %parallel_loop3A_1038] {strides = array<i32>} : memref<4x2x1024xf32, #tpu.memory_space<vmem>>, vector<1x1x16xf32>,
        %parallel_loop3A_1040 = vector.shape_cast %parallel_loop3A_1039 : vector<1x1x16xf32> to vector<16xf32>
        %parallel_loop3A_1041 = arith.addf %parallel_loop3A_1031, %parallel_loop3A_1040 : vector<16xf32>
        %parallel_loop3A_1042 = arith.index_cast %parallel_loop3A_970 : i32 to index
        %parallel_loop3A_1043 = arith.index_cast %parallel_loop3A_966 : i32 to index
        %parallel_loop3A_1044 = arith.index_cast %parallel_loop3A_968 : i32 to index
        %parallel_loop3A_1045 = arith.constant 32 : index
        %parallel_loop3A_1046 = tpu.vector_load %arg18[%parallel_loop3A_1042, %parallel_loop3A_1043, %parallel_loop3A_1044, %parallel_loop3A_1045] {strides = array<i32>} : memref<2x8x4x128xf32, #tpu.memory_space<vmem>>, vector<1x1x1x16xf32>,
        %parallel_loop3A_1047 = vector.shape_cast %parallel_loop3A_1046 : vector<1x1x1x16xf32> to vector<16xf32>
        %parallel_loop3A_1048 = vector.shape_cast %parallel_loop3A_1041 : vector<16xf32> to vector<1x1x1x16xf32>
        tpu.vector_store %arg18[%parallel_loop3A_1042, %parallel_loop3A_1043, %parallel_loop3A_1044, %parallel_loop3A_1045], %parallel_loop3A_1048 {strides = array<i32>} : memref<2x8x4x128xf32, #tpu.memory_space<vmem>>, vector<1x1x1x16xf32>,
        %parallel_loop3A_1049 = arith.constant 128 : i32
        %parallel_loop3A_1050 = arith.muli %parallel_loop3A_966, %parallel_loop3A_1049 : i32
        %parallel_loop3A_1051 = arith.constant 48 : i32
        %parallel_loop3A_1052 = arith.addi %parallel_loop3A_1050, %parallel_loop3A_1051 : i32
        %parallel_loop3A_1053 = arith.index_cast %parallel_loop3A_968 : i32 to index
        %parallel_loop3A_1054 = arith.index_cast %parallel_loop3A_970 : i32 to index
        %parallel_loop3A_1055 = arith.index_cast %parallel_loop3A_1052 : i32 to index
        %parallel_loop3A_1056 = tpu.vector_load %arg10[%parallel_loop3A_1053, %parallel_loop3A_1054, %parallel_loop3A_1055] {strides = array<i32>} : memref<4x2x1024xf32, #tpu.memory_space<vmem>>, vector<1x1x16xf32>,
        %parallel_loop3A_1057 = vector.shape_cast %parallel_loop3A_1056 : vector<1x1x16xf32> to vector<16xf32>
        %parallel_loop3A_1058 = arith.constant 128 : i32
        %parallel_loop3A_1059 = arith.muli %parallel_loop3A_966, %parallel_loop3A_1058 : i32
        %parallel_loop3A_1060 = arith.constant 48 : i32
        %parallel_loop3A_1061 = arith.addi %parallel_loop3A_1059, %parallel_loop3A_1060 : i32
        %parallel_loop3A_1062 = arith.index_cast %parallel_loop3A_968 : i32 to index
        %parallel_loop3A_1063 = arith.index_cast %parallel_loop3A_970 : i32 to index
        %parallel_loop3A_1064 = arith.index_cast %parallel_loop3A_1061 : i32 to index
        %parallel_loop3A_1065 = tpu.vector_load %arg14[%parallel_loop3A_1062, %parallel_loop3A_1063, %parallel_loop3A_1064] {strides = array<i32>} : memref<4x2x1024xf32, #tpu.memory_space<vmem>>, vector<1x1x16xf32>,
        %parallel_loop3A_1066 = vector.shape_cast %parallel_loop3A_1065 : vector<1x1x16xf32> to vector<16xf32>
        %parallel_loop3A_1067 = arith.addf %parallel_loop3A_1057, %parallel_loop3A_1066 : vector<16xf32>
        %parallel_loop3A_1068 = arith.index_cast %parallel_loop3A_970 : i32 to index
        %parallel_loop3A_1069 = arith.index_cast %parallel_loop3A_966 : i32 to index
        %parallel_loop3A_1070 = arith.index_cast %parallel_loop3A_968 : i32 to index
        %parallel_loop3A_1071 = arith.constant 48 : index
        %parallel_loop3A_1072 = tpu.vector_load %arg18[%parallel_loop3A_1068, %parallel_loop3A_1069, %parallel_loop3A_1070, %parallel_loop3A_1071] {strides = array<i32>} : memref<2x8x4x128xf32, #tpu.memory_space<vmem>>, vector<1x1x1x16xf32>,
        %parallel_loop3A_1073 = vector.shape_cast %parallel_loop3A_1072 : vector<1x1x1x16xf32> to vector<16xf32>
        %parallel_loop3A_1074 = vector.shape_cast %parallel_loop3A_1067 : vector<16xf32> to vector<1x1x1x16xf32>
        tpu.vector_store %arg18[%parallel_loop3A_1068, %parallel_loop3A_1069, %parallel_loop3A_1070, %parallel_loop3A_1071], %parallel_loop3A_1074 {strides = array<i32>} : memref<2x8x4x128xf32, #tpu.memory_space<vmem>>, vector<1x1x1x16xf32>,
        %parallel_loop3A_1075 = arith.constant 128 : i32
        %parallel_loop3A_1076 = arith.muli %parallel_loop3A_966, %parallel_loop3A_1075 : i32
        %parallel_loop3A_1077 = arith.constant 64 : i32
        %parallel_loop3A_1078 = arith.addi %parallel_loop3A_1076, %parallel_loop3A_1077 : i32
        %parallel_loop3A_1079 = arith.index_cast %parallel_loop3A_968 : i32 to index
        %parallel_loop3A_1080 = arith.index_cast %parallel_loop3A_970 : i32 to index
        %parallel_loop3A_1081 = arith.index_cast %parallel_loop3A_1078 : i32 to index
        %parallel_loop3A_1082 = tpu.vector_load %arg10[%parallel_loop3A_1079, %parallel_loop3A_1080, %parallel_loop3A_1081] {strides = array<i32>} : memref<4x2x1024xf32, #tpu.memory_space<vmem>>, vector<1x1x16xf32>,
        %parallel_loop3A_1083 = vector.shape_cast %parallel_loop3A_1082 : vector<1x1x16xf32> to vector<16xf32>
        %parallel_loop3A_1084 = arith.constant 128 : i32
        %parallel_loop3A_1085 = arith.muli %parallel_loop3A_966, %parallel_loop3A_1084 : i32
        %parallel_loop3A_1086 = arith.constant 64 : i32
        %parallel_loop3A_1087 = arith.addi %parallel_loop3A_1085, %parallel_loop3A_1086 : i32
        %parallel_loop3A_1088 = arith.index_cast %parallel_loop3A_968 : i32 to index
        %parallel_loop3A_1089 = arith.index_cast %parallel_loop3A_970 : i32 to index
        %parallel_loop3A_1090 = arith.index_cast %parallel_loop3A_1087 : i32 to index
        %parallel_loop3A_1091 = tpu.vector_load %arg14[%parallel_loop3A_1088, %parallel_loop3A_1089, %parallel_loop3A_1090] {strides = array<i32>} : memref<4x2x1024xf32, #tpu.memory_space<vmem>>, vector<1x1x16xf32>,
        %parallel_loop3A_1092 = vector.shape_cast %parallel_loop3A_1091 : vector<1x1x16xf32> to vector<16xf32>
        %parallel_loop3A_1093 = arith.addf %parallel_loop3A_1083, %parallel_loop3A_1092 : vector<16xf32>
        %parallel_loop3A_1094 = arith.index_cast %parallel_loop3A_970 : i32 to index
        %parallel_loop3A_1095 = arith.index_cast %parallel_loop3A_966 : i32 to index
        %parallel_loop3A_1096 = arith.index_cast %parallel_loop3A_968 : i32 to index
        %parallel_loop3A_1097 = arith.constant 64 : index
        %parallel_loop3A_1098 = tpu.vector_load %arg18[%parallel_loop3A_1094, %parallel_loop3A_1095, %parallel_loop3A_1096, %parallel_loop3A_1097] {strides = array<i32>} : memref<2x8x4x128xf32, #tpu.memory_space<vmem>>, vector<1x1x1x16xf32>,
        %parallel_loop3A_1099 = vector.shape_cast %parallel_loop3A_1098 : vector<1x1x1x16xf32> to vector<16xf32>
        %parallel_loop3A_1100 = vector.shape_cast %parallel_loop3A_1093 : vector<16xf32> to vector<1x1x1x16xf32>
        tpu.vector_store %arg18[%parallel_loop3A_1094, %parallel_loop3A_1095, %parallel_loop3A_1096, %parallel_loop3A_1097], %parallel_loop3A_1100 {strides = array<i32>} : memref<2x8x4x128xf32, #tpu.memory_space<vmem>>, vector<1x1x1x16xf32>,
        %parallel_loop3A_1101 = arith.constant 128 : i32
        %parallel_loop3A_1102 = arith.muli %parallel_loop3A_966, %parallel_loop3A_1101 : i32
        %parallel_loop3A_1103 = arith.constant 80 : i32
        %parallel_loop3A_1104 = arith.addi %parallel_loop3A_1102, %parallel_loop3A_1103 : i32
        %parallel_loop3A_1105 = arith.index_cast %parallel_loop3A_968 : i32 to index
        %parallel_loop3A_1106 = arith.index_cast %parallel_loop3A_970 : i32 to index
        %parallel_loop3A_1107 = arith.index_cast %parallel_loop3A_1104 : i32 to index
        %parallel_loop3A_1108 = tpu.vector_load %arg10[%parallel_loop3A_1105, %parallel_loop3A_1106, %parallel_loop3A_1107] {strides = array<i32>} : memref<4x2x1024xf32, #tpu.memory_space<vmem>>, vector<1x1x16xf32>,
        %parallel_loop3A_1109 = vector.shape_cast %parallel_loop3A_1108 : vector<1x1x16xf32> to vector<16xf32>
        %parallel_loop3A_1110 = arith.constant 128 : i32
        %parallel_loop3A_1111 = arith.muli %parallel_loop3A_966, %parallel_loop3A_1110 : i32
        %parallel_loop3A_1112 = arith.constant 80 : i32
        %parallel_loop3A_1113 = arith.addi %parallel_loop3A_1111, %parallel_loop3A_1112 : i32
        %parallel_loop3A_1114 = arith.index_cast %parallel_loop3A_968 : i32 to index
        %parallel_loop3A_1115 = arith.index_cast %parallel_loop3A_970 : i32 to index
        %parallel_loop3A_1116 = arith.index_cast %parallel_loop3A_1113 : i32 to index
        %parallel_loop3A_1117 = tpu.vector_load %arg14[%parallel_loop3A_1114, %parallel_loop3A_1115, %parallel_loop3A_1116] {strides = array<i32>} : memref<4x2x1024xf32, #tpu.memory_space<vmem>>, vector<1x1x16xf32>,
        %parallel_loop3A_1118 = vector.shape_cast %parallel_loop3A_1117 : vector<1x1x16xf32> to vector<16xf32>
        %parallel_loop3A_1119 = arith.addf %parallel_loop3A_1109, %parallel_loop3A_1118 : vector<16xf32>
        %parallel_loop3A_1120 = arith.index_cast %parallel_loop3A_970 : i32 to index
        %parallel_loop3A_1121 = arith.index_cast %parallel_loop3A_966 : i32 to index
        %parallel_loop3A_1122 = arith.index_cast %parallel_loop3A_968 : i32 to index
        %parallel_loop3A_1123 = arith.constant 80 : index
        %parallel_loop3A_1124 = tpu.vector_load %arg18[%parallel_loop3A_1120, %parallel_loop3A_1121, %parallel_loop3A_1122, %parallel_loop3A_1123] {strides = array<i32>} : memref<2x8x4x128xf32, #tpu.memory_space<vmem>>, vector<1x1x1x16xf32>,
        %parallel_loop3A_1125 = vector.shape_cast %parallel_loop3A_1124 : vector<1x1x1x16xf32> to vector<16xf32>
        %parallel_loop3A_1126 = vector.shape_cast %parallel_loop3A_1119 : vector<16xf32> to vector<1x1x1x16xf32>
        tpu.vector_store %arg18[%parallel_loop3A_1120, %parallel_loop3A_1121, %parallel_loop3A_1122, %parallel_loop3A_1123], %parallel_loop3A_1126 {strides = array<i32>} : memref<2x8x4x128xf32, #tpu.memory_space<vmem>>, vector<1x1x1x16xf32>,
        %parallel_loop3A_1127 = arith.constant 128 : i32
        %parallel_loop3A_1128 = arith.muli %parallel_loop3A_966, %parallel_loop3A_1127 : i32
        %parallel_loop3A_1129 = arith.constant 96 : i32
        %parallel_loop3A_1130 = arith.addi %parallel_loop3A_1128, %parallel_loop3A_1129 : i32
        %parallel_loop3A_1131 = arith.index_cast %parallel_loop3A_968 : i32 to index
        %parallel_loop3A_1132 = arith.index_cast %parallel_loop3A_970 : i32 to index
        %parallel_loop3A_1133 = arith.index_cast %parallel_loop3A_1130 : i32 to index
        %parallel_loop3A_1134 = tpu.vector_load %arg10[%parallel_loop3A_1131, %parallel_loop3A_1132, %parallel_loop3A_1133] {strides = array<i32>} : memref<4x2x1024xf32, #tpu.memory_space<vmem>>, vector<1x1x16xf32>,
        %parallel_loop3A_1135 = vector.shape_cast %parallel_loop3A_1134 : vector<1x1x16xf32> to vector<16xf32>
        %parallel_loop3A_1136 = arith.constant 128 : i32
        %parallel_loop3A_1137 = arith.muli %parallel_loop3A_966, %parallel_loop3A_1136 : i32
        %parallel_loop3A_1138 = arith.constant 96 : i32
        %parallel_loop3A_1139 = arith.addi %parallel_loop3A_1137, %parallel_loop3A_1138 : i32
        %parallel_loop3A_1140 = arith.index_cast %parallel_loop3A_968 : i32 to index
        %parallel_loop3A_1141 = arith.index_cast %parallel_loop3A_970 : i32 to index
        %parallel_loop3A_1142 = arith.index_cast %parallel_loop3A_1139 : i32 to index
        %parallel_loop3A_1143 = tpu.vector_load %arg14[%parallel_loop3A_1140, %parallel_loop3A_1141, %parallel_loop3A_1142] {strides = array<i32>} : memref<4x2x1024xf32, #tpu.memory_space<vmem>>, vector<1x1x16xf32>,
        %parallel_loop3A_1144 = vector.shape_cast %parallel_loop3A_1143 : vector<1x1x16xf32> to vector<16xf32>
        %parallel_loop3A_1145 = arith.addf %parallel_loop3A_1135, %parallel_loop3A_1144 : vector<16xf32>
        %parallel_loop3A_1146 = arith.index_cast %parallel_loop3A_970 : i32 to index
        %parallel_loop3A_1147 = arith.index_cast %parallel_loop3A_966 : i32 to index
        %parallel_loop3A_1148 = arith.index_cast %parallel_loop3A_968 : i32 to index
        %parallel_loop3A_1149 = arith.constant 96 : index
        %parallel_loop3A_1150 = tpu.vector_load %arg18[%parallel_loop3A_1146, %parallel_loop3A_1147, %parallel_loop3A_1148, %parallel_loop3A_1149] {strides = array<i32>} : memref<2x8x4x128xf32, #tpu.memory_space<vmem>>, vector<1x1x1x16xf32>,
        %parallel_loop3A_1151 = vector.shape_cast %parallel_loop3A_1150 : vector<1x1x1x16xf32> to vector<16xf32>
        %parallel_loop3A_1152 = vector.shape_cast %parallel_loop3A_1145 : vector<16xf32> to vector<1x1x1x16xf32>
        tpu.vector_store %arg18[%parallel_loop3A_1146, %parallel_loop3A_1147, %parallel_loop3A_1148, %parallel_loop3A_1149], %parallel_loop3A_1152 {strides = array<i32>} : memref<2x8x4x128xf32, #tpu.memory_space<vmem>>, vector<1x1x1x16xf32>,
        %parallel_loop3A_1153 = arith.constant 128 : i32
        %parallel_loop3A_1154 = arith.muli %parallel_loop3A_966, %parallel_loop3A_1153 : i32
        %parallel_loop3A_1155 = arith.constant 112 : i32
        %parallel_loop3A_1156 = arith.addi %parallel_loop3A_1154, %parallel_loop3A_1155 : i32
        %parallel_loop3A_1157 = arith.index_cast %parallel_loop3A_968 : i32 to index
        %parallel_loop3A_1158 = arith.index_cast %parallel_loop3A_970 : i32 to index
        %parallel_loop3A_1159 = arith.index_cast %parallel_loop3A_1156 : i32 to index
        %parallel_loop3A_1160 = tpu.vector_load %arg10[%parallel_loop3A_1157, %parallel_loop3A_1158, %parallel_loop3A_1159] {strides = array<i32>} : memref<4x2x1024xf32, #tpu.memory_space<vmem>>, vector<1x1x16xf32>,
        %parallel_loop3A_1161 = vector.shape_cast %parallel_loop3A_1160 : vector<1x1x16xf32> to vector<16xf32>
        %parallel_loop3A_1162 = arith.constant 128 : i32
        %parallel_loop3A_1163 = arith.muli %parallel_loop3A_966, %parallel_loop3A_1162 : i32
        %parallel_loop3A_1164 = arith.constant 112 : i32
        %parallel_loop3A_1165 = arith.addi %parallel_loop3A_1163, %parallel_loop3A_1164 : i32
        %parallel_loop3A_1166 = arith.index_cast %parallel_loop3A_968 : i32 to index
        %parallel_loop3A_1167 = arith.index_cast %parallel_loop3A_970 : i32 to index
        %parallel_loop3A_1168 = arith.index_cast %parallel_loop3A_1165 : i32 to index
        %parallel_loop3A_1169 = tpu.vector_load %arg14[%parallel_loop3A_1166, %parallel_loop3A_1167, %parallel_loop3A_1168] {strides = array<i32>} : memref<4x2x1024xf32, #tpu.memory_space<vmem>>, vector<1x1x16xf32>,
        %parallel_loop3A_1170 = vector.shape_cast %parallel_loop3A_1169 : vector<1x1x16xf32> to vector<16xf32>
        %parallel_loop3A_1171 = arith.addf %parallel_loop3A_1161, %parallel_loop3A_1170 : vector<16xf32>
        %parallel_loop3A_1172 = arith.index_cast %parallel_loop3A_970 : i32 to index
        %parallel_loop3A_1173 = arith.index_cast %parallel_loop3A_966 : i32 to index
        %parallel_loop3A_1174 = arith.index_cast %parallel_loop3A_968 : i32 to index
        %parallel_loop3A_1175 = arith.constant 112 : index
        %parallel_loop3A_1176 = tpu.vector_load %arg18[%parallel_loop3A_1172, %parallel_loop3A_1173, %parallel_loop3A_1174, %parallel_loop3A_1175] {strides = array<i32>} : memref<2x8x4x128xf32, #tpu.memory_space<vmem>>, vector<1x1x1x16xf32>,
        %parallel_loop3A_1177 = vector.shape_cast %parallel_loop3A_1176 : vector<1x1x1x16xf32> to vector<16xf32>
        %parallel_loop3A_1178 = vector.shape_cast %parallel_loop3A_1171 : vector<16xf32> to vector<1x1x1x16xf32>
        tpu.vector_store %arg18[%parallel_loop3A_1172, %parallel_loop3A_1173, %parallel_loop3A_1174, %parallel_loop3A_1175], %parallel_loop3A_1178 {strides = array<i32>} : memref<2x8x4x128xf32, #tpu.memory_space<vmem>>, vector<1x1x1x16xf32>,
      } {sc.loop_unroll_factor = 8 : i64, sc.parallel_access}
      %add3A_676 = arith.constant 4 : i32
      %add3A_677 = arith.addi %add3A_563, %add3A_676 : i32
      %lt3A_678 = arith.constant 64 : i32
      %lt3A_679 = arith.cmpi slt, %add3A_677, %lt3A_678 : i32
      %convert_element_type3A_680 = arith.extui %lt3A_679 : i1 to i32
      %cond3A_681 = arith.constant 0 : i32
      %cond3A_682 = arith.cmpi ne, %convert_element_type3A_680, %cond3A_681 : i32
      scf.if %cond3A_682 {
        %mul3A_962 = arith.constant 2 : i32
        %mul3A_963 = arith.muli %add3A_677, %mul3A_962 : i32
        %dma_start3A_964 = arith.constant 0 : i32
        %dma_start3A_965 = arith.constant 0 : i32
        %dma_start3A_966 = arith.constant 0 : i32
        %dma_start3A_967 = arith.constant 0 : i32
        %dma_start3A_968 = tpu.memref_slice %arg10[%dma_start3A_965, %dma_start3A_966, %dma_start3A_967] : memref<4x2x1024xf32, #tpu.memory_space<vmem>> -> memref<1x2x1024xf32, #tpu.memory_space<vmem>>
        %dma_start3A_969 = tpu.memref_squeeze %dma_start3A_968 : memref<1x2x1024xf32, #tpu.memory_space<vmem>> -> memref<2x1024xf32, #tpu.memory_space<vmem>>
        %dma_start3A_970 = tpu.memref_slice %arg7[%dma_start3A_964, %mul3A_963] : memref<4x128xi32, #tpu.memory_space<vmem>> -> memref<1x2xi32, #tpu.memory_space<vmem>>
        %dma_start3A_971 = tpu.memref_squeeze %dma_start3A_970 : memref<1x2xi32, #tpu.memory_space<vmem>> -> memref<2xi32, #tpu.memory_space<vmem>>
        %dma_start3A_972 = arith.constant 0 : i32
        %dma_start3A_973 = arith.constant 0 : i32
        %dma_start3A_974 = tpu.memref_slice %arg4[%dma_start3A_972, %dma_start3A_973] : memref<100000x1024xf32, #tpu.memory_space<hbm>> -> memref<100000x1024xf32, #tpu.memory_space<hbm>>
        tpu.enqueue_indirect_dma source(%dma_start3A_974 : memref<100000x1024xf32, #tpu.memory_space<hbm>>) target(%dma_start3A_969 : memref<2x1024xf32, #tpu.memory_space<vmem>>) offsets(%dma_start3A_971 : memref<2xi32, #tpu.memory_space<vmem>>) semaphore(%arg22 : memref<!tpu.dma_semaphore, #tpu.memory_space<semaphore_mem>>)
        %mul3A_975 = arith.constant 2 : i32
        %mul3A_976 = arith.muli %add3A_677, %mul3A_975 : i32
        %dma_start3A_977 = arith.constant 0 : i32
        %dma_start3A_978 = arith.constant 0 : i32
        %dma_start3A_979 = arith.constant 0 : i32
        %dma_start3A_980 = arith.constant 0 : i32
        %dma_start3A_981 = tpu.memref_slice %arg14[%dma_start3A_978, %dma_start3A_979, %dma_start3A_980] : memref<4x2x1024xf32, #tpu.memory_space<vmem>> -> memref<1x2x1024xf32, #tpu.memory_space<vmem>>
        %dma_start3A_982 = tpu.memref_squeeze %dma_start3A_981 : memref<1x2x1024xf32, #tpu.memory_space<vmem>> -> memref<2x1024xf32, #tpu.memory_space<vmem>>
        %dma_start3A_983 = tpu.memref_slice %arg8[%dma_start3A_977, %mul3A_976] : memref<4x128xi32, #tpu.memory_space<vmem>> -> memref<1x2xi32, #tpu.memory_space<vmem>>
        %dma_start3A_984 = tpu.memref_squeeze %dma_start3A_983 : memref<1x2xi32, #tpu.memory_space<vmem>> -> memref<2xi32, #tpu.memory_space<vmem>>
        %dma_start3A_985 = arith.constant 0 : i32
        %dma_start3A_986 = arith.constant 0 : i32
        %dma_start3A_987 = tpu.memref_slice %arg5[%dma_start3A_985, %dma_start3A_986] : memref<8192x1024xf32, #tpu.memory_space<hbm>> -> memref<8192x1024xf32, #tpu.memory_space<hbm>>
        tpu.enqueue_indirect_dma source(%dma_start3A_987 : memref<8192x1024xf32, #tpu.memory_space<hbm>>) target(%dma_start3A_982 : memref<2x1024xf32, #tpu.memory_space<vmem>>) offsets(%dma_start3A_984 : memref<2xi32, #tpu.memory_space<vmem>>) semaphore(%arg26 : memref<!tpu.dma_semaphore, #tpu.memory_space<semaphore_mem>>)
        %mul3A_988 = arith.constant 2 : i32
        %mul3A_989 = arith.muli %add3A_677, %mul3A_988 : i32
        %dma_start3A_990 = arith.constant 1 : i32
        %dma_start3A_991 = arith.constant 1 : i32
        %dma_start3A_992 = arith.constant 0 : i32
        %dma_start3A_993 = arith.constant 0 : i32
        %dma_start3A_994 = tpu.memref_slice %arg10[%dma_start3A_991, %dma_start3A_992, %dma_start3A_993] : memref<4x2x1024xf32, #tpu.memory_space<vmem>> -> memref<1x2x1024xf32, #tpu.memory_space<vmem>>
        %dma_start3A_995 = tpu.memref_squeeze %dma_start3A_994 : memref<1x2x1024xf32, #tpu.memory_space<vmem>> -> memref<2x1024xf32, #tpu.memory_space<vmem>>
        %dma_start3A_996 = tpu.memref_slice %arg7[%dma_start3A_990, %mul3A_989] : memref<4x128xi32, #tpu.memory_space<vmem>> -> memref<1x2xi32, #tpu.memory_space<vmem>>
        %dma_start3A_997 = tpu.memref_squeeze %dma_start3A_996 : memref<1x2xi32, #tpu.memory_space<vmem>> -> memref<2xi32, #tpu.memory_space<vmem>>
        %dma_start3A_998 = arith.constant 0 : i32
        %dma_start3A_999 = arith.constant 0 : i32
        %dma_start3A_1000 = tpu.memref_slice %arg4[%dma_start3A_998, %dma_start3A_999] : memref<100000x1024xf32, #tpu.memory_space<hbm>> -> memref<100000x1024xf32, #tpu.memory_space<hbm>>
        tpu.enqueue_indirect_dma source(%dma_start3A_1000 : memref<100000x1024xf32, #tpu.memory_space<hbm>>) target(%dma_start3A_995 : memref<2x1024xf32, #tpu.memory_space<vmem>>) offsets(%dma_start3A_997 : memref<2xi32, #tpu.memory_space<vmem>>) semaphore(%arg22 : memref<!tpu.dma_semaphore, #tpu.memory_space<semaphore_mem>>)
        %mul3A_1001 = arith.constant 2 : i32
        %mul3A_1002 = arith.muli %add3A_677, %mul3A_1001 : i32
        %dma_start3A_1003 = arith.constant 1 : i32
        %dma_start3A_1004 = arith.constant 1 : i32
        %dma_start3A_1005 = arith.constant 0 : i32
        %dma_start3A_1006 = arith.constant 0 : i32
        %dma_start3A_1007 = tpu.memref_slice %arg14[%dma_start3A_1004, %dma_start3A_1005, %dma_start3A_1006] : memref<4x2x1024xf32, #tpu.memory_space<vmem>> -> memref<1x2x1024xf32, #tpu.memory_space<vmem>>
        %dma_start3A_1008 = tpu.memref_squeeze %dma_start3A_1007 : memref<1x2x1024xf32, #tpu.memory_space<vmem>> -> memref<2x1024xf32, #tpu.memory_space<vmem>>
        %dma_start3A_1009 = tpu.memref_slice %arg8[%dma_start3A_1003, %mul3A_1002] : memref<4x128xi32, #tpu.memory_space<vmem>> -> memref<1x2xi32, #tpu.memory_space<vmem>>
        %dma_start3A_1010 = tpu.memref_squeeze %dma_start3A_1009 : memref<1x2xi32, #tpu.memory_space<vmem>> -> memref<2xi32, #tpu.memory_space<vmem>>
        %dma_start3A_1011 = arith.constant 0 : i32
        %dma_start3A_1012 = arith.constant 0 : i32
        %dma_start3A_1013 = tpu.memref_slice %arg5[%dma_start3A_1011, %dma_start3A_1012] : memref<8192x1024xf32, #tpu.memory_space<hbm>> -> memref<8192x1024xf32, #tpu.memory_space<hbm>>
        tpu.enqueue_indirect_dma source(%dma_start3A_1013 : memref<8192x1024xf32, #tpu.memory_space<hbm>>) target(%dma_start3A_1008 : memref<2x1024xf32, #tpu.memory_space<vmem>>) offsets(%dma_start3A_1010 : memref<2xi32, #tpu.memory_space<vmem>>) semaphore(%arg26 : memref<!tpu.dma_semaphore, #tpu.memory_space<semaphore_mem>>)
        %mul3A_1014 = arith.constant 2 : i32
        %mul3A_1015 = arith.muli %add3A_677, %mul3A_1014 : i32
        %dma_start3A_1016 = arith.constant 2 : i32
        %dma_start3A_1017 = arith.constant 2 : i32
        %dma_start3A_1018 = arith.constant 0 : i32
        %dma_start3A_1019 = arith.constant 0 : i32
        %dma_start3A_1020 = tpu.memref_slice %arg10[%dma_start3A_1017, %dma_start3A_1018, %dma_start3A_1019] : memref<4x2x1024xf32, #tpu.memory_space<vmem>> -> memref<1x2x1024xf32, #tpu.memory_space<vmem>>
        %dma_start3A_1021 = tpu.memref_squeeze %dma_start3A_1020 : memref<1x2x1024xf32, #tpu.memory_space<vmem>> -> memref<2x1024xf32, #tpu.memory_space<vmem>>
        %dma_start3A_1022 = tpu.memref_slice %arg7[%dma_start3A_1016, %mul3A_1015] : memref<4x128xi32, #tpu.memory_space<vmem>> -> memref<1x2xi32, #tpu.memory_space<vmem>>
        %dma_start3A_1023 = tpu.memref_squeeze %dma_start3A_1022 : memref<1x2xi32, #tpu.memory_space<vmem>> -> memref<2xi32, #tpu.memory_space<vmem>>
        %dma_start3A_1024 = arith.constant 0 : i32
        %dma_start3A_1025 = arith.constant 0 : i32
        %dma_start3A_1026 = tpu.memref_slice %arg4[%dma_start3A_1024, %dma_start3A_1025] : memref<100000x1024xf32, #tpu.memory_space<hbm>> -> memref<100000x1024xf32, #tpu.memory_space<hbm>>
        tpu.enqueue_indirect_dma source(%dma_start3A_1026 : memref<100000x1024xf32, #tpu.memory_space<hbm>>) target(%dma_start3A_1021 : memref<2x1024xf32, #tpu.memory_space<vmem>>) offsets(%dma_start3A_1023 : memref<2xi32, #tpu.memory_space<vmem>>) semaphore(%arg22 : memref<!tpu.dma_semaphore, #tpu.memory_space<semaphore_mem>>)
        %mul3A_1027 = arith.constant 2 : i32
        %mul3A_1028 = arith.muli %add3A_677, %mul3A_1027 : i32
        %dma_start3A_1029 = arith.constant 2 : i32
        %dma_start3A_1030 = arith.constant 2 : i32
        %dma_start3A_1031 = arith.constant 0 : i32
        %dma_start3A_1032 = arith.constant 0 : i32
        %dma_start3A_1033 = tpu.memref_slice %arg14[%dma_start3A_1030, %dma_start3A_1031, %dma_start3A_1032] : memref<4x2x1024xf32, #tpu.memory_space<vmem>> -> memref<1x2x1024xf32, #tpu.memory_space<vmem>>
        %dma_start3A_1034 = tpu.memref_squeeze %dma_start3A_1033 : memref<1x2x1024xf32, #tpu.memory_space<vmem>> -> memref<2x1024xf32, #tpu.memory_space<vmem>>
        %dma_start3A_1035 = tpu.memref_slice %arg8[%dma_start3A_1029, %mul3A_1028] : memref<4x128xi32, #tpu.memory_space<vmem>> -> memref<1x2xi32, #tpu.memory_space<vmem>>
        %dma_start3A_1036 = tpu.memref_squeeze %dma_start3A_1035 : memref<1x2xi32, #tpu.memory_space<vmem>> -> memref<2xi32, #tpu.memory_space<vmem>>
        %dma_start3A_1037 = arith.constant 0 : i32
        %dma_start3A_1038 = arith.constant 0 : i32
        %dma_start3A_1039 = tpu.memref_slice %arg5[%dma_start3A_1037, %dma_start3A_1038] : memref<8192x1024xf32, #tpu.memory_space<hbm>> -> memref<8192x1024xf32, #tpu.memory_space<hbm>>
        tpu.enqueue_indirect_dma source(%dma_start3A_1039 : memref<8192x1024xf32, #tpu.memory_space<hbm>>) target(%dma_start3A_1034 : memref<2x1024xf32, #tpu.memory_space<vmem>>) offsets(%dma_start3A_1036 : memref<2xi32, #tpu.memory_space<vmem>>) semaphore(%arg26 : memref<!tpu.dma_semaphore, #tpu.memory_space<semaphore_mem>>)
        %mul3A_1040 = arith.constant 2 : i32
        %mul3A_1041 = arith.muli %add3A_677, %mul3A_1040 : i32
        %dma_start3A_1042 = arith.constant 3 : i32
        %dma_start3A_1043 = arith.constant 3 : i32
        %dma_start3A_1044 = arith.constant 0 : i32
        %dma_start3A_1045 = arith.constant 0 : i32
        %dma_start3A_1046 = tpu.memref_slice %arg10[%dma_start3A_1043, %dma_start3A_1044, %dma_start3A_1045] : memref<4x2x1024xf32, #tpu.memory_space<vmem>> -> memref<1x2x1024xf32, #tpu.memory_space<vmem>>
        %dma_start3A_1047 = tpu.memref_squeeze %dma_start3A_1046 : memref<1x2x1024xf32, #tpu.memory_space<vmem>> -> memref<2x1024xf32, #tpu.memory_space<vmem>>
        %dma_start3A_1048 = tpu.memref_slice %arg7[%dma_start3A_1042, %mul3A_1041] : memref<4x128xi32, #tpu.memory_space<vmem>> -> memref<1x2xi32, #tpu.memory_space<vmem>>
        %dma_start3A_1049 = tpu.memref_squeeze %dma_start3A_1048 : memref<1x2xi32, #tpu.memory_space<vmem>> -> memref<2xi32, #tpu.memory_space<vmem>>
        %dma_start3A_1050 = arith.constant 0 : i32
        %dma_start3A_1051 = arith.constant 0 : i32
        %dma_start3A_1052 = tpu.memref_slice %arg4[%dma_start3A_1050, %dma_start3A_1051] : memref<100000x1024xf32, #tpu.memory_space<hbm>> -> memref<100000x1024xf32, #tpu.memory_space<hbm>>
        tpu.enqueue_indirect_dma source(%dma_start3A_1052 : memref<100000x1024xf32, #tpu.memory_space<hbm>>) target(%dma_start3A_1047 : memref<2x1024xf32, #tpu.memory_space<vmem>>) offsets(%dma_start3A_1049 : memref<2xi32, #tpu.memory_space<vmem>>) semaphore(%arg22 : memref<!tpu.dma_semaphore, #tpu.memory_space<semaphore_mem>>)
        %mul3A_1053 = arith.constant 2 : i32
        %mul3A_1054 = arith.muli %add3A_677, %mul3A_1053 : i32
        %dma_start3A_1055 = arith.constant 3 : i32
        %dma_start3A_1056 = arith.constant 3 : i32
        %dma_start3A_1057 = arith.constant 0 : i32
        %dma_start3A_1058 = arith.constant 0 : i32
        %dma_start3A_1059 = tpu.memref_slice %arg14[%dma_start3A_1056, %dma_start3A_1057, %dma_start3A_1058] : memref<4x2x1024xf32, #tpu.memory_space<vmem>> -> memref<1x2x1024xf32, #tpu.memory_space<vmem>>
        %dma_start3A_1060 = tpu.memref_squeeze %dma_start3A_1059 : memref<1x2x1024xf32, #tpu.memory_space<vmem>> -> memref<2x1024xf32, #tpu.memory_space<vmem>>
        %dma_start3A_1061 = tpu.memref_slice %arg8[%dma_start3A_1055, %mul3A_1054] : memref<4x128xi32, #tpu.memory_space<vmem>> -> memref<1x2xi32, #tpu.memory_space<vmem>>
        %dma_start3A_1062 = tpu.memref_squeeze %dma_start3A_1061 : memref<1x2xi32, #tpu.memory_space<vmem>> -> memref<2xi32, #tpu.memory_space<vmem>>
        %dma_start3A_1063 = arith.constant 0 : i32
        %dma_start3A_1064 = arith.constant 0 : i32
        %dma_start3A_1065 = tpu.memref_slice %arg5[%dma_start3A_1063, %dma_start3A_1064] : memref<8192x1024xf32, #tpu.memory_space<hbm>> -> memref<8192x1024xf32, #tpu.memory_space<hbm>>
        tpu.enqueue_indirect_dma source(%dma_start3A_1065 : memref<8192x1024xf32, #tpu.memory_space<hbm>>) target(%dma_start3A_1060 : memref<2x1024xf32, #tpu.memory_space<vmem>>) offsets(%dma_start3A_1062 : memref<2xi32, #tpu.memory_space<vmem>>) semaphore(%arg26 : memref<!tpu.dma_semaphore, #tpu.memory_space<semaphore_mem>>)
      } else {
      }
      %mul3A_683 = arith.constant 2 : i32
      %mul3A_684 = arith.muli %add3A_563, %mul3A_683 : i32
      %add3A_685 = arith.addi %mul3A_2, %mul3A_684 : i32
      %dma_start3A_686 = arith.constant 0 : i32
      %dma_start3A_687 = arith.constant 0 : i32
      %dma_start3A_688 = arith.constant 0 : i32
      %dma_start3A_689 = tpu.memref_slice %arg6[%add3A_685, %dma_start3A_686, %dma_start3A_687, %dma_start3A_688] : memref<4096x8x4x128xf32, #tpu.memory_space<hbm>> -> memref<2x8x4x128xf32, #tpu.memory_space<hbm>>
      %dma_start3A_690 = arith.constant 0 : i32
      %dma_start3A_691 = arith.constant 0 : i32
      %dma_start3A_692 = arith.constant 0 : i32
      %dma_start3A_693 = tpu.memref_slice %arg6[%add3A_685, %dma_start3A_690, %dma_start3A_691, %dma_start3A_692] : memref<4096x8x4x128xf32, #tpu.memory_space<hbm>> -> memref<2x8x4x128xf32, #tpu.memory_space<hbm>>
      tpu.enqueue_dma source(%arg18 : memref<2x8x4x128xf32, #tpu.memory_space<vmem>>) target(%dma_start3A_693 : memref<2x8x4x128xf32, #tpu.memory_space<hbm>>) target_semaphore(%arg30 : memref<!tpu.dma_semaphore, #tpu.memory_space<semaphore_mem>>)
      %mul3A_694 = arith.constant 4 : i32
      %mul3A_695 = arith.muli %scan3A_430, %mul3A_694 : i32
      %add3A_696 = arith.constant 2 : i32
      %add3A_697 = arith.addi %mul3A_695, %add3A_696 : i32
      %mul3A_698 = arith.constant 2 : i32
      %mul3A_699 = arith.muli %add3A_697, %mul3A_698 : i32
      %dma_wait3A_700 = arith.constant 0 : i32
      %dma_wait3A_701 = arith.constant 0 : i32
      %dma_wait3A_702 = arith.constant 0 : i32
      %dma_wait3A_703 = arith.constant 0 : i32
      %dma_wait3A_704 = tpu.memref_slice %arg11[%dma_wait3A_701, %dma_wait3A_702, %dma_wait3A_703] : memref<4x2x1024xf32, #tpu.memory_space<vmem>> -> memref<1x2x1024xf32, #tpu.memory_space<vmem>>
      %dma_wait3A_705 = tpu.memref_squeeze %dma_wait3A_704 : memref<1x2x1024xf32, #tpu.memory_space<vmem>> -> memref<2x1024xf32, #tpu.memory_space<vmem>>
      %dma_wait3A_706 = tpu.memref_slice %arg7[%dma_wait3A_700, %mul3A_699] : memref<4x128xi32, #tpu.memory_space<vmem>> -> memref<1x2xi32, #tpu.memory_space<vmem>>
      %dma_wait3A_707 = tpu.memref_squeeze %dma_wait3A_706 : memref<1x2xi32, #tpu.memory_space<vmem>> -> memref<2xi32, #tpu.memory_space<vmem>>
      %dma_wait3A_708 = arith.constant 0 : i32
      %dma_wait3A_709 = arith.constant 0 : i32
      %dma_wait3A_710 = tpu.memref_slice %arg4[%dma_wait3A_708, %dma_wait3A_709] : memref<100000x1024xf32, #tpu.memory_space<hbm>> -> memref<100000x1024xf32, #tpu.memory_space<hbm>>
      tpu.wait_indirect_dma semaphore(%arg23 : memref<!tpu.dma_semaphore, #tpu.memory_space<semaphore_mem>>) src(%dma_wait3A_710 : memref<100000x1024xf32, #tpu.memory_space<hbm>>) dst(%dma_wait3A_705 : memref<2x1024xf32, #tpu.memory_space<vmem>>)
      %mul3A_711 = arith.constant 2 : i32
      %mul3A_712 = arith.muli %add3A_697, %mul3A_711 : i32
      %dma_wait3A_713 = arith.constant 0 : i32
      %dma_wait3A_714 = arith.constant 0 : i32
      %dma_wait3A_715 = arith.constant 0 : i32
      %dma_wait3A_716 = arith.constant 0 : i32
      %dma_wait3A_717 = tpu.memref_slice %arg15[%dma_wait3A_714, %dma_wait3A_715, %dma_wait3A_716] : memref<4x2x1024xf32, #tpu.memory_space<vmem>> -> memref<1x2x1024xf32, #tpu.memory_space<vmem>>
      %dma_wait3A_718 = tpu.memref_squeeze %dma_wait3A_717 : memref<1x2x1024xf32, #tpu.memory_space<vmem>> -> memref<2x1024xf32, #tpu.memory_space<vmem>>
      %dma_wait3A_719 = tpu.memref_slice %arg8[%dma_wait3A_713, %mul3A_712] : memref<4x128xi32, #tpu.memory_space<vmem>> -> memref<1x2xi32, #tpu.memory_space<vmem>>
      %dma_wait3A_720 = tpu.memref_squeeze %dma_wait3A_719 : memref<1x2xi32, #tpu.memory_space<vmem>> -> memref<2xi32, #tpu.memory_space<vmem>>
      %dma_wait3A_721 = arith.constant 0 : i32
      %dma_wait3A_722 = arith.constant 0 : i32
      %dma_wait3A_723 = tpu.memref_slice %arg5[%dma_wait3A_721, %dma_wait3A_722] : memref<8192x1024xf32, #tpu.memory_space<hbm>> -> memref<8192x1024xf32, #tpu.memory_space<hbm>>
      tpu.wait_indirect_dma semaphore(%arg27 : memref<!tpu.dma_semaphore, #tpu.memory_space<semaphore_mem>>) src(%dma_wait3A_723 : memref<8192x1024xf32, #tpu.memory_space<hbm>>) dst(%dma_wait3A_718 : memref<2x1024xf32, #tpu.memory_space<vmem>>)
      %mul3A_724 = arith.constant 2 : i32
      %mul3A_725 = arith.muli %add3A_697, %mul3A_724 : i32
      %dma_wait3A_726 = arith.constant 1 : i32
      %dma_wait3A_727 = arith.constant 1 : i32
      %dma_wait3A_728 = arith.constant 0 : i32
      %dma_wait3A_729 = arith.constant 0 : i32
      %dma_wait3A_730 = tpu.memref_slice %arg11[%dma_wait3A_727, %dma_wait3A_728, %dma_wait3A_729] : memref<4x2x1024xf32, #tpu.memory_space<vmem>> -> memref<1x2x1024xf32, #tpu.memory_space<vmem>>
      %dma_wait3A_731 = tpu.memref_squeeze %dma_wait3A_730 : memref<1x2x1024xf32, #tpu.memory_space<vmem>> -> memref<2x1024xf32, #tpu.memory_space<vmem>>
      %dma_wait3A_732 = tpu.memref_slice %arg7[%dma_wait3A_726, %mul3A_725] : memref<4x128xi32, #tpu.memory_space<vmem>> -> memref<1x2xi32, #tpu.memory_space<vmem>>
      %dma_wait3A_733 = tpu.memref_squeeze %dma_wait3A_732 : memref<1x2xi32, #tpu.memory_space<vmem>> -> memref<2xi32, #tpu.memory_space<vmem>>
      %dma_wait3A_734 = arith.constant 0 : i32
      %dma_wait3A_735 = arith.constant 0 : i32
      %dma_wait3A_736 = tpu.memref_slice %arg4[%dma_wait3A_734, %dma_wait3A_735] : memref<100000x1024xf32, #tpu.memory_space<hbm>> -> memref<100000x1024xf32, #tpu.memory_space<hbm>>
      tpu.wait_indirect_dma semaphore(%arg23 : memref<!tpu.dma_semaphore, #tpu.memory_space<semaphore_mem>>) src(%dma_wait3A_736 : memref<100000x1024xf32, #tpu.memory_space<hbm>>) dst(%dma_wait3A_731 : memref<2x1024xf32, #tpu.memory_space<vmem>>)
      %mul3A_737 = arith.constant 2 : i32
      %mul3A_738 = arith.muli %add3A_697, %mul3A_737 : i32
      %dma_wait3A_739 = arith.constant 1 : i32
      %dma_wait3A_740 = arith.constant 1 : i32
      %dma_wait3A_741 = arith.constant 0 : i32
      %dma_wait3A_742 = arith.constant 0 : i32
      %dma_wait3A_743 = tpu.memref_slice %arg15[%dma_wait3A_740, %dma_wait3A_741, %dma_wait3A_742] : memref<4x2x1024xf32, #tpu.memory_space<vmem>> -> memref<1x2x1024xf32, #tpu.memory_space<vmem>>
      %dma_wait3A_744 = tpu.memref_squeeze %dma_wait3A_743 : memref<1x2x1024xf32, #tpu.memory_space<vmem>> -> memref<2x1024xf32, #tpu.memory_space<vmem>>
      %dma_wait3A_745 = tpu.memref_slice %arg8[%dma_wait3A_739, %mul3A_738] : memref<4x128xi32, #tpu.memory_space<vmem>> -> memref<1x2xi32, #tpu.memory_space<vmem>>
      %dma_wait3A_746 = tpu.memref_squeeze %dma_wait3A_745 : memref<1x2xi32, #tpu.memory_space<vmem>> -> memref<2xi32, #tpu.memory_space<vmem>>
      %dma_wait3A_747 = arith.constant 0 : i32
      %dma_wait3A_748 = arith.constant 0 : i32
      %dma_wait3A_749 = tpu.memref_slice %arg5[%dma_wait3A_747, %dma_wait3A_748] : memref<8192x1024xf32, #tpu.memory_space<hbm>> -> memref<8192x1024xf32, #tpu.memory_space<hbm>>
      tpu.wait_indirect_dma semaphore(%arg27 : memref<!tpu.dma_semaphore, #tpu.memory_space<semaphore_mem>>) src(%dma_wait3A_749 : memref<8192x1024xf32, #tpu.memory_space<hbm>>) dst(%dma_wait3A_744 : memref<2x1024xf32, #tpu.memory_space<vmem>>)
      %mul3A_750 = arith.constant 2 : i32
      %mul3A_751 = arith.muli %add3A_697, %mul3A_750 : i32
      %dma_wait3A_752 = arith.constant 2 : i32
      %dma_wait3A_753 = arith.constant 2 : i32
      %dma_wait3A_754 = arith.constant 0 : i32
      %dma_wait3A_755 = arith.constant 0 : i32
      %dma_wait3A_756 = tpu.memref_slice %arg11[%dma_wait3A_753, %dma_wait3A_754, %dma_wait3A_755] : memref<4x2x1024xf32, #tpu.memory_space<vmem>> -> memref<1x2x1024xf32, #tpu.memory_space<vmem>>
      %dma_wait3A_757 = tpu.memref_squeeze %dma_wait3A_756 : memref<1x2x1024xf32, #tpu.memory_space<vmem>> -> memref<2x1024xf32, #tpu.memory_space<vmem>>
      %dma_wait3A_758 = tpu.memref_slice %arg7[%dma_wait3A_752, %mul3A_751] : memref<4x128xi32, #tpu.memory_space<vmem>> -> memref<1x2xi32, #tpu.memory_space<vmem>>
      %dma_wait3A_759 = tpu.memref_squeeze %dma_wait3A_758 : memref<1x2xi32, #tpu.memory_space<vmem>> -> memref<2xi32, #tpu.memory_space<vmem>>
      %dma_wait3A_760 = arith.constant 0 : i32
      %dma_wait3A_761 = arith.constant 0 : i32
      %dma_wait3A_762 = tpu.memref_slice %arg4[%dma_wait3A_760, %dma_wait3A_761] : memref<100000x1024xf32, #tpu.memory_space<hbm>> -> memref<100000x1024xf32, #tpu.memory_space<hbm>>
      tpu.wait_indirect_dma semaphore(%arg23 : memref<!tpu.dma_semaphore, #tpu.memory_space<semaphore_mem>>) src(%dma_wait3A_762 : memref<100000x1024xf32, #tpu.memory_space<hbm>>) dst(%dma_wait3A_757 : memref<2x1024xf32, #tpu.memory_space<vmem>>)
      %mul3A_763 = arith.constant 2 : i32
      %mul3A_764 = arith.muli %add3A_697, %mul3A_763 : i32
      %dma_wait3A_765 = arith.constant 2 : i32
      %dma_wait3A_766 = arith.constant 2 : i32
      %dma_wait3A_767 = arith.constant 0 : i32
      %dma_wait3A_768 = arith.constant 0 : i32
      %dma_wait3A_769 = tpu.memref_slice %arg15[%dma_wait3A_766, %dma_wait3A_767, %dma_wait3A_768] : memref<4x2x1024xf32, #tpu.memory_space<vmem>> -> memref<1x2x1024xf32, #tpu.memory_space<vmem>>
      %dma_wait3A_770 = tpu.memref_squeeze %dma_wait3A_769 : memref<1x2x1024xf32, #tpu.memory_space<vmem>> -> memref<2x1024xf32, #tpu.memory_space<vmem>>
      %dma_wait3A_771 = tpu.memref_slice %arg8[%dma_wait3A_765, %mul3A_764] : memref<4x128xi32, #tpu.memory_space<vmem>> -> memref<1x2xi32, #tpu.memory_space<vmem>>
      %dma_wait3A_772 = tpu.memref_squeeze %dma_wait3A_771 : memref<1x2xi32, #tpu.memory_space<vmem>> -> memref<2xi32, #tpu.memory_space<vmem>>
      %dma_wait3A_773 = arith.constant 0 : i32
      %dma_wait3A_774 = arith.constant 0 : i32
      %dma_wait3A_775 = tpu.memref_slice %arg5[%dma_wait3A_773, %dma_wait3A_774] : memref<8192x1024xf32, #tpu.memory_space<hbm>> -> memref<8192x1024xf32, #tpu.memory_space<hbm>>
      tpu.wait_indirect_dma semaphore(%arg27 : memref<!tpu.dma_semaphore, #tpu.memory_space<semaphore_mem>>) src(%dma_wait3A_775 : memref<8192x1024xf32, #tpu.memory_space<hbm>>) dst(%dma_wait3A_770 : memref<2x1024xf32, #tpu.memory_space<vmem>>)
      %mul3A_776 = arith.constant 2 : i32
      %mul3A_777 = arith.muli %add3A_697, %mul3A_776 : i32
      %dma_wait3A_778 = arith.constant 3 : i32
      %dma_wait3A_779 = arith.constant 3 : i32
      %dma_wait3A_780 = arith.constant 0 : i32
      %dma_wait3A_781 = arith.constant 0 : i32
      %dma_wait3A_782 = tpu.memref_slice %arg11[%dma_wait3A_779, %dma_wait3A_780, %dma_wait3A_781] : memref<4x2x1024xf32, #tpu.memory_space<vmem>> -> memref<1x2x1024xf32, #tpu.memory_space<vmem>>
      %dma_wait3A_783 = tpu.memref_squeeze %dma_wait3A_782 : memref<1x2x1024xf32, #tpu.memory_space<vmem>> -> memref<2x1024xf32, #tpu.memory_space<vmem>>
      %dma_wait3A_784 = tpu.memref_slice %arg7[%dma_wait3A_778, %mul3A_777] : memref<4x128xi32, #tpu.memory_space<vmem>> -> memref<1x2xi32, #tpu.memory_space<vmem>>
      %dma_wait3A_785 = tpu.memref_squeeze %dma_wait3A_784 : memref<1x2xi32, #tpu.memory_space<vmem>> -> memref<2xi32, #tpu.memory_space<vmem>>
      %dma_wait3A_786 = arith.constant 0 : i32
      %dma_wait3A_787 = arith.constant 0 : i32
      %dma_wait3A_788 = tpu.memref_slice %arg4[%dma_wait3A_786, %dma_wait3A_787] : memref<100000x1024xf32, #tpu.memory_space<hbm>> -> memref<100000x1024xf32, #tpu.memory_space<hbm>>
      tpu.wait_indirect_dma semaphore(%arg23 : memref<!tpu.dma_semaphore, #tpu.memory_space<semaphore_mem>>) src(%dma_wait3A_788 : memref<100000x1024xf32, #tpu.memory_space<hbm>>) dst(%dma_wait3A_783 : memref<2x1024xf32, #tpu.memory_space<vmem>>)
      %mul3A_789 = arith.constant 2 : i32
      %mul3A_790 = arith.muli %add3A_697, %mul3A_789 : i32
      %dma_wait3A_791 = arith.constant 3 : i32
      %dma_wait3A_792 = arith.constant 3 : i32
      %dma_wait3A_793 = arith.constant 0 : i32
      %dma_wait3A_794 = arith.constant 0 : i32
      %dma_wait3A_795 = tpu.memref_slice %arg15[%dma_wait3A_792, %dma_wait3A_793, %dma_wait3A_794] : memref<4x2x1024xf32, #tpu.memory_space<vmem>> -> memref<1x2x1024xf32, #tpu.memory_space<vmem>>
      %dma_wait3A_796 = tpu.memref_squeeze %dma_wait3A_795 : memref<1x2x1024xf32, #tpu.memory_space<vmem>> -> memref<2x1024xf32, #tpu.memory_space<vmem>>
      %dma_wait3A_797 = tpu.memref_slice %arg8[%dma_wait3A_791, %mul3A_790] : memref<4x128xi32, #tpu.memory_space<vmem>> -> memref<1x2xi32, #tpu.memory_space<vmem>>
      %dma_wait3A_798 = tpu.memref_squeeze %dma_wait3A_797 : memref<1x2xi32, #tpu.memory_space<vmem>> -> memref<2xi32, #tpu.memory_space<vmem>>
      %dma_wait3A_799 = arith.constant 0 : i32
      %dma_wait3A_800 = arith.constant 0 : i32
      %dma_wait3A_801 = tpu.memref_slice %arg5[%dma_wait3A_799, %dma_wait3A_800] : memref<8192x1024xf32, #tpu.memory_space<hbm>> -> memref<8192x1024xf32, #tpu.memory_space<hbm>>
      tpu.wait_indirect_dma semaphore(%arg27 : memref<!tpu.dma_semaphore, #tpu.memory_space<semaphore_mem>>) src(%dma_wait3A_801 : memref<8192x1024xf32, #tpu.memory_space<hbm>>) dst(%dma_wait3A_796 : memref<2x1024xf32, #tpu.memory_space<vmem>>)
      %ge3A_802 = arith.constant 4 : i32
      %ge3A_803 = arith.cmpi sge, %add3A_697, %ge3A_802 : i32
      %convert_element_type3A_804 = arith.extui %ge3A_803 : i1 to i32
      %cond3A_805 = arith.constant 0 : i32
      %cond3A_806 = arith.cmpi ne, %convert_element_type3A_804, %cond3A_805 : i32
      scf.if %cond3A_806 {
        %dma_wait3A_962 = arith.constant 0 : i32
        %dma_wait3A_963 = arith.constant 0 : i32
        %dma_wait3A_964 = arith.constant 0 : i32
        %dma_wait3A_965 = tpu.memref_slice %arg6[%mul3A_2, %dma_wait3A_962, %dma_wait3A_963, %dma_wait3A_964] : memref<4096x8x4x128xf32, #tpu.memory_space<hbm>> -> memref<2x8x4x128xf32, #tpu.memory_space<hbm>>
        %dma_wait3A_966 = arith.constant 0 : i32
        %dma_wait3A_967 = arith.constant 0 : i32
        %dma_wait3A_968 = arith.constant 0 : i32
        %dma_wait3A_969 = tpu.memref_slice %arg6[%mul3A_2, %dma_wait3A_966, %dma_wait3A_967, %dma_wait3A_968] : memref<4096x8x4x128xf32, #tpu.memory_space<hbm>> -> memref<2x8x4x128xf32, #tpu.memory_space<hbm>>
        tpu.wait_dma2 semaphore(%arg31 : memref<!tpu.dma_semaphore, #tpu.memory_space<semaphore_mem>>) src(%arg19 : memref<2x8x4x128xf32, #tpu.memory_space<vmem>>) dst(%dma_wait3A_969 : memref<2x8x4x128xf32, #tpu.memory_space<hbm>>)
      } else {
      }
      %parallel_loop3A_807 = arith.constant 0 : i32
      %parallel_loop3A_808 = arith.constant 64 : i32
      %parallel_loop3A_809 = arith.constant 1 : i32
      scf.for %parallel_loop3A_962 = %parallel_loop3A_807 to %parallel_loop3A_808 step %parallel_loop3A_809  : i32 {
        %parallel_loop3A_963 = arith.constant 3 : i32
        %parallel_loop3A_964 = arith.shrui %parallel_loop3A_962, %parallel_loop3A_963 : i32
        %parallel_loop3A_965 = arith.constant 7 : i32
        %parallel_loop3A_966 = arith.andi %parallel_loop3A_962, %parallel_loop3A_965 : i32
        %parallel_loop3A_967 = arith.constant 1 : i32
        %parallel_loop3A_968 = arith.shrui %parallel_loop3A_964, %parallel_loop3A_967 : i32
        %parallel_loop3A_969 = arith.constant 1 : i32
        %parallel_loop3A_970 = arith.andi %parallel_loop3A_964, %parallel_loop3A_969 : i32
        %parallel_loop3A_971 = arith.constant 128 : i32
        %parallel_loop3A_972 = arith.muli %parallel_loop3A_966, %parallel_loop3A_971 : i32
        %parallel_loop3A_973 = arith.constant 0 : i32
        %parallel_loop3A_974 = arith.addi %parallel_loop3A_972, %parallel_loop3A_973 : i32
        %parallel_loop3A_975 = arith.index_cast %parallel_loop3A_968 : i32 to index
        %parallel_loop3A_976 = arith.index_cast %parallel_loop3A_970 : i32 to index
        %parallel_loop3A_977 = arith.index_cast %parallel_loop3A_974 : i32 to index
        %parallel_loop3A_978 = tpu.vector_load %arg11[%parallel_loop3A_975, %parallel_loop3A_976, %parallel_loop3A_977] {strides = array<i32>} : memref<4x2x1024xf32, #tpu.memory_space<vmem>>, vector<1x1x16xf32>,
        %parallel_loop3A_979 = vector.shape_cast %parallel_loop3A_978 : vector<1x1x16xf32> to vector<16xf32>
        %parallel_loop3A_980 = arith.constant 128 : i32
        %parallel_loop3A_981 = arith.muli %parallel_loop3A_966, %parallel_loop3A_980 : i32
        %parallel_loop3A_982 = arith.constant 0 : i32
        %parallel_loop3A_983 = arith.addi %parallel_loop3A_981, %parallel_loop3A_982 : i32
        %parallel_loop3A_984 = arith.index_cast %parallel_loop3A_968 : i32 to index
        %parallel_loop3A_985 = arith.index_cast %parallel_loop3A_970 : i32 to index
        %parallel_loop3A_986 = arith.index_cast %parallel_loop3A_983 : i32 to index
        %parallel_loop3A_987 = tpu.vector_load %arg15[%parallel_loop3A_984, %parallel_loop3A_985, %parallel_loop3A_986] {strides = array<i32>} : memref<4x2x1024xf32, #tpu.memory_space<vmem>>, vector<1x1x16xf32>,
        %parallel_loop3A_988 = vector.shape_cast %parallel_loop3A_987 : vector<1x1x16xf32> to vector<16xf32>
        %parallel_loop3A_989 = arith.addf %parallel_loop3A_979, %parallel_loop3A_988 : vector<16xf32>
        %parallel_loop3A_990 = arith.index_cast %parallel_loop3A_970 : i32 to index
        %parallel_loop3A_991 = arith.index_cast %parallel_loop3A_966 : i32 to index
        %parallel_loop3A_992 = arith.index_cast %parallel_loop3A_968 : i32 to index
        %parallel_loop3A_993 = arith.constant 0 : index
        %parallel_loop3A_994 = tpu.vector_load %arg19[%parallel_loop3A_990, %parallel_loop3A_991, %parallel_loop3A_992, %parallel_loop3A_993] {strides = array<i32>} : memref<2x8x4x128xf32, #tpu.memory_space<vmem>>, vector<1x1x1x16xf32>,
        %parallel_loop3A_995 = vector.shape_cast %parallel_loop3A_994 : vector<1x1x1x16xf32> to vector<16xf32>
        %parallel_loop3A_996 = vector.shape_cast %parallel_loop3A_989 : vector<16xf32> to vector<1x1x1x16xf32>
        tpu.vector_store %arg19[%parallel_loop3A_990, %parallel_loop3A_991, %parallel_loop3A_992, %parallel_loop3A_993], %parallel_loop3A_996 {strides = array<i32>} : memref<2x8x4x128xf32, #tpu.memory_space<vmem>>, vector<1x1x1x16xf32>,
        %parallel_loop3A_997 = arith.constant 128 : i32
        %parallel_loop3A_998 = arith.muli %parallel_loop3A_966, %parallel_loop3A_997 : i32
        %parallel_loop3A_999 = arith.constant 16 : i32
        %parallel_loop3A_1000 = arith.addi %parallel_loop3A_998, %parallel_loop3A_999 : i32
        %parallel_loop3A_1001 = arith.index_cast %parallel_loop3A_968 : i32 to index
        %parallel_loop3A_1002 = arith.index_cast %parallel_loop3A_970 : i32 to index
        %parallel_loop3A_1003 = arith.index_cast %parallel_loop3A_1000 : i32 to index
        %parallel_loop3A_1004 = tpu.vector_load %arg11[%parallel_loop3A_1001, %parallel_loop3A_1002, %parallel_loop3A_1003] {strides = array<i32>} : memref<4x2x1024xf32, #tpu.memory_space<vmem>>, vector<1x1x16xf32>,
        %parallel_loop3A_1005 = vector.shape_cast %parallel_loop3A_1004 : vector<1x1x16xf32> to vector<16xf32>
        %parallel_loop3A_1006 = arith.constant 128 : i32
        %parallel_loop3A_1007 = arith.muli %parallel_loop3A_966, %parallel_loop3A_1006 : i32
        %parallel_loop3A_1008 = arith.constant 16 : i32
        %parallel_loop3A_1009 = arith.addi %parallel_loop3A_1007, %parallel_loop3A_1008 : i32
        %parallel_loop3A_1010 = arith.index_cast %parallel_loop3A_968 : i32 to index
        %parallel_loop3A_1011 = arith.index_cast %parallel_loop3A_970 : i32 to index
        %parallel_loop3A_1012 = arith.index_cast %parallel_loop3A_1009 : i32 to index
        %parallel_loop3A_1013 = tpu.vector_load %arg15[%parallel_loop3A_1010, %parallel_loop3A_1011, %parallel_loop3A_1012] {strides = array<i32>} : memref<4x2x1024xf32, #tpu.memory_space<vmem>>, vector<1x1x16xf32>,
        %parallel_loop3A_1014 = vector.shape_cast %parallel_loop3A_1013 : vector<1x1x16xf32> to vector<16xf32>
        %parallel_loop3A_1015 = arith.addf %parallel_loop3A_1005, %parallel_loop3A_1014 : vector<16xf32>
        %parallel_loop3A_1016 = arith.index_cast %parallel_loop3A_970 : i32 to index
        %parallel_loop3A_1017 = arith.index_cast %parallel_loop3A_966 : i32 to index
        %parallel_loop3A_1018 = arith.index_cast %parallel_loop3A_968 : i32 to index
        %parallel_loop3A_1019 = arith.constant 16 : index
        %parallel_loop3A_1020 = tpu.vector_load %arg19[%parallel_loop3A_1016, %parallel_loop3A_1017, %parallel_loop3A_1018, %parallel_loop3A_1019] {strides = array<i32>} : memref<2x8x4x128xf32, #tpu.memory_space<vmem>>, vector<1x1x1x16xf32>,
        %parallel_loop3A_1021 = vector.shape_cast %parallel_loop3A_1020 : vector<1x1x1x16xf32> to vector<16xf32>
        %parallel_loop3A_1022 = vector.shape_cast %parallel_loop3A_1015 : vector<16xf32> to vector<1x1x1x16xf32>
        tpu.vector_store %arg19[%parallel_loop3A_1016, %parallel_loop3A_1017, %parallel_loop3A_1018, %parallel_loop3A_1019], %parallel_loop3A_1022 {strides = array<i32>} : memref<2x8x4x128xf32, #tpu.memory_space<vmem>>, vector<1x1x1x16xf32>,
        %parallel_loop3A_1023 = arith.constant 128 : i32
        %parallel_loop3A_1024 = arith.muli %parallel_loop3A_966, %parallel_loop3A_1023 : i32
        %parallel_loop3A_1025 = arith.constant 32 : i32
        %parallel_loop3A_1026 = arith.addi %parallel_loop3A_1024, %parallel_loop3A_1025 : i32
        %parallel_loop3A_1027 = arith.index_cast %parallel_loop3A_968 : i32 to index
        %parallel_loop3A_1028 = arith.index_cast %parallel_loop3A_970 : i32 to index
        %parallel_loop3A_1029 = arith.index_cast %parallel_loop3A_1026 : i32 to index
        %parallel_loop3A_1030 = tpu.vector_load %arg11[%parallel_loop3A_1027, %parallel_loop3A_1028, %parallel_loop3A_1029] {strides = array<i32>} : memref<4x2x1024xf32, #tpu.memory_space<vmem>>, vector<1x1x16xf32>,
        %parallel_loop3A_1031 = vector.shape_cast %parallel_loop3A_1030 : vector<1x1x16xf32> to vector<16xf32>
        %parallel_loop3A_1032 = arith.constant 128 : i32
        %parallel_loop3A_1033 = arith.muli %parallel_loop3A_966, %parallel_loop3A_1032 : i32
        %parallel_loop3A_1034 = arith.constant 32 : i32
        %parallel_loop3A_1035 = arith.addi %parallel_loop3A_1033, %parallel_loop3A_1034 : i32
        %parallel_loop3A_1036 = arith.index_cast %parallel_loop3A_968 : i32 to index
        %parallel_loop3A_1037 = arith.index_cast %parallel_loop3A_970 : i32 to index
        %parallel_loop3A_1038 = arith.index_cast %parallel_loop3A_1035 : i32 to index
        %parallel_loop3A_1039 = tpu.vector_load %arg15[%parallel_loop3A_1036, %parallel_loop3A_1037, %parallel_loop3A_1038] {strides = array<i32>} : memref<4x2x1024xf32, #tpu.memory_space<vmem>>, vector<1x1x16xf32>,
        %parallel_loop3A_1040 = vector.shape_cast %parallel_loop3A_1039 : vector<1x1x16xf32> to vector<16xf32>
        %parallel_loop3A_1041 = arith.addf %parallel_loop3A_1031, %parallel_loop3A_1040 : vector<16xf32>
        %parallel_loop3A_1042 = arith.index_cast %parallel_loop3A_970 : i32 to index
        %parallel_loop3A_1043 = arith.index_cast %parallel_loop3A_966 : i32 to index
        %parallel_loop3A_1044 = arith.index_cast %parallel_loop3A_968 : i32 to index
        %parallel_loop3A_1045 = arith.constant 32 : index
        %parallel_loop3A_1046 = tpu.vector_load %arg19[%parallel_loop3A_1042, %parallel_loop3A_1043, %parallel_loop3A_1044, %parallel_loop3A_1045] {strides = array<i32>} : memref<2x8x4x128xf32, #tpu.memory_space<vmem>>, vector<1x1x1x16xf32>,
        %parallel_loop3A_1047 = vector.shape_cast %parallel_loop3A_1046 : vector<1x1x1x16xf32> to vector<16xf32>
        %parallel_loop3A_1048 = vector.shape_cast %parallel_loop3A_1041 : vector<16xf32> to vector<1x1x1x16xf32>
        tpu.vector_store %arg19[%parallel_loop3A_1042, %parallel_loop3A_1043, %parallel_loop3A_1044, %parallel_loop3A_1045], %parallel_loop3A_1048 {strides = array<i32>} : memref<2x8x4x128xf32, #tpu.memory_space<vmem>>, vector<1x1x1x16xf32>,
        %parallel_loop3A_1049 = arith.constant 128 : i32
        %parallel_loop3A_1050 = arith.muli %parallel_loop3A_966, %parallel_loop3A_1049 : i32
        %parallel_loop3A_1051 = arith.constant 48 : i32
        %parallel_loop3A_1052 = arith.addi %parallel_loop3A_1050, %parallel_loop3A_1051 : i32
        %parallel_loop3A_1053 = arith.index_cast %parallel_loop3A_968 : i32 to index
        %parallel_loop3A_1054 = arith.index_cast %parallel_loop3A_970 : i32 to index
        %parallel_loop3A_1055 = arith.index_cast %parallel_loop3A_1052 : i32 to index
        %parallel_loop3A_1056 = tpu.vector_load %arg11[%parallel_loop3A_1053, %parallel_loop3A_1054, %parallel_loop3A_1055] {strides = array<i32>} : memref<4x2x1024xf32, #tpu.memory_space<vmem>>, vector<1x1x16xf32>,
        %parallel_loop3A_1057 = vector.shape_cast %parallel_loop3A_1056 : vector<1x1x16xf32> to vector<16xf32>
        %parallel_loop3A_1058 = arith.constant 128 : i32
        %parallel_loop3A_1059 = arith.muli %parallel_loop3A_966, %parallel_loop3A_1058 : i32
        %parallel_loop3A_1060 = arith.constant 48 : i32
        %parallel_loop3A_1061 = arith.addi %parallel_loop3A_1059, %parallel_loop3A_1060 : i32
        %parallel_loop3A_1062 = arith.index_cast %parallel_loop3A_968 : i32 to index
        %parallel_loop3A_1063 = arith.index_cast %parallel_loop3A_970 : i32 to index
        %parallel_loop3A_1064 = arith.index_cast %parallel_loop3A_1061 : i32 to index
        %parallel_loop3A_1065 = tpu.vector_load %arg15[%parallel_loop3A_1062, %parallel_loop3A_1063, %parallel_loop3A_1064] {strides = array<i32>} : memref<4x2x1024xf32, #tpu.memory_space<vmem>>, vector<1x1x16xf32>,
        %parallel_loop3A_1066 = vector.shape_cast %parallel_loop3A_1065 : vector<1x1x16xf32> to vector<16xf32>
        %parallel_loop3A_1067 = arith.addf %parallel_loop3A_1057, %parallel_loop3A_1066 : vector<16xf32>
        %parallel_loop3A_1068 = arith.index_cast %parallel_loop3A_970 : i32 to index
        %parallel_loop3A_1069 = arith.index_cast %parallel_loop3A_966 : i32 to index
        %parallel_loop3A_1070 = arith.index_cast %parallel_loop3A_968 : i32 to index
        %parallel_loop3A_1071 = arith.constant 48 : index
        %parallel_loop3A_1072 = tpu.vector_load %arg19[%parallel_loop3A_1068, %parallel_loop3A_1069, %parallel_loop3A_1070, %parallel_loop3A_1071] {strides = array<i32>} : memref<2x8x4x128xf32, #tpu.memory_space<vmem>>, vector<1x1x1x16xf32>,
        %parallel_loop3A_1073 = vector.shape_cast %parallel_loop3A_1072 : vector<1x1x1x16xf32> to vector<16xf32>
        %parallel_loop3A_1074 = vector.shape_cast %parallel_loop3A_1067 : vector<16xf32> to vector<1x1x1x16xf32>
        tpu.vector_store %arg19[%parallel_loop3A_1068, %parallel_loop3A_1069, %parallel_loop3A_1070, %parallel_loop3A_1071], %parallel_loop3A_1074 {strides = array<i32>} : memref<2x8x4x128xf32, #tpu.memory_space<vmem>>, vector<1x1x1x16xf32>,
        %parallel_loop3A_1075 = arith.constant 128 : i32
        %parallel_loop3A_1076 = arith.muli %parallel_loop3A_966, %parallel_loop3A_1075 : i32
        %parallel_loop3A_1077 = arith.constant 64 : i32
        %parallel_loop3A_1078 = arith.addi %parallel_loop3A_1076, %parallel_loop3A_1077 : i32
        %parallel_loop3A_1079 = arith.index_cast %parallel_loop3A_968 : i32 to index
        %parallel_loop3A_1080 = arith.index_cast %parallel_loop3A_970 : i32 to index
        %parallel_loop3A_1081 = arith.index_cast %parallel_loop3A_1078 : i32 to index
        %parallel_loop3A_1082 = tpu.vector_load %arg11[%parallel_loop3A_1079, %parallel_loop3A_1080, %parallel_loop3A_1081] {strides = array<i32>} : memref<4x2x1024xf32, #tpu.memory_space<vmem>>, vector<1x1x16xf32>,
        %parallel_loop3A_1083 = vector.shape_cast %parallel_loop3A_1082 : vector<1x1x16xf32> to vector<16xf32>
        %parallel_loop3A_1084 = arith.constant 128 : i32
        %parallel_loop3A_1085 = arith.muli %parallel_loop3A_966, %parallel_loop3A_1084 : i32
        %parallel_loop3A_1086 = arith.constant 64 : i32
        %parallel_loop3A_1087 = arith.addi %parallel_loop3A_1085, %parallel_loop3A_1086 : i32
        %parallel_loop3A_1088 = arith.index_cast %parallel_loop3A_968 : i32 to index
        %parallel_loop3A_1089 = arith.index_cast %parallel_loop3A_970 : i32 to index
        %parallel_loop3A_1090 = arith.index_cast %parallel_loop3A_1087 : i32 to index
        %parallel_loop3A_1091 = tpu.vector_load %arg15[%parallel_loop3A_1088, %parallel_loop3A_1089, %parallel_loop3A_1090] {strides = array<i32>} : memref<4x2x1024xf32, #tpu.memory_space<vmem>>, vector<1x1x16xf32>,
        %parallel_loop3A_1092 = vector.shape_cast %parallel_loop3A_1091 : vector<1x1x16xf32> to vector<16xf32>
        %parallel_loop3A_1093 = arith.addf %parallel_loop3A_1083, %parallel_loop3A_1092 : vector<16xf32>
        %parallel_loop3A_1094 = arith.index_cast %parallel_loop3A_970 : i32 to index
        %parallel_loop3A_1095 = arith.index_cast %parallel_loop3A_966 : i32 to index
        %parallel_loop3A_1096 = arith.index_cast %parallel_loop3A_968 : i32 to index
        %parallel_loop3A_1097 = arith.constant 64 : index
        %parallel_loop3A_1098 = tpu.vector_load %arg19[%parallel_loop3A_1094, %parallel_loop3A_1095, %parallel_loop3A_1096, %parallel_loop3A_1097] {strides = array<i32>} : memref<2x8x4x128xf32, #tpu.memory_space<vmem>>, vector<1x1x1x16xf32>,
        %parallel_loop3A_1099 = vector.shape_cast %parallel_loop3A_1098 : vector<1x1x1x16xf32> to vector<16xf32>
        %parallel_loop3A_1100 = vector.shape_cast %parallel_loop3A_1093 : vector<16xf32> to vector<1x1x1x16xf32>
        tpu.vector_store %arg19[%parallel_loop3A_1094, %parallel_loop3A_1095, %parallel_loop3A_1096, %parallel_loop3A_1097], %parallel_loop3A_1100 {strides = array<i32>} : memref<2x8x4x128xf32, #tpu.memory_space<vmem>>, vector<1x1x1x16xf32>,
        %parallel_loop3A_1101 = arith.constant 128 : i32
        %parallel_loop3A_1102 = arith.muli %parallel_loop3A_966, %parallel_loop3A_1101 : i32
        %parallel_loop3A_1103 = arith.constant 80 : i32
        %parallel_loop3A_1104 = arith.addi %parallel_loop3A_1102, %parallel_loop3A_1103 : i32
        %parallel_loop3A_1105 = arith.index_cast %parallel_loop3A_968 : i32 to index
        %parallel_loop3A_1106 = arith.index_cast %parallel_loop3A_970 : i32 to index
        %parallel_loop3A_1107 = arith.index_cast %parallel_loop3A_1104 : i32 to index
        %parallel_loop3A_1108 = tpu.vector_load %arg11[%parallel_loop3A_1105, %parallel_loop3A_1106, %parallel_loop3A_1107] {strides = array<i32>} : memref<4x2x1024xf32, #tpu.memory_space<vmem>>, vector<1x1x16xf32>,
        %parallel_loop3A_1109 = vector.shape_cast %parallel_loop3A_1108 : vector<1x1x16xf32> to vector<16xf32>
        %parallel_loop3A_1110 = arith.constant 128 : i32
        %parallel_loop3A_1111 = arith.muli %parallel_loop3A_966, %parallel_loop3A_1110 : i32
        %parallel_loop3A_1112 = arith.constant 80 : i32
        %parallel_loop3A_1113 = arith.addi %parallel_loop3A_1111, %parallel_loop3A_1112 : i32
        %parallel_loop3A_1114 = arith.index_cast %parallel_loop3A_968 : i32 to index
        %parallel_loop3A_1115 = arith.index_cast %parallel_loop3A_970 : i32 to index
        %parallel_loop3A_1116 = arith.index_cast %parallel_loop3A_1113 : i32 to index
        %parallel_loop3A_1117 = tpu.vector_load %arg15[%parallel_loop3A_1114, %parallel_loop3A_1115, %parallel_loop3A_1116] {strides = array<i32>} : memref<4x2x1024xf32, #tpu.memory_space<vmem>>, vector<1x1x16xf32>,
        %parallel_loop3A_1118 = vector.shape_cast %parallel_loop3A_1117 : vector<1x1x16xf32> to vector<16xf32>
        %parallel_loop3A_1119 = arith.addf %parallel_loop3A_1109, %parallel_loop3A_1118 : vector<16xf32>
        %parallel_loop3A_1120 = arith.index_cast %parallel_loop3A_970 : i32 to index
        %parallel_loop3A_1121 = arith.index_cast %parallel_loop3A_966 : i32 to index
        %parallel_loop3A_1122 = arith.index_cast %parallel_loop3A_968 : i32 to index
        %parallel_loop3A_1123 = arith.constant 80 : index
        %parallel_loop3A_1124 = tpu.vector_load %arg19[%parallel_loop3A_1120, %parallel_loop3A_1121, %parallel_loop3A_1122, %parallel_loop3A_1123] {strides = array<i32>} : memref<2x8x4x128xf32, #tpu.memory_space<vmem>>, vector<1x1x1x16xf32>,
        %parallel_loop3A_1125 = vector.shape_cast %parallel_loop3A_1124 : vector<1x1x1x16xf32> to vector<16xf32>
        %parallel_loop3A_1126 = vector.shape_cast %parallel_loop3A_1119 : vector<16xf32> to vector<1x1x1x16xf32>
        tpu.vector_store %arg19[%parallel_loop3A_1120, %parallel_loop3A_1121, %parallel_loop3A_1122, %parallel_loop3A_1123], %parallel_loop3A_1126 {strides = array<i32>} : memref<2x8x4x128xf32, #tpu.memory_space<vmem>>, vector<1x1x1x16xf32>,
        %parallel_loop3A_1127 = arith.constant 128 : i32
        %parallel_loop3A_1128 = arith.muli %parallel_loop3A_966, %parallel_loop3A_1127 : i32
        %parallel_loop3A_1129 = arith.constant 96 : i32
        %parallel_loop3A_1130 = arith.addi %parallel_loop3A_1128, %parallel_loop3A_1129 : i32
        %parallel_loop3A_1131 = arith.index_cast %parallel_loop3A_968 : i32 to index
        %parallel_loop3A_1132 = arith.index_cast %parallel_loop3A_970 : i32 to index
        %parallel_loop3A_1133 = arith.index_cast %parallel_loop3A_1130 : i32 to index
        %parallel_loop3A_1134 = tpu.vector_load %arg11[%parallel_loop3A_1131, %parallel_loop3A_1132, %parallel_loop3A_1133] {strides = array<i32>} : memref<4x2x1024xf32, #tpu.memory_space<vmem>>, vector<1x1x16xf32>,
        %parallel_loop3A_1135 = vector.shape_cast %parallel_loop3A_1134 : vector<1x1x16xf32> to vector<16xf32>
        %parallel_loop3A_1136 = arith.constant 128 : i32
        %parallel_loop3A_1137 = arith.muli %parallel_loop3A_966, %parallel_loop3A_1136 : i32
        %parallel_loop3A_1138 = arith.constant 96 : i32
        %parallel_loop3A_1139 = arith.addi %parallel_loop3A_1137, %parallel_loop3A_1138 : i32
        %parallel_loop3A_1140 = arith.index_cast %parallel_loop3A_968 : i32 to index
        %parallel_loop3A_1141 = arith.index_cast %parallel_loop3A_970 : i32 to index
        %parallel_loop3A_1142 = arith.index_cast %parallel_loop3A_1139 : i32 to index
        %parallel_loop3A_1143 = tpu.vector_load %arg15[%parallel_loop3A_1140, %parallel_loop3A_1141, %parallel_loop3A_1142] {strides = array<i32>} : memref<4x2x1024xf32, #tpu.memory_space<vmem>>, vector<1x1x16xf32>,
        %parallel_loop3A_1144 = vector.shape_cast %parallel_loop3A_1143 : vector<1x1x16xf32> to vector<16xf32>
        %parallel_loop3A_1145 = arith.addf %parallel_loop3A_1135, %parallel_loop3A_1144 : vector<16xf32>
        %parallel_loop3A_1146 = arith.index_cast %parallel_loop3A_970 : i32 to index
        %parallel_loop3A_1147 = arith.index_cast %parallel_loop3A_966 : i32 to index
        %parallel_loop3A_1148 = arith.index_cast %parallel_loop3A_968 : i32 to index
        %parallel_loop3A_1149 = arith.constant 96 : index
        %parallel_loop3A_1150 = tpu.vector_load %arg19[%parallel_loop3A_1146, %parallel_loop3A_1147, %parallel_loop3A_1148, %parallel_loop3A_1149] {strides = array<i32>} : memref<2x8x4x128xf32, #tpu.memory_space<vmem>>, vector<1x1x1x16xf32>,
        %parallel_loop3A_1151 = vector.shape_cast %parallel_loop3A_1150 : vector<1x1x1x16xf32> to vector<16xf32>
        %parallel_loop3A_1152 = vector.shape_cast %parallel_loop3A_1145 : vector<16xf32> to vector<1x1x1x16xf32>
        tpu.vector_store %arg19[%parallel_loop3A_1146, %parallel_loop3A_1147, %parallel_loop3A_1148, %parallel_loop3A_1149], %parallel_loop3A_1152 {strides = array<i32>} : memref<2x8x4x128xf32, #tpu.memory_space<vmem>>, vector<1x1x1x16xf32>,
        %parallel_loop3A_1153 = arith.constant 128 : i32
        %parallel_loop3A_1154 = arith.muli %parallel_loop3A_966, %parallel_loop3A_1153 : i32
        %parallel_loop3A_1155 = arith.constant 112 : i32
        %parallel_loop3A_1156 = arith.addi %parallel_loop3A_1154, %parallel_loop3A_1155 : i32
        %parallel_loop3A_1157 = arith.index_cast %parallel_loop3A_968 : i32 to index
        %parallel_loop3A_1158 = arith.index_cast %parallel_loop3A_970 : i32 to index
        %parallel_loop3A_1159 = arith.index_cast %parallel_loop3A_1156 : i32 to index
        %parallel_loop3A_1160 = tpu.vector_load %arg11[%parallel_loop3A_1157, %parallel_loop3A_1158, %parallel_loop3A_1159] {strides = array<i32>} : memref<4x2x1024xf32, #tpu.memory_space<vmem>>, vector<1x1x16xf32>,
        %parallel_loop3A_1161 = vector.shape_cast %parallel_loop3A_1160 : vector<1x1x16xf32> to vector<16xf32>
        %parallel_loop3A_1162 = arith.constant 128 : i32
        %parallel_loop3A_1163 = arith.muli %parallel_loop3A_966, %parallel_loop3A_1162 : i32
        %parallel_loop3A_1164 = arith.constant 112 : i32
        %parallel_loop3A_1165 = arith.addi %parallel_loop3A_1163, %parallel_loop3A_1164 : i32
        %parallel_loop3A_1166 = arith.index_cast %parallel_loop3A_968 : i32 to index
        %parallel_loop3A_1167 = arith.index_cast %parallel_loop3A_970 : i32 to index
        %parallel_loop3A_1168 = arith.index_cast %parallel_loop3A_1165 : i32 to index
        %parallel_loop3A_1169 = tpu.vector_load %arg15[%parallel_loop3A_1166, %parallel_loop3A_1167, %parallel_loop3A_1168] {strides = array<i32>} : memref<4x2x1024xf32, #tpu.memory_space<vmem>>, vector<1x1x16xf32>,
        %parallel_loop3A_1170 = vector.shape_cast %parallel_loop3A_1169 : vector<1x1x16xf32> to vector<16xf32>
        %parallel_loop3A_1171 = arith.addf %parallel_loop3A_1161, %parallel_loop3A_1170 : vector<16xf32>
        %parallel_loop3A_1172 = arith.index_cast %parallel_loop3A_970 : i32 to index
        %parallel_loop3A_1173 = arith.index_cast %parallel_loop3A_966 : i32 to index
        %parallel_loop3A_1174 = arith.index_cast %parallel_loop3A_968 : i32 to index
        %parallel_loop3A_1175 = arith.constant 112 : index
        %parallel_loop3A_1176 = tpu.vector_load %arg19[%parallel_loop3A_1172, %parallel_loop3A_1173, %parallel_loop3A_1174, %parallel_loop3A_1175] {strides = array<i32>} : memref<2x8x4x128xf32, #tpu.memory_space<vmem>>, vector<1x1x1x16xf32>,
        %parallel_loop3A_1177 = vector.shape_cast %parallel_loop3A_1176 : vector<1x1x1x16xf32> to vector<16xf32>
        %parallel_loop3A_1178 = vector.shape_cast %parallel_loop3A_1171 : vector<16xf32> to vector<1x1x1x16xf32>
        tpu.vector_store %arg19[%parallel_loop3A_1172, %parallel_loop3A_1173, %parallel_loop3A_1174, %parallel_loop3A_1175], %parallel_loop3A_1178 {strides = array<i32>} : memref<2x8x4x128xf32, #tpu.memory_space<vmem>>, vector<1x1x1x16xf32>,
      } {sc.loop_unroll_factor = 8 : i64, sc.parallel_access}
      %add3A_810 = arith.constant 4 : i32
      %add3A_811 = arith.addi %add3A_697, %add3A_810 : i32
      %lt3A_812 = arith.constant 64 : i32
      %lt3A_813 = arith.cmpi slt, %add3A_811, %lt3A_812 : i32
      %convert_element_type3A_814 = arith.extui %lt3A_813 : i1 to i32
      %cond3A_815 = arith.constant 0 : i32
      %cond3A_816 = arith.cmpi ne, %convert_element_type3A_814, %cond3A_815 : i32
      scf.if %cond3A_816 {
        %mul3A_962 = arith.constant 2 : i32
        %mul3A_963 = arith.muli %add3A_811, %mul3A_962 : i32
        %dma_start3A_964 = arith.constant 0 : i32
        %dma_start3A_965 = arith.constant 0 : i32
        %dma_start3A_966 = arith.constant 0 : i32
        %dma_start3A_967 = arith.constant 0 : i32
        %dma_start3A_968 = tpu.memref_slice %arg11[%dma_start3A_965, %dma_start3A_966, %dma_start3A_967] : memref<4x2x1024xf32, #tpu.memory_space<vmem>> -> memref<1x2x1024xf32, #tpu.memory_space<vmem>>
        %dma_start3A_969 = tpu.memref_squeeze %dma_start3A_968 : memref<1x2x1024xf32, #tpu.memory_space<vmem>> -> memref<2x1024xf32, #tpu.memory_space<vmem>>
        %dma_start3A_970 = tpu.memref_slice %arg7[%dma_start3A_964, %mul3A_963] : memref<4x128xi32, #tpu.memory_space<vmem>> -> memref<1x2xi32, #tpu.memory_space<vmem>>
        %dma_start3A_971 = tpu.memref_squeeze %dma_start3A_970 : memref<1x2xi32, #tpu.memory_space<vmem>> -> memref<2xi32, #tpu.memory_space<vmem>>
        %dma_start3A_972 = arith.constant 0 : i32
        %dma_start3A_973 = arith.constant 0 : i32
        %dma_start3A_974 = tpu.memref_slice %arg4[%dma_start3A_972, %dma_start3A_973] : memref<100000x1024xf32, #tpu.memory_space<hbm>> -> memref<100000x1024xf32, #tpu.memory_space<hbm>>
        tpu.enqueue_indirect_dma source(%dma_start3A_974 : memref<100000x1024xf32, #tpu.memory_space<hbm>>) target(%dma_start3A_969 : memref<2x1024xf32, #tpu.memory_space<vmem>>) offsets(%dma_start3A_971 : memref<2xi32, #tpu.memory_space<vmem>>) semaphore(%arg23 : memref<!tpu.dma_semaphore, #tpu.memory_space<semaphore_mem>>)
        %mul3A_975 = arith.constant 2 : i32
        %mul3A_976 = arith.muli %add3A_811, %mul3A_975 : i32
        %dma_start3A_977 = arith.constant 0 : i32
        %dma_start3A_978 = arith.constant 0 : i32
        %dma_start3A_979 = arith.constant 0 : i32
        %dma_start3A_980 = arith.constant 0 : i32
        %dma_start3A_981 = tpu.memref_slice %arg15[%dma_start3A_978, %dma_start3A_979, %dma_start3A_980] : memref<4x2x1024xf32, #tpu.memory_space<vmem>> -> memref<1x2x1024xf32, #tpu.memory_space<vmem>>
        %dma_start3A_982 = tpu.memref_squeeze %dma_start3A_981 : memref<1x2x1024xf32, #tpu.memory_space<vmem>> -> memref<2x1024xf32, #tpu.memory_space<vmem>>
        %dma_start3A_983 = tpu.memref_slice %arg8[%dma_start3A_977, %mul3A_976] : memref<4x128xi32, #tpu.memory_space<vmem>> -> memref<1x2xi32, #tpu.memory_space<vmem>>
        %dma_start3A_984 = tpu.memref_squeeze %dma_start3A_983 : memref<1x2xi32, #tpu.memory_space<vmem>> -> memref<2xi32, #tpu.memory_space<vmem>>
        %dma_start3A_985 = arith.constant 0 : i32
        %dma_start3A_986 = arith.constant 0 : i32
        %dma_start3A_987 = tpu.memref_slice %arg5[%dma_start3A_985, %dma_start3A_986] : memref<8192x1024xf32, #tpu.memory_space<hbm>> -> memref<8192x1024xf32, #tpu.memory_space<hbm>>
        tpu.enqueue_indirect_dma source(%dma_start3A_987 : memref<8192x1024xf32, #tpu.memory_space<hbm>>) target(%dma_start3A_982 : memref<2x1024xf32, #tpu.memory_space<vmem>>) offsets(%dma_start3A_984 : memref<2xi32, #tpu.memory_space<vmem>>) semaphore(%arg27 : memref<!tpu.dma_semaphore, #tpu.memory_space<semaphore_mem>>)
        %mul3A_988 = arith.constant 2 : i32
        %mul3A_989 = arith.muli %add3A_811, %mul3A_988 : i32
        %dma_start3A_990 = arith.constant 1 : i32
        %dma_start3A_991 = arith.constant 1 : i32
        %dma_start3A_992 = arith.constant 0 : i32
        %dma_start3A_993 = arith.constant 0 : i32
        %dma_start3A_994 = tpu.memref_slice %arg11[%dma_start3A_991, %dma_start3A_992, %dma_start3A_993] : memref<4x2x1024xf32, #tpu.memory_space<vmem>> -> memref<1x2x1024xf32, #tpu.memory_space<vmem>>
        %dma_start3A_995 = tpu.memref_squeeze %dma_start3A_994 : memref<1x2x1024xf32, #tpu.memory_space<vmem>> -> memref<2x1024xf32, #tpu.memory_space<vmem>>
        %dma_start3A_996 = tpu.memref_slice %arg7[%dma_start3A_990, %mul3A_989] : memref<4x128xi32, #tpu.memory_space<vmem>> -> memref<1x2xi32, #tpu.memory_space<vmem>>
        %dma_start3A_997 = tpu.memref_squeeze %dma_start3A_996 : memref<1x2xi32, #tpu.memory_space<vmem>> -> memref<2xi32, #tpu.memory_space<vmem>>
        %dma_start3A_998 = arith.constant 0 : i32
        %dma_start3A_999 = arith.constant 0 : i32
        %dma_start3A_1000 = tpu.memref_slice %arg4[%dma_start3A_998, %dma_start3A_999] : memref<100000x1024xf32, #tpu.memory_space<hbm>> -> memref<100000x1024xf32, #tpu.memory_space<hbm>>
        tpu.enqueue_indirect_dma source(%dma_start3A_1000 : memref<100000x1024xf32, #tpu.memory_space<hbm>>) target(%dma_start3A_995 : memref<2x1024xf32, #tpu.memory_space<vmem>>) offsets(%dma_start3A_997 : memref<2xi32, #tpu.memory_space<vmem>>) semaphore(%arg23 : memref<!tpu.dma_semaphore, #tpu.memory_space<semaphore_mem>>)
        %mul3A_1001 = arith.constant 2 : i32
        %mul3A_1002 = arith.muli %add3A_811, %mul3A_1001 : i32
        %dma_start3A_1003 = arith.constant 1 : i32
        %dma_start3A_1004 = arith.constant 1 : i32
        %dma_start3A_1005 = arith.constant 0 : i32
        %dma_start3A_1006 = arith.constant 0 : i32
        %dma_start3A_1007 = tpu.memref_slice %arg15[%dma_start3A_1004, %dma_start3A_1005, %dma_start3A_1006] : memref<4x2x1024xf32, #tpu.memory_space<vmem>> -> memref<1x2x1024xf32, #tpu.memory_space<vmem>>
        %dma_start3A_1008 = tpu.memref_squeeze %dma_start3A_1007 : memref<1x2x1024xf32, #tpu.memory_space<vmem>> -> memref<2x1024xf32, #tpu.memory_space<vmem>>
        %dma_start3A_1009 = tpu.memref_slice %arg8[%dma_start3A_1003, %mul3A_1002] : memref<4x128xi32, #tpu.memory_space<vmem>> -> memref<1x2xi32, #tpu.memory_space<vmem>>
        %dma_start3A_1010 = tpu.memref_squeeze %dma_start3A_1009 : memref<1x2xi32, #tpu.memory_space<vmem>> -> memref<2xi32, #tpu.memory_space<vmem>>
        %dma_start3A_1011 = arith.constant 0 : i32
        %dma_start3A_1012 = arith.constant 0 : i32
        %dma_start3A_1013 = tpu.memref_slice %arg5[%dma_start3A_1011, %dma_start3A_1012] : memref<8192x1024xf32, #tpu.memory_space<hbm>> -> memref<8192x1024xf32, #tpu.memory_space<hbm>>
        tpu.enqueue_indirect_dma source(%dma_start3A_1013 : memref<8192x1024xf32, #tpu.memory_space<hbm>>) target(%dma_start3A_1008 : memref<2x1024xf32, #tpu.memory_space<vmem>>) offsets(%dma_start3A_1010 : memref<2xi32, #tpu.memory_space<vmem>>) semaphore(%arg27 : memref<!tpu.dma_semaphore, #tpu.memory_space<semaphore_mem>>)
        %mul3A_1014 = arith.constant 2 : i32
        %mul3A_1015 = arith.muli %add3A_811, %mul3A_1014 : i32
        %dma_start3A_1016 = arith.constant 2 : i32
        %dma_start3A_1017 = arith.constant 2 : i32
        %dma_start3A_1018 = arith.constant 0 : i32
        %dma_start3A_1019 = arith.constant 0 : i32
        %dma_start3A_1020 = tpu.memref_slice %arg11[%dma_start3A_1017, %dma_start3A_1018, %dma_start3A_1019] : memref<4x2x1024xf32, #tpu.memory_space<vmem>> -> memref<1x2x1024xf32, #tpu.memory_space<vmem>>
        %dma_start3A_1021 = tpu.memref_squeeze %dma_start3A_1020 : memref<1x2x1024xf32, #tpu.memory_space<vmem>> -> memref<2x1024xf32, #tpu.memory_space<vmem>>
        %dma_start3A_1022 = tpu.memref_slice %arg7[%dma_start3A_1016, %mul3A_1015] : memref<4x128xi32, #tpu.memory_space<vmem>> -> memref<1x2xi32, #tpu.memory_space<vmem>>
        %dma_start3A_1023 = tpu.memref_squeeze %dma_start3A_1022 : memref<1x2xi32, #tpu.memory_space<vmem>> -> memref<2xi32, #tpu.memory_space<vmem>>
        %dma_start3A_1024 = arith.constant 0 : i32
        %dma_start3A_1025 = arith.constant 0 : i32
        %dma_start3A_1026 = tpu.memref_slice %arg4[%dma_start3A_1024, %dma_start3A_1025] : memref<100000x1024xf32, #tpu.memory_space<hbm>> -> memref<100000x1024xf32, #tpu.memory_space<hbm>>
        tpu.enqueue_indirect_dma source(%dma_start3A_1026 : memref<100000x1024xf32, #tpu.memory_space<hbm>>) target(%dma_start3A_1021 : memref<2x1024xf32, #tpu.memory_space<vmem>>) offsets(%dma_start3A_1023 : memref<2xi32, #tpu.memory_space<vmem>>) semaphore(%arg23 : memref<!tpu.dma_semaphore, #tpu.memory_space<semaphore_mem>>)
        %mul3A_1027 = arith.constant 2 : i32
        %mul3A_1028 = arith.muli %add3A_811, %mul3A_1027 : i32
        %dma_start3A_1029 = arith.constant 2 : i32
        %dma_start3A_1030 = arith.constant 2 : i32
        %dma_start3A_1031 = arith.constant 0 : i32
        %dma_start3A_1032 = arith.constant 0 : i32
        %dma_start3A_1033 = tpu.memref_slice %arg15[%dma_start3A_1030, %dma_start3A_1031, %dma_start3A_1032] : memref<4x2x1024xf32, #tpu.memory_space<vmem>> -> memref<1x2x1024xf32, #tpu.memory_space<vmem>>
        %dma_start3A_1034 = tpu.memref_squeeze %dma_start3A_1033 : memref<1x2x1024xf32, #tpu.memory_space<vmem>> -> memref<2x1024xf32, #tpu.memory_space<vmem>>
        %dma_start3A_1035 = tpu.memref_slice %arg8[%dma_start3A_1029, %mul3A_1028] : memref<4x128xi32, #tpu.memory_space<vmem>> -> memref<1x2xi32, #tpu.memory_space<vmem>>
        %dma_start3A_1036 = tpu.memref_squeeze %dma_start3A_1035 : memref<1x2xi32, #tpu.memory_space<vmem>> -> memref<2xi32, #tpu.memory_space<vmem>>
        %dma_start3A_1037 = arith.constant 0 : i32
        %dma_start3A_1038 = arith.constant 0 : i32
        %dma_start3A_1039 = tpu.memref_slice %arg5[%dma_start3A_1037, %dma_start3A_1038] : memref<8192x1024xf32, #tpu.memory_space<hbm>> -> memref<8192x1024xf32, #tpu.memory_space<hbm>>
        tpu.enqueue_indirect_dma source(%dma_start3A_1039 : memref<8192x1024xf32, #tpu.memory_space<hbm>>) target(%dma_start3A_1034 : memref<2x1024xf32, #tpu.memory_space<vmem>>) offsets(%dma_start3A_1036 : memref<2xi32, #tpu.memory_space<vmem>>) semaphore(%arg27 : memref<!tpu.dma_semaphore, #tpu.memory_space<semaphore_mem>>)
        %mul3A_1040 = arith.constant 2 : i32
        %mul3A_1041 = arith.muli %add3A_811, %mul3A_1040 : i32
        %dma_start3A_1042 = arith.constant 3 : i32
        %dma_start3A_1043 = arith.constant 3 : i32
        %dma_start3A_1044 = arith.constant 0 : i32
        %dma_start3A_1045 = arith.constant 0 : i32
        %dma_start3A_1046 = tpu.memref_slice %arg11[%dma_start3A_1043, %dma_start3A_1044, %dma_start3A_1045] : memref<4x2x1024xf32, #tpu.memory_space<vmem>> -> memref<1x2x1024xf32, #tpu.memory_space<vmem>>
        %dma_start3A_1047 = tpu.memref_squeeze %dma_start3A_1046 : memref<1x2x1024xf32, #tpu.memory_space<vmem>> -> memref<2x1024xf32, #tpu.memory_space<vmem>>
        %dma_start3A_1048 = tpu.memref_slice %arg7[%dma_start3A_1042, %mul3A_1041] : memref<4x128xi32, #tpu.memory_space<vmem>> -> memref<1x2xi32, #tpu.memory_space<vmem>>
        %dma_start3A_1049 = tpu.memref_squeeze %dma_start3A_1048 : memref<1x2xi32, #tpu.memory_space<vmem>> -> memref<2xi32, #tpu.memory_space<vmem>>
        %dma_start3A_1050 = arith.constant 0 : i32
        %dma_start3A_1051 = arith.constant 0 : i32
        %dma_start3A_1052 = tpu.memref_slice %arg4[%dma_start3A_1050, %dma_start3A_1051] : memref<100000x1024xf32, #tpu.memory_space<hbm>> -> memref<100000x1024xf32, #tpu.memory_space<hbm>>
        tpu.enqueue_indirect_dma source(%dma_start3A_1052 : memref<100000x1024xf32, #tpu.memory_space<hbm>>) target(%dma_start3A_1047 : memref<2x1024xf32, #tpu.memory_space<vmem>>) offsets(%dma_start3A_1049 : memref<2xi32, #tpu.memory_space<vmem>>) semaphore(%arg23 : memref<!tpu.dma_semaphore, #tpu.memory_space<semaphore_mem>>)
        %mul3A_1053 = arith.constant 2 : i32
        %mul3A_1054 = arith.muli %add3A_811, %mul3A_1053 : i32
        %dma_start3A_1055 = arith.constant 3 : i32
        %dma_start3A_1056 = arith.constant 3 : i32
        %dma_start3A_1057 = arith.constant 0 : i32
        %dma_start3A_1058 = arith.constant 0 : i32
        %dma_start3A_1059 = tpu.memref_slice %arg15[%dma_start3A_1056, %dma_start3A_1057, %dma_start3A_1058] : memref<4x2x1024xf32, #tpu.memory_space<vmem>> -> memref<1x2x1024xf32, #tpu.memory_space<vmem>>
        %dma_start3A_1060 = tpu.memref_squeeze %dma_start3A_1059 : memref<1x2x1024xf32, #tpu.memory_space<vmem>> -> memref<2x1024xf32, #tpu.memory_space<vmem>>
        %dma_start3A_1061 = tpu.memref_slice %arg8[%dma_start3A_1055, %mul3A_1054] : memref<4x128xi32, #tpu.memory_space<vmem>> -> memref<1x2xi32, #tpu.memory_space<vmem>>
        %dma_start3A_1062 = tpu.memref_squeeze %dma_start3A_1061 : memref<1x2xi32, #tpu.memory_space<vmem>> -> memref<2xi32, #tpu.memory_space<vmem>>
        %dma_start3A_1063 = arith.constant 0 : i32
        %dma_start3A_1064 = arith.constant 0 : i32
        %dma_start3A_1065 = tpu.memref_slice %arg5[%dma_start3A_1063, %dma_start3A_1064] : memref<8192x1024xf32, #tpu.memory_space<hbm>> -> memref<8192x1024xf32, #tpu.memory_space<hbm>>
        tpu.enqueue_indirect_dma source(%dma_start3A_1065 : memref<8192x1024xf32, #tpu.memory_space<hbm>>) target(%dma_start3A_1060 : memref<2x1024xf32, #tpu.memory_space<vmem>>) offsets(%dma_start3A_1062 : memref<2xi32, #tpu.memory_space<vmem>>) semaphore(%arg27 : memref<!tpu.dma_semaphore, #tpu.memory_space<semaphore_mem>>)
      } else {
      }
      %mul3A_817 = arith.constant 2 : i32
      %mul3A_818 = arith.muli %add3A_697, %mul3A_817 : i32
      %add3A_819 = arith.addi %mul3A_2, %mul3A_818 : i32
      %dma_start3A_820 = arith.constant 0 : i32
      %dma_start3A_821 = arith.constant 0 : i32
      %dma_start3A_822 = arith.constant 0 : i32
      %dma_start3A_823 = tpu.memref_slice %arg6[%add3A_819, %dma_start3A_820, %dma_start3A_821, %dma_start3A_822] : memref<4096x8x4x128xf32, #tpu.memory_space<hbm>> -> memref<2x8x4x128xf32, #tpu.memory_space<hbm>>
      %dma_start3A_824 = arith.constant 0 : i32
      %dma_start3A_825 = arith.constant 0 : i32
      %dma_start3A_826 = arith.constant 0 : i32
      %dma_start3A_827 = tpu.memref_slice %arg6[%add3A_819, %dma_start3A_824, %dma_start3A_825, %dma_start3A_826] : memref<4096x8x4x128xf32, #tpu.memory_space<hbm>> -> memref<2x8x4x128xf32, #tpu.memory_space<hbm>>
      tpu.enqueue_dma source(%arg19 : memref<2x8x4x128xf32, #tpu.memory_space<vmem>>) target(%dma_start3A_827 : memref<2x8x4x128xf32, #tpu.memory_space<hbm>>) target_semaphore(%arg31 : memref<!tpu.dma_semaphore, #tpu.memory_space<semaphore_mem>>)
      %mul3A_828 = arith.constant 4 : i32
      %mul3A_829 = arith.muli %scan3A_430, %mul3A_828 : i32
      %add3A_830 = arith.constant 3 : i32
      %add3A_831 = arith.addi %mul3A_829, %add3A_830 : i32
      %mul3A_832 = arith.constant 2 : i32
      %mul3A_833 = arith.muli %add3A_831, %mul3A_832 : i32
      %dma_wait3A_834 = arith.constant 0 : i32
      %dma_wait3A_835 = arith.constant 0 : i32
      %dma_wait3A_836 = arith.constant 0 : i32
      %dma_wait3A_837 = arith.constant 0 : i32
      %dma_wait3A_838 = tpu.memref_slice %arg12[%dma_wait3A_835, %dma_wait3A_836, %dma_wait3A_837] : memref<4x2x1024xf32, #tpu.memory_space<vmem>> -> memref<1x2x1024xf32, #tpu.memory_space<vmem>>
      %dma_wait3A_839 = tpu.memref_squeeze %dma_wait3A_838 : memref<1x2x1024xf32, #tpu.memory_space<vmem>> -> memref<2x1024xf32, #tpu.memory_space<vmem>>
      %dma_wait3A_840 = tpu.memref_slice %arg7[%dma_wait3A_834, %mul3A_833] : memref<4x128xi32, #tpu.memory_space<vmem>> -> memref<1x2xi32, #tpu.memory_space<vmem>>
      %dma_wait3A_841 = tpu.memref_squeeze %dma_wait3A_840 : memref<1x2xi32, #tpu.memory_space<vmem>> -> memref<2xi32, #tpu.memory_space<vmem>>
      %dma_wait3A_842 = arith.constant 0 : i32
      %dma_wait3A_843 = arith.constant 0 : i32
      %dma_wait3A_844 = tpu.memref_slice %arg4[%dma_wait3A_842, %dma_wait3A_843] : memref<100000x1024xf32, #tpu.memory_space<hbm>> -> memref<100000x1024xf32, #tpu.memory_space<hbm>>
      tpu.wait_indirect_dma semaphore(%arg24 : memref<!tpu.dma_semaphore, #tpu.memory_space<semaphore_mem>>) src(%dma_wait3A_844 : memref<100000x1024xf32, #tpu.memory_space<hbm>>) dst(%dma_wait3A_839 : memref<2x1024xf32, #tpu.memory_space<vmem>>)
      %mul3A_845 = arith.constant 2 : i32
      %mul3A_846 = arith.muli %add3A_831, %mul3A_845 : i32
      %dma_wait3A_847 = arith.constant 0 : i32
      %dma_wait3A_848 = arith.constant 0 : i32
      %dma_wait3A_849 = arith.constant 0 : i32
      %dma_wait3A_850 = arith.constant 0 : i32
      %dma_wait3A_851 = tpu.memref_slice %arg16[%dma_wait3A_848, %dma_wait3A_849, %dma_wait3A_850] : memref<4x2x1024xf32, #tpu.memory_space<vmem>> -> memref<1x2x1024xf32, #tpu.memory_space<vmem>>
      %dma_wait3A_852 = tpu.memref_squeeze %dma_wait3A_851 : memref<1x2x1024xf32, #tpu.memory_space<vmem>> -> memref<2x1024xf32, #tpu.memory_space<vmem>>
      %dma_wait3A_853 = tpu.memref_slice %arg8[%dma_wait3A_847, %mul3A_846] : memref<4x128xi32, #tpu.memory_space<vmem>> -> memref<1x2xi32, #tpu.memory_space<vmem>>
      %dma_wait3A_854 = tpu.memref_squeeze %dma_wait3A_853 : memref<1x2xi32, #tpu.memory_space<vmem>> -> memref<2xi32, #tpu.memory_space<vmem>>
      %dma_wait3A_855 = arith.constant 0 : i32
      %dma_wait3A_856 = arith.constant 0 : i32
      %dma_wait3A_857 = tpu.memref_slice %arg5[%dma_wait3A_855, %dma_wait3A_856] : memref<8192x1024xf32, #tpu.memory_space<hbm>> -> memref<8192x1024xf32, #tpu.memory_space<hbm>>
      tpu.wait_indirect_dma semaphore(%arg28 : memref<!tpu.dma_semaphore, #tpu.memory_space<semaphore_mem>>) src(%dma_wait3A_857 : memref<8192x1024xf32, #tpu.memory_space<hbm>>) dst(%dma_wait3A_852 : memref<2x1024xf32, #tpu.memory_space<vmem>>)
      %mul3A_858 = arith.constant 2 : i32
      %mul3A_859 = arith.muli %add3A_831, %mul3A_858 : i32
      %dma_wait3A_860 = arith.constant 1 : i32
      %dma_wait3A_861 = arith.constant 1 : i32
      %dma_wait3A_862 = arith.constant 0 : i32
      %dma_wait3A_863 = arith.constant 0 : i32
      %dma_wait3A_864 = tpu.memref_slice %arg12[%dma_wait3A_861, %dma_wait3A_862, %dma_wait3A_863] : memref<4x2x1024xf32, #tpu.memory_space<vmem>> -> memref<1x2x1024xf32, #tpu.memory_space<vmem>>
      %dma_wait3A_865 = tpu.memref_squeeze %dma_wait3A_864 : memref<1x2x1024xf32, #tpu.memory_space<vmem>> -> memref<2x1024xf32, #tpu.memory_space<vmem>>
      %dma_wait3A_866 = tpu.memref_slice %arg7[%dma_wait3A_860, %mul3A_859] : memref<4x128xi32, #tpu.memory_space<vmem>> -> memref<1x2xi32, #tpu.memory_space<vmem>>
      %dma_wait3A_867 = tpu.memref_squeeze %dma_wait3A_866 : memref<1x2xi32, #tpu.memory_space<vmem>> -> memref<2xi32, #tpu.memory_space<vmem>>
      %dma_wait3A_868 = arith.constant 0 : i32
      %dma_wait3A_869 = arith.constant 0 : i32
      %dma_wait3A_870 = tpu.memref_slice %arg4[%dma_wait3A_868, %dma_wait3A_869] : memref<100000x1024xf32, #tpu.memory_space<hbm>> -> memref<100000x1024xf32, #tpu.memory_space<hbm>>
      tpu.wait_indirect_dma semaphore(%arg24 : memref<!tpu.dma_semaphore, #tpu.memory_space<semaphore_mem>>) src(%dma_wait3A_870 : memref<100000x1024xf32, #tpu.memory_space<hbm>>) dst(%dma_wait3A_865 : memref<2x1024xf32, #tpu.memory_space<vmem>>)
      %mul3A_871 = arith.constant 2 : i32
      %mul3A_872 = arith.muli %add3A_831, %mul3A_871 : i32
      %dma_wait3A_873 = arith.constant 1 : i32
      %dma_wait3A_874 = arith.constant 1 : i32
      %dma_wait3A_875 = arith.constant 0 : i32
      %dma_wait3A_876 = arith.constant 0 : i32
      %dma_wait3A_877 = tpu.memref_slice %arg16[%dma_wait3A_874, %dma_wait3A_875, %dma_wait3A_876] : memref<4x2x1024xf32, #tpu.memory_space<vmem>> -> memref<1x2x1024xf32, #tpu.memory_space<vmem>>
      %dma_wait3A_878 = tpu.memref_squeeze %dma_wait3A_877 : memref<1x2x1024xf32, #tpu.memory_space<vmem>> -> memref<2x1024xf32, #tpu.memory_space<vmem>>
      %dma_wait3A_879 = tpu.memref_slice %arg8[%dma_wait3A_873, %mul3A_872] : memref<4x128xi32, #tpu.memory_space<vmem>> -> memref<1x2xi32, #tpu.memory_space<vmem>>
      %dma_wait3A_880 = tpu.memref_squeeze %dma_wait3A_879 : memref<1x2xi32, #tpu.memory_space<vmem>> -> memref<2xi32, #tpu.memory_space<vmem>>
      %dma_wait3A_881 = arith.constant 0 : i32
      %dma_wait3A_882 = arith.constant 0 : i32
      %dma_wait3A_883 = tpu.memref_slice %arg5[%dma_wait3A_881, %dma_wait3A_882] : memref<8192x1024xf32, #tpu.memory_space<hbm>> -> memref<8192x1024xf32, #tpu.memory_space<hbm>>
      tpu.wait_indirect_dma semaphore(%arg28 : memref<!tpu.dma_semaphore, #tpu.memory_space<semaphore_mem>>) src(%dma_wait3A_883 : memref<8192x1024xf32, #tpu.memory_space<hbm>>) dst(%dma_wait3A_878 : memref<2x1024xf32, #tpu.memory_space<vmem>>)
      %mul3A_884 = arith.constant 2 : i32
      %mul3A_885 = arith.muli %add3A_831, %mul3A_884 : i32
      %dma_wait3A_886 = arith.constant 2 : i32
      %dma_wait3A_887 = arith.constant 2 : i32
      %dma_wait3A_888 = arith.constant 0 : i32
      %dma_wait3A_889 = arith.constant 0 : i32
      %dma_wait3A_890 = tpu.memref_slice %arg12[%dma_wait3A_887, %dma_wait3A_888, %dma_wait3A_889] : memref<4x2x1024xf32, #tpu.memory_space<vmem>> -> memref<1x2x1024xf32, #tpu.memory_space<vmem>>
      %dma_wait3A_891 = tpu.memref_squeeze %dma_wait3A_890 : memref<1x2x1024xf32, #tpu.memory_space<vmem>> -> memref<2x1024xf32, #tpu.memory_space<vmem>>
      %dma_wait3A_892 = tpu.memref_slice %arg7[%dma_wait3A_886, %mul3A_885] : memref<4x128xi32, #tpu.memory_space<vmem>> -> memref<1x2xi32, #tpu.memory_space<vmem>>
      %dma_wait3A_893 = tpu.memref_squeeze %dma_wait3A_892 : memref<1x2xi32, #tpu.memory_space<vmem>> -> memref<2xi32, #tpu.memory_space<vmem>>
      %dma_wait3A_894 = arith.constant 0 : i32
      %dma_wait3A_895 = arith.constant 0 : i32
      %dma_wait3A_896 = tpu.memref_slice %arg4[%dma_wait3A_894, %dma_wait3A_895] : memref<100000x1024xf32, #tpu.memory_space<hbm>> -> memref<100000x1024xf32, #tpu.memory_space<hbm>>
      tpu.wait_indirect_dma semaphore(%arg24 : memref<!tpu.dma_semaphore, #tpu.memory_space<semaphore_mem>>) src(%dma_wait3A_896 : memref<100000x1024xf32, #tpu.memory_space<hbm>>) dst(%dma_wait3A_891 : memref<2x1024xf32, #tpu.memory_space<vmem>>)
      %mul3A_897 = arith.constant 2 : i32
      %mul3A_898 = arith.muli %add3A_831, %mul3A_897 : i32
      %dma_wait3A_899 = arith.constant 2 : i32
      %dma_wait3A_900 = arith.constant 2 : i32
      %dma_wait3A_901 = arith.constant 0 : i32
      %dma_wait3A_902 = arith.constant 0 : i32
      %dma_wait3A_903 = tpu.memref_slice %arg16[%dma_wait3A_900, %dma_wait3A_901, %dma_wait3A_902] : memref<4x2x1024xf32, #tpu.memory_space<vmem>> -> memref<1x2x1024xf32, #tpu.memory_space<vmem>>
      %dma_wait3A_904 = tpu.memref_squeeze %dma_wait3A_903 : memref<1x2x1024xf32, #tpu.memory_space<vmem>> -> memref<2x1024xf32, #tpu.memory_space<vmem>>
      %dma_wait3A_905 = tpu.memref_slice %arg8[%dma_wait3A_899, %mul3A_898] : memref<4x128xi32, #tpu.memory_space<vmem>> -> memref<1x2xi32, #tpu.memory_space<vmem>>
      %dma_wait3A_906 = tpu.memref_squeeze %dma_wait3A_905 : memref<1x2xi32, #tpu.memory_space<vmem>> -> memref<2xi32, #tpu.memory_space<vmem>>
      %dma_wait3A_907 = arith.constant 0 : i32
      %dma_wait3A_908 = arith.constant 0 : i32
      %dma_wait3A_909 = tpu.memref_slice %arg5[%dma_wait3A_907, %dma_wait3A_908] : memref<8192x1024xf32, #tpu.memory_space<hbm>> -> memref<8192x1024xf32, #tpu.memory_space<hbm>>
      tpu.wait_indirect_dma semaphore(%arg28 : memref<!tpu.dma_semaphore, #tpu.memory_space<semaphore_mem>>) src(%dma_wait3A_909 : memref<8192x1024xf32, #tpu.memory_space<hbm>>) dst(%dma_wait3A_904 : memref<2x1024xf32, #tpu.memory_space<vmem>>)
      %mul3A_910 = arith.constant 2 : i32
      %mul3A_911 = arith.muli %add3A_831, %mul3A_910 : i32
      %dma_wait3A_912 = arith.constant 3 : i32
      %dma_wait3A_913 = arith.constant 3 : i32
      %dma_wait3A_914 = arith.constant 0 : i32
      %dma_wait3A_915 = arith.constant 0 : i32
      %dma_wait3A_916 = tpu.memref_slice %arg12[%dma_wait3A_913, %dma_wait3A_914, %dma_wait3A_915] : memref<4x2x1024xf32, #tpu.memory_space<vmem>> -> memref<1x2x1024xf32, #tpu.memory_space<vmem>>
      %dma_wait3A_917 = tpu.memref_squeeze %dma_wait3A_916 : memref<1x2x1024xf32, #tpu.memory_space<vmem>> -> memref<2x1024xf32, #tpu.memory_space<vmem>>
      %dma_wait3A_918 = tpu.memref_slice %arg7[%dma_wait3A_912, %mul3A_911] : memref<4x128xi32, #tpu.memory_space<vmem>> -> memref<1x2xi32, #tpu.memory_space<vmem>>
      %dma_wait3A_919 = tpu.memref_squeeze %dma_wait3A_918 : memref<1x2xi32, #tpu.memory_space<vmem>> -> memref<2xi32, #tpu.memory_space<vmem>>
      %dma_wait3A_920 = arith.constant 0 : i32
      %dma_wait3A_921 = arith.constant 0 : i32
      %dma_wait3A_922 = tpu.memref_slice %arg4[%dma_wait3A_920, %dma_wait3A_921] : memref<100000x1024xf32, #tpu.memory_space<hbm>> -> memref<100000x1024xf32, #tpu.memory_space<hbm>>
      tpu.wait_indirect_dma semaphore(%arg24 : memref<!tpu.dma_semaphore, #tpu.memory_space<semaphore_mem>>) src(%dma_wait3A_922 : memref<100000x1024xf32, #tpu.memory_space<hbm>>) dst(%dma_wait3A_917 : memref<2x1024xf32, #tpu.memory_space<vmem>>)
      %mul3A_923 = arith.constant 2 : i32
      %mul3A_924 = arith.muli %add3A_831, %mul3A_923 : i32
      %dma_wait3A_925 = arith.constant 3 : i32
      %dma_wait3A_926 = arith.constant 3 : i32
      %dma_wait3A_927 = arith.constant 0 : i32
      %dma_wait3A_928 = arith.constant 0 : i32
      %dma_wait3A_929 = tpu.memref_slice %arg16[%dma_wait3A_926, %dma_wait3A_927, %dma_wait3A_928] : memref<4x2x1024xf32, #tpu.memory_space<vmem>> -> memref<1x2x1024xf32, #tpu.memory_space<vmem>>
      %dma_wait3A_930 = tpu.memref_squeeze %dma_wait3A_929 : memref<1x2x1024xf32, #tpu.memory_space<vmem>> -> memref<2x1024xf32, #tpu.memory_space<vmem>>
      %dma_wait3A_931 = tpu.memref_slice %arg8[%dma_wait3A_925, %mul3A_924] : memref<4x128xi32, #tpu.memory_space<vmem>> -> memref<1x2xi32, #tpu.memory_space<vmem>>
      %dma_wait3A_932 = tpu.memref_squeeze %dma_wait3A_931 : memref<1x2xi32, #tpu.memory_space<vmem>> -> memref<2xi32, #tpu.memory_space<vmem>>
      %dma_wait3A_933 = arith.constant 0 : i32
      %dma_wait3A_934 = arith.constant 0 : i32
      %dma_wait3A_935 = tpu.memref_slice %arg5[%dma_wait3A_933, %dma_wait3A_934] : memref<8192x1024xf32, #tpu.memory_space<hbm>> -> memref<8192x1024xf32, #tpu.memory_space<hbm>>
      tpu.wait_indirect_dma semaphore(%arg28 : memref<!tpu.dma_semaphore, #tpu.memory_space<semaphore_mem>>) src(%dma_wait3A_935 : memref<8192x1024xf32, #tpu.memory_space<hbm>>) dst(%dma_wait3A_930 : memref<2x1024xf32, #tpu.memory_space<vmem>>)
      %ge3A_936 = arith.constant 4 : i32
      %ge3A_937 = arith.cmpi sge, %add3A_831, %ge3A_936 : i32
      %convert_element_type3A_938 = arith.extui %ge3A_937 : i1 to i32
      %cond3A_939 = arith.constant 0 : i32
      %cond3A_940 = arith.cmpi ne, %convert_element_type3A_938, %cond3A_939 : i32
      scf.if %cond3A_940 {
        %dma_wait3A_962 = arith.constant 0 : i32
        %dma_wait3A_963 = arith.constant 0 : i32
        %dma_wait3A_964 = arith.constant 0 : i32
        %dma_wait3A_965 = tpu.memref_slice %arg6[%mul3A_2, %dma_wait3A_962, %dma_wait3A_963, %dma_wait3A_964] : memref<4096x8x4x128xf32, #tpu.memory_space<hbm>> -> memref<2x8x4x128xf32, #tpu.memory_space<hbm>>
        %dma_wait3A_966 = arith.constant 0 : i32
        %dma_wait3A_967 = arith.constant 0 : i32
        %dma_wait3A_968 = arith.constant 0 : i32
        %dma_wait3A_969 = tpu.memref_slice %arg6[%mul3A_2, %dma_wait3A_966, %dma_wait3A_967, %dma_wait3A_968] : memref<4096x8x4x128xf32, #tpu.memory_space<hbm>> -> memref<2x8x4x128xf32, #tpu.memory_space<hbm>>
        tpu.wait_dma2 semaphore(%arg32 : memref<!tpu.dma_semaphore, #tpu.memory_space<semaphore_mem>>) src(%arg20 : memref<2x8x4x128xf32, #tpu.memory_space<vmem>>) dst(%dma_wait3A_969 : memref<2x8x4x128xf32, #tpu.memory_space<hbm>>)
      } else {
      }
      %parallel_loop3A_941 = arith.constant 0 : i32
      %parallel_loop3A_942 = arith.constant 64 : i32
      %parallel_loop3A_943 = arith.constant 1 : i32
      scf.for %parallel_loop3A_962 = %parallel_loop3A_941 to %parallel_loop3A_942 step %parallel_loop3A_943  : i32 {
        %parallel_loop3A_963 = arith.constant 3 : i32
        %parallel_loop3A_964 = arith.shrui %parallel_loop3A_962, %parallel_loop3A_963 : i32
        %parallel_loop3A_965 = arith.constant 7 : i32
        %parallel_loop3A_966 = arith.andi %parallel_loop3A_962, %parallel_loop3A_965 : i32
        %parallel_loop3A_967 = arith.constant 1 : i32
        %parallel_loop3A_968 = arith.shrui %parallel_loop3A_964, %parallel_loop3A_967 : i32
        %parallel_loop3A_969 = arith.constant 1 : i32
        %parallel_loop3A_970 = arith.andi %parallel_loop3A_964, %parallel_loop3A_969 : i32
        %parallel_loop3A_971 = arith.constant 128 : i32
        %parallel_loop3A_972 = arith.muli %parallel_loop3A_966, %parallel_loop3A_971 : i32
        %parallel_loop3A_973 = arith.constant 0 : i32
        %parallel_loop3A_974 = arith.addi %parallel_loop3A_972, %parallel_loop3A_973 : i32
        %parallel_loop3A_975 = arith.index_cast %parallel_loop3A_968 : i32 to index
        %parallel_loop3A_976 = arith.index_cast %parallel_loop3A_970 : i32 to index
        %parallel_loop3A_977 = arith.index_cast %parallel_loop3A_974 : i32 to index
        %parallel_loop3A_978 = tpu.vector_load %arg12[%parallel_loop3A_975, %parallel_loop3A_976, %parallel_loop3A_977] {strides = array<i32>} : memref<4x2x1024xf32, #tpu.memory_space<vmem>>, vector<1x1x16xf32>,
        %parallel_loop3A_979 = vector.shape_cast %parallel_loop3A_978 : vector<1x1x16xf32> to vector<16xf32>
        %parallel_loop3A_980 = arith.constant 128 : i32
        %parallel_loop3A_981 = arith.muli %parallel_loop3A_966, %parallel_loop3A_980 : i32
        %parallel_loop3A_982 = arith.constant 0 : i32
        %parallel_loop3A_983 = arith.addi %parallel_loop3A_981, %parallel_loop3A_982 : i32
        %parallel_loop3A_984 = arith.index_cast %parallel_loop3A_968 : i32 to index
        %parallel_loop3A_985 = arith.index_cast %parallel_loop3A_970 : i32 to index
        %parallel_loop3A_986 = arith.index_cast %parallel_loop3A_983 : i32 to index
        %parallel_loop3A_987 = tpu.vector_load %arg16[%parallel_loop3A_984, %parallel_loop3A_985, %parallel_loop3A_986] {strides = array<i32>} : memref<4x2x1024xf32, #tpu.memory_space<vmem>>, vector<1x1x16xf32>,
        %parallel_loop3A_988 = vector.shape_cast %parallel_loop3A_987 : vector<1x1x16xf32> to vector<16xf32>
        %parallel_loop3A_989 = arith.addf %parallel_loop3A_979, %parallel_loop3A_988 : vector<16xf32>
        %parallel_loop3A_990 = arith.index_cast %parallel_loop3A_970 : i32 to index
        %parallel_loop3A_991 = arith.index_cast %parallel_loop3A_966 : i32 to index
        %parallel_loop3A_992 = arith.index_cast %parallel_loop3A_968 : i32 to index
        %parallel_loop3A_993 = arith.constant 0 : index
        %parallel_loop3A_994 = tpu.vector_load %arg20[%parallel_loop3A_990, %parallel_loop3A_991, %parallel_loop3A_992, %parallel_loop3A_993] {strides = array<i32>} : memref<2x8x4x128xf32, #tpu.memory_space<vmem>>, vector<1x1x1x16xf32>,
        %parallel_loop3A_995 = vector.shape_cast %parallel_loop3A_994 : vector<1x1x1x16xf32> to vector<16xf32>
        %parallel_loop3A_996 = vector.shape_cast %parallel_loop3A_989 : vector<16xf32> to vector<1x1x1x16xf32>
        tpu.vector_store %arg20[%parallel_loop3A_990, %parallel_loop3A_991, %parallel_loop3A_992, %parallel_loop3A_993], %parallel_loop3A_996 {strides = array<i32>} : memref<2x8x4x128xf32, #tpu.memory_space<vmem>>, vector<1x1x1x16xf32>,
        %parallel_loop3A_997 = arith.constant 128 : i32
        %parallel_loop3A_998 = arith.muli %parallel_loop3A_966, %parallel_loop3A_997 : i32
        %parallel_loop3A_999 = arith.constant 16 : i32
        %parallel_loop3A_1000 = arith.addi %parallel_loop3A_998, %parallel_loop3A_999 : i32
        %parallel_loop3A_1001 = arith.index_cast %parallel_loop3A_968 : i32 to index
        %parallel_loop3A_1002 = arith.index_cast %parallel_loop3A_970 : i32 to index
        %parallel_loop3A_1003 = arith.index_cast %parallel_loop3A_1000 : i32 to index
        %parallel_loop3A_1004 = tpu.vector_load %arg12[%parallel_loop3A_1001, %parallel_loop3A_1002, %parallel_loop3A_1003] {strides = array<i32>} : memref<4x2x1024xf32, #tpu.memory_space<vmem>>, vector<1x1x16xf32>,
        %parallel_loop3A_1005 = vector.shape_cast %parallel_loop3A_1004 : vector<1x1x16xf32> to vector<16xf32>
        %parallel_loop3A_1006 = arith.constant 128 : i32
        %parallel_loop3A_1007 = arith.muli %parallel_loop3A_966, %parallel_loop3A_1006 : i32
        %parallel_loop3A_1008 = arith.constant 16 : i32
        %parallel_loop3A_1009 = arith.addi %parallel_loop3A_1007, %parallel_loop3A_1008 : i32
        %parallel_loop3A_1010 = arith.index_cast %parallel_loop3A_968 : i32 to index
        %parallel_loop3A_1011 = arith.index_cast %parallel_loop3A_970 : i32 to index
        %parallel_loop3A_1012 = arith.index_cast %parallel_loop3A_1009 : i32 to index
        %parallel_loop3A_1013 = tpu.vector_load %arg16[%parallel_loop3A_1010, %parallel_loop3A_1011, %parallel_loop3A_1012] {strides = array<i32>} : memref<4x2x1024xf32, #tpu.memory_space<vmem>>, vector<1x1x16xf32>,
        %parallel_loop3A_1014 = vector.shape_cast %parallel_loop3A_1013 : vector<1x1x16xf32> to vector<16xf32>
        %parallel_loop3A_1015 = arith.addf %parallel_loop3A_1005, %parallel_loop3A_1014 : vector<16xf32>
        %parallel_loop3A_1016 = arith.index_cast %parallel_loop3A_970 : i32 to index
        %parallel_loop3A_1017 = arith.index_cast %parallel_loop3A_966 : i32 to index
        %parallel_loop3A_1018 = arith.index_cast %parallel_loop3A_968 : i32 to index
        %parallel_loop3A_1019 = arith.constant 16 : index
        %parallel_loop3A_1020 = tpu.vector_load %arg20[%parallel_loop3A_1016, %parallel_loop3A_1017, %parallel_loop3A_1018, %parallel_loop3A_1019] {strides = array<i32>} : memref<2x8x4x128xf32, #tpu.memory_space<vmem>>, vector<1x1x1x16xf32>,
        %parallel_loop3A_1021 = vector.shape_cast %parallel_loop3A_1020 : vector<1x1x1x16xf32> to vector<16xf32>
        %parallel_loop3A_1022 = vector.shape_cast %parallel_loop3A_1015 : vector<16xf32> to vector<1x1x1x16xf32>
        tpu.vector_store %arg20[%parallel_loop3A_1016, %parallel_loop3A_1017, %parallel_loop3A_1018, %parallel_loop3A_1019], %parallel_loop3A_1022 {strides = array<i32>} : memref<2x8x4x128xf32, #tpu.memory_space<vmem>>, vector<1x1x1x16xf32>,
        %parallel_loop3A_1023 = arith.constant 128 : i32
        %parallel_loop3A_1024 = arith.muli %parallel_loop3A_966, %parallel_loop3A_1023 : i32
        %parallel_loop3A_1025 = arith.constant 32 : i32
        %parallel_loop3A_1026 = arith.addi %parallel_loop3A_1024, %parallel_loop3A_1025 : i32
        %parallel_loop3A_1027 = arith.index_cast %parallel_loop3A_968 : i32 to index
        %parallel_loop3A_1028 = arith.index_cast %parallel_loop3A_970 : i32 to index
        %parallel_loop3A_1029 = arith.index_cast %parallel_loop3A_1026 : i32 to index
        %parallel_loop3A_1030 = tpu.vector_load %arg12[%parallel_loop3A_1027, %parallel_loop3A_1028, %parallel_loop3A_1029] {strides = array<i32>} : memref<4x2x1024xf32, #tpu.memory_space<vmem>>, vector<1x1x16xf32>,
        %parallel_loop3A_1031 = vector.shape_cast %parallel_loop3A_1030 : vector<1x1x16xf32> to vector<16xf32>
        %parallel_loop3A_1032 = arith.constant 128 : i32
        %parallel_loop3A_1033 = arith.muli %parallel_loop3A_966, %parallel_loop3A_1032 : i32
        %parallel_loop3A_1034 = arith.constant 32 : i32
        %parallel_loop3A_1035 = arith.addi %parallel_loop3A_1033, %parallel_loop3A_1034 : i32
        %parallel_loop3A_1036 = arith.index_cast %parallel_loop3A_968 : i32 to index
        %parallel_loop3A_1037 = arith.index_cast %parallel_loop3A_970 : i32 to index
        %parallel_loop3A_1038 = arith.index_cast %parallel_loop3A_1035 : i32 to index
        %parallel_loop3A_1039 = tpu.vector_load %arg16[%parallel_loop3A_1036, %parallel_loop3A_1037, %parallel_loop3A_1038] {strides = array<i32>} : memref<4x2x1024xf32, #tpu.memory_space<vmem>>, vector<1x1x16xf32>,
        %parallel_loop3A_1040 = vector.shape_cast %parallel_loop3A_1039 : vector<1x1x16xf32> to vector<16xf32>
        %parallel_loop3A_1041 = arith.addf %parallel_loop3A_1031, %parallel_loop3A_1040 : vector<16xf32>
        %parallel_loop3A_1042 = arith.index_cast %parallel_loop3A_970 : i32 to index
        %parallel_loop3A_1043 = arith.index_cast %parallel_loop3A_966 : i32 to index
        %parallel_loop3A_1044 = arith.index_cast %parallel_loop3A_968 : i32 to index
        %parallel_loop3A_1045 = arith.constant 32 : index
        %parallel_loop3A_1046 = tpu.vector_load %arg20[%parallel_loop3A_1042, %parallel_loop3A_1043, %parallel_loop3A_1044, %parallel_loop3A_1045] {strides = array<i32>} : memref<2x8x4x128xf32, #tpu.memory_space<vmem>>, vector<1x1x1x16xf32>,
        %parallel_loop3A_1047 = vector.shape_cast %parallel_loop3A_1046 : vector<1x1x1x16xf32> to vector<16xf32>
        %parallel_loop3A_1048 = vector.shape_cast %parallel_loop3A_1041 : vector<16xf32> to vector<1x1x1x16xf32>
        tpu.vector_store %arg20[%parallel_loop3A_1042, %parallel_loop3A_1043, %parallel_loop3A_1044, %parallel_loop3A_1045], %parallel_loop3A_1048 {strides = array<i32>} : memref<2x8x4x128xf32, #tpu.memory_space<vmem>>, vector<1x1x1x16xf32>,
        %parallel_loop3A_1049 = arith.constant 128 : i32
        %parallel_loop3A_1050 = arith.muli %parallel_loop3A_966, %parallel_loop3A_1049 : i32
        %parallel_loop3A_1051 = arith.constant 48 : i32
        %parallel_loop3A_1052 = arith.addi %parallel_loop3A_1050, %parallel_loop3A_1051 : i32
        %parallel_loop3A_1053 = arith.index_cast %parallel_loop3A_968 : i32 to index
        %parallel_loop3A_1054 = arith.index_cast %parallel_loop3A_970 : i32 to index
        %parallel_loop3A_1055 = arith.index_cast %parallel_loop3A_1052 : i32 to index
        %parallel_loop3A_1056 = tpu.vector_load %arg12[%parallel_loop3A_1053, %parallel_loop3A_1054, %parallel_loop3A_1055] {strides = array<i32>} : memref<4x2x1024xf32, #tpu.memory_space<vmem>>, vector<1x1x16xf32>,
        %parallel_loop3A_1057 = vector.shape_cast %parallel_loop3A_1056 : vector<1x1x16xf32> to vector<16xf32>
        %parallel_loop3A_1058 = arith.constant 128 : i32
        %parallel_loop3A_1059 = arith.muli %parallel_loop3A_966, %parallel_loop3A_1058 : i32
        %parallel_loop3A_1060 = arith.constant 48 : i32
        %parallel_loop3A_1061 = arith.addi %parallel_loop3A_1059, %parallel_loop3A_1060 : i32
        %parallel_loop3A_1062 = arith.index_cast %parallel_loop3A_968 : i32 to index
        %parallel_loop3A_1063 = arith.index_cast %parallel_loop3A_970 : i32 to index
        %parallel_loop3A_1064 = arith.index_cast %parallel_loop3A_1061 : i32 to index
        %parallel_loop3A_1065 = tpu.vector_load %arg16[%parallel_loop3A_1062, %parallel_loop3A_1063, %parallel_loop3A_1064] {strides = array<i32>} : memref<4x2x1024xf32, #tpu.memory_space<vmem>>, vector<1x1x16xf32>,
        %parallel_loop3A_1066 = vector.shape_cast %parallel_loop3A_1065 : vector<1x1x16xf32> to vector<16xf32>
        %parallel_loop3A_1067 = arith.addf %parallel_loop3A_1057, %parallel_loop3A_1066 : vector<16xf32>
        %parallel_loop3A_1068 = arith.index_cast %parallel_loop3A_970 : i32 to index
        %parallel_loop3A_1069 = arith.index_cast %parallel_loop3A_966 : i32 to index
        %parallel_loop3A_1070 = arith.index_cast %parallel_loop3A_968 : i32 to index
        %parallel_loop3A_1071 = arith.constant 48 : index
        %parallel_loop3A_1072 = tpu.vector_load %arg20[%parallel_loop3A_1068, %parallel_loop3A_1069, %parallel_loop3A_1070, %parallel_loop3A_1071] {strides = array<i32>} : memref<2x8x4x128xf32, #tpu.memory_space<vmem>>, vector<1x1x1x16xf32>,
        %parallel_loop3A_1073 = vector.shape_cast %parallel_loop3A_1072 : vector<1x1x1x16xf32> to vector<16xf32>
        %parallel_loop3A_1074 = vector.shape_cast %parallel_loop3A_1067 : vector<16xf32> to vector<1x1x1x16xf32>
        tpu.vector_store %arg20[%parallel_loop3A_1068, %parallel_loop3A_1069, %parallel_loop3A_1070, %parallel_loop3A_1071], %parallel_loop3A_1074 {strides = array<i32>} : memref<2x8x4x128xf32, #tpu.memory_space<vmem>>, vector<1x1x1x16xf32>,
        %parallel_loop3A_1075 = arith.constant 128 : i32
        %parallel_loop3A_1076 = arith.muli %parallel_loop3A_966, %parallel_loop3A_1075 : i32
        %parallel_loop3A_1077 = arith.constant 64 : i32
        %parallel_loop3A_1078 = arith.addi %parallel_loop3A_1076, %parallel_loop3A_1077 : i32
        %parallel_loop3A_1079 = arith.index_cast %parallel_loop3A_968 : i32 to index
        %parallel_loop3A_1080 = arith.index_cast %parallel_loop3A_970 : i32 to index
        %parallel_loop3A_1081 = arith.index_cast %parallel_loop3A_1078 : i32 to index
        %parallel_loop3A_1082 = tpu.vector_load %arg12[%parallel_loop3A_1079, %parallel_loop3A_1080, %parallel_loop3A_1081] {strides = array<i32>} : memref<4x2x1024xf32, #tpu.memory_space<vmem>>, vector<1x1x16xf32>,
        %parallel_loop3A_1083 = vector.shape_cast %parallel_loop3A_1082 : vector<1x1x16xf32> to vector<16xf32>
        %parallel_loop3A_1084 = arith.constant 128 : i32
        %parallel_loop3A_1085 = arith.muli %parallel_loop3A_966, %parallel_loop3A_1084 : i32
        %parallel_loop3A_1086 = arith.constant 64 : i32
        %parallel_loop3A_1087 = arith.addi %parallel_loop3A_1085, %parallel_loop3A_1086 : i32
        %parallel_loop3A_1088 = arith.index_cast %parallel_loop3A_968 : i32 to index
        %parallel_loop3A_1089 = arith.index_cast %parallel_loop3A_970 : i32 to index
        %parallel_loop3A_1090 = arith.index_cast %parallel_loop3A_1087 : i32 to index
        %parallel_loop3A_1091 = tpu.vector_load %arg16[%parallel_loop3A_1088, %parallel_loop3A_1089, %parallel_loop3A_1090] {strides = array<i32>} : memref<4x2x1024xf32, #tpu.memory_space<vmem>>, vector<1x1x16xf32>,
        %parallel_loop3A_1092 = vector.shape_cast %parallel_loop3A_1091 : vector<1x1x16xf32> to vector<16xf32>
        %parallel_loop3A_1093 = arith.addf %parallel_loop3A_1083, %parallel_loop3A_1092 : vector<16xf32>
        %parallel_loop3A_1094 = arith.index_cast %parallel_loop3A_970 : i32 to index
        %parallel_loop3A_1095 = arith.index_cast %parallel_loop3A_966 : i32 to index
        %parallel_loop3A_1096 = arith.index_cast %parallel_loop3A_968 : i32 to index
        %parallel_loop3A_1097 = arith.constant 64 : index
        %parallel_loop3A_1098 = tpu.vector_load %arg20[%parallel_loop3A_1094, %parallel_loop3A_1095, %parallel_loop3A_1096, %parallel_loop3A_1097] {strides = array<i32>} : memref<2x8x4x128xf32, #tpu.memory_space<vmem>>, vector<1x1x1x16xf32>,
        %parallel_loop3A_1099 = vector.shape_cast %parallel_loop3A_1098 : vector<1x1x1x16xf32> to vector<16xf32>
        %parallel_loop3A_1100 = vector.shape_cast %parallel_loop3A_1093 : vector<16xf32> to vector<1x1x1x16xf32>
        tpu.vector_store %arg20[%parallel_loop3A_1094, %parallel_loop3A_1095, %parallel_loop3A_1096, %parallel_loop3A_1097], %parallel_loop3A_1100 {strides = array<i32>} : memref<2x8x4x128xf32, #tpu.memory_space<vmem>>, vector<1x1x1x16xf32>,
        %parallel_loop3A_1101 = arith.constant 128 : i32
        %parallel_loop3A_1102 = arith.muli %parallel_loop3A_966, %parallel_loop3A_1101 : i32
        %parallel_loop3A_1103 = arith.constant 80 : i32
        %parallel_loop3A_1104 = arith.addi %parallel_loop3A_1102, %parallel_loop3A_1103 : i32
        %parallel_loop3A_1105 = arith.index_cast %parallel_loop3A_968 : i32 to index
        %parallel_loop3A_1106 = arith.index_cast %parallel_loop3A_970 : i32 to index
        %parallel_loop3A_1107 = arith.index_cast %parallel_loop3A_1104 : i32 to index
        %parallel_loop3A_1108 = tpu.vector_load %arg12[%parallel_loop3A_1105, %parallel_loop3A_1106, %parallel_loop3A_1107] {strides = array<i32>} : memref<4x2x1024xf32, #tpu.memory_space<vmem>>, vector<1x1x16xf32>,
        %parallel_loop3A_1109 = vector.shape_cast %parallel_loop3A_1108 : vector<1x1x16xf32> to vector<16xf32>
        %parallel_loop3A_1110 = arith.constant 128 : i32
        %parallel_loop3A_1111 = arith.muli %parallel_loop3A_966, %parallel_loop3A_1110 : i32
        %parallel_loop3A_1112 = arith.constant 80 : i32
        %parallel_loop3A_1113 = arith.addi %parallel_loop3A_1111, %parallel_loop3A_1112 : i32
        %parallel_loop3A_1114 = arith.index_cast %parallel_loop3A_968 : i32 to index
        %parallel_loop3A_1115 = arith.index_cast %parallel_loop3A_970 : i32 to index
        %parallel_loop3A_1116 = arith.index_cast %parallel_loop3A_1113 : i32 to index
        %parallel_loop3A_1117 = tpu.vector_load %arg16[%parallel_loop3A_1114, %parallel_loop3A_1115, %parallel_loop3A_1116] {strides = array<i32>} : memref<4x2x1024xf32, #tpu.memory_space<vmem>>, vector<1x1x16xf32>,
        %parallel_loop3A_1118 = vector.shape_cast %parallel_loop3A_1117 : vector<1x1x16xf32> to vector<16xf32>
        %parallel_loop3A_1119 = arith.addf %parallel_loop3A_1109, %parallel_loop3A_1118 : vector<16xf32>
        %parallel_loop3A_1120 = arith.index_cast %parallel_loop3A_970 : i32 to index
        %parallel_loop3A_1121 = arith.index_cast %parallel_loop3A_966 : i32 to index
        %parallel_loop3A_1122 = arith.index_cast %parallel_loop3A_968 : i32 to index
        %parallel_loop3A_1123 = arith.constant 80 : index
        %parallel_loop3A_1124 = tpu.vector_load %arg20[%parallel_loop3A_1120, %parallel_loop3A_1121, %parallel_loop3A_1122, %parallel_loop3A_1123] {strides = array<i32>} : memref<2x8x4x128xf32, #tpu.memory_space<vmem>>, vector<1x1x1x16xf32>,
        %parallel_loop3A_1125 = vector.shape_cast %parallel_loop3A_1124 : vector<1x1x1x16xf32> to vector<16xf32>
        %parallel_loop3A_1126 = vector.shape_cast %parallel_loop3A_1119 : vector<16xf32> to vector<1x1x1x16xf32>
        tpu.vector_store %arg20[%parallel_loop3A_1120, %parallel_loop3A_1121, %parallel_loop3A_1122, %parallel_loop3A_1123], %parallel_loop3A_1126 {strides = array<i32>} : memref<2x8x4x128xf32, #tpu.memory_space<vmem>>, vector<1x1x1x16xf32>,
        %parallel_loop3A_1127 = arith.constant 128 : i32
        %parallel_loop3A_1128 = arith.muli %parallel_loop3A_966, %parallel_loop3A_1127 : i32
        %parallel_loop3A_1129 = arith.constant 96 : i32
        %parallel_loop3A_1130 = arith.addi %parallel_loop3A_1128, %parallel_loop3A_1129 : i32
        %parallel_loop3A_1131 = arith.index_cast %parallel_loop3A_968 : i32 to index
        %parallel_loop3A_1132 = arith.index_cast %parallel_loop3A_970 : i32 to index
        %parallel_loop3A_1133 = arith.index_cast %parallel_loop3A_1130 : i32 to index
        %parallel_loop3A_1134 = tpu.vector_load %arg12[%parallel_loop3A_1131, %parallel_loop3A_1132, %parallel_loop3A_1133] {strides = array<i32>} : memref<4x2x1024xf32, #tpu.memory_space<vmem>>, vector<1x1x16xf32>,
        %parallel_loop3A_1135 = vector.shape_cast %parallel_loop3A_1134 : vector<1x1x16xf32> to vector<16xf32>
        %parallel_loop3A_1136 = arith.constant 128 : i32
        %parallel_loop3A_1137 = arith.muli %parallel_loop3A_966, %parallel_loop3A_1136 : i32
        %parallel_loop3A_1138 = arith.constant 96 : i32
        %parallel_loop3A_1139 = arith.addi %parallel_loop3A_1137, %parallel_loop3A_1138 : i32
        %parallel_loop3A_1140 = arith.index_cast %parallel_loop3A_968 : i32 to index
        %parallel_loop3A_1141 = arith.index_cast %parallel_loop3A_970 : i32 to index
        %parallel_loop3A_1142 = arith.index_cast %parallel_loop3A_1139 : i32 to index
        %parallel_loop3A_1143 = tpu.vector_load %arg16[%parallel_loop3A_1140, %parallel_loop3A_1141, %parallel_loop3A_1142] {strides = array<i32>} : memref<4x2x1024xf32, #tpu.memory_space<vmem>>, vector<1x1x16xf32>,
        %parallel_loop3A_1144 = vector.shape_cast %parallel_loop3A_1143 : vector<1x1x16xf32> to vector<16xf32>
        %parallel_loop3A_1145 = arith.addf %parallel_loop3A_1135, %parallel_loop3A_1144 : vector<16xf32>
        %parallel_loop3A_1146 = arith.index_cast %parallel_loop3A_970 : i32 to index
        %parallel_loop3A_1147 = arith.index_cast %parallel_loop3A_966 : i32 to index
        %parallel_loop3A_1148 = arith.index_cast %parallel_loop3A_968 : i32 to index
        %parallel_loop3A_1149 = arith.constant 96 : index
        %parallel_loop3A_1150 = tpu.vector_load %arg20[%parallel_loop3A_1146, %parallel_loop3A_1147, %parallel_loop3A_1148, %parallel_loop3A_1149] {strides = array<i32>} : memref<2x8x4x128xf32, #tpu.memory_space<vmem>>, vector<1x1x1x16xf32>,
        %parallel_loop3A_1151 = vector.shape_cast %parallel_loop3A_1150 : vector<1x1x1x16xf32> to vector<16xf32>
        %parallel_loop3A_1152 = vector.shape_cast %parallel_loop3A_1145 : vector<16xf32> to vector<1x1x1x16xf32>
        tpu.vector_store %arg20[%parallel_loop3A_1146, %parallel_loop3A_1147, %parallel_loop3A_1148, %parallel_loop3A_1149], %parallel_loop3A_1152 {strides = array<i32>} : memref<2x8x4x128xf32, #tpu.memory_space<vmem>>, vector<1x1x1x16xf32>,
        %parallel_loop3A_1153 = arith.constant 128 : i32
        %parallel_loop3A_1154 = arith.muli %parallel_loop3A_966, %parallel_loop3A_1153 : i32
        %parallel_loop3A_1155 = arith.constant 112 : i32
        %parallel_loop3A_1156 = arith.addi %parallel_loop3A_1154, %parallel_loop3A_1155 : i32
        %parallel_loop3A_1157 = arith.index_cast %parallel_loop3A_968 : i32 to index
        %parallel_loop3A_1158 = arith.index_cast %parallel_loop3A_970 : i32 to index
        %parallel_loop3A_1159 = arith.index_cast %parallel_loop3A_1156 : i32 to index
        %parallel_loop3A_1160 = tpu.vector_load %arg12[%parallel_loop3A_1157, %parallel_loop3A_1158, %parallel_loop3A_1159] {strides = array<i32>} : memref<4x2x1024xf32, #tpu.memory_space<vmem>>, vector<1x1x16xf32>,
        %parallel_loop3A_1161 = vector.shape_cast %parallel_loop3A_1160 : vector<1x1x16xf32> to vector<16xf32>
        %parallel_loop3A_1162 = arith.constant 128 : i32
        %parallel_loop3A_1163 = arith.muli %parallel_loop3A_966, %parallel_loop3A_1162 : i32
        %parallel_loop3A_1164 = arith.constant 112 : i32
        %parallel_loop3A_1165 = arith.addi %parallel_loop3A_1163, %parallel_loop3A_1164 : i32
        %parallel_loop3A_1166 = arith.index_cast %parallel_loop3A_968 : i32 to index
        %parallel_loop3A_1167 = arith.index_cast %parallel_loop3A_970 : i32 to index
        %parallel_loop3A_1168 = arith.index_cast %parallel_loop3A_1165 : i32 to index
        %parallel_loop3A_1169 = tpu.vector_load %arg16[%parallel_loop3A_1166, %parallel_loop3A_1167, %parallel_loop3A_1168] {strides = array<i32>} : memref<4x2x1024xf32, #tpu.memory_space<vmem>>, vector<1x1x16xf32>,
        %parallel_loop3A_1170 = vector.shape_cast %parallel_loop3A_1169 : vector<1x1x16xf32> to vector<16xf32>
        %parallel_loop3A_1171 = arith.addf %parallel_loop3A_1161, %parallel_loop3A_1170 : vector<16xf32>
        %parallel_loop3A_1172 = arith.index_cast %parallel_loop3A_970 : i32 to index
        %parallel_loop3A_1173 = arith.index_cast %parallel_loop3A_966 : i32 to index
        %parallel_loop3A_1174 = arith.index_cast %parallel_loop3A_968 : i32 to index
        %parallel_loop3A_1175 = arith.constant 112 : index
        %parallel_loop3A_1176 = tpu.vector_load %arg20[%parallel_loop3A_1172, %parallel_loop3A_1173, %parallel_loop3A_1174, %parallel_loop3A_1175] {strides = array<i32>} : memref<2x8x4x128xf32, #tpu.memory_space<vmem>>, vector<1x1x1x16xf32>,
        %parallel_loop3A_1177 = vector.shape_cast %parallel_loop3A_1176 : vector<1x1x1x16xf32> to vector<16xf32>
        %parallel_loop3A_1178 = vector.shape_cast %parallel_loop3A_1171 : vector<16xf32> to vector<1x1x1x16xf32>
        tpu.vector_store %arg20[%parallel_loop3A_1172, %parallel_loop3A_1173, %parallel_loop3A_1174, %parallel_loop3A_1175], %parallel_loop3A_1178 {strides = array<i32>} : memref<2x8x4x128xf32, #tpu.memory_space<vmem>>, vector<1x1x1x16xf32>,
      } {sc.loop_unroll_factor = 8 : i64, sc.parallel_access}
      %add3A_944 = arith.constant 4 : i32
      %add3A_945 = arith.addi %add3A_831, %add3A_944 : i32
      %lt3A_946 = arith.constant 64 : i32
      %lt3A_947 = arith.cmpi slt, %add3A_945, %lt3A_946 : i32
      %convert_element_type3A_948 = arith.extui %lt3A_947 : i1 to i32
      %cond3A_949 = arith.constant 0 : i32
      %cond3A_950 = arith.cmpi ne, %convert_element_type3A_948, %cond3A_949 : i32
      scf.if %cond3A_950 {
        %mul3A_962 = arith.constant 2 : i32
        %mul3A_963 = arith.muli %add3A_945, %mul3A_962 : i32
        %dma_start3A_964 = arith.constant 0 : i32
        %dma_start3A_965 = arith.constant 0 : i32
        %dma_start3A_966 = arith.constant 0 : i32
        %dma_start3A_967 = arith.constant 0 : i32
        %dma_start3A_968 = tpu.memref_slice %arg12[%dma_start3A_965, %dma_start3A_966, %dma_start3A_967] : memref<4x2x1024xf32, #tpu.memory_space<vmem>> -> memref<1x2x1024xf32, #tpu.memory_space<vmem>>
        %dma_start3A_969 = tpu.memref_squeeze %dma_start3A_968 : memref<1x2x1024xf32, #tpu.memory_space<vmem>> -> memref<2x1024xf32, #tpu.memory_space<vmem>>
        %dma_start3A_970 = tpu.memref_slice %arg7[%dma_start3A_964, %mul3A_963] : memref<4x128xi32, #tpu.memory_space<vmem>> -> memref<1x2xi32, #tpu.memory_space<vmem>>
        %dma_start3A_971 = tpu.memref_squeeze %dma_start3A_970 : memref<1x2xi32, #tpu.memory_space<vmem>> -> memref<2xi32, #tpu.memory_space<vmem>>
        %dma_start3A_972 = arith.constant 0 : i32
        %dma_start3A_973 = arith.constant 0 : i32
        %dma_start3A_974 = tpu.memref_slice %arg4[%dma_start3A_972, %dma_start3A_973] : memref<100000x1024xf32, #tpu.memory_space<hbm>> -> memref<100000x1024xf32, #tpu.memory_space<hbm>>
        tpu.enqueue_indirect_dma source(%dma_start3A_974 : memref<100000x1024xf32, #tpu.memory_space<hbm>>) target(%dma_start3A_969 : memref<2x1024xf32, #tpu.memory_space<vmem>>) offsets(%dma_start3A_971 : memref<2xi32, #tpu.memory_space<vmem>>) semaphore(%arg24 : memref<!tpu.dma_semaphore, #tpu.memory_space<semaphore_mem>>)
        %mul3A_975 = arith.constant 2 : i32
        %mul3A_976 = arith.muli %add3A_945, %mul3A_975 : i32
        %dma_start3A_977 = arith.constant 0 : i32
        %dma_start3A_978 = arith.constant 0 : i32
        %dma_start3A_979 = arith.constant 0 : i32
        %dma_start3A_980 = arith.constant 0 : i32
        %dma_start3A_981 = tpu.memref_slice %arg16[%dma_start3A_978, %dma_start3A_979, %dma_start3A_980] : memref<4x2x1024xf32, #tpu.memory_space<vmem>> -> memref<1x2x1024xf32, #tpu.memory_space<vmem>>
        %dma_start3A_982 = tpu.memref_squeeze %dma_start3A_981 : memref<1x2x1024xf32, #tpu.memory_space<vmem>> -> memref<2x1024xf32, #tpu.memory_space<vmem>>
        %dma_start3A_983 = tpu.memref_slice %arg8[%dma_start3A_977, %mul3A_976] : memref<4x128xi32, #tpu.memory_space<vmem>> -> memref<1x2xi32, #tpu.memory_space<vmem>>
        %dma_start3A_984 = tpu.memref_squeeze %dma_start3A_983 : memref<1x2xi32, #tpu.memory_space<vmem>> -> memref<2xi32, #tpu.memory_space<vmem>>
        %dma_start3A_985 = arith.constant 0 : i32
        %dma_start3A_986 = arith.constant 0 : i32
        %dma_start3A_987 = tpu.memref_slice %arg5[%dma_start3A_985, %dma_start3A_986] : memref<8192x1024xf32, #tpu.memory_space<hbm>> -> memref<8192x1024xf32, #tpu.memory_space<hbm>>
        tpu.enqueue_indirect_dma source(%dma_start3A_987 : memref<8192x1024xf32, #tpu.memory_space<hbm>>) target(%dma_start3A_982 : memref<2x1024xf32, #tpu.memory_space<vmem>>) offsets(%dma_start3A_984 : memref<2xi32, #tpu.memory_space<vmem>>) semaphore(%arg28 : memref<!tpu.dma_semaphore, #tpu.memory_space<semaphore_mem>>)
        %mul3A_988 = arith.constant 2 : i32
        %mul3A_989 = arith.muli %add3A_945, %mul3A_988 : i32
        %dma_start3A_990 = arith.constant 1 : i32
        %dma_start3A_991 = arith.constant 1 : i32
        %dma_start3A_992 = arith.constant 0 : i32
        %dma_start3A_993 = arith.constant 0 : i32
        %dma_start3A_994 = tpu.memref_slice %arg12[%dma_start3A_991, %dma_start3A_992, %dma_start3A_993] : memref<4x2x1024xf32, #tpu.memory_space<vmem>> -> memref<1x2x1024xf32, #tpu.memory_space<vmem>>
        %dma_start3A_995 = tpu.memref_squeeze %dma_start3A_994 : memref<1x2x1024xf32, #tpu.memory_space<vmem>> -> memref<2x1024xf32, #tpu.memory_space<vmem>>
        %dma_start3A_996 = tpu.memref_slice %arg7[%dma_start3A_990, %mul3A_989] : memref<4x128xi32, #tpu.memory_space<vmem>> -> memref<1x2xi32, #tpu.memory_space<vmem>>
        %dma_start3A_997 = tpu.memref_squeeze %dma_start3A_996 : memref<1x2xi32, #tpu.memory_space<vmem>> -> memref<2xi32, #tpu.memory_space<vmem>>
        %dma_start3A_998 = arith.constant 0 : i32
        %dma_start3A_999 = arith.constant 0 : i32
        %dma_start3A_1000 = tpu.memref_slice %arg4[%dma_start3A_998, %dma_start3A_999] : memref<100000x1024xf32, #tpu.memory_space<hbm>> -> memref<100000x1024xf32, #tpu.memory_space<hbm>>
        tpu.enqueue_indirect_dma source(%dma_start3A_1000 : memref<100000x1024xf32, #tpu.memory_space<hbm>>) target(%dma_start3A_995 : memref<2x1024xf32, #tpu.memory_space<vmem>>) offsets(%dma_start3A_997 : memref<2xi32, #tpu.memory_space<vmem>>) semaphore(%arg24 : memref<!tpu.dma_semaphore, #tpu.memory_space<semaphore_mem>>)
        %mul3A_1001 = arith.constant 2 : i32
        %mul3A_1002 = arith.muli %add3A_945, %mul3A_1001 : i32
        %dma_start3A_1003 = arith.constant 1 : i32
        %dma_start3A_1004 = arith.constant 1 : i32
        %dma_start3A_1005 = arith.constant 0 : i32
        %dma_start3A_1006 = arith.constant 0 : i32
        %dma_start3A_1007 = tpu.memref_slice %arg16[%dma_start3A_1004, %dma_start3A_1005, %dma_start3A_1006] : memref<4x2x1024xf32, #tpu.memory_space<vmem>> -> memref<1x2x1024xf32, #tpu.memory_space<vmem>>
        %dma_start3A_1008 = tpu.memref_squeeze %dma_start3A_1007 : memref<1x2x1024xf32, #tpu.memory_space<vmem>> -> memref<2x1024xf32, #tpu.memory_space<vmem>>
        %dma_start3A_1009 = tpu.memref_slice %arg8[%dma_start3A_1003, %mul3A_1002] : memref<4x128xi32, #tpu.memory_space<vmem>> -> memref<1x2xi32, #tpu.memory_space<vmem>>
        %dma_start3A_1010 = tpu.memref_squeeze %dma_start3A_1009 : memref<1x2xi32, #tpu.memory_space<vmem>> -> memref<2xi32, #tpu.memory_space<vmem>>
        %dma_start3A_1011 = arith.constant 0 : i32
        %dma_start3A_1012 = arith.constant 0 : i32
        %dma_start3A_1013 = tpu.memref_slice %arg5[%dma_start3A_1011, %dma_start3A_1012] : memref<8192x1024xf32, #tpu.memory_space<hbm>> -> memref<8192x1024xf32, #tpu.memory_space<hbm>>
        tpu.enqueue_indirect_dma source(%dma_start3A_1013 : memref<8192x1024xf32, #tpu.memory_space<hbm>>) target(%dma_start3A_1008 : memref<2x1024xf32, #tpu.memory_space<vmem>>) offsets(%dma_start3A_1010 : memref<2xi32, #tpu.memory_space<vmem>>) semaphore(%arg28 : memref<!tpu.dma_semaphore, #tpu.memory_space<semaphore_mem>>)
        %mul3A_1014 = arith.constant 2 : i32
        %mul3A_1015 = arith.muli %add3A_945, %mul3A_1014 : i32
        %dma_start3A_1016 = arith.constant 2 : i32
        %dma_start3A_1017 = arith.constant 2 : i32
        %dma_start3A_1018 = arith.constant 0 : i32
        %dma_start3A_1019 = arith.constant 0 : i32
        %dma_start3A_1020 = tpu.memref_slice %arg12[%dma_start3A_1017, %dma_start3A_1018, %dma_start3A_1019] : memref<4x2x1024xf32, #tpu.memory_space<vmem>> -> memref<1x2x1024xf32, #tpu.memory_space<vmem>>
        %dma_start3A_1021 = tpu.memref_squeeze %dma_start3A_1020 : memref<1x2x1024xf32, #tpu.memory_space<vmem>> -> memref<2x1024xf32, #tpu.memory_space<vmem>>
        %dma_start3A_1022 = tpu.memref_slice %arg7[%dma_start3A_1016, %mul3A_1015] : memref<4x128xi32, #tpu.memory_space<vmem>> -> memref<1x2xi32, #tpu.memory_space<vmem>>
        %dma_start3A_1023 = tpu.memref_squeeze %dma_start3A_1022 : memref<1x2xi32, #tpu.memory_space<vmem>> -> memref<2xi32, #tpu.memory_space<vmem>>
        %dma_start3A_1024 = arith.constant 0 : i32
        %dma_start3A_1025 = arith.constant 0 : i32
        %dma_start3A_1026 = tpu.memref_slice %arg4[%dma_start3A_1024, %dma_start3A_1025] : memref<100000x1024xf32, #tpu.memory_space<hbm>> -> memref<100000x1024xf32, #tpu.memory_space<hbm>>
        tpu.enqueue_indirect_dma source(%dma_start3A_1026 : memref<100000x1024xf32, #tpu.memory_space<hbm>>) target(%dma_start3A_1021 : memref<2x1024xf32, #tpu.memory_space<vmem>>) offsets(%dma_start3A_1023 : memref<2xi32, #tpu.memory_space<vmem>>) semaphore(%arg24 : memref<!tpu.dma_semaphore, #tpu.memory_space<semaphore_mem>>)
        %mul3A_1027 = arith.constant 2 : i32
        %mul3A_1028 = arith.muli %add3A_945, %mul3A_1027 : i32
        %dma_start3A_1029 = arith.constant 2 : i32
        %dma_start3A_1030 = arith.constant 2 : i32
        %dma_start3A_1031 = arith.constant 0 : i32
        %dma_start3A_1032 = arith.constant 0 : i32
        %dma_start3A_1033 = tpu.memref_slice %arg16[%dma_start3A_1030, %dma_start3A_1031, %dma_start3A_1032] : memref<4x2x1024xf32, #tpu.memory_space<vmem>> -> memref<1x2x1024xf32, #tpu.memory_space<vmem>>
        %dma_start3A_1034 = tpu.memref_squeeze %dma_start3A_1033 : memref<1x2x1024xf32, #tpu.memory_space<vmem>> -> memref<2x1024xf32, #tpu.memory_space<vmem>>
        %dma_start3A_1035 = tpu.memref_slice %arg8[%dma_start3A_1029, %mul3A_1028] : memref<4x128xi32, #tpu.memory_space<vmem>> -> memref<1x2xi32, #tpu.memory_space<vmem>>
        %dma_start3A_1036 = tpu.memref_squeeze %dma_start3A_1035 : memref<1x2xi32, #tpu.memory_space<vmem>> -> memref<2xi32, #tpu.memory_space<vmem>>
        %dma_start3A_1037 = arith.constant 0 : i32
        %dma_start3A_1038 = arith.constant 0 : i32
        %dma_start3A_1039 = tpu.memref_slice %arg5[%dma_start3A_1037, %dma_start3A_1038] : memref<8192x1024xf32, #tpu.memory_space<hbm>> -> memref<8192x1024xf32, #tpu.memory_space<hbm>>
        tpu.enqueue_indirect_dma source(%dma_start3A_1039 : memref<8192x1024xf32, #tpu.memory_space<hbm>>) target(%dma_start3A_1034 : memref<2x1024xf32, #tpu.memory_space<vmem>>) offsets(%dma_start3A_1036 : memref<2xi32, #tpu.memory_space<vmem>>) semaphore(%arg28 : memref<!tpu.dma_semaphore, #tpu.memory_space<semaphore_mem>>)
        %mul3A_1040 = arith.constant 2 : i32
        %mul3A_1041 = arith.muli %add3A_945, %mul3A_1040 : i32
        %dma_start3A_1042 = arith.constant 3 : i32
        %dma_start3A_1043 = arith.constant 3 : i32
        %dma_start3A_1044 = arith.constant 0 : i32
        %dma_start3A_1045 = arith.constant 0 : i32
        %dma_start3A_1046 = tpu.memref_slice %arg12[%dma_start3A_1043, %dma_start3A_1044, %dma_start3A_1045] : memref<4x2x1024xf32, #tpu.memory_space<vmem>> -> memref<1x2x1024xf32, #tpu.memory_space<vmem>>
        %dma_start3A_1047 = tpu.memref_squeeze %dma_start3A_1046 : memref<1x2x1024xf32, #tpu.memory_space<vmem>> -> memref<2x1024xf32, #tpu.memory_space<vmem>>
        %dma_start3A_1048 = tpu.memref_slice %arg7[%dma_start3A_1042, %mul3A_1041] : memref<4x128xi32, #tpu.memory_space<vmem>> -> memref<1x2xi32, #tpu.memory_space<vmem>>
        %dma_start3A_1049 = tpu.memref_squeeze %dma_start3A_1048 : memref<1x2xi32, #tpu.memory_space<vmem>> -> memref<2xi32, #tpu.memory_space<vmem>>
        %dma_start3A_1050 = arith.constant 0 : i32
        %dma_start3A_1051 = arith.constant 0 : i32
        %dma_start3A_1052 = tpu.memref_slice %arg4[%dma_start3A_1050, %dma_start3A_1051] : memref<100000x1024xf32, #tpu.memory_space<hbm>> -> memref<100000x1024xf32, #tpu.memory_space<hbm>>
        tpu.enqueue_indirect_dma source(%dma_start3A_1052 : memref<100000x1024xf32, #tpu.memory_space<hbm>>) target(%dma_start3A_1047 : memref<2x1024xf32, #tpu.memory_space<vmem>>) offsets(%dma_start3A_1049 : memref<2xi32, #tpu.memory_space<vmem>>) semaphore(%arg24 : memref<!tpu.dma_semaphore, #tpu.memory_space<semaphore_mem>>)
        %mul3A_1053 = arith.constant 2 : i32
        %mul3A_1054 = arith.muli %add3A_945, %mul3A_1053 : i32
        %dma_start3A_1055 = arith.constant 3 : i32
        %dma_start3A_1056 = arith.constant 3 : i32
        %dma_start3A_1057 = arith.constant 0 : i32
        %dma_start3A_1058 = arith.constant 0 : i32
        %dma_start3A_1059 = tpu.memref_slice %arg16[%dma_start3A_1056, %dma_start3A_1057, %dma_start3A_1058] : memref<4x2x1024xf32, #tpu.memory_space<vmem>> -> memref<1x2x1024xf32, #tpu.memory_space<vmem>>
        %dma_start3A_1060 = tpu.memref_squeeze %dma_start3A_1059 : memref<1x2x1024xf32, #tpu.memory_space<vmem>> -> memref<2x1024xf32, #tpu.memory_space<vmem>>
        %dma_start3A_1061 = tpu.memref_slice %arg8[%dma_start3A_1055, %mul3A_1054] : memref<4x128xi32, #tpu.memory_space<vmem>> -> memref<1x2xi32, #tpu.memory_space<vmem>>
        %dma_start3A_1062 = tpu.memref_squeeze %dma_start3A_1061 : memref<1x2xi32, #tpu.memory_space<vmem>> -> memref<2xi32, #tpu.memory_space<vmem>>
        %dma_start3A_1063 = arith.constant 0 : i32
        %dma_start3A_1064 = arith.constant 0 : i32
        %dma_start3A_1065 = tpu.memref_slice %arg5[%dma_start3A_1063, %dma_start3A_1064] : memref<8192x1024xf32, #tpu.memory_space<hbm>> -> memref<8192x1024xf32, #tpu.memory_space<hbm>>
        tpu.enqueue_indirect_dma source(%dma_start3A_1065 : memref<8192x1024xf32, #tpu.memory_space<hbm>>) target(%dma_start3A_1060 : memref<2x1024xf32, #tpu.memory_space<vmem>>) offsets(%dma_start3A_1062 : memref<2xi32, #tpu.memory_space<vmem>>) semaphore(%arg28 : memref<!tpu.dma_semaphore, #tpu.memory_space<semaphore_mem>>)
      } else {
      }
      %mul3A_951 = arith.constant 2 : i32
      %mul3A_952 = arith.muli %add3A_831, %mul3A_951 : i32
      %add3A_953 = arith.addi %mul3A_2, %mul3A_952 : i32
      %dma_start3A_954 = arith.constant 0 : i32
      %dma_start3A_955 = arith.constant 0 : i32
      %dma_start3A_956 = arith.constant 0 : i32
      %dma_start3A_957 = tpu.memref_slice %arg6[%add3A_953, %dma_start3A_954, %dma_start3A_955, %dma_start3A_956] : memref<4096x8x4x128xf32, #tpu.memory_space<hbm>> -> memref<2x8x4x128xf32, #tpu.memory_space<hbm>>
      %dma_start3A_958 = arith.constant 0 : i32
      %dma_start3A_959 = arith.constant 0 : i32
      %dma_start3A_960 = arith.constant 0 : i32
      %dma_start3A_961 = tpu.memref_slice %arg6[%add3A_953, %dma_start3A_958, %dma_start3A_959, %dma_start3A_960] : memref<4096x8x4x128xf32, #tpu.memory_space<hbm>> -> memref<2x8x4x128xf32, #tpu.memory_space<hbm>>
      tpu.enqueue_dma source(%arg20 : memref<2x8x4x128xf32, #tpu.memory_space<vmem>>) target(%dma_start3A_961 : memref<2x8x4x128xf32, #tpu.memory_space<hbm>>) target_semaphore(%arg32 : memref<!tpu.dma_semaphore, #tpu.memory_space<semaphore_mem>>)
    }
    %scan3A_390 = arith.constant 16 : i32
    %add3A_391 = arith.constant 120 : i32
    %add3A_392 = arith.addi %mul3A_2, %add3A_391 : i32
    %dma_wait3A = arith.constant 0 : i32
    %dma_wait3A_393 = arith.constant 0 : i32
    %dma_wait3A_394 = arith.constant 0 : i32
    %dma_wait3A_395 = tpu.memref_slice %arg6[%add3A_392, %dma_wait3A, %dma_wait3A_393, %dma_wait3A_394] : memref<4096x8x4x128xf32, #tpu.memory_space<hbm>> -> memref<2x8x4x128xf32, #tpu.memory_space<hbm>>
    %dma_wait3A_396 = arith.constant 0 : i32
    %dma_wait3A_397 = arith.constant 0 : i32
    %dma_wait3A_398 = arith.constant 0 : i32
    %dma_wait3A_399 = tpu.memref_slice %arg6[%add3A_392, %dma_wait3A_396, %dma_wait3A_397, %dma_wait3A_398] : memref<4096x8x4x128xf32, #tpu.memory_space<hbm>> -> memref<2x8x4x128xf32, #tpu.memory_space<hbm>>
    tpu.wait_dma2 semaphore(%arg29 : memref<!tpu.dma_semaphore, #tpu.memory_space<semaphore_mem>>) src(%arg17 : memref<2x8x4x128xf32, #tpu.memory_space<vmem>>) dst(%dma_wait3A_399 : memref<2x8x4x128xf32, #tpu.memory_space<hbm>>)
    %add3A_400 = arith.constant 122 : i32
    %add3A_401 = arith.addi %mul3A_2, %add3A_400 : i32
    %dma_wait3A_402 = arith.constant 0 : i32
    %dma_wait3A_403 = arith.constant 0 : i32
    %dma_wait3A_404 = arith.constant 0 : i32
    %dma_wait3A_405 = tpu.memref_slice %arg6[%add3A_401, %dma_wait3A_402, %dma_wait3A_403, %dma_wait3A_404] : memref<4096x8x4x128xf32, #tpu.memory_space<hbm>> -> memref<2x8x4x128xf32, #tpu.memory_space<hbm>>
    %dma_wait3A_406 = arith.constant 0 : i32
    %dma_wait3A_407 = arith.constant 0 : i32
    %dma_wait3A_408 = arith.constant 0 : i32
    %dma_wait3A_409 = tpu.memref_slice %arg6[%add3A_401, %dma_wait3A_406, %dma_wait3A_407, %dma_wait3A_408] : memref<4096x8x4x128xf32, #tpu.memory_space<hbm>> -> memref<2x8x4x128xf32, #tpu.memory_space<hbm>>
    tpu.wait_dma2 semaphore(%arg30 : memref<!tpu.dma_semaphore, #tpu.memory_space<semaphore_mem>>) src(%arg18 : memref<2x8x4x128xf32, #tpu.memory_space<vmem>>) dst(%dma_wait3A_409 : memref<2x8x4x128xf32, #tpu.memory_space<hbm>>)
    %add3A_410 = arith.constant 124 : i32
    %add3A_411 = arith.addi %mul3A_2, %add3A_410 : i32
    %dma_wait3A_412 = arith.constant 0 : i32
    %dma_wait3A_413 = arith.constant 0 : i32
    %dma_wait3A_414 = arith.constant 0 : i32
    %dma_wait3A_415 = tpu.memref_slice %arg6[%add3A_411, %dma_wait3A_412, %dma_wait3A_413, %dma_wait3A_414] : memref<4096x8x4x128xf32, #tpu.memory_space<hbm>> -> memref<2x8x4x128xf32, #tpu.memory_space<hbm>>
    %dma_wait3A_416 = arith.constant 0 : i32
    %dma_wait3A_417 = arith.constant 0 : i32
    %dma_wait3A_418 = arith.constant 0 : i32
    %dma_wait3A_419 = tpu.memref_slice %arg6[%add3A_411, %dma_wait3A_416, %dma_wait3A_417, %dma_wait3A_418] : memref<4096x8x4x128xf32, #tpu.memory_space<hbm>> -> memref<2x8x4x128xf32, #tpu.memory_space<hbm>>
    tpu.wait_dma2 semaphore(%arg31 : memref<!tpu.dma_semaphore, #tpu.memory_space<semaphore_mem>>) src(%arg19 : memref<2x8x4x128xf32, #tpu.memory_space<vmem>>) dst(%dma_wait3A_419 : memref<2x8x4x128xf32, #tpu.memory_space<hbm>>)
    %add3A_420 = arith.constant 126 : i32
    %add3A_421 = arith.addi %mul3A_2, %add3A_420 : i32
    %dma_wait3A_422 = arith.constant 0 : i32
    %dma_wait3A_423 = arith.constant 0 : i32
    %dma_wait3A_424 = arith.constant 0 : i32
    %dma_wait3A_425 = tpu.memref_slice %arg6[%add3A_421, %dma_wait3A_422, %dma_wait3A_423, %dma_wait3A_424] : memref<4096x8x4x128xf32, #tpu.memory_space<hbm>> -> memref<2x8x4x128xf32, #tpu.memory_space<hbm>>
    %dma_wait3A_426 = arith.constant 0 : i32
    %dma_wait3A_427 = arith.constant 0 : i32
    %dma_wait3A_428 = arith.constant 0 : i32
    %dma_wait3A_429 = tpu.memref_slice %arg6[%add3A_421, %dma_wait3A_426, %dma_wait3A_427, %dma_wait3A_428] : memref<4096x8x4x128xf32, #tpu.memory_space<hbm>> -> memref<2x8x4x128xf32, #tpu.memory_space<hbm>>
    tpu.wait_dma2 semaphore(%arg32 : memref<!tpu.dma_semaphore, #tpu.memory_space<semaphore_mem>>) src(%arg20 : memref<2x8x4x128xf32, #tpu.memory_space<vmem>>) dst(%dma_wait3A_429 : memref<2x8x4x128xf32, #tpu.memory_space<hbm>>)
    return
  }
}

</mosaic_0001>

<sc_bundles>
// kernel: _run.3.cloned.1.call-start
scs
__scs_entry_jumppad:
0x0: {  	(pc) =	sbr.rel $0x88, $3  }
0x1: {  	(tag) =	ssettag $0x0;
	lr =	simm.s32 $0x1  }
0x2: {  	[smem:$0x3F9D] =	sst lr;
	_ =	strace $0xD0000000  }
0x3: {  	_ = 	snop  }
0x4: {  	_ = 	snop  }
0x5: {  	_ = 	snop  }
0x6: {  	_ = 	snop  }
0x7: {  	_ = 	snop  }
__scs_overlays_trampoline_lowered:
0x8: {  	[smem:$0x3FAC] =	sst s0  }
0x9: {  	[smem:$0x3FAD] =	sst s1  }
0xa: {  	[smem:$0x3FAE] =	sst s2  }
0xb: {  	[smem:$0x3FAF] =	sst s3  }
0xc: {  	[smem:$0x3FB0] =	sst s4  }
0xd: {  	[smem:$0x3FB1] =	sst s5  }
0xe: {  	[smem:$0x3FB2] =	sst s6  }
0xf: {  	[smem:$0x3FB3] =	sst s7  }
0x10: {  	[smem:$0x3FB4] =	sst s8  }
0x11: {  	[smem:$0x3FB5] =	sst s9;
	s0 =	simm.s32 @!p0 $0x0  }
0x12: {  	s1 =	sld [smem:$0x3F9B];
	s0 =	simm.s32 @p0 $0x1  }
0x13: {  	[smem:$0x3FB6] =	sst s0;
	s0 =	simm.s32 @!p1 $0x0  }
0x14: {  	s2 =	sld [smem:$0x3F9A];
	s0 =	simm.s32 @p1 $0x1  }
0x15: {  	[smem:$0x3FB7] =	sst s0;
	s0 =	simm.s32 @!p2 $0x0  }
0x16: {  	s3 =	sld [smem:$0x3FDB];
	s0 =	simm.s32 @p2 $0x1  }
0x17: {  	s4 =	simm.s32 $0x1BF5;
	[smem:$0x3FB9] =	sst s0  }
0x18: {  	s0 =	sld [smem:$0x3F9C];
	_ =	swait.ge [sflag:s4], $0x0  }
0x19: {  	s7 =	sld [smem:$0x3F9D]  }
0x1a: {  	s8 =	sadd.s32 $0xFFFFE003, lr  }
0x1b: {  	s9 =	sadd.s32 $0xFFFFFEF7, lr;
	s5 =	simm.s32 $0xFFFFFFFF;
	p2 =	slt.u32 s8, $0xFFFFF086  }
0x1c: {  	p1 =	slt.u32 s9, $0xF7A;
	s5 =	simm.s32 @!p2 $0x0  }
0x1d: {  	s5 =	simm.s32 @p1 $0x1;
	p0 =	seq.s32 s7, s2  }
0x1e: {  	s7 =	smul.u32 @!p0 $0xF7A, s2;
	p2 =	seq.s32 @!p0 s5, $0x0  }
0x1f: {  	s9 =	smul.u32 $0xF7A, s1;
	s8 =	simm.s32 @!p0 $0x1BF5;
	p2 =	por !p2, p0  }
0x20: {  	[sflag:s8] =	ssyncset.s32 @!p0 $0xFFFFF086;
	s6 =	sadd.s32 @!p0 s3, s7;
	s7 =	simm.s32 @!p0 $0x108  }
0x21: {  	s3 =	sadd.s32 s3, s9;
	s6 =	sadd.s32 @!p0 $0x88, s6;
	s7 =	simm.s32 @p2 $0x1082  }
0x22: {  	[simem:s7], [sflag:s8] =	dma.local @!p0 [hbm:s6], $0xF7A  }
0x23: {  	s9 =	sor.u32 $0xD0000000, s2;
	s6 =	simm.s32 $0x108;
	_ =	swait.ge @!p0 [sflag:s8], $0x0  }
0x24: {  	s3 =	sadd.s32 $0x88, s3;
	s6 =	simm.s32 @!p1 $0x1082;
	[sflag:s4] =	ssyncset.s32 $0xFFFFF086  }
0x25: {  	[simem:s6], [sflag:s4] =	dma.local [hbm:s3], $0xF7A  }
0x26: {  	[smem:$0x3F9D] =	sst s1;
	(tag) =	ssettag s2;
	_ =	strace s9  }
0x27: {  	s1 =	sld [smem:$0x3FAD]  }
0x28: {  	s2 =	sld [smem:$0x3FAE]  }
0x29: {  	s4 =	sld [smem:$0x3FB0]  }
0x2a: {  	p0 =	seq.s32 s5, $0x0;
	s5 =	sld [smem:$0x3FB1]  }
0x2b: {  	s6 =	sld [smem:$0x3FB2]  }
0x2c: {  	s7 =	sld [smem:$0x3FB3]  }
0x2d: {  	s3 =	simm.s32 $0x108;
	s8 =	sld [smem:$0x3FB4]  }
0x2e: {  	s3 =	simm.s32 @!p0 $0x1082;
	s9 =	sld [smem:$0x3FB5]  }
0x2f: {  	lr =	sadd.s32 s0, s3;
	s0 =	sld [smem:$0x3FAC]  }
0x30: {  	s3 =	sld [smem:$0x3FAF]  }
0x31: {  	[smem:$0x3FB8] =	sst s10  }
0x32: {  	s10 =	sld [smem:$0x3FB6];
	_ =	sdelay $0x3  }
0x33: {  	p0 =	seq.s32 s10, $0x1;
	s10 =	sld [smem:$0x3FB8];
	_ =	sdelay $0x3  }
0x34: {  	[smem:$0x3FB8] =	sst s10  }
0x35: {  	s10 =	sld [smem:$0x3FB7];
	_ =	sdelay $0x3  }
0x36: {  	p1 =	seq.s32 s10, $0x1;
	s10 =	sld [smem:$0x3FB8];
	_ =	sdelay $0x3  }
0x37: {  	[smem:$0x3FB8] =	sst s10  }
0x38: {  	s10 =	sld [smem:$0x3FB9]  }
0x39: {  	_ = 	snop;
	(pc) =	sbr.ind lr, $3  }
0x3a: {  	_ = 	snop  }
0x3b: {  	_ = 	snop  }
0x3c: {  	p2 =	seq.s32 s10, $0x1;
	s10 =	sld [smem:$0x3FB8]  }
0x3d: {  	_ =	shalt  }
0x3e: {  	_ =	shalt  }
0x3f: {  	_ =	shalt  }
0x40: {  	_ =	shalt  }
0x41: {  	_ =	shalt  }
0x42: {  	_ =	shalt  }
0x43: {  	_ =	shalt  }
0x44: {  	_ =	shalt  }
0x45: {  	_ =	shalt  }
0x46: {  	_ =	shalt  }
0x47: {  	_ =	shalt  }
0x48: {  	_ =	shalt  }
0x49: {  	_ =	shalt  }
0x4a: {  	_ =	shalt  }
0x4b: {  	_ =	shalt  }
0x4c: {  	_ =	shalt  }
0x4d: {  	_ =	shalt  }
0x4e: {  	_ =	shalt  }
0x4f: {  	_ =	shalt  }
0x50: {  	_ =	shalt  }
0x51: {  	_ =	shalt  }
0x52: {  	_ =	shalt  }
0x53: {  	_ =	shalt  }
0x54: {  	_ =	shalt  }
0x55: {  	_ =	shalt  }
0x56: {  	_ =	shalt  }
0x57: {  	_ =	shalt  }
0x58: {  	_ =	shalt  }
0x59: {  	_ =	shalt  }
0x5a: {  	_ =	shalt  }
0x5b: {  	_ =	shalt  }
0x5c: {  	_ =	shalt  }
0x5d: {  	_ =	shalt  }
0x5e: {  	_ =	shalt  }
0x5f: {  	_ =	shalt  }
0x60: {  	_ =	shalt  }
0x61: {  	_ =	shalt  }
0x62: {  	_ =	shalt  }
0x63: {  	_ =	shalt  }
0x64: {  	_ =	shalt  }
0x65: {  	_ =	shalt  }
0x66: {  	_ =	shalt  }
0x67: {  	_ =	shalt  }
0x68: {  	_ =	shalt  }
0x69: {  	_ =	shalt  }
0x6a: {  	_ =	shalt  }
0x6b: {  	_ =	shalt  }
0x6c: {  	_ =	shalt  }
0x6d: {  	_ =	shalt  }
0x6e: {  	_ =	shalt  }
0x6f: {  	_ =	shalt  }
0x70: {  	_ =	shalt  }
0x71: {  	_ =	shalt  }
0x72: {  	_ =	shalt  }
0x73: {  	_ =	shalt  }
0x74: {  	_ =	shalt  }
0x75: {  	_ =	shalt  }
0x76: {  	_ =	shalt  }
0x77: {  	_ =	shalt  }
0x78: {  	_ =	shalt  }
0x79: {  	_ =	shalt  }
0x7a: {  	_ =	shalt  }
0x7b: {  	_ =	shalt  }
0x7c: {  	_ =	shalt  }
0x7d: {  	_ =	shalt  }
0x7e: {  	_ =	shalt  }
0x7f: {  	_ =	shalt  }
0x80: {  	_ =	shalt  }
0x81: {  	_ =	shalt  }
0x82: {  	_ =	shalt  }
0x83: {  	_ =	shalt  }
0x84: {  	_ =	shalt  }
0x85: {  	_ =	shalt  }
0x86: {  	_ =	shalt  }
0x87: {  	_ =	shalt  }
.Lfunc_end0:
.L_simem_size_0:
called_computation_lowered:
.L_overlay_start_0:
0x88: {  	s2 =	sld [smem:$0x3FD9]  }
0x89: {  	s3 =	sld [smem:$0x3FFE];
	_ =	sdelay $0x1  }
0x8a: {  	s1 =	srdreg.scid  }
0x8b: {  	s0 =	sand.u32 $0x1, s1  }
0x8c: {  	s18 =	sshll.u32 s0, $0xA;
	s2 =	sadd.s32 s3, s2  }
0x8d: {  	s2 =	sadd.s32 s2, s18  }
0x8e: {  	[smem:$0x3FC4] =	sst s2  }
0x8f: {  	_ = 	snop  }
0x90: {  	s2 =	sld [smem:$0x3FC9]  }
0x91: {  	s19 =	sld [smem:$0x3FC8]  }
0x92: {  	s4 =	sld [smem:$0x3FC7]  }
0x93: {  	s5 =	sld [smem:$0x3FC6]  }
0x94: {  	s6 =	sld [smem:$0x3FD0];
	(tm) =	ssettm $0x1  }
0x95: {  	s7 =	sld [smem:$0x3FFB];
	_ =	sdelay $0x3  }
0x96: {  	_ =	strace s7  }
0x97: {  	s7 =	sld [smem:$0x3FFC];
	_ =	sdelay $0x3  }
0x98: {  	_ =	strace s7  }
0x99: {  	s7 =	sld [smem:$0x3FFD];
	_ =	sdelay $0x3  }
0x9a: {  	_ =	strace s7  }
0x9b: {  	_ =	strace $0x8FFFFFFF  }
0x9c: {  	s20 =	sld [smem:$0x3FDB];
	_ =	sdelay $0x1  }
0x9d: {  	s8 =	simm.s32 $_scs_section_size  }
0x9e: {  	s9 =	simm.s32 $_size__tile_overlayer_lowered;
	s10 =	simm.s32 $_tile_overlayer_lowered  }
0x9f: {  	s23 =	simm.s32 $0x1BFF;
	s22 =	sshll.u32 s10, $0x1;
	s7 =	sadd.s32 s8, s20  }
0xa0: {  	s11 =	simm.s32 $0x0;
	s21 =	sshll.u32 s9, $0x1;
	s9 =	sadd.s32 s22, s7  }
0xa1: {  	[timem:s11], [sflag:s23] =	dma.local [hbm:s9], s21  }
0xa2: {  	_ =	swait.ge [sflag:s23], s21  }
0xa3: {  	s8 =	ssub.s32 $0x0, s21;
	[sflag:s23] =	ssyncset.done $0x0  }
0xa4: {  	[sflag:s23] =	ssyncadd.s32 s8;
	_ =	sdelay $0x1  }
0xa5: {  	s24 =	simm.s32 $0x1B8B  }
0xa6: {  	_ =	swait.ge [sflag:s24], $0x1  }
0xa7: {  	[sflag:s24] =	ssyncset.done $0x0  }
0xa8: {  	s25 =	simm.s32 $0x1B8E;
	[sflag:s24] =	ssyncadd.s32 $0xFFFFFFFF  }
0xa9: {  	s26 =	simm.s32 $execute0_lowered;
	[smem:$0x3FD2] =	sst s25  }
0xaa: {  	s8 =	sshll.u32 s26, $0x1;
	_ =	strace $0x80000046;
	[dreg:$0x1] =	wrdreg $0xFFFFFFFF  }
0xab: {  	s28 =	simm.s32 $_size_execute0_lowered;
	s7 =	sadd.s32 s7, s8;
	[dreg:$0x0] =	wrdreg $0x0  }
0xac: {  	s8 =	sshll.u32 s28, $0x1;
	[dreg:$0x2] =	wrdreg s7  }
0xad: {  	[dreg:$0x3] =	wrdreg s8  }
0xae: {  	[dreg:$0x4] =	wrdreg $0xC0  }
0xaf: {  	_ =	task [dreg:s11], $0x5FFFF  }
0xb0: {  	[dreg:$0x1] =	wrdreg $0xFFFFFFFF  }
0xb1: {  	[dreg:$0x0] =	wrdreg $0x60  }
0xb2: {  	[dreg:$0x2] =	wrdreg s2  }
0xb3: {  	[dreg:$0x3] =	wrdreg s19  }
0xb4: {  	[dreg:$0x4] =	wrdreg s4  }
0xb5: {  	[dreg:$0x5] =	wrdreg s5  }
0xb6: {  	[dreg:$0x6] =	wrdreg s6  }
0xb7: {  	[dreg:$0x7] =	wrdreg $0x9  }
0xb8: {  	_ =	task.clear_ibuf [dreg:s11], $0x8FFFF;
	_ =	strace $0x90000046  }
0xb9: {  	s29 =	simm.s32 $0x9;
	_ =	strace $0x80000048  }
0xba: {  	_ =	swait.ge [sflag:s29], $0x1  }
0xbb: {  	[sflag:s29] =	ssyncadd.s32 $0xFFFFFFFF  }
0xbc: {  	_ =	strace $0x90000048  }
0xbd: {  	_ =	sfence  }
0xbe: {  	s30 =	sld [smem:$0x0];
	_ =	sdelay $0x2  }
0xbf: {  	s31 =	sshll.u32 s1, $0xD;
	s1 =	sshrl.u32 s1, $0x2  }
0xc0: {  	s3 =	sand.u32 $0x4000, s31;
	s1 =	sadd.s32 s1, s30  }
0xc1: {  	s0 =	sor.u32 s3, s0;
	s1 =	sshll.u32 s1, $0x11  }
0xc2: {  	s0 =	sor.u32 s1, s0  }
0xc3: {  	s0 =	sadd.s32 $0x8F2B, s0  }
0xc4: {  	[sflag:s0] =	ssyncadd.remote.s32 $0x1  }
0xc5: {  	_ =	sfence.sel $0xFFFF  }
0xc6: {  	[dreg:$0x0] =	wrdreg $0xFFFFFFFF;
	(pc) =	sbr.abs _section_cstart, $3  }
0xc7: {  	[dreg:$0x1] =	wrdreg $0xFFFFFFFF  }
0xc8: {  	_ =	task.clear_ibuf [dreg:s11], $0x2FFFF;
	_ =	strace $0x9FFFFFFF  }
0xc9: {  	(tm) =	ssettm $0x7FFFFFFF  }
tec
execute0_lowered:
.L_overlay_start_1:
0x0: {  	(tag) =	ssettag $0x1  }
0x1: {  	s0 =	rddreg [dreg:$0x0]  }
0x2: {  	s2 =	rddreg [dreg:$0x1]  }
0x3: {  	s1 =	rddreg [dreg:$0x2]  }
0x4: {  	s3 =	rddreg [dreg:$0x3]  }
0x5: {  	s4 =	rddreg [dreg:$0x4]  }
0x6: {  	s5 =	srdreg.scid;
	s7 =	stileid.u32;
	s21 =	simm.s32 $0xFC00  }
0x7: {  	s22 =	simm.s32 $0x1;
	s23 =	simm.s32 $0x5;
	s28 =	simm.s32 $0x12400  }
0x8: {  	s29 =	simm.s32 $0x3;
	s30 =	simm.s32 $0x7;
	s31 =	simm.s32 $0x14400  }
0x9: {  	s13 =	simm.s32 $0x16400;
	s11 =	simm.s32 $0x0;
	s6 =	sand.u32 $0x1, s5  }
0xa: {  	s5 =	simm.s32 $0x0;
	s7 =	sshll.u32 s7, $0x8;
	s8 =	sshll.u32 s6, $0x7  }
0xb: {  	[smem:$0x7FF] =	sst s5;
	s9 =	ssub.s32 $0x2, s6;
	s6 =	sor.u32 s8, s7  }
0xc: {  	s10 =	sadd.s32 $0x800, s4;
	_ =	strace $0x80000047;
	s8 =	sshrl.u32 s6, $0x1  }
.Ltmp0:
0xd: {  	s24 =	sshrl.u32 s9, $0x1;
	s0 =	sadd.s32 s0, s8;
	(pc) =	sbr.rel .LBB2_1-.Ltmp0, $4  }
0xe: {  	s7 =	ssub.s32 s9, s24;
	s25 =	sadd.s32 s2, s8;
	[dreg:$0x6] =	wrdreg s0  }
0xf: {  	v0 =	vlaneseq.u32;
	s9 =	sshll.u32 s6, $0x9;
	s26 =	smax.u32 s7, $0x1;
	[dreg:$0x7] =	wrdreg s25  }
0x10: {  	v1 =	vshrl.u32 v0, $0x1;
	s24 =	simm.s32 $0x10400;
	s2 =	simm.s32 $0x8;
	[dreg:$0x8] =	wrdreg s26  }
0x11: {  	vm0 =	vmmov $0xffff;
	v0 =	vand.u32 $0x1, v0;
	v1 =	vmul.u32 $0x8, v1;
	s25 =	simm.s32 $0x2;
	s26 =	simm.s32 $0x6;
	s0 =	simm.s32 $0x4  }
.LBB2_19:
0x12: {  	s7 =	simm.s32 $0x9  }
0x13: {  	_ =	swait.ge [sflag:s7], $0x2000  }
0x14: {  	[sflag:s7] =	ssyncset.done $0x0  }
0x15: {  	s18 =	simm.s32 $0xA;
	[sflag:s7] =	ssyncadd.s32 $0xFFFFE000  }
0x16: {  	_ =	swait.ge [sflag:s18], $0x2000  }
0x17: {  	[sflag:s18] =	ssyncset.done $0x0  }
0x18: {  	s19 =	simm.s32 $0xB;
	[sflag:s18] =	ssyncadd.s32 $0xFFFFE000  }
0x19: {  	_ =	swait.ge [sflag:s19], $0x2000  }
0x1a: {  	[sflag:s19] =	ssyncset.done $0x0  }
0x1b: {  	s8 =	simm.s32 $0xC;
	[sflag:s19] =	ssyncadd.s32 $0xFFFFE000  }
0x1c: {  	_ =	swait.ge [sflag:s8], $0x2000  }
0x1d: {  	s11 =	rddreg [dreg:$0x9]  }
0x1e: {  	s20 =	rddreg [dreg:$0x8];
	s11 =	sadd.s32 $0x1, s11  }
0x1f: {  	p0 =	sne.s32 s11, s20  }
.Ltmp1:
0x20: {  	_ = 	snop;
	(pc) =	sbr.rel @!p0 .LBB2_20-.Ltmp1, $3  }
0x21: {  	_ =	sdelay $0x1  }
0x22: {  	[sflag:s8] =	ssyncset.done $0x0  }
0x23: {  	[sflag:s8] =	ssyncadd.s32 $0xFFFFE000  }
.LBB2_1:
0x24: {  	[dreg:$0x9] =	wrdreg s11  }
0x25: {  	s7 =	rddreg [dreg:$0x6];
	s8 =	simm.s32 $0xD  }
0x26: {  	[tilespmem:s5], [sflag:$0xD] =	stream.linear.gather [hbm4b:s7+s5], $0x200, $0x38;
	[tilespmem:$0x18400] =	vst v63  }
0x27: {  	_ =	swait.ge [sflag:s8], $0x200  }
0x28: {  	[sflag:s8] =	ssyncset.done $0x0  }
0x29: {  	s19 =	simm.s32 $0x200;
	s18 =	rddreg [dreg:$0x7];
	[sflag:s8] =	ssyncadd.s32 $0xFFFFFE00  }
0x2a: {  	[tilespmem:s19], [sflag:$0xD] =	stream.linear.gather [hbm4b:s18+s5], $0x200, $0x38;
	[tilespmem:$0x18400] =	vst v63  }
0x2b: {  	_ =	swait.ge [sflag:s8], $0x200  }
0x2c: {  	[sflag:s8] =	ssyncset.done $0x0  }
0x2d: {  	[sflag:s8] =	ssyncadd.s32 $0xFFFFFE00  }
0x2e: {  	v2 =	vld.msk [tilespmem:$0x0], $0x3;
	_ =	sdelay $0x4  }
0x2f: {  	v3 =	vshll.u32 v2, $0x3  }
0x30: {  	v2 =	vand.u32 $0x7, v2;
	v3 =	vand.u32 $0xFFFFFFC0, v3  }
0x31: {  	v2 =	vor.u32 v2, v3  }
0x32: {  	v2 =	vperm.xlane v2, v0;
	_ =	sdelay $0x1  }
0x33: {  	v2 =	vadd.s32 v1, v2;
	_ =	sdelay $0x3  }
0x34: {  	s20 =	simm.s32 $0x400  }
0x35: {  	[tilespmem:s20], [sflag:$0x1] =	stream.indirect_vreg.gather [hbm4b:s1+s5], $0x80, v2, vm0, $0xb8;
	[tilespmem:$0x18400] =	vst v63  }
0x36: {  	v2 =	vld.msk [tilespmem:$0x200], $0x3;
	_ =	sdelay $0x4  }
0x37: {  	v3 =	vshll.u32 v2, $0x3  }
0x38: {  	v2 =	vand.u32 $0x7, v2;
	v3 =	vand.u32 $0xFFFFFFC0, v3  }
0x39: {  	v2 =	vor.u32 v2, v3  }
0x3a: {  	v2 =	vperm.xlane v2, v0;
	_ =	sdelay $0x1  }
0x3b: {  	v2 =	vadd.s32 v1, v2;
	_ =	sdelay $0x3  }
0x3c: {  	s8 =	simm.s32 $0x8400  }
0x3d: {  	[tilespmem:s8], [sflag:$0x5] =	stream.indirect_vreg.gather [hbm4b:s3+s5], $0x80, v2, vm0, $0xb8;
	[tilespmem:$0x18400] =	vst v63  }
0x3e: {  	v2 =	vld.msk [tilespmem:$0x80], $0x3;
	_ =	sdelay $0x4  }
0x3f: {  	v3 =	vshll.u32 v2, $0x3  }
0x40: {  	v2 =	vand.u32 $0x7, v2;
	v3 =	vand.u32 $0xFFFFFFC0, v3  }
0x41: {  	v2 =	vor.u32 v2, v3  }
0x42: {  	v2 =	vperm.xlane v2, v0;
	_ =	sdelay $0x1  }
0x43: {  	v2 =	vadd.s32 v1, v2;
	_ =	sdelay $0x3  }
0x44: {  	s11 =	simm.s32 $0xC00  }
0x45: {  	[tilespmem:s11], [sflag:$0x1] =	stream.indirect_vreg.gather [hbm4b:s1+s5], $0x80, v2, vm0, $0xb8;
	[tilespmem:$0x18400] =	vst v63  }
0x46: {  	v2 =	vld.msk [tilespmem:$0x280], $0x3;
	_ =	sdelay $0x4  }
0x47: {  	v3 =	vshll.u32 v2, $0x3  }
0x48: {  	v2 =	vand.u32 $0x7, v2;
	v3 =	vand.u32 $0xFFFFFFC0, v3  }
0x49: {  	v2 =	vor.u32 v2, v3  }
0x4a: {  	v2 =	vperm.xlane v2, v0;
	_ =	sdelay $0x1  }
0x4b: {  	v2 =	vadd.s32 v1, v2;
	_ =	sdelay $0x3  }
0x4c: {  	s12 =	simm.s32 $0x8C00  }
0x4d: {  	[tilespmem:s12], [sflag:$0x5] =	stream.indirect_vreg.gather [hbm4b:s3+s5], $0x80, v2, vm0, $0xb8;
	[tilespmem:$0x18400] =	vst v63  }
0x4e: {  	v2 =	vld.msk [tilespmem:$0x100], $0x3;
	_ =	sdelay $0x4  }
0x4f: {  	v3 =	vshll.u32 v2, $0x3  }
0x50: {  	v2 =	vand.u32 $0x7, v2;
	v3 =	vand.u32 $0xFFFFFFC0, v3  }
0x51: {  	v2 =	vor.u32 v2, v3  }
0x52: {  	v2 =	vperm.xlane v2, v0;
	_ =	sdelay $0x1  }
0x53: {  	v2 =	vadd.s32 v1, v2;
	_ =	sdelay $0x3  }
0x54: {  	s14 =	simm.s32 $0x1400  }
0x55: {  	[tilespmem:s14], [sflag:$0x1] =	stream.indirect_vreg.gather [hbm4b:s1+s5], $0x80, v2, vm0, $0xb8;
	[tilespmem:$0x18400] =	vst v63  }
0x56: {  	v2 =	vld.msk [tilespmem:$0x300], $0x3;
	_ =	sdelay $0x4  }
0x57: {  	v3 =	vshll.u32 v2, $0x3  }
0x58: {  	v2 =	vand.u32 $0x7, v2;
	v3 =	vand.u32 $0xFFFFFFC0, v3  }
0x59: {  	v2 =	vor.u32 v2, v3  }
0x5a: {  	v2 =	vperm.xlane v2, v0;
	_ =	sdelay $0x1  }
0x5b: {  	v2 =	vadd.s32 v1, v2;
	_ =	sdelay $0x3  }
0x5c: {  	s15 =	simm.s32 $0x9400  }
0x5d: {  	[tilespmem:s15], [sflag:$0x5] =	stream.indirect_vreg.gather [hbm4b:s3+s5], $0x80, v2, vm0, $0xb8;
	[tilespmem:$0x18400] =	vst v63  }
0x5e: {  	v2 =	vld.msk [tilespmem:$0x180], $0x3;
	_ =	sdelay $0x4  }
0x5f: {  	v3 =	vshll.u32 v2, $0x3  }
0x60: {  	v2 =	vand.u32 $0x7, v2;
	v3 =	vand.u32 $0xFFFFFFC0, v3  }
0x61: {  	v2 =	vor.u32 v2, v3  }
0x62: {  	v2 =	vperm.xlane v2, v0;
	_ =	sdelay $0x1  }
0x63: {  	v2 =	vadd.s32 v1, v2;
	_ =	sdelay $0x3  }
0x64: {  	s16 =	simm.s32 $0x1C00  }
0x65: {  	[tilespmem:s16], [sflag:$0x1] =	stream.indirect_vreg.gather [hbm4b:s1+s5], $0x80, v2, vm0, $0xb8;
	[tilespmem:$0x18400] =	vst v63  }
0x66: {  	v2 =	vld.msk [tilespmem:$0x380], $0x3;
	_ =	sdelay $0x4  }
0x67: {  	v3 =	vshll.u32 v2, $0x3  }
0x68: {  	v2 =	vand.u32 $0x7, v2;
	v3 =	vand.u32 $0xFFFFFFC0, v3  }
0x69: {  	v2 =	vor.u32 v2, v3  }
0x6a: {  	v2 =	vperm.xlane v2, v0;
	_ =	sdelay $0x1  }
0x6b: {  	v2 =	vadd.s32 v1, v2;
	_ =	sdelay $0x3  }
0x6c: {  	s17 =	simm.s32 $0x9C00  }
0x6d: {  	[tilespmem:s17], [sflag:$0x5] =	stream.indirect_vreg.gather [hbm4b:s3+s5], $0x80, v2, vm0, $0xb8;
	[tilespmem:$0x18400] =	vst v63  }
0x6e: {  	v2 =	vld.msk [tilespmem:$0x2], $0x3;
	_ =	sdelay $0x4  }
0x6f: {  	v3 =	vshll.u32 v2, $0x3  }
0x70: {  	v2 =	vand.u32 $0x7, v2;
	v3 =	vand.u32 $0xFFFFFFC0, v3  }
0x71: {  	v2 =	vor.u32 v2, v3  }
0x72: {  	v2 =	vperm.xlane v2, v0;
	_ =	sdelay $0x1  }
0x73: {  	v2 =	vadd.s32 v1, v2;
	_ =	sdelay $0x3  }
0x74: {  	s18 =	simm.s32 $0x2400  }
0x75: {  	[tilespmem:s18], [sflag:$0x2] =	stream.indirect_vreg.gather [hbm4b:s1+s5], $0x80, v2, vm0, $0xb8;
	[tilespmem:$0x18400] =	vst v63  }
0x76: {  	v2 =	vld.msk [tilespmem:$0x202], $0x3;
	_ =	sdelay $0x4  }
0x77: {  	v3 =	vshll.u32 v2, $0x3  }
0x78: {  	v2 =	vand.u32 $0x7, v2;
	v3 =	vand.u32 $0xFFFFFFC0, v3  }
0x79: {  	v2 =	vor.u32 v2, v3  }
0x7a: {  	v2 =	vperm.xlane v2, v0;
	_ =	sdelay $0x1  }
0x7b: {  	v2 =	vadd.s32 v1, v2;
	_ =	sdelay $0x3  }
0x7c: {  	s19 =	simm.s32 $0xA400  }
0x7d: {  	[tilespmem:s19], [sflag:$0x6] =	stream.indirect_vreg.gather [hbm4b:s3+s5], $0x80, v2, vm0, $0xb8;
	[tilespmem:$0x18400] =	vst v63  }
0x7e: {  	v2 =	vld.msk [tilespmem:$0x82], $0x3;
	_ =	sdelay $0x4  }
0x7f: {  	v3 =	vshll.u32 v2, $0x3  }
0x80: {  	v2 =	vand.u32 $0x7, v2;
	v3 =	vand.u32 $0xFFFFFFC0, v3  }
0x81: {  	v2 =	vor.u32 v2, v3  }
0x82: {  	v2 =	vperm.xlane v2, v0;
	_ =	sdelay $0x1  }
0x83: {  	v2 =	vadd.s32 v1, v2;
	_ =	sdelay $0x3  }
0x84: {  	s20 =	simm.s32 $0x2C00  }
0x85: {  	[tilespmem:s20], [sflag:$0x2] =	stream.indirect_vreg.gather [hbm4b:s1+s5], $0x80, v2, vm0, $0xb8;
	[tilespmem:$0x18400] =	vst v63  }
0x86: {  	v2 =	vld.msk [tilespmem:$0x282], $0x3;
	_ =	sdelay $0x4  }
0x87: {  	v3 =	vshll.u32 v2, $0x3  }
0x88: {  	v2 =	vand.u32 $0x7, v2;
	v3 =	vand.u32 $0xFFFFFFC0, v3  }
0x89: {  	v2 =	vor.u32 v2, v3  }
0x8a: {  	v2 =	vperm.xlane v2, v0;
	_ =	sdelay $0x1  }
0x8b: {  	v2 =	vadd.s32 v1, v2;
	_ =	sdelay $0x3  }
0x8c: {  	s8 =	simm.s32 $0xAC00  }
0x8d: {  	[tilespmem:s8], [sflag:$0x6] =	stream.indirect_vreg.gather [hbm4b:s3+s5], $0x80, v2, vm0, $0xb8;
	[tilespmem:$0x18400] =	vst v63  }
0x8e: {  	v2 =	vld.msk [tilespmem:$0x102], $0x3;
	_ =	sdelay $0x4  }
0x8f: {  	v3 =	vshll.u32 v2, $0x3  }
0x90: {  	v2 =	vand.u32 $0x7, v2;
	v3 =	vand.u32 $0xFFFFFFC0, v3  }
0x91: {  	v2 =	vor.u32 v2, v3  }
0x92: {  	v2 =	vperm.xlane v2, v0;
	_ =	sdelay $0x1  }
0x93: {  	v2 =	vadd.s32 v1, v2;
	_ =	sdelay $0x3  }
0x94: {  	s11 =	simm.s32 $0x3400  }
0x95: {  	[tilespmem:s11], [sflag:$0x2] =	stream.indirect_vreg.gather [hbm4b:s1+s5], $0x80, v2, vm0, $0xb8;
	[tilespmem:$0x18400] =	vst v63  }
0x96: {  	v2 =	vld.msk [tilespmem:$0x302], $0x3;
	_ =	sdelay $0x4  }
0x97: {  	v3 =	vshll.u32 v2, $0x3  }
0x98: {  	v2 =	vand.u32 $0x7, v2;
	v3 =	vand.u32 $0xFFFFFFC0, v3  }
0x99: {  	v2 =	vor.u32 v2, v3  }
0x9a: {  	v2 =	vperm.xlane v2, v0;
	_ =	sdelay $0x1  }
0x9b: {  	v2 =	vadd.s32 v1, v2;
	_ =	sdelay $0x3  }
0x9c: {  	s12 =	simm.s32 $0xB400  }
0x9d: {  	[tilespmem:s12], [sflag:$0x6] =	stream.indirect_vreg.gather [hbm4b:s3+s5], $0x80, v2, vm0, $0xb8;
	[tilespmem:$0x18400] =	vst v63  }
0x9e: {  	v2 =	vld.msk [tilespmem:$0x182], $0x3;
	_ =	sdelay $0x4  }
0x9f: {  	v3 =	vshll.u32 v2, $0x3  }
0xa0: {  	v2 =	vand.u32 $0x7, v2;
	v3 =	vand.u32 $0xFFFFFFC0, v3  }
0xa1: {  	v2 =	vor.u32 v2, v3  }
0xa2: {  	v2 =	vperm.xlane v2, v0;
	_ =	sdelay $0x1  }
0xa3: {  	v2 =	vadd.s32 v1, v2;
	_ =	sdelay $0x3  }
0xa4: {  	s14 =	simm.s32 $0x3C00  }
0xa5: {  	[tilespmem:s14], [sflag:$0x2] =	stream.indirect_vreg.gather [hbm4b:s1+s5], $0x80, v2, vm0, $0xb8;
	[tilespmem:$0x18400] =	vst v63  }
0xa6: {  	v2 =	vld.msk [tilespmem:$0x382], $0x3;
	_ =	sdelay $0x4  }
0xa7: {  	v3 =	vshll.u32 v2, $0x3  }
0xa8: {  	v2 =	vand.u32 $0x7, v2;
	v3 =	vand.u32 $0xFFFFFFC0, v3  }
0xa9: {  	v2 =	vor.u32 v2, v3  }
0xaa: {  	v2 =	vperm.xlane v2, v0;
	_ =	sdelay $0x1  }
0xab: {  	v2 =	vadd.s32 v1, v2;
	_ =	sdelay $0x3  }
0xac: {  	s15 =	simm.s32 $0xBC00  }
0xad: {  	[tilespmem:s15], [sflag:$0x6] =	stream.indirect_vreg.gather [hbm4b:s3+s5], $0x80, v2, vm0, $0xb8;
	[tilespmem:$0x18400] =	vst v63  }
0xae: {  	v2 =	vld.msk [tilespmem:$0x4], $0x3;
	_ =	sdelay $0x4  }
0xaf: {  	v3 =	vshll.u32 v2, $0x3  }
0xb0: {  	v2 =	vand.u32 $0x7, v2;
	v3 =	vand.u32 $0xFFFFFFC0, v3  }
0xb1: {  	v2 =	vor.u32 v2, v3  }
0xb2: {  	v2 =	vperm.xlane v2, v0;
	_ =	sdelay $0x1  }
0xb3: {  	v2 =	vadd.s32 v1, v2;
	_ =	sdelay $0x3  }
0xb4: {  	s16 =	simm.s32 $0x4400  }
0xb5: {  	[tilespmem:s16], [sflag:$0x3] =	stream.indirect_vreg.gather [hbm4b:s1+s5], $0x80, v2, vm0, $0xb8;
	[tilespmem:$0x18400] =	vst v63  }
0xb6: {  	v2 =	vld.msk [tilespmem:$0x204], $0x3;
	_ =	sdelay $0x4  }
0xb7: {  	v3 =	vshll.u32 v2, $0x3  }
0xb8: {  	v2 =	vand.u32 $0x7, v2;
	v3 =	vand.u32 $0xFFFFFFC0, v3  }
0xb9: {  	v2 =	vor.u32 v2, v3  }
0xba: {  	v2 =	vperm.xlane v2, v0;
	_ =	sdelay $0x1  }
0xbb: {  	v2 =	vadd.s32 v1, v2;
	_ =	sdelay $0x3  }
0xbc: {  	s17 =	simm.s32 $0xC400  }
0xbd: {  	[tilespmem:s17], [sflag:$0x7] =	stream.indirect_vreg.gather [hbm4b:s3+s5], $0x80, v2, vm0, $0xb8;
	[tilespmem:$0x18400] =	vst v63  }
0xbe: {  	v2 =	vld.msk [tilespmem:$0x84], $0x3;
	_ =	sdelay $0x4  }
0xbf: {  	v3 =	vshll.u32 v2, $0x3  }
0xc0: {  	v2 =	vand.u32 $0x7, v2;
	v3 =	vand.u32 $0xFFFFFFC0, v3  }
0xc1: {  	v2 =	vor.u32 v2, v3  }
0xc2: {  	v2 =	vperm.xlane v2, v0;
	_ =	sdelay $0x1  }
0xc3: {  	v2 =	vadd.s32 v1, v2;
	_ =	sdelay $0x3  }
0xc4: {  	s18 =	simm.s32 $0x4C00  }
0xc5: {  	[tilespmem:s18], [sflag:$0x3] =	stream.indirect_vreg.gather [hbm4b:s1+s5], $0x80, v2, vm0, $0xb8;
	[tilespmem:$0x18400] =	vst v63  }
0xc6: {  	v2 =	vld.msk [tilespmem:$0x284], $0x3;
	_ =	sdelay $0x4  }
0xc7: {  	v3 =	vshll.u32 v2, $0x3  }
0xc8: {  	v2 =	vand.u32 $0x7, v2;
	v3 =	vand.u32 $0xFFFFFFC0, v3  }
0xc9: {  	v2 =	vor.u32 v2, v3  }
0xca: {  	v2 =	vperm.xlane v2, v0;
	_ =	sdelay $0x1  }
0xcb: {  	v2 =	vadd.s32 v1, v2;
	_ =	sdelay $0x3  }
0xcc: {  	s19 =	simm.s32 $0xCC00  }
0xcd: {  	[tilespmem:s19], [sflag:$0x7] =	stream.indirect_vreg.gather [hbm4b:s3+s5], $0x80, v2, vm0, $0xb8;
	[tilespmem:$0x18400] =	vst v63  }
0xce: {  	v2 =	vld.msk [tilespmem:$0x104], $0x3;
	_ =	sdelay $0x4  }
0xcf: {  	v3 =	vshll.u32 v2, $0x3  }
0xd0: {  	v2 =	vand.u32 $0x7, v2;
	v3 =	vand.u32 $0xFFFFFFC0, v3  }
0xd1: {  	v2 =	vor.u32 v2, v3  }
0xd2: {  	v2 =	vperm.xlane v2, v0;
	_ =	sdelay $0x1  }
0xd3: {  	v2 =	vadd.s32 v1, v2;
	_ =	sdelay $0x3  }
0xd4: {  	s20 =	simm.s32 $0x5400  }
0xd5: {  	[tilespmem:s20], [sflag:$0x3] =	stream.indirect_vreg.gather [hbm4b:s1+s5], $0x80, v2, vm0, $0xb8;
	[tilespmem:$0x18400] =	vst v63  }
0xd6: {  	v2 =	vld.msk [tilespmem:$0x304], $0x3;
	_ =	sdelay $0x4  }
0xd7: {  	v3 =	vshll.u32 v2, $0x3  }
0xd8: {  	v2 =	vand.u32 $0x7, v2;
	v3 =	vand.u32 $0xFFFFFFC0, v3  }
0xd9: {  	v2 =	vor.u32 v2, v3  }
0xda: {  	v2 =	vperm.xlane v2, v0;
	_ =	sdelay $0x1  }
0xdb: {  	v2 =	vadd.s32 v1, v2;
	_ =	sdelay $0x3  }
0xdc: {  	s8 =	simm.s32 $0xD400  }
0xdd: {  	[tilespmem:s8], [sflag:$0x7] =	stream.indirect_vreg.gather [hbm4b:s3+s5], $0x80, v2, vm0, $0xb8;
	[tilespmem:$0x18400] =	vst v63  }
0xde: {  	v2 =	vld.msk [tilespmem:$0x184], $0x3;
	_ =	sdelay $0x4  }
0xdf: {  	v3 =	vshll.u32 v2, $0x3  }
0xe0: {  	v2 =	vand.u32 $0x7, v2;
	v3 =	vand.u32 $0xFFFFFFC0, v3  }
0xe1: {  	v2 =	vor.u32 v2, v3  }
0xe2: {  	v2 =	vperm.xlane v2, v0;
	_ =	sdelay $0x1  }
0xe3: {  	v2 =	vadd.s32 v1, v2;
	_ =	sdelay $0x3  }
0xe4: {  	s11 =	simm.s32 $0x5C00  }
0xe5: {  	[tilespmem:s11], [sflag:$0x3] =	stream.indirect_vreg.gather [hbm4b:s1+s5], $0x80, v2, vm0, $0xb8;
	[tilespmem:$0x18400] =	vst v63  }
0xe6: {  	v2 =	vld.msk [tilespmem:$0x384], $0x3;
	_ =	sdelay $0x4  }
0xe7: {  	v3 =	vshll.u32 v2, $0x3  }
0xe8: {  	v2 =	vand.u32 $0x7, v2;
	v3 =	vand.u32 $0xFFFFFFC0, v3  }
0xe9: {  	v2 =	vor.u32 v2, v3  }
0xea: {  	v2 =	vperm.xlane v2, v0;
	_ =	sdelay $0x1  }
0xeb: {  	v2 =	vadd.s32 v1, v2;
	_ =	sdelay $0x3  }
0xec: {  	s12 =	simm.s32 $0xDC00  }
0xed: {  	[tilespmem:s12], [sflag:$0x7] =	stream.indirect_vreg.gather [hbm4b:s3+s5], $0x80, v2, vm0, $0xb8;
	[tilespmem:$0x18400] =	vst v63  }
0xee: {  	v2 =	vld.msk [tilespmem:$0x6], $0x3;
	_ =	sdelay $0x4  }
0xef: {  	v3 =	vshll.u32 v2, $0x3  }
0xf0: {  	v2 =	vand.u32 $0x7, v2;
	v3 =	vand.u32 $0xFFFFFFC0, v3  }
0xf1: {  	v2 =	vor.u32 v2, v3  }
0xf2: {  	v2 =	vperm.xlane v2, v0;
	_ =	sdelay $0x1  }
0xf3: {  	v2 =	vadd.s32 v1, v2;
	_ =	sdelay $0x3  }
0xf4: {  	s14 =	simm.s32 $0x6400  }
0xf5: {  	[tilespmem:s14], [sflag:$0x4] =	stream.indirect_vreg.gather [hbm4b:s1+s5], $0x80, v2, vm0, $0xb8;
	[tilespmem:$0x18400] =	vst v63  }
0xf6: {  	v2 =	vld.msk [tilespmem:$0x206], $0x3;
	_ =	sdelay $0x4  }
0xf7: {  	v3 =	vshll.u32 v2, $0x3  }
0xf8: {  	v2 =	vand.u32 $0x7, v2;
	v3 =	vand.u32 $0xFFFFFFC0, v3  }
0xf9: {  	v2 =	vor.u32 v2, v3  }
0xfa: {  	v2 =	vperm.xlane v2, v0;
	_ =	sdelay $0x1  }
0xfb: {  	v2 =	vadd.s32 v1, v2;
	_ =	sdelay $0x3  }
0xfc: {  	s15 =	simm.s32 $0xE400  }
0xfd: {  	[tilespmem:s15], [sflag:$0x8] =	stream.indirect_vreg.gather [hbm4b:s3+s5], $0x80, v2, vm0, $0xb8;
	[tilespmem:$0x18400] =	vst v63  }
0xfe: {  	v2 =	vld.msk [tilespmem:$0x86], $0x3;
	_ =	sdelay $0x4  }
0xff: {  	v3 =	vshll.u32 v2, $0x3  }
0x100: {  	v2 =	vand.u32 $0x7, v2;
	v3 =	vand.u32 $0xFFFFFFC0, v3  }
0x101: {  	v2 =	vor.u32 v2, v3  }
0x102: {  	v2 =	vperm.xlane v2, v0;
	_ =	sdelay $0x1  }
0x103: {  	v2 =	vadd.s32 v1, v2;
	_ =	sdelay $0x3  }
0x104: {  	s16 =	simm.s32 $0x6C00  }
0x105: {  	[tilespmem:s16], [sflag:$0x4] =	stream.indirect_vreg.gather [hbm4b:s1+s5], $0x80, v2, vm0, $0xb8;
	[tilespmem:$0x18400] =	vst v63  }
0x106: {  	v2 =	vld.msk [tilespmem:$0x286], $0x3;
	_ =	sdelay $0x4  }
0x107: {  	v3 =	vshll.u32 v2, $0x3  }
0x108: {  	v2 =	vand.u32 $0x7, v2;
	v3 =	vand.u32 $0xFFFFFFC0, v3  }
0x109: {  	v2 =	vor.u32 v2, v3  }
0x10a: {  	v2 =	vperm.xlane v2, v0;
	_ =	sdelay $0x1  }
0x10b: {  	v2 =	vadd.s32 v1, v2;
	_ =	sdelay $0x3  }
0x10c: {  	s17 =	simm.s32 $0xEC00  }
0x10d: {  	[tilespmem:s17], [sflag:$0x8] =	stream.indirect_vreg.gather [hbm4b:s3+s5], $0x80, v2, vm0, $0xb8;
	[tilespmem:$0x18400] =	vst v63  }
0x10e: {  	v2 =	vld.msk [tilespmem:$0x106], $0x3;
	_ =	sdelay $0x4  }
0x10f: {  	v3 =	vshll.u32 v2, $0x3  }
0x110: {  	v2 =	vand.u32 $0x7, v2;
	v3 =	vand.u32 $0xFFFFFFC0, v3  }
0x111: {  	v2 =	vor.u32 v2, v3  }
0x112: {  	v2 =	vperm.xlane v2, v0;
	_ =	sdelay $0x1  }
0x113: {  	v2 =	vadd.s32 v1, v2;
	_ =	sdelay $0x3  }
0x114: {  	s18 =	simm.s32 $0x7400  }
0x115: {  	[tilespmem:s18], [sflag:$0x4] =	stream.indirect_vreg.gather [hbm4b:s1+s5], $0x80, v2, vm0, $0xb8;
	[tilespmem:$0x18400] =	vst v63  }
0x116: {  	v2 =	vld.msk [tilespmem:$0x306], $0x3;
	_ =	sdelay $0x4  }
0x117: {  	v3 =	vshll.u32 v2, $0x3  }
0x118: {  	v2 =	vand.u32 $0x7, v2;
	v3 =	vand.u32 $0xFFFFFFC0, v3  }
0x119: {  	v2 =	vor.u32 v2, v3  }
0x11a: {  	v2 =	vperm.xlane v2, v0;
	_ =	sdelay $0x1  }
0x11b: {  	v2 =	vadd.s32 v1, v2;
	_ =	sdelay $0x3  }
0x11c: {  	s19 =	simm.s32 $0xF400  }
0x11d: {  	[tilespmem:s19], [sflag:$0x8] =	stream.indirect_vreg.gather [hbm4b:s3+s5], $0x80, v2, vm0, $0xb8;
	[tilespmem:$0x18400] =	vst v63  }
0x11e: {  	v2 =	vld.msk [tilespmem:$0x186], $0x3;
	_ =	sdelay $0x4  }
0x11f: {  	v3 =	vshll.u32 v2, $0x3  }
0x120: {  	v2 =	vand.u32 $0x7, v2;
	v3 =	vand.u32 $0xFFFFFFC0, v3  }
0x121: {  	v2 =	vor.u32 v2, v3  }
0x122: {  	v2 =	vperm.xlane v2, v0;
	_ =	sdelay $0x1  }
0x123: {  	v2 =	vadd.s32 v1, v2;
	_ =	sdelay $0x3  }
0x124: {  	s20 =	simm.s32 $0x7C00  }
0x125: {  	[tilespmem:s20], [sflag:$0x4] =	stream.indirect_vreg.gather [hbm4b:s1+s5], $0x80, v2, vm0, $0xb8;
	[tilespmem:$0x18400] =	vst v63  }
0x126: {  	v2 =	vld.msk [tilespmem:$0x386], $0x3;
	_ =	sdelay $0x4  }
0x127: {  	v3 =	vshll.u32 v2, $0x3  }
0x128: {  	v2 =	vand.u32 $0x7, v2;
	v3 =	vand.u32 $0xFFFFFFC0, v3  }
0x129: {  	v2 =	vor.u32 v2, v3  }
0x12a: {  	v2 =	vperm.xlane v2, v0;
	_ =	sdelay $0x1  }
0x12b: {  	v2 =	vadd.s32 v1, v2  }
.Ltmp2:
0x12c: {  	_ = 	snop;
	(pc) =	sbr.rel .LBB2_2-.Ltmp2, $3  }
0x12d: {  	_ =	sdelay $0x1  }
0x12e: {  	s7 =	simm.s32 $0x0  }
0x12f: {  	[tilespmem:s21], [sflag:$0x8] =	stream.indirect_vreg.gather [hbm4b:s3+s5], $0x80, v2, vm0, $0xb8;
	[tilespmem:$0x18400] =	vst v63  }
.LBB2_18:
0x130: {  	s7 =	sadd.s32 $0x1, s7  }
0x131: {  	p0 =	sne.s32 s7, $0x10  }
.Ltmp3:
0x132: {  	_ = 	snop;
	(pc) =	sbr.rel @!p0 .LBB2_19-.Ltmp3, $3  }
0x133: {  	_ =	sdelay $0x1  }
0x134: {  	s8 =	sadd.s32 $0xC00, s12  }
0x135: {  	[hbm4b:s8+s5] =	stream.linear.scatter [tilespmem:s13], [sflag:$0xC], $0x2000, $0x38;
	[tilespmem:$0x18400] =	vst v63  }
.LBB2_2:
0x136: {  	_ =	swait.ge [sflag:s22], $0x800  }
0x137: {  	[sflag:s22] =	ssyncset.done $0x0  }
0x138: {  	[sflag:s22] =	ssyncadd.s32 $0xFFFFF800  }
0x139: {  	_ =	swait.ge [sflag:s23], $0x800  }
0x13a: {  	[sflag:s23] =	ssyncset.done $0x0  }
0x13b: {  	[sflag:s23] =	ssyncadd.s32 $0xFFFFF800  }
0x13c: {  	_ =	swait.ge [sflag:s22], $0x800  }
0x13d: {  	[sflag:s22] =	ssyncset.done $0x0  }
0x13e: {  	[sflag:s22] =	ssyncadd.s32 $0xFFFFF800  }
0x13f: {  	_ =	swait.ge [sflag:s23], $0x800  }
0x140: {  	[sflag:s23] =	ssyncset.done $0x0  }
0x141: {  	[sflag:s23] =	ssyncadd.s32 $0xFFFFF800  }
0x142: {  	_ =	swait.ge [sflag:s22], $0x800  }
0x143: {  	[sflag:s22] =	ssyncset.done $0x0  }
0x144: {  	[sflag:s22] =	ssyncadd.s32 $0xFFFFF800  }
0x145: {  	_ =	swait.ge [sflag:s23], $0x800  }
0x146: {  	[sflag:s23] =	ssyncset.done $0x0  }
0x147: {  	[sflag:s23] =	ssyncadd.s32 $0xFFFFF800  }
0x148: {  	_ =	swait.ge [sflag:s22], $0x800  }
0x149: {  	[sflag:s22] =	ssyncset.done $0x0  }
0x14a: {  	[sflag:s22] =	ssyncadd.s32 $0xFFFFF800  }
0x14b: {  	_ =	swait.ge [sflag:s23], $0x800  }
0x14c: {  	p0 =	seq.s32 s7, $0x0;
	[sflag:s23] =	ssyncset.done $0x0  }
0x14d: {  	s11 =	simm.s32 $0x0;
	s8 =	simm.s32 @!p0 $0x9;
	[sflag:s23] =	ssyncadd.s32 $0xFFFFF800  }
0x14e: {  	s12 =	simm.s32 $0x0;
	s14 =	sand.u32 $0x1, s11;
	_ =	swait.ge @!p0 [sflag:s8], $0x2000  }
0x14f: {  	s12 =	sand.u32 $0xFFFFF800, s12;
	s15 =	sshll.u32 s14, $0x7;
	[sflag:s8] =	ssyncset.done @!p0 $0x0  }
0x150: {  	s12 =	sor.u32 s12, s15;
	[sflag:s8] =	ssyncadd.s32 @!p0 $0xFFFFE000  }
0x151: {  	v2 =	vld [tilespmem:s12+$0xB00]  }
0x152: {  	v3 =	vld [tilespmem:s12+$0x8B00]  }
0x153: {  	v4 =	vld [tilespmem:s12+$0x400]  }
0x154: {  	v5 =	vld [tilespmem:s12+$0x8400]  }
0x155: {  	v6 =	vld [tilespmem:s12+$0x500]  }
0x156: {  	v7 =	vld [tilespmem:s12+$0x8500]  }
0x157: {  	v8 =	vld [tilespmem:s12+$0x600]  }
0x158: {  	v9 =	vld [tilespmem:s12+$0x700]  }
0x159: {  	v11 =	vld [tilespmem:s12+$0x8700]  }
0x15a: {  	s20 =	simm.s32 $0x0;
	v12 =	vld [tilespmem:s12+$0x800]  }
0x15b: {  	s14 =	sshll.u32 s14, $0xC;
	s8 =	sand.u32 $0x3FFFFF80, s20;
	v13 =	vld [tilespmem:s12+$0x8800]  }
0x15c: {  	s8 =	sadd.s32 s8, s14;
	v14 =	vld [tilespmem:s12+$0x900];
	v2 =	vadd.f32 v3, v2  }
0x15d: {  	s14 =	sadd.s32 $0x10400, s8;
	v3 =	vld [tilespmem:s12+$0x8600]  }
0x15e: {  	v15 =	vld [tilespmem:s12+$0x8900];
	[tilespmem:s14+$0xE00] =	vst v2  }
0x15f: {  	v4 =	vadd.f32 v5, v4;
	v2 =	vld [tilespmem:s12+$0xB10]  }
0x160: {  	v10 =	vld [tilespmem:s12+$0x8B10]  }
0x161: {  	v5 =	vld [tilespmem:s12+$0x8A00];
	[tilespmem:s8+$0x10400] =	vst v4;
	v4 =	vadd.f32 v7, v6  }
0x162: {  	v7 =	vld [tilespmem:s12+$0x410];
	v3 =	vadd.f32 v3, v8  }
0x163: {  	[tilespmem:s14+$0x200] =	vst v4;
	v4 =	vld [tilespmem:s12+$0x8410]  }
0x164: {  	v8 =	vld [tilespmem:s12+$0x510];
	[tilespmem:s14+$0x400] =	vst v3;
	v3 =	vadd.f32 v11, v9  }
0x165: {  	v9 =	vld [tilespmem:s12+$0x8510];
	v2 =	vadd.f32 v10, v2  }
0x166: {  	v11 =	vld [tilespmem:s12+$0x610];
	[tilespmem:s14+$0x600] =	vst v3  }
0x167: {  	v3 =	vld [tilespmem:s12+$0x8610];
	[tilespmem:s14+$0xE10] =	vst v2  }
0x168: {  	v2 =	vld [tilespmem:s12+$0xB20]  }
0x169: {  	v4 =	vadd.f32 v4, v7;
	v6 =	vld [tilespmem:s12+$0x8B20]  }
0x16a: {  	v10 =	vld [tilespmem:s12+$0xA00]  }
0x16b: {  	v36 =	vld [tilespmem:s12+$0x8710];
	[tilespmem:s14+$0x10] =	vst v4;
	v4 =	vadd.f32 v9, v8  }
0x16c: {  	v9 =	vld [tilespmem:s12+$0x420]  }
0x16d: {  	[tilespmem:s14+$0x210] =	vst v4;
	v3 =	vadd.f32 v3, v11;
	v4 =	vld [tilespmem:s12+$0x8420]  }
0x16e: {  	v11 =	vld [tilespmem:s12+$0x520];
	v2 =	vadd.f32 v6, v2  }
0x16f: {  	v6 =	vld [tilespmem:s12+$0x710];
	[tilespmem:s14+$0x410] =	vst v3  }
0x170: {  	v39 =	vld [tilespmem:s12+$0x620];
	[tilespmem:s14+$0xE20] =	vst v2;
	v2 =	vadd.f32 v13, v12  }
0x171: {  	v34 =	vld [tilespmem:s12+$0xB30]  }
0x172: {  	v35 =	vld [tilespmem:s12+$0x8B30];
	[tilespmem:s14+$0x800] =	vst v2  }
0x173: {  	v2 =	vadd.f32 v15, v14;
	v37 =	vld [tilespmem:s12+$0x810]  }
0x174: {  	v3 =	vadd.f32 v36, v6;
	v6 =	vld [tilespmem:s12+$0x8520]  }
0x175: {  	[tilespmem:s14+$0xA00] =	vst v2;
	v2 =	vadd.f32 v5, v10;
	v5 =	vld [tilespmem:s12+$0x8810]  }
0x176: {  	v10 =	vld [tilespmem:s12+$0x910]  }
0x177: {  	[tilespmem:s14+$0x610] =	vst v3;
	v3 =	vld [tilespmem:s12+$0x8620]  }
0x178: {  	[tilespmem:s14+$0xC00] =	vst v2;
	v2 =	vld [tilespmem:s12+$0x8910]  }
0x179: {  	v12 =	vadd.f32 v35, v34;
	v40 =	vld [tilespmem:s12+$0x720]  }
0x17a: {  	v38 =	vld [tilespmem:s12+$0xA10]  }
0x17b: {  	v4 =	vadd.f32 v4, v9;
	v7 =	vld [tilespmem:s12+$0x8A10];
	[tilespmem:s14+$0xE30] =	vst v12  }
0x17c: {  	v12 =	vld [tilespmem:s12+$0xB40]  }
0x17d: {  	[tilespmem:s14+$0x20] =	vst v4;
	v4 =	vadd.f32 v6, v11;
	v8 =	vld [tilespmem:s12+$0x8B40]  }
0x17e: {  	v11 =	vld [tilespmem:s12+$0x430];
	v5 =	vadd.f32 v5, v37  }
0x17f: {  	[tilespmem:s14+$0x220] =	vst v4;
	v4 =	vld [tilespmem:s12+$0x8430];
	v2 =	vadd.f32 v2, v10  }
0x180: {  	[tilespmem:s14+$0x810] =	vst v5;
	v5 =	vld [tilespmem:s12+$0x8720]  }
0x181: {  	v44 =	vld [tilespmem:s12+$0x530];
	[tilespmem:s14+$0xA10] =	vst v2;
	v2 =	vadd.f32 v7, v38  }
0x182: {  	v10 =	vld [tilespmem:s12+$0x820];
	v8 =	vadd.f32 v8, v12  }
0x183: {  	v42 =	vld [tilespmem:s12+$0x920];
	[tilespmem:s14+$0xC10] =	vst v2  }
0x184: {  	v2 =	vld [tilespmem:s12+$0x8920];
	[tilespmem:s14+$0xE40] =	vst v8  }
0x185: {  	v8 =	vld [tilespmem:s12+$0xB50]  }
0x186: {  	v41 =	vld [tilespmem:s12+$0x8B50]  }
0x187: {  	v3 =	vadd.f32 v3, v39;
	v7 =	vld [tilespmem:s12+$0x8820]  }
0x188: {  	v43 =	vld [tilespmem:s12+$0xA20]  }
0x189: {  	[tilespmem:s14+$0x420] =	vst v3;
	v9 =	vld [tilespmem:s12+$0x8A20];
	v3 =	vadd.f32 v5, v40  }
0x18a: {  	v45 =	vld [tilespmem:s12+$0x630];
	v2 =	vadd.f32 v2, v42  }
0x18b: {  	v5 =	vld [tilespmem:s12+$0x8530];
	[tilespmem:s14+$0x620] =	vst v3;
	v8 =	vadd.f32 v41, v8  }
0x18c: {  	v3 =	vld [tilespmem:s12+$0x8630];
	[tilespmem:s14+$0xA20] =	vst v2  }
0x18d: {  	v47 =	vld [tilespmem:s12+$0x930];
	[tilespmem:s14+$0xE50] =	vst v8  }
0x18e: {  	v2 =	vadd.f32 v9, v43;
	v8 =	vld [tilespmem:s12+$0xB60]  }
0x18f: {  	v6 =	vld [tilespmem:s12+$0x8B60]  }
0x190: {  	[tilespmem:s14+$0xC20] =	vst v2;
	v2 =	vadd.f32 v4, v11;
	v4 =	vld [tilespmem:s12+$0x8930]  }
0x191: {  	v11 =	vld [tilespmem:s12+$0xA30]  }
0x192: {  	[tilespmem:s14+$0x30] =	vst v2;
	v2 =	vadd.f32 v5, v44;
	v5 =	vld [tilespmem:s12+$0x8A30]  }
0x193: {  	v48 =	vld [tilespmem:s12+$0x440]  }
0x194: {  	[tilespmem:s14+$0x230] =	vst v2;
	v2 =	vadd.f32 v3, v45;
	v3 =	vld [tilespmem:s12+$0x8440];
	v6 =	vadd.f32 v6, v8  }
0x195: {  	v49 =	vld [tilespmem:s12+$0x540]  }
0x196: {  	v8 =	vld [tilespmem:s12+$0x730];
	[tilespmem:s14+$0xE60] =	vst v6;
	v6 =	vadd.f32 v7, v10  }
0x197: {  	v7 =	vld [tilespmem:s12+$0xB70]  }
0x198: {  	[tilespmem:s14+$0x820] =	vst v6;
	v6 =	vld [tilespmem:s12+$0x8730]  }
0x199: {  	v3 =	vadd.f32 v3, v48;
	v46 =	vld [tilespmem:s12+$0x830]  }
0x19a: {  	v9 =	vld [tilespmem:s12+$0x8830]  }
0x19b: {  	v10 =	vld [tilespmem:s12+$0x8B70];
	[tilespmem:s14+$0x40] =	vst v3  }
0x19c: {  	v53 =	vld [tilespmem:s12+$0x450]  }
0x19d: {  	[tilespmem:s14+$0x430] =	vst v2;
	v2 =	vadd.f32 v6, v8;
	v6 =	vld [tilespmem:s12+$0x8540]  }
0x19e: {  	v8 =	vld [tilespmem:s12+$0x640]  }
0x19f: {  	[tilespmem:s14+$0x630] =	vst v2;
	v2 =	vadd.f32 v9, v46;
	v9 =	vld [tilespmem:s12+$0x8640]  }
0x1a0: {  	v50 =	vld [tilespmem:s12+$0x740]  }
0x1a1: {  	[tilespmem:s14+$0x830] =	vst v2;
	v2 =	vadd.f32 v4, v47;
	v4 =	vld [tilespmem:s12+$0x8740]  }
0x1a2: {  	v51 =	vld [tilespmem:s12+$0x840]  }
0x1a3: {  	v3 =	vadd.f32 v6, v49;
	[tilespmem:s14+$0xA30] =	vst v2;
	v2 =	vadd.f32 v5, v11;
	v5 =	vld [tilespmem:s12+$0x8840]  }
0x1a4: {  	v11 =	vld [tilespmem:s12+$0x940]  }
0x1a5: {  	[tilespmem:s14+$0x240] =	vst v3;
	v3 =	vadd.f32 v9, v8;
	v8 =	vld [tilespmem:s12+$0x8450]  }
0x1a6: {  	[tilespmem:s14+$0xC30] =	vst v2;
	v2 =	vld [tilespmem:s12+$0x8940]  }
0x1a7: {  	v9 =	vld [tilespmem:s12+$0x550]  }
0x1a8: {  	v52 =	vld [tilespmem:s12+$0xA40]  }
0x1a9: {  	v6 =	vld [tilespmem:s12+$0x8A40]  }
0x1aa: {  	[tilespmem:s14+$0x440] =	vst v3;
	v3 =	vadd.f32 v4, v50;
	v4 =	vld [tilespmem:s12+$0x8550]  }
0x1ab: {  	v54 =	vld [tilespmem:s12+$0x650]  }
0x1ac: {  	[tilespmem:s14+$0x640] =	vst v3;
	v3 =	vadd.f32 v5, v51;
	v5 =	vld [tilespmem:s12+$0x8650]  }
0x1ad: {  	v55 =	vld [tilespmem:s12+$0x750];
	v8 =	vadd.f32 v8, v53  }
0x1ae: {  	[tilespmem:s14+$0x840] =	vst v3;
	v2 =	vadd.f32 v2, v11;
	v3 =	vld [tilespmem:s12+$0x8750]  }
0x1af: {  	v11 =	vld [tilespmem:s12+$0x850];
	[tilespmem:s14+$0x50] =	vst v8  }
0x1b0: {  	[tilespmem:s14+$0xA40] =	vst v2;
	v2 =	vadd.f32 v6, v52;
	v6 =	vld [tilespmem:s12+$0x8850]  }
0x1b1: {  	v4 =	vadd.f32 v4, v9;
	v9 =	vld [tilespmem:s12+$0x460]  }
0x1b2: {  	v56 =	vld [tilespmem:s12+$0x950]  }
0x1b3: {  	[tilespmem:s14+$0x250] =	vst v4;
	v4 =	vadd.f32 v5, v54;
	v5 =	vld [tilespmem:s12+$0x8460]  }
0x1b4: {  	[tilespmem:s14+$0xC40] =	vst v2;
	v2 =	vld [tilespmem:s12+$0x8950]  }
0x1b5: {  	v58 =	vld [tilespmem:s12+$0x560]  }
0x1b6: {  	v57 =	vld [tilespmem:s12+$0xA50]  }
0x1b7: {  	v8 =	vld [tilespmem:s12+$0x8A50]  }
0x1b8: {  	[tilespmem:s14+$0x450] =	vst v4;
	v3 =	vadd.f32 v3, v55;
	v4 =	vld [tilespmem:s12+$0x8560]  }
0x1b9: {  	v59 =	vld [tilespmem:s12+$0x660]  }
0x1ba: {  	[tilespmem:s14+$0x650] =	vst v3;
	v3 =	vadd.f32 v6, v11;
	v6 =	vld [tilespmem:s12+$0x8660]  }
0x1bb: {  	v11 =	vld [tilespmem:s12+$0x760];
	v5 =	vadd.f32 v5, v9  }
0x1bc: {  	[tilespmem:s14+$0x850] =	vst v3;
	v2 =	vadd.f32 v2, v56;
	v3 =	vld [tilespmem:s12+$0x8760]  }
0x1bd: {  	v60 =	vld [tilespmem:s12+$0x860];
	[tilespmem:s14+$0x60] =	vst v5  }
0x1be: {  	[tilespmem:s14+$0xA50] =	vst v2;
	v2 =	vadd.f32 v8, v57;
	v8 =	vld [tilespmem:s12+$0x8860]  }
0x1bf: {  	v62 =	vld [tilespmem:s12+$0x470]  }
0x1c0: {  	v63 =	vld [tilespmem:s12+$0x8470]  }
0x1c1: {  	v61 =	vld [tilespmem:s12+$0x960]  }
0x1c2: {  	v4 =	vadd.f32 v4, v58;
	[tilespmem:s14+$0xC50] =	vst v2;
	v2 =	vld [tilespmem:s12+$0x8960]  }
0x1c3: {  	v9 =	vld [tilespmem:s12+$0xA60]  }
0x1c4: {  	[tilespmem:s14+$0x260] =	vst v4;
	v4 =	vadd.f32 v6, v59;
	v5 =	vld [tilespmem:s12+$0x8A60]  }
0x1c5: {  	v6 =	vadd.f32 v10, v7;
	v7 =	vld [tilespmem:s12+$0x570]  }
0x1c6: {  	v10 =	vld [tilespmem:s12+$0x8570];
	[tilespmem:s14+$0x460] =	vst v4;
	v4 =	vadd.f32 v3, v11  }
0x1c7: {  	[tilespmem:s14+$0xE70] =	vst v6;
	v3 =	vld [tilespmem:s12+$0x670];
	v8 =	vadd.f32 v8, v60  }
0x1c8: {  	v6 =	vld [tilespmem:s12+$0x8670];
	[tilespmem:s14+$0x660] =	vst v4;
	v4 =	vadd.f32 v2, v61  }
0x1c9: {  	[tilespmem:s14+$0x860] =	vst v8;
	v2 =	vld [tilespmem:s12+$0x770];
	v8 =	vadd.f32 v5, v9  }
0x1ca: {  	v9 =	vadd.f32 v63, v62;
	v5 =	vld [tilespmem:s12+$0x8770];
	[tilespmem:s14+$0xA60] =	vst v4  }
0x1cb: {  	v4 =	vld [tilespmem:s12+$0x870];
	[tilespmem:s14+$0xC60] =	vst v8;
	v8 =	vadd.f32 v10, v7  }
0x1cc: {  	s15 =	simm.s32 $0x0;
	s8 =	sshll.u32 s7, $0x3;
	[tilespmem:s14+$0x70] =	vst v9;
	v7 =	vld [tilespmem:s12+$0x8870]  }
.LBB2_3:
0x1cd: {  	s15 =	sadd.s32 $0x8, s15;
	[tilespmem:s14+$0x270] =	vst v8;
	v3 =	vadd.f32 v6, v3;
	v6 =	vld [tilespmem:s12+$0x970];
	s11 =	sadd.s32 $0x1, s11  }
0x1ce: {  	s16 =	sand.u32 $0x1, s11;
	s17 =	sshll.u32 s15, $0x7;
	p1 =	slt.u32 s15, $0x38;
	v8 =	vld [tilespmem:s12+$0x8970]  }
0x1cf: {  	s17 =	sand.u32 $0xFFFFF800, s17;
	s18 =	sshll.u32 s16, $0x7;
	[tilespmem:s14+$0x470] =	vst v3;
	v2 =	vadd.f32 v5, v2;
	v3 =	vld [tilespmem:s12+$0xA70]  }
0x1d0: {  	v5 =	vld [tilespmem:s12+$0x8A70];
	s12 =	sor.u32 s17, s18  }
0x1d1: {  	v9 =	vld [tilespmem:s12+$0xB00];
	[tilespmem:s14+$0x670] =	vst v2;
	v2 =	vadd.f32 v7, v4  }
0x1d2: {  	v4 =	vld [tilespmem:s12+$0x8B00]  }
0x1d3: {  	v7 =	vld [tilespmem:s12+$0x400];
	[tilespmem:s14+$0x870] =	vst v2;
	v2 =	vadd.f32 v8, v6  }
0x1d4: {  	v6 =	vld [tilespmem:s12+$0x8400]  }
0x1d5: {  	s17 =	sshll.u32 s15, $0x3;
	v8 =	vld [tilespmem:s12+$0x500];
	[tilespmem:s14+$0xA70] =	vst v2;
	v2 =	vadd.f32 v5, v3  }
0x1d6: {  	s16 =	sshll.u32 s16, $0xC;
	s17 =	sand.u32 $0x3FFFFF80, s17;
	v3 =	vld [tilespmem:s12+$0x8500]  }
0x1d7: {  	s16 =	sadd.s32 s17, s16;
	v5 =	vld [tilespmem:s12+$0x600];
	v4 =	vadd.f32 v4, v9;
	[tilespmem:s14+$0xC70] =	vst v2  }
0x1d8: {  	s14 =	sadd.s32 $0x10400, s16;
	v2 =	vld [tilespmem:s12+$0x8600]  }
0x1d9: {  	v6 =	vadd.f32 v6, v7;
	v7 =	vld [tilespmem:s12+$0x700];
	[tilespmem:s14+$0xE00] =	vst v4  }
0x1da: {  	v4 =	vld [tilespmem:s12+$0xB10]  }
0x1db: {  	[tilespmem:s16+$0x10400] =	vst v6;
	v3 =	vadd.f32 v3, v8;
	v6 =	vld [tilespmem:s12+$0x8B10]  }
0x1dc: {  	v8 =	vld [tilespmem:s12+$0x8700]  }
0x1dd: {  	[tilespmem:s14+$0x200] =	vst v3;
	v2 =	vadd.f32 v2, v5;
	v3 =	vld [tilespmem:s12+$0x800]  }
0x1de: {  	v5 =	vld [tilespmem:s12+$0x8800]  }
0x1df: {  	[tilespmem:s14+$0x400] =	vst v2;
	v2 =	vld [tilespmem:s12+$0x900]  }
0x1e0: {  	v9 =	vld [tilespmem:s12+$0x8900];
	v4 =	vadd.f32 v6, v4  }
0x1e1: {  	v6 =	vadd.f32 v8, v7;
	v7 =	vld [tilespmem:s12+$0xA00]  }
0x1e2: {  	v8 =	vld [tilespmem:s12+$0x8A00];
	[tilespmem:s14+$0xE10] =	vst v4  }
0x1e3: {  	[tilespmem:s14+$0x600] =	vst v6;
	v3 =	vadd.f32 v5, v3;
	v4 =	vld [tilespmem:s12+$0xB20]  }
0x1e4: {  	v5 =	vld [tilespmem:s12+$0x8B20]  }
0x1e5: {  	v6 =	vld [tilespmem:s12+$0x410];
	[tilespmem:s14+$0x800] =	vst v3;
	v2 =	vadd.f32 v9, v2  }
0x1e6: {  	v3 =	vld [tilespmem:s12+$0x8410]  }
0x1e7: {  	v9 =	vld [tilespmem:s12+$0x510];
	[tilespmem:s14+$0xA00] =	vst v2;
	v2 =	vadd.f32 v8, v7  }
0x1e8: {  	v7 =	vld [tilespmem:s12+$0x8510]  }
0x1e9: {  	v8 =	vld [tilespmem:s12+$0x610];
	[tilespmem:s14+$0xC00] =	vst v2;
	v2 =	vadd.f32 v5, v4  }
0x1ea: {  	v4 =	vld [tilespmem:s12+$0x8610]  }
0x1eb: {  	v3 =	vadd.f32 v3, v6;
	v5 =	vld [tilespmem:s12+$0x710];
	[tilespmem:s14+$0xE20] =	vst v2  }
0x1ec: {  	v2 =	vld [tilespmem:s12+$0xB30]  }
0x1ed: {  	[tilespmem:s14+$0x10] =	vst v3;
	v3 =	vadd.f32 v7, v9;
	v6 =	vld [tilespmem:s12+$0x8B30]  }
0x1ee: {  	v7 =	vld [tilespmem:s12+$0x8710]  }
0x1ef: {  	[tilespmem:s14+$0x210] =	vst v3;
	v3 =	vadd.f32 v4, v8;
	v4 =	vld [tilespmem:s12+$0x810]  }
0x1f0: {  	v8 =	vld [tilespmem:s12+$0x8810]  }
0x1f1: {  	[tilespmem:s14+$0x410] =	vst v3;
	v3 =	vld [tilespmem:s12+$0x910]  }
0x1f2: {  	v9 =	vld [tilespmem:s12+$0x8910];
	v2 =	vadd.f32 v6, v2  }
0x1f3: {  	v5 =	vadd.f32 v7, v5;
	v6 =	vld [tilespmem:s12+$0xA10]  }
0x1f4: {  	v7 =	vld [tilespmem:s12+$0x8A10];
	[tilespmem:s14+$0xE30] =	vst v2  }
0x1f5: {  	[tilespmem:s14+$0x610] =	vst v5;
	v2 =	vadd.f32 v8, v4;
	v4 =	vld [tilespmem:s12+$0xB40]  }
0x1f6: {  	v5 =	vld [tilespmem:s12+$0x8B40]  }
0x1f7: {  	v8 =	vld [tilespmem:s12+$0x420];
	[tilespmem:s14+$0x810] =	vst v2;
	v2 =	vadd.f32 v9, v3  }
0x1f8: {  	v3 =	vld [tilespmem:s12+$0x8420]  }
0x1f9: {  	v9 =	vld [tilespmem:s12+$0x520];
	[tilespmem:s14+$0xA10] =	vst v2;
	v2 =	vadd.f32 v7, v6  }
0x1fa: {  	v6 =	vld [tilespmem:s12+$0x8520]  }
0x1fb: {  	v7 =	vld [tilespmem:s12+$0x620];
	[tilespmem:s14+$0xC10] =	vst v2;
	v2 =	vadd.f32 v5, v4  }
0x1fc: {  	v4 =	vld [tilespmem:s12+$0x8620]  }
0x1fd: {  	v3 =	vadd.f32 v3, v8;
	v5 =	vld [tilespmem:s12+$0x720];
	[tilespmem:s14+$0xE40] =	vst v2  }
0x1fe: {  	v2 =	vld [tilespmem:s12+$0xB50]  }
0x1ff: {  	[tilespmem:s14+$0x20] =	vst v3;
	v3 =	vadd.f32 v6, v9;
	v6 =	vld [tilespmem:s12+$0x8B50]  }
0x200: {  	v8 =	vld [tilespmem:s12+$0x8720]  }
0x201: {  	[tilespmem:s14+$0x220] =	vst v3;
	v3 =	vadd.f32 v4, v7;
	v4 =	vld [tilespmem:s12+$0x820]  }
0x202: {  	v7 =	vld [tilespmem:s12+$0x8820]  }
0x203: {  	[tilespmem:s14+$0x420] =	vst v3;
	v3 =	vld [tilespmem:s12+$0x920]  }
0x204: {  	v9 =	vld [tilespmem:s12+$0x8920];
	v2 =	vadd.f32 v6, v2  }
0x205: {  	v5 =	vadd.f32 v8, v5;
	v6 =	vld [tilespmem:s12+$0xA20]  }
0x206: {  	v8 =	vld [tilespmem:s12+$0x8A20];
	[tilespmem:s14+$0xE50] =	vst v2  }
0x207: {  	[tilespmem:s14+$0x620] =	vst v5;
	v2 =	vadd.f32 v7, v4;
	v4 =	vld [tilespmem:s12+$0xB60]  }
0x208: {  	v5 =	vld [tilespmem:s12+$0x8B60]  }
0x209: {  	v7 =	vld [tilespmem:s12+$0x430];
	[tilespmem:s14+$0x820] =	vst v2;
	v2 =	vadd.f32 v9, v3  }
0x20a: {  	v3 =	vld [tilespmem:s12+$0x8430]  }
0x20b: {  	v9 =	vld [tilespmem:s12+$0x530];
	[tilespmem:s14+$0xA20] =	vst v2;
	v2 =	vadd.f32 v8, v6  }
0x20c: {  	v6 =	vld [tilespmem:s12+$0x8530]  }
0x20d: {  	v8 =	vld [tilespmem:s12+$0x630];
	[tilespmem:s14+$0xC20] =	vst v2;
	v2 =	vadd.f32 v5, v4  }
0x20e: {  	v4 =	vld [tilespmem:s12+$0x8630]  }
0x20f: {  	v3 =	vadd.f32 v3, v7;
	v5 =	vld [tilespmem:s12+$0x730];
	[tilespmem:s14+$0xE60] =	vst v2  }
0x210: {  	v2 =	vld [tilespmem:s12+$0xB70]  }
0x211: {  	[tilespmem:s14+$0x30] =	vst v3;
	v3 =	vadd.f32 v6, v9;
	v6 =	vld [tilespmem:s12+$0x8B70]  }
0x212: {  	v7 =	vld [tilespmem:s12+$0x8730]  }
0x213: {  	[tilespmem:s14+$0x230] =	vst v3;
	v3 =	vadd.f32 v4, v8;
	v4 =	vld [tilespmem:s12+$0x830]  }
0x214: {  	v8 =	vld [tilespmem:s12+$0x8830]  }
0x215: {  	[tilespmem:s14+$0x430] =	vst v3;
	v3 =	vld [tilespmem:s12+$0x930]  }
0x216: {  	v9 =	vld [tilespmem:s12+$0x8930];
	v2 =	vadd.f32 v6, v2  }
0x217: {  	v5 =	vadd.f32 v7, v5;
	v6 =	vld [tilespmem:s12+$0xA30]  }
0x218: {  	v7 =	vld [tilespmem:s12+$0x8A30];
	[tilespmem:s14+$0xE70] =	vst v2  }
0x219: {  	v2 =	vld [tilespmem:s12+$0x440];
	[tilespmem:s14+$0x630] =	vst v5;
	v4 =	vadd.f32 v8, v4  }
0x21a: {  	v5 =	vld [tilespmem:s12+$0x8440]  }
0x21b: {  	v8 =	vld [tilespmem:s12+$0x540];
	[tilespmem:s14+$0x830] =	vst v4;
	v3 =	vadd.f32 v9, v3  }
0x21c: {  	v4 =	vld [tilespmem:s12+$0x8540]  }
0x21d: {  	v9 =	vld [tilespmem:s12+$0x640];
	[tilespmem:s14+$0xA30] =	vst v3;
	v3 =	vadd.f32 v7, v6  }
0x21e: {  	v6 =	vld [tilespmem:s12+$0x8640]  }
0x21f: {  	v2 =	vadd.f32 v5, v2;
	v5 =	vld [tilespmem:s12+$0x740];
	[tilespmem:s14+$0xC30] =	vst v3  }
0x220: {  	v3 =	vld [tilespmem:s12+$0x8740]  }
0x221: {  	[tilespmem:s14+$0x40] =	vst v2;
	v2 =	vadd.f32 v4, v8;
	v4 =	vld [tilespmem:s12+$0x840]  }
0x222: {  	v7 =	vld [tilespmem:s12+$0x8840]  }
0x223: {  	[tilespmem:s14+$0x240] =	vst v2;
	v2 =	vadd.f32 v6, v9;
	v6 =	vld [tilespmem:s12+$0x940]  }
0x224: {  	v8 =	vld [tilespmem:s12+$0x8940]  }
0x225: {  	[tilespmem:s14+$0x440] =	vst v2;
	v2 =	vadd.f32 v3, v5;
	v3 =	vld [tilespmem:s12+$0xA40]  }
0x226: {  	v5 =	vld [tilespmem:s12+$0x8A40]  }
0x227: {  	v9 =	vld [tilespmem:s12+$0x450];
	[tilespmem:s14+$0x640] =	vst v2;
	v2 =	vadd.f32 v7, v4  }
0x228: {  	v4 =	vld [tilespmem:s12+$0x8450]  }
0x229: {  	v7 =	vld [tilespmem:s12+$0x550];
	[tilespmem:s14+$0x840] =	vst v2;
	v2 =	vadd.f32 v8, v6  }
0x22a: {  	v6 =	vld [tilespmem:s12+$0x8550]  }
0x22b: {  	v8 =	vld [tilespmem:s12+$0x650];
	[tilespmem:s14+$0xA40] =	vst v2;
	v2 =	vadd.f32 v5, v3  }
0x22c: {  	v3 =	vld [tilespmem:s12+$0x8650]  }
0x22d: {  	v4 =	vadd.f32 v4, v9;
	v5 =	vld [tilespmem:s12+$0x750];
	[tilespmem:s14+$0xC40] =	vst v2  }
0x22e: {  	v2 =	vld [tilespmem:s12+$0x8750]  }
0x22f: {  	[tilespmem:s14+$0x50] =	vst v4;
	v4 =	vadd.f32 v6, v7;
	v6 =	vld [tilespmem:s12+$0x850]  }
0x230: {  	v7 =	vld [tilespmem:s12+$0x8850]  }
0x231: {  	[tilespmem:s14+$0x250] =	vst v4;
	v3 =	vadd.f32 v3, v8;
	v4 =	vld [tilespmem:s12+$0x950]  }
0x232: {  	v8 =	vld [tilespmem:s12+$0x8950]  }
0x233: {  	[tilespmem:s14+$0x450] =	vst v3;
	v2 =	vadd.f32 v2, v5;
	v3 =	vld [tilespmem:s12+$0xA50]  }
0x234: {  	v5 =	vld [tilespmem:s12+$0x8A50]  }
0x235: {  	v9 =	vld [tilespmem:s12+$0x460];
	[tilespmem:s14+$0x650] =	vst v2;
	v2 =	vadd.f32 v7, v6  }
0x236: {  	v6 =	vld [tilespmem:s12+$0x8460]  }
0x237: {  	v7 =	vld [tilespmem:s12+$0x560];
	[tilespmem:s14+$0x850] =	vst v2;
	v2 =	vadd.f32 v8, v4  }
0x238: {  	v4 =	vld [tilespmem:s12+$0x8560]  }
0x239: {  	v8 =	vld [tilespmem:s12+$0x660];
	[tilespmem:s14+$0xA50] =	vst v2;
	v2 =	vadd.f32 v5, v3  }
0x23a: {  	v3 =	vld [tilespmem:s12+$0x8660]  }
0x23b: {  	v5 =	vadd.f32 v6, v9;
	v6 =	vld [tilespmem:s12+$0x760];
	[tilespmem:s14+$0xC50] =	vst v2  }
0x23c: {  	v2 =	vld [tilespmem:s12+$0x8760]  }
0x23d: {  	[tilespmem:s14+$0x60] =	vst v5;
	v4 =	vadd.f32 v4, v7;
	v5 =	vld [tilespmem:s12+$0x860]  }
0x23e: {  	v7 =	vld [tilespmem:s12+$0x8860]  }
0x23f: {  	[tilespmem:s14+$0x260] =	vst v4;
	v3 =	vadd.f32 v3, v8;
	v4 =	vld [tilespmem:s12+$0x960]  }
0x240: {  	v8 =	vld [tilespmem:s12+$0x8960]  }
0x241: {  	[tilespmem:s14+$0x460] =	vst v3;
	v2 =	vadd.f32 v2, v6;
	v6 =	vld [tilespmem:s12+$0xA60]  }
0x242: {  	v9 =	vld [tilespmem:s12+$0x8A60]  }
0x243: {  	v10 =	vld [tilespmem:s12+$0x470];
	[tilespmem:s14+$0x660] =	vst v2;
	v2 =	vadd.f32 v7, v5  }
0x244: {  	v5 =	vld [tilespmem:s12+$0x8470]  }
0x245: {  	v7 =	vld [tilespmem:s12+$0x570];
	[tilespmem:s14+$0x860] =	vst v2;
	v2 =	vadd.f32 v8, v4  }
0x246: {  	v4 =	vld [tilespmem:s12+$0x8570]  }
0x247: {  	v3 =	vld [tilespmem:s12+$0x670];
	[tilespmem:s14+$0xA60] =	vst v2;
	v8 =	vadd.f32 v9, v6  }
.Ltmp4:
0x248: {  	v6 =	vld [tilespmem:s12+$0x8670];
	(pc) =	sbr.rel @p1 .LBB2_3-.Ltmp4, $4  }
0x249: {  	v9 =	vadd.f32 v5, v10;
	v2 =	vld [tilespmem:s12+$0x770];
	[tilespmem:s14+$0xC60] =	vst v8  }
0x24a: {  	v5 =	vld [tilespmem:s12+$0x8770]  }
0x24b: {  	[tilespmem:s14+$0x70] =	vst v9;
	v8 =	vadd.f32 v4, v7;
	v4 =	vld [tilespmem:s12+$0x870]  }
0x24c: {  	v7 =	vld [tilespmem:s12+$0x8870]  }
0x24d: {  	v9 =	vld [tilespmem:s12+$0x970]  }
0x24e: {  	v10 =	vld [tilespmem:s12+$0x8970]  }
0x24f: {  	v11 =	vld [tilespmem:s12+$0xA70]  }
0x250: {  	v12 =	vld [tilespmem:s12+$0x8A70]  }
0x251: {  	v3 =	vadd.f32 v6, v3  }
0x252: {  	[tilespmem:s14+$0x270] =	vst v8;
	p1 =	seq.s32 s7, $0xF;
	v2 =	vadd.f32 v5, v2  }
.Ltmp5:
0x253: {  	[tilespmem:s14+$0x470] =	vst v3;
	v3 =	vadd.f32 v7, v4;
	(pc) =	sbr.rel @p1 .LBB2_6-.Ltmp5, $4  }
0x254: {  	[tilespmem:s14+$0x670] =	vst v2;
	v2 =	vadd.f32 v10, v9  }
0x255: {  	[tilespmem:s14+$0x870] =	vst v3;
	v3 =	vadd.f32 v12, v11  }
0x256: {  	[tilespmem:s14+$0xA70] =	vst v2  }
0x257: {  	[tilespmem:s14+$0xC70] =	vst v3  }
0x258: {  	v2 =	vld.msk [tilespmem:s8+$0x8], $0x3;
	_ =	sdelay $0x4  }
0x259: {  	v3 =	vshll.u32 v2, $0x3  }
0x25a: {  	v2 =	vand.u32 $0x7, v2;
	v3 =	vand.u32 $0xFFFFFFC0, v3  }
0x25b: {  	v2 =	vor.u32 v2, v3  }
0x25c: {  	v2 =	vperm.xlane v2, v0;
	_ =	sdelay $0x1  }
0x25d: {  	v2 =	vadd.s32 v1, v2;
	_ =	sdelay $0x3  }
0x25e: {  	s11 =	simm.s32 $0x400  }
0x25f: {  	[tilespmem:s11], [sflag:$0x1] =	stream.indirect_vreg.gather [hbm4b:s1+s5], $0x80, v2, vm0, $0xb8;
	[tilespmem:$0x18400] =	vst v63  }
0x260: {  	v2 =	vld.msk [tilespmem:s8+$0x208], $0x3;
	_ =	sdelay $0x4  }
0x261: {  	v3 =	vshll.u32 v2, $0x3  }
0x262: {  	v2 =	vand.u32 $0x7, v2;
	v3 =	vand.u32 $0xFFFFFFC0, v3  }
0x263: {  	v2 =	vor.u32 v2, v3  }
0x264: {  	v2 =	vperm.xlane v2, v0;
	_ =	sdelay $0x1  }
0x265: {  	v2 =	vadd.s32 v1, v2;
	_ =	sdelay $0x2  }
0x266: {  	s14 =	sadd.s32 $0x8, s8  }
0x267: {  	s12 =	simm.s32 $0x8400;
	s11 =	sand.u32 $0xF8, s14  }
0x268: {  	[tilespmem:s12], [sflag:$0x5] =	stream.indirect_vreg.gather [hbm4b:s3+s5], $0x80, v2, vm0, $0xb8;
	[tilespmem:$0x18400] =	vst v63  }
0x269: {  	v2 =	vld.msk [tilespmem:s11+$0x80], $0x3;
	_ =	sdelay $0x4  }
0x26a: {  	v3 =	vshll.u32 v2, $0x3  }
0x26b: {  	v2 =	vand.u32 $0x7, v2;
	v3 =	vand.u32 $0xFFFFFFC0, v3  }
0x26c: {  	v2 =	vor.u32 v2, v3  }
0x26d: {  	v2 =	vperm.xlane v2, v0;
	_ =	sdelay $0x1  }
0x26e: {  	v2 =	vadd.s32 v1, v2;
	_ =	sdelay $0x3  }
0x26f: {  	s15 =	simm.s32 $0xC00  }
0x270: {  	[tilespmem:s15], [sflag:$0x1] =	stream.indirect_vreg.gather [hbm4b:s1+s5], $0x80, v2, vm0, $0xb8;
	[tilespmem:$0x18400] =	vst v63  }
0x271: {  	v2 =	vld.msk [tilespmem:s11+$0x280], $0x3;
	_ =	sdelay $0x4  }
0x272: {  	v3 =	vshll.u32 v2, $0x3  }
0x273: {  	v2 =	vand.u32 $0x7, v2;
	v3 =	vand.u32 $0xFFFFFFC0, v3  }
0x274: {  	v2 =	vor.u32 v2, v3  }
0x275: {  	v2 =	vperm.xlane v2, v0;
	_ =	sdelay $0x1  }
0x276: {  	v2 =	vadd.s32 v1, v2;
	_ =	sdelay $0x3  }
0x277: {  	s16 =	simm.s32 $0x8C00  }
0x278: {  	[tilespmem:s16], [sflag:$0x5] =	stream.indirect_vreg.gather [hbm4b:s3+s5], $0x80, v2, vm0, $0xb8;
	[tilespmem:$0x18400] =	vst v63  }
0x279: {  	v2 =	vld.msk [tilespmem:s8+$0x108], $0x3;
	_ =	sdelay $0x4  }
0x27a: {  	v3 =	vshll.u32 v2, $0x3  }
0x27b: {  	v2 =	vand.u32 $0x7, v2;
	v3 =	vand.u32 $0xFFFFFFC0, v3  }
0x27c: {  	v2 =	vor.u32 v2, v3  }
0x27d: {  	v2 =	vperm.xlane v2, v0;
	_ =	sdelay $0x1  }
0x27e: {  	v2 =	vadd.s32 v1, v2;
	_ =	sdelay $0x3  }
0x27f: {  	s17 =	simm.s32 $0x1400  }
0x280: {  	[tilespmem:s17], [sflag:$0x1] =	stream.indirect_vreg.gather [hbm4b:s1+s5], $0x80, v2, vm0, $0xb8;
	[tilespmem:$0x18400] =	vst v63  }
0x281: {  	v2 =	vld.msk [tilespmem:s8+$0x308], $0x3;
	_ =	sdelay $0x4  }
0x282: {  	v3 =	vshll.u32 v2, $0x3  }
0x283: {  	v2 =	vand.u32 $0x7, v2;
	v3 =	vand.u32 $0xFFFFFFC0, v3  }
0x284: {  	v2 =	vor.u32 v2, v3  }
0x285: {  	v2 =	vperm.xlane v2, v0;
	_ =	sdelay $0x1  }
0x286: {  	v2 =	vadd.s32 v1, v2;
	_ =	sdelay $0x3  }
0x287: {  	s18 =	simm.s32 $0x9400  }
0x288: {  	[tilespmem:s18], [sflag:$0x5] =	stream.indirect_vreg.gather [hbm4b:s3+s5], $0x80, v2, vm0, $0xb8;
	[tilespmem:$0x18400] =	vst v63  }
0x289: {  	v2 =	vld.msk [tilespmem:s11+$0x180], $0x3;
	_ =	sdelay $0x4  }
0x28a: {  	v3 =	vshll.u32 v2, $0x3  }
0x28b: {  	v2 =	vand.u32 $0x7, v2;
	v3 =	vand.u32 $0xFFFFFFC0, v3  }
0x28c: {  	v2 =	vor.u32 v2, v3  }
0x28d: {  	v2 =	vperm.xlane v2, v0;
	_ =	sdelay $0x1  }
0x28e: {  	v2 =	vadd.s32 v1, v2;
	_ =	sdelay $0x3  }
0x28f: {  	s19 =	simm.s32 $0x1C00  }
0x290: {  	[tilespmem:s19], [sflag:$0x1] =	stream.indirect_vreg.gather [hbm4b:s1+s5], $0x80, v2, vm0, $0xb8;
	[tilespmem:$0x18400] =	vst v63  }
0x291: {  	v2 =	vld.msk [tilespmem:s11+$0x380], $0x3;
	_ =	sdelay $0x4  }
0x292: {  	v3 =	vshll.u32 v2, $0x3  }
0x293: {  	v2 =	vand.u32 $0x7, v2;
	v3 =	vand.u32 $0xFFFFFFC0, v3  }
0x294: {  	v2 =	vor.u32 v2, v3  }
0x295: {  	v2 =	vperm.xlane v2, v0;
	_ =	sdelay $0x1  }
0x296: {  	v2 =	vadd.s32 v1, v2;
	_ =	sdelay $0x3  }
0x297: {  	s20 =	simm.s32 $0x9C00  }
0x298: {  	[tilespmem:s20], [sflag:$0x5] =	stream.indirect_vreg.gather [hbm4b:s3+s5], $0x80, v2, vm0, $0xb8;
	[tilespmem:$0x18400] =	vst v63  }
.LBB2_6:
0x299: {  	s11 =	sshll.u32 s7, $0xC  }
0x29a: {  	s11 =	sadd.s32 s9, s11  }
0x29b: {  	s12 =	sadd.s32 s4, s11  }
0x29c: {  	[hbm4b:s12+s5] =	stream.linear.scatter [tilespmem:s24], [sflag:$0x9], $0x2000, $0x38;
	[tilespmem:$0x18400] =	vst v63  }
0x29d: {  	_ =	swait.ge [sflag:s25], $0x800  }
0x29e: {  	[sflag:s25] =	ssyncset.done $0x0  }
0x29f: {  	[sflag:s25] =	ssyncadd.s32 $0xFFFFF800  }
0x2a0: {  	_ =	swait.ge [sflag:s26], $0x800  }
0x2a1: {  	[sflag:s26] =	ssyncset.done $0x0  }
0x2a2: {  	[sflag:s26] =	ssyncadd.s32 $0xFFFFF800  }
0x2a3: {  	_ =	swait.ge [sflag:s25], $0x800  }
0x2a4: {  	[sflag:s25] =	ssyncset.done $0x0  }
0x2a5: {  	[sflag:s25] =	ssyncadd.s32 $0xFFFFF800  }
0x2a6: {  	_ =	swait.ge [sflag:s26], $0x800  }
0x2a7: {  	[sflag:s26] =	ssyncset.done $0x0  }
0x2a8: {  	[sflag:s26] =	ssyncadd.s32 $0xFFFFF800  }
0x2a9: {  	_ =	swait.ge [sflag:s25], $0x800  }
0x2aa: {  	[sflag:s25] =	ssyncset.done $0x0  }
0x2ab: {  	[sflag:s25] =	ssyncadd.s32 $0xFFFFF800  }
0x2ac: {  	_ =	swait.ge [sflag:s26], $0x800  }
0x2ad: {  	[sflag:s26] =	ssyncset.done $0x0  }
0x2ae: {  	[sflag:s26] =	ssyncadd.s32 $0xFFFFF800  }
0x2af: {  	_ =	swait.ge [sflag:s25], $0x800  }
0x2b0: {  	[sflag:s25] =	ssyncset.done $0x0  }
0x2b1: {  	[sflag:s25] =	ssyncadd.s32 $0xFFFFF800  }
0x2b2: {  	_ =	swait.ge [sflag:s26], $0x800  }
0x2b3: {  	[sflag:s26] =	ssyncset.done $0x0  }
0x2b4: {  	s14 =	simm.s32 @!p0 $0xA;
	s12 =	simm.s32 $0x0;
	[sflag:s26] =	ssyncadd.s32 $0xFFFFF800  }
0x2b5: {  	s16 =	simm.s32 $0x0;
	s15 =	sand.u32 $0x1, s12;
	_ =	swait.ge @!p0 [sflag:s14], $0x2000  }
0x2b6: {  	s16 =	sand.u32 $0xFFFFF800, s16;
	s17 =	sshll.u32 s15, $0x7;
	[sflag:s14] =	ssyncset.done @!p0 $0x0  }
0x2b7: {  	[sflag:s14] =	ssyncadd.s32 @!p0 $0xFFFFE000;
	s14 =	sor.u32 s16, s17  }
0x2b8: {  	v2 =	vld [tilespmem:s14+$0x2B00]  }
0x2b9: {  	v3 =	vld [tilespmem:s14+$0xAB00]  }
0x2ba: {  	v4 =	vld [tilespmem:s14+$0x2400]  }
0x2bb: {  	v5 =	vld [tilespmem:s14+$0xA400]  }
0x2bc: {  	v6 =	vld [tilespmem:s14+$0x2500]  }
0x2bd: {  	v7 =	vld [tilespmem:s14+$0xA500]  }
0x2be: {  	v8 =	vld [tilespmem:s14+$0x2600]  }
0x2bf: {  	v9 =	vld [tilespmem:s14+$0x2700]  }
0x2c0: {  	v11 =	vld [tilespmem:s14+$0xA700]  }
0x2c1: {  	s20 =	simm.s32 $0x0;
	v12 =	vld [tilespmem:s14+$0x2800]  }
0x2c2: {  	s15 =	sshll.u32 s15, $0xC;
	s16 =	sand.u32 $0x3FFFFF80, s20;
	v13 =	vld [tilespmem:s14+$0xA800]  }
0x2c3: {  	s16 =	sadd.s32 s16, s15;
	v14 =	vld [tilespmem:s14+$0x2900];
	v2 =	vadd.f32 v3, v2  }
0x2c4: {  	s15 =	sadd.s32 $0x12400, s16;
	v3 =	vld [tilespmem:s14+$0xA600]  }
0x2c5: {  	v15 =	vld [tilespmem:s14+$0xA900];
	[tilespmem:s15+$0xE00] =	vst v2  }
0x2c6: {  	v4 =	vadd.f32 v5, v4;
	v2 =	vld [tilespmem:s14+$0x2B10]  }
0x2c7: {  	v10 =	vld [tilespmem:s14+$0xAB10]  }
0x2c8: {  	v5 =	vld [tilespmem:s14+$0xAA00];
	[tilespmem:s16+$0x12400] =	vst v4;
	v4 =	vadd.f32 v7, v6  }
0x2c9: {  	v7 =	vld [tilespmem:s14+$0x2410];
	v3 =	vadd.f32 v3, v8  }
0x2ca: {  	[tilespmem:s15+$0x200] =	vst v4;
	v4 =	vld [tilespmem:s14+$0xA410]  }
0x2cb: {  	v8 =	vld [tilespmem:s14+$0x2510];
	[tilespmem:s15+$0x400] =	vst v3;
	v3 =	vadd.f32 v11, v9  }
0x2cc: {  	v9 =	vld [tilespmem:s14+$0xA510];
	v2 =	vadd.f32 v10, v2  }
0x2cd: {  	v11 =	vld [tilespmem:s14+$0x2610];
	[tilespmem:s15+$0x600] =	vst v3  }
0x2ce: {  	v3 =	vld [tilespmem:s14+$0xA610];
	[tilespmem:s15+$0xE10] =	vst v2  }
0x2cf: {  	v2 =	vld [tilespmem:s14+$0x2B20]  }
0x2d0: {  	v4 =	vadd.f32 v4, v7;
	v6 =	vld [tilespmem:s14+$0xAB20]  }
0x2d1: {  	v10 =	vld [tilespmem:s14+$0x2A00]  }
0x2d2: {  	v36 =	vld [tilespmem:s14+$0xA710];
	[tilespmem:s15+$0x10] =	vst v4;
	v4 =	vadd.f32 v9, v8  }
0x2d3: {  	v9 =	vld [tilespmem:s14+$0x2420]  }
0x2d4: {  	[tilespmem:s15+$0x210] =	vst v4;
	v3 =	vadd.f32 v3, v11;
	v4 =	vld [tilespmem:s14+$0xA420]  }
0x2d5: {  	v11 =	vld [tilespmem:s14+$0x2520];
	v2 =	vadd.f32 v6, v2  }
0x2d6: {  	v6 =	vld [tilespmem:s14+$0x2710];
	[tilespmem:s15+$0x410] =	vst v3  }
0x2d7: {  	v39 =	vld [tilespmem:s14+$0x2620];
	[tilespmem:s15+$0xE20] =	vst v2;
	v2 =	vadd.f32 v13, v12  }
0x2d8: {  	v34 =	vld [tilespmem:s14+$0x2B30]  }
0x2d9: {  	v35 =	vld [tilespmem:s14+$0xAB30];
	[tilespmem:s15+$0x800] =	vst v2  }
0x2da: {  	v2 =	vadd.f32 v15, v14;
	v37 =	vld [tilespmem:s14+$0x2810]  }
0x2db: {  	v3 =	vadd.f32 v36, v6;
	v6 =	vld [tilespmem:s14+$0xA520]  }
0x2dc: {  	[tilespmem:s15+$0xA00] =	vst v2;
	v2 =	vadd.f32 v5, v10;
	v5 =	vld [tilespmem:s14+$0xA810]  }
0x2dd: {  	v10 =	vld [tilespmem:s14+$0x2910]  }
0x2de: {  	[tilespmem:s15+$0x610] =	vst v3;
	v3 =	vld [tilespmem:s14+$0xA620]  }
0x2df: {  	[tilespmem:s15+$0xC00] =	vst v2;
	v2 =	vld [tilespmem:s14+$0xA910]  }
0x2e0: {  	v12 =	vadd.f32 v35, v34;
	v40 =	vld [tilespmem:s14+$0x2720]  }
0x2e1: {  	v38 =	vld [tilespmem:s14+$0x2A10]  }
0x2e2: {  	v4 =	vadd.f32 v4, v9;
	v7 =	vld [tilespmem:s14+$0xAA10];
	[tilespmem:s15+$0xE30] =	vst v12  }
0x2e3: {  	v12 =	vld [tilespmem:s14+$0x2B40]  }
0x2e4: {  	[tilespmem:s15+$0x20] =	vst v4;
	v4 =	vadd.f32 v6, v11;
	v8 =	vld [tilespmem:s14+$0xAB40]  }
0x2e5: {  	v11 =	vld [tilespmem:s14+$0x2430];
	v5 =	vadd.f32 v5, v37  }
0x2e6: {  	[tilespmem:s15+$0x220] =	vst v4;
	v4 =	vld [tilespmem:s14+$0xA430];
	v2 =	vadd.f32 v2, v10  }
0x2e7: {  	[tilespmem:s15+$0x810] =	vst v5;
	v5 =	vld [tilespmem:s14+$0xA720]  }
0x2e8: {  	v44 =	vld [tilespmem:s14+$0x2530];
	[tilespmem:s15+$0xA10] =	vst v2;
	v2 =	vadd.f32 v7, v38  }
0x2e9: {  	v10 =	vld [tilespmem:s14+$0x2820];
	v8 =	vadd.f32 v8, v12  }
0x2ea: {  	v42 =	vld [tilespmem:s14+$0x2920];
	[tilespmem:s15+$0xC10] =	vst v2  }
0x2eb: {  	v2 =	vld [tilespmem:s14+$0xA920];
	[tilespmem:s15+$0xE40] =	vst v8  }
0x2ec: {  	v8 =	vld [tilespmem:s14+$0x2B50]  }
0x2ed: {  	v41 =	vld [tilespmem:s14+$0xAB50]  }
0x2ee: {  	v3 =	vadd.f32 v3, v39;
	v7 =	vld [tilespmem:s14+$0xA820]  }
0x2ef: {  	v43 =	vld [tilespmem:s14+$0x2A20]  }
0x2f0: {  	[tilespmem:s15+$0x420] =	vst v3;
	v9 =	vld [tilespmem:s14+$0xAA20];
	v3 =	vadd.f32 v5, v40  }
0x2f1: {  	v45 =	vld [tilespmem:s14+$0x2630];
	v2 =	vadd.f32 v2, v42  }
0x2f2: {  	v5 =	vld [tilespmem:s14+$0xA530];
	[tilespmem:s15+$0x620] =	vst v3;
	v8 =	vadd.f32 v41, v8  }
0x2f3: {  	v3 =	vld [tilespmem:s14+$0xA630];
	[tilespmem:s15+$0xA20] =	vst v2  }
0x2f4: {  	v47 =	vld [tilespmem:s14+$0x2930];
	[tilespmem:s15+$0xE50] =	vst v8  }
0x2f5: {  	v2 =	vadd.f32 v9, v43;
	v8 =	vld [tilespmem:s14+$0x2B60]  }
0x2f6: {  	v6 =	vld [tilespmem:s14+$0xAB60]  }
0x2f7: {  	[tilespmem:s15+$0xC20] =	vst v2;
	v2 =	vadd.f32 v4, v11;
	v4 =	vld [tilespmem:s14+$0xA930]  }
0x2f8: {  	v11 =	vld [tilespmem:s14+$0x2A30]  }
0x2f9: {  	[tilespmem:s15+$0x30] =	vst v2;
	v2 =	vadd.f32 v5, v44;
	v5 =	vld [tilespmem:s14+$0xAA30]  }
0x2fa: {  	v48 =	vld [tilespmem:s14+$0x2440]  }
0x2fb: {  	[tilespmem:s15+$0x230] =	vst v2;
	v2 =	vadd.f32 v3, v45;
	v3 =	vld [tilespmem:s14+$0xA440];
	v6 =	vadd.f32 v6, v8  }
0x2fc: {  	v49 =	vld [tilespmem:s14+$0x2540]  }
0x2fd: {  	v8 =	vld [tilespmem:s14+$0x2730];
	[tilespmem:s15+$0xE60] =	vst v6;
	v6 =	vadd.f32 v7, v10  }
0x2fe: {  	v7 =	vld [tilespmem:s14+$0x2B70]  }
0x2ff: {  	[tilespmem:s15+$0x820] =	vst v6;
	v6 =	vld [tilespmem:s14+$0xA730]  }
0x300: {  	v3 =	vadd.f32 v3, v48;
	v46 =	vld [tilespmem:s14+$0x2830]  }
0x301: {  	v9 =	vld [tilespmem:s14+$0xA830]  }
0x302: {  	v10 =	vld [tilespmem:s14+$0xAB70];
	[tilespmem:s15+$0x40] =	vst v3  }
0x303: {  	v53 =	vld [tilespmem:s14+$0x2450]  }
0x304: {  	[tilespmem:s15+$0x430] =	vst v2;
	v2 =	vadd.f32 v6, v8;
	v6 =	vld [tilespmem:s14+$0xA540]  }
0x305: {  	v8 =	vld [tilespmem:s14+$0x2640]  }
0x306: {  	[tilespmem:s15+$0x630] =	vst v2;
	v2 =	vadd.f32 v9, v46;
	v9 =	vld [tilespmem:s14+$0xA640]  }
0x307: {  	v50 =	vld [tilespmem:s14+$0x2740]  }
0x308: {  	[tilespmem:s15+$0x830] =	vst v2;
	v2 =	vadd.f32 v4, v47;
	v4 =	vld [tilespmem:s14+$0xA740]  }
0x309: {  	v51 =	vld [tilespmem:s14+$0x2840]  }
0x30a: {  	v3 =	vadd.f32 v6, v49;
	[tilespmem:s15+$0xA30] =	vst v2;
	v2 =	vadd.f32 v5, v11;
	v5 =	vld [tilespmem:s14+$0xA840]  }
0x30b: {  	v11 =	vld [tilespmem:s14+$0x2940]  }
0x30c: {  	[tilespmem:s15+$0x240] =	vst v3;
	v3 =	vadd.f32 v9, v8;
	v8 =	vld [tilespmem:s14+$0xA450]  }
0x30d: {  	[tilespmem:s15+$0xC30] =	vst v2;
	v2 =	vld [tilespmem:s14+$0xA940]  }
0x30e: {  	v9 =	vld [tilespmem:s14+$0x2550]  }
0x30f: {  	v52 =	vld [tilespmem:s14+$0x2A40]  }
0x310: {  	v6 =	vld [tilespmem:s14+$0xAA40]  }
0x311: {  	[tilespmem:s15+$0x440] =	vst v3;
	v3 =	vadd.f32 v4, v50;
	v4 =	vld [tilespmem:s14+$0xA550]  }
0x312: {  	v54 =	vld [tilespmem:s14+$0x2650]  }
0x313: {  	[tilespmem:s15+$0x640] =	vst v3;
	v3 =	vadd.f32 v5, v51;
	v5 =	vld [tilespmem:s14+$0xA650]  }
0x314: {  	v55 =	vld [tilespmem:s14+$0x2750];
	v8 =	vadd.f32 v8, v53  }
0x315: {  	[tilespmem:s15+$0x840] =	vst v3;
	v2 =	vadd.f32 v2, v11;
	v3 =	vld [tilespmem:s14+$0xA750]  }
0x316: {  	v11 =	vld [tilespmem:s14+$0x2850];
	[tilespmem:s15+$0x50] =	vst v8  }
0x317: {  	[tilespmem:s15+$0xA40] =	vst v2;
	v2 =	vadd.f32 v6, v52;
	v6 =	vld [tilespmem:s14+$0xA850]  }
0x318: {  	v4 =	vadd.f32 v4, v9;
	v9 =	vld [tilespmem:s14+$0x2460]  }
0x319: {  	v56 =	vld [tilespmem:s14+$0x2950]  }
0x31a: {  	[tilespmem:s15+$0x250] =	vst v4;
	v4 =	vadd.f32 v5, v54;
	v5 =	vld [tilespmem:s14+$0xA460]  }
0x31b: {  	[tilespmem:s15+$0xC40] =	vst v2;
	v2 =	vld [tilespmem:s14+$0xA950]  }
0x31c: {  	v58 =	vld [tilespmem:s14+$0x2560]  }
0x31d: {  	v57 =	vld [tilespmem:s14+$0x2A50]  }
0x31e: {  	v8 =	vld [tilespmem:s14+$0xAA50]  }
0x31f: {  	[tilespmem:s15+$0x450] =	vst v4;
	v3 =	vadd.f32 v3, v55;
	v4 =	vld [tilespmem:s14+$0xA560]  }
0x320: {  	v59 =	vld [tilespmem:s14+$0x2660]  }
0x321: {  	[tilespmem:s15+$0x650] =	vst v3;
	v3 =	vadd.f32 v6, v11;
	v6 =	vld [tilespmem:s14+$0xA660]  }
0x322: {  	v11 =	vld [tilespmem:s14+$0x2760];
	v5 =	vadd.f32 v5, v9  }
0x323: {  	[tilespmem:s15+$0x850] =	vst v3;
	v2 =	vadd.f32 v2, v56;
	v3 =	vld [tilespmem:s14+$0xA760]  }
0x324: {  	v60 =	vld [tilespmem:s14+$0x2860];
	[tilespmem:s15+$0x60] =	vst v5  }
0x325: {  	[tilespmem:s15+$0xA50] =	vst v2;
	v2 =	vadd.f32 v8, v57;
	v8 =	vld [tilespmem:s14+$0xA860]  }
0x326: {  	v62 =	vld [tilespmem:s14+$0x2470]  }
0x327: {  	v63 =	vld [tilespmem:s14+$0xA470]  }
0x328: {  	v61 =	vld [tilespmem:s14+$0x2960]  }
0x329: {  	v4 =	vadd.f32 v4, v58;
	[tilespmem:s15+$0xC50] =	vst v2;
	v2 =	vld [tilespmem:s14+$0xA960]  }
0x32a: {  	v9 =	vld [tilespmem:s14+$0x2A60]  }
0x32b: {  	[tilespmem:s15+$0x260] =	vst v4;
	v4 =	vadd.f32 v6, v59;
	v5 =	vld [tilespmem:s14+$0xAA60]  }
0x32c: {  	v6 =	vadd.f32 v10, v7;
	v7 =	vld [tilespmem:s14+$0x2570]  }
0x32d: {  	v10 =	vld [tilespmem:s14+$0xA570];
	[tilespmem:s15+$0x460] =	vst v4;
	v4 =	vadd.f32 v3, v11  }
0x32e: {  	[tilespmem:s15+$0xE70] =	vst v6;
	v3 =	vld [tilespmem:s14+$0x2670];
	v8 =	vadd.f32 v8, v60  }
0x32f: {  	v6 =	vld [tilespmem:s14+$0xA670];
	[tilespmem:s15+$0x660] =	vst v4;
	v4 =	vadd.f32 v2, v61  }
0x330: {  	[tilespmem:s15+$0x860] =	vst v8;
	v2 =	vld [tilespmem:s14+$0x2770];
	v8 =	vadd.f32 v5, v9  }
0x331: {  	v9 =	vadd.f32 v63, v62;
	v5 =	vld [tilespmem:s14+$0xA770];
	[tilespmem:s15+$0xA60] =	vst v4  }
0x332: {  	v4 =	vld [tilespmem:s14+$0x2870];
	[tilespmem:s15+$0xC60] =	vst v8;
	v8 =	vadd.f32 v10, v7  }
0x333: {  	s16 =	simm.s32 $0x0;
	[tilespmem:s15+$0x70] =	vst v9;
	v7 =	vld [tilespmem:s14+$0xA870]  }
.LBB2_7:
0x334: {  	s16 =	sadd.s32 $0x8, s16;
	[tilespmem:s15+$0x270] =	vst v8;
	v3 =	vadd.f32 v6, v3;
	v6 =	vld [tilespmem:s14+$0x2970];
	s12 =	sadd.s32 $0x1, s12  }
0x335: {  	s17 =	sand.u32 $0x1, s12;
	s18 =	sshll.u32 s16, $0x7;
	p2 =	slt.u32 s16, $0x38;
	v8 =	vld [tilespmem:s14+$0xA970]  }
0x336: {  	s18 =	sand.u32 $0xFFFFF800, s18;
	s19 =	sshll.u32 s17, $0x7;
	[tilespmem:s15+$0x470] =	vst v3;
	v2 =	vadd.f32 v5, v2;
	v3 =	vld [tilespmem:s14+$0x2A70]  }
0x337: {  	v5 =	vld [tilespmem:s14+$0xAA70];
	s14 =	sor.u32 s18, s19  }
0x338: {  	v9 =	vld [tilespmem:s14+$0x2B00];
	[tilespmem:s15+$0x670] =	vst v2;
	v2 =	vadd.f32 v7, v4  }
0x339: {  	v4 =	vld [tilespmem:s14+$0xAB00]  }
0x33a: {  	v7 =	vld [tilespmem:s14+$0x2400];
	[tilespmem:s15+$0x870] =	vst v2;
	v2 =	vadd.f32 v8, v6  }
0x33b: {  	v6 =	vld [tilespmem:s14+$0xA400]  }
0x33c: {  	s18 =	sshll.u32 s16, $0x3;
	v8 =	vld [tilespmem:s14+$0x2500];
	[tilespmem:s15+$0xA70] =	vst v2;
	v2 =	vadd.f32 v5, v3  }
0x33d: {  	s17 =	sshll.u32 s17, $0xC;
	s18 =	sand.u32 $0x3FFFFF80, s18;
	v3 =	vld [tilespmem:s14+$0xA500]  }
0x33e: {  	s17 =	sadd.s32 s18, s17;
	v5 =	vld [tilespmem:s14+$0x2600];
	v4 =	vadd.f32 v4, v9;
	[tilespmem:s15+$0xC70] =	vst v2  }
0x33f: {  	s15 =	sadd.s32 $0x12400, s17;
	v2 =	vld [tilespmem:s14+$0xA600]  }
0x340: {  	v6 =	vadd.f32 v6, v7;
	v7 =	vld [tilespmem:s14+$0x2700];
	[tilespmem:s15+$0xE00] =	vst v4  }
0x341: {  	v4 =	vld [tilespmem:s14+$0x2B10]  }
0x342: {  	[tilespmem:s17+$0x12400] =	vst v6;
	v3 =	vadd.f32 v3, v8;
	v6 =	vld [tilespmem:s14+$0xAB10]  }
0x343: {  	v8 =	vld [tilespmem:s14+$0xA700]  }
0x344: {  	[tilespmem:s15+$0x200] =	vst v3;
	v2 =	vadd.f32 v2, v5;
	v3 =	vld [tilespmem:s14+$0x2800]  }
0x345: {  	v5 =	vld [tilespmem:s14+$0xA800]  }
0x346: {  	[tilespmem:s15+$0x400] =	vst v2;
	v2 =	vld [tilespmem:s14+$0x2900]  }
0x347: {  	v9 =	vld [tilespmem:s14+$0xA900];
	v4 =	vadd.f32 v6, v4  }
0x348: {  	v6 =	vadd.f32 v8, v7;
	v7 =	vld [tilespmem:s14+$0x2A00]  }
0x349: {  	v8 =	vld [tilespmem:s14+$0xAA00];
	[tilespmem:s15+$0xE10] =	vst v4  }
0x34a: {  	[tilespmem:s15+$0x600] =	vst v6;
	v3 =	vadd.f32 v5, v3;
	v4 =	vld [tilespmem:s14+$0x2B20]  }
0x34b: {  	v5 =	vld [tilespmem:s14+$0xAB20]  }
0x34c: {  	v6 =	vld [tilespmem:s14+$0x2410];
	[tilespmem:s15+$0x800] =	vst v3;
	v2 =	vadd.f32 v9, v2  }
0x34d: {  	v3 =	vld [tilespmem:s14+$0xA410]  }
0x34e: {  	v9 =	vld [tilespmem:s14+$0x2510];
	[tilespmem:s15+$0xA00] =	vst v2;
	v2 =	vadd.f32 v8, v7  }
0x34f: {  	v7 =	vld [tilespmem:s14+$0xA510]  }
0x350: {  	v8 =	vld [tilespmem:s14+$0x2610];
	[tilespmem:s15+$0xC00] =	vst v2;
	v2 =	vadd.f32 v5, v4  }
0x351: {  	v4 =	vld [tilespmem:s14+$0xA610]  }
0x352: {  	v3 =	vadd.f32 v3, v6;
	v5 =	vld [tilespmem:s14+$0x2710];
	[tilespmem:s15+$0xE20] =	vst v2  }
0x353: {  	v2 =	vld [tilespmem:s14+$0x2B30]  }
0x354: {  	[tilespmem:s15+$0x10] =	vst v3;
	v3 =	vadd.f32 v7, v9;
	v6 =	vld [tilespmem:s14+$0xAB30]  }
0x355: {  	v7 =	vld [tilespmem:s14+$0xA710]  }
0x356: {  	[tilespmem:s15+$0x210] =	vst v3;
	v3 =	vadd.f32 v4, v8;
	v4 =	vld [tilespmem:s14+$0x2810]  }
0x357: {  	v8 =	vld [tilespmem:s14+$0xA810]  }
0x358: {  	[tilespmem:s15+$0x410] =	vst v3;
	v3 =	vld [tilespmem:s14+$0x2910]  }
0x359: {  	v9 =	vld [tilespmem:s14+$0xA910];
	v2 =	vadd.f32 v6, v2  }
0x35a: {  	v5 =	vadd.f32 v7, v5;
	v6 =	vld [tilespmem:s14+$0x2A10]  }
0x35b: {  	v7 =	vld [tilespmem:s14+$0xAA10];
	[tilespmem:s15+$0xE30] =	vst v2  }
0x35c: {  	[tilespmem:s15+$0x610] =	vst v5;
	v2 =	vadd.f32 v8, v4;
	v4 =	vld [tilespmem:s14+$0x2B40]  }
0x35d: {  	v5 =	vld [tilespmem:s14+$0xAB40]  }
0x35e: {  	v8 =	vld [tilespmem:s14+$0x2420];
	[tilespmem:s15+$0x810] =	vst v2;
	v2 =	vadd.f32 v9, v3  }
0x35f: {  	v3 =	vld [tilespmem:s14+$0xA420]  }
0x360: {  	v9 =	vld [tilespmem:s14+$0x2520];
	[tilespmem:s15+$0xA10] =	vst v2;
	v2 =	vadd.f32 v7, v6  }
0x361: {  	v6 =	vld [tilespmem:s14+$0xA520]  }
0x362: {  	v7 =	vld [tilespmem:s14+$0x2620];
	[tilespmem:s15+$0xC10] =	vst v2;
	v2 =	vadd.f32 v5, v4  }
0x363: {  	v4 =	vld [tilespmem:s14+$0xA620]  }
0x364: {  	v3 =	vadd.f32 v3, v8;
	v5 =	vld [tilespmem:s14+$0x2720];
	[tilespmem:s15+$0xE40] =	vst v2  }
0x365: {  	v2 =	vld [tilespmem:s14+$0x2B50]  }
0x366: {  	[tilespmem:s15+$0x20] =	vst v3;
	v3 =	vadd.f32 v6, v9;
	v6 =	vld [tilespmem:s14+$0xAB50]  }
0x367: {  	v8 =	vld [tilespmem:s14+$0xA720]  }
0x368: {  	[tilespmem:s15+$0x220] =	vst v3;
	v3 =	vadd.f32 v4, v7;
	v4 =	vld [tilespmem:s14+$0x2820]  }
0x369: {  	v7 =	vld [tilespmem:s14+$0xA820]  }
0x36a: {  	[tilespmem:s15+$0x420] =	vst v3;
	v3 =	vld [tilespmem:s14+$0x2920]  }
0x36b: {  	v9 =	vld [tilespmem:s14+$0xA920];
	v2 =	vadd.f32 v6, v2  }
0x36c: {  	v5 =	vadd.f32 v8, v5;
	v6 =	vld [tilespmem:s14+$0x2A20]  }
0x36d: {  	v8 =	vld [tilespmem:s14+$0xAA20];
	[tilespmem:s15+$0xE50] =	vst v2  }
0x36e: {  	[tilespmem:s15+$0x620] =	vst v5;
	v2 =	vadd.f32 v7, v4;
	v4 =	vld [tilespmem:s14+$0x2B60]  }
0x36f: {  	v5 =	vld [tilespmem:s14+$0xAB60]  }
0x370: {  	v7 =	vld [tilespmem:s14+$0x2430];
	[tilespmem:s15+$0x820] =	vst v2;
	v2 =	vadd.f32 v9, v3  }
0x371: {  	v3 =	vld [tilespmem:s14+$0xA430]  }
0x372: {  	v9 =	vld [tilespmem:s14+$0x2530];
	[tilespmem:s15+$0xA20] =	vst v2;
	v2 =	vadd.f32 v8, v6  }
0x373: {  	v6 =	vld [tilespmem:s14+$0xA530]  }
0x374: {  	v8 =	vld [tilespmem:s14+$0x2630];
	[tilespmem:s15+$0xC20] =	vst v2;
	v2 =	vadd.f32 v5, v4  }
0x375: {  	v4 =	vld [tilespmem:s14+$0xA630]  }
0x376: {  	v3 =	vadd.f32 v3, v7;
	v5 =	vld [tilespmem:s14+$0x2730];
	[tilespmem:s15+$0xE60] =	vst v2  }
0x377: {  	v2 =	vld [tilespmem:s14+$0x2B70]  }
0x378: {  	[tilespmem:s15+$0x30] =	vst v3;
	v3 =	vadd.f32 v6, v9;
	v6 =	vld [tilespmem:s14+$0xAB70]  }
0x379: {  	v7 =	vld [tilespmem:s14+$0xA730]  }
0x37a: {  	[tilespmem:s15+$0x230] =	vst v3;
	v3 =	vadd.f32 v4, v8;
	v4 =	vld [tilespmem:s14+$0x2830]  }
0x37b: {  	v8 =	vld [tilespmem:s14+$0xA830]  }
0x37c: {  	[tilespmem:s15+$0x430] =	vst v3;
	v3 =	vld [tilespmem:s14+$0x2930]  }
0x37d: {  	v9 =	vld [tilespmem:s14+$0xA930];
	v2 =	vadd.f32 v6, v2  }
0x37e: {  	v5 =	vadd.f32 v7, v5;
	v6 =	vld [tilespmem:s14+$0x2A30]  }
0x37f: {  	v7 =	vld [tilespmem:s14+$0xAA30];
	[tilespmem:s15+$0xE70] =	vst v2  }
0x380: {  	v2 =	vld [tilespmem:s14+$0x2440];
	[tilespmem:s15+$0x630] =	vst v5;
	v4 =	vadd.f32 v8, v4  }
0x381: {  	v5 =	vld [tilespmem:s14+$0xA440]  }
0x382: {  	v8 =	vld [tilespmem:s14+$0x2540];
	[tilespmem:s15+$0x830] =	vst v4;
	v3 =	vadd.f32 v9, v3  }
0x383: {  	v4 =	vld [tilespmem:s14+$0xA540]  }
0x384: {  	v9 =	vld [tilespmem:s14+$0x2640];
	[tilespmem:s15+$0xA30] =	vst v3;
	v3 =	vadd.f32 v7, v6  }
0x385: {  	v6 =	vld [tilespmem:s14+$0xA640]  }
0x386: {  	v2 =	vadd.f32 v5, v2;
	v5 =	vld [tilespmem:s14+$0x2740];
	[tilespmem:s15+$0xC30] =	vst v3  }
0x387: {  	v3 =	vld [tilespmem:s14+$0xA740]  }
0x388: {  	[tilespmem:s15+$0x40] =	vst v2;
	v2 =	vadd.f32 v4, v8;
	v4 =	vld [tilespmem:s14+$0x2840]  }
0x389: {  	v7 =	vld [tilespmem:s14+$0xA840]  }
0x38a: {  	[tilespmem:s15+$0x240] =	vst v2;
	v2 =	vadd.f32 v6, v9;
	v6 =	vld [tilespmem:s14+$0x2940]  }
0x38b: {  	v8 =	vld [tilespmem:s14+$0xA940]  }
0x38c: {  	[tilespmem:s15+$0x440] =	vst v2;
	v2 =	vadd.f32 v3, v5;
	v3 =	vld [tilespmem:s14+$0x2A40]  }
0x38d: {  	v5 =	vld [tilespmem:s14+$0xAA40]  }
0x38e: {  	v9 =	vld [tilespmem:s14+$0x2450];
	[tilespmem:s15+$0x640] =	vst v2;
	v2 =	vadd.f32 v7, v4  }
0x38f: {  	v4 =	vld [tilespmem:s14+$0xA450]  }
0x390: {  	v7 =	vld [tilespmem:s14+$0x2550];
	[tilespmem:s15+$0x840] =	vst v2;
	v2 =	vadd.f32 v8, v6  }
0x391: {  	v6 =	vld [tilespmem:s14+$0xA550]  }
0x392: {  	v8 =	vld [tilespmem:s14+$0x2650];
	[tilespmem:s15+$0xA40] =	vst v2;
	v2 =	vadd.f32 v5, v3  }
0x393: {  	v3 =	vld [tilespmem:s14+$0xA650]  }
0x394: {  	v4 =	vadd.f32 v4, v9;
	v5 =	vld [tilespmem:s14+$0x2750];
	[tilespmem:s15+$0xC40] =	vst v2  }
0x395: {  	v2 =	vld [tilespmem:s14+$0xA750]  }
0x396: {  	[tilespmem:s15+$0x50] =	vst v4;
	v4 =	vadd.f32 v6, v7;
	v6 =	vld [tilespmem:s14+$0x2850]  }
0x397: {  	v7 =	vld [tilespmem:s14+$0xA850]  }
0x398: {  	[tilespmem:s15+$0x250] =	vst v4;
	v3 =	vadd.f32 v3, v8;
	v4 =	vld [tilespmem:s14+$0x2950]  }
0x399: {  	v8 =	vld [tilespmem:s14+$0xA950]  }
0x39a: {  	[tilespmem:s15+$0x450] =	vst v3;
	v2 =	vadd.f32 v2, v5;
	v3 =	vld [tilespmem:s14+$0x2A50]  }
0x39b: {  	v5 =	vld [tilespmem:s14+$0xAA50]  }
0x39c: {  	v9 =	vld [tilespmem:s14+$0x2460];
	[tilespmem:s15+$0x650] =	vst v2;
	v2 =	vadd.f32 v7, v6  }
0x39d: {  	v6 =	vld [tilespmem:s14+$0xA460]  }
0x39e: {  	v7 =	vld [tilespmem:s14+$0x2560];
	[tilespmem:s15+$0x850] =	vst v2;
	v2 =	vadd.f32 v8, v4  }
0x39f: {  	v4 =	vld [tilespmem:s14+$0xA560]  }
0x3a0: {  	v8 =	vld [tilespmem:s14+$0x2660];
	[tilespmem:s15+$0xA50] =	vst v2;
	v2 =	vadd.f32 v5, v3  }
0x3a1: {  	v3 =	vld [tilespmem:s14+$0xA660]  }
0x3a2: {  	v5 =	vadd.f32 v6, v9;
	v6 =	vld [tilespmem:s14+$0x2760];
	[tilespmem:s15+$0xC50] =	vst v2  }
0x3a3: {  	v2 =	vld [tilespmem:s14+$0xA760]  }
0x3a4: {  	[tilespmem:s15+$0x60] =	vst v5;
	v4 =	vadd.f32 v4, v7;
	v5 =	vld [tilespmem:s14+$0x2860]  }
0x3a5: {  	v7 =	vld [tilespmem:s14+$0xA860]  }
0x3a6: {  	[tilespmem:s15+$0x260] =	vst v4;
	v3 =	vadd.f32 v3, v8;
	v4 =	vld [tilespmem:s14+$0x2960]  }
0x3a7: {  	v8 =	vld [tilespmem:s14+$0xA960]  }
0x3a8: {  	[tilespmem:s15+$0x460] =	vst v3;
	v2 =	vadd.f32 v2, v6;
	v6 =	vld [tilespmem:s14+$0x2A60]  }
0x3a9: {  	v9 =	vld [tilespmem:s14+$0xAA60]  }
0x3aa: {  	v10 =	vld [tilespmem:s14+$0x2470];
	[tilespmem:s15+$0x660] =	vst v2;
	v2 =	vadd.f32 v7, v5  }
0x3ab: {  	v5 =	vld [tilespmem:s14+$0xA470]  }
0x3ac: {  	v7 =	vld [tilespmem:s14+$0x2570];
	[tilespmem:s15+$0x860] =	vst v2;
	v2 =	vadd.f32 v8, v4  }
0x3ad: {  	v4 =	vld [tilespmem:s14+$0xA570]  }
0x3ae: {  	v3 =	vld [tilespmem:s14+$0x2670];
	[tilespmem:s15+$0xA60] =	vst v2;
	v8 =	vadd.f32 v9, v6  }
.Ltmp6:
0x3af: {  	v6 =	vld [tilespmem:s14+$0xA670];
	(pc) =	sbr.rel @p2 .LBB2_7-.Ltmp6, $4  }
0x3b0: {  	v9 =	vadd.f32 v5, v10;
	v2 =	vld [tilespmem:s14+$0x2770];
	[tilespmem:s15+$0xC60] =	vst v8  }
0x3b1: {  	v5 =	vld [tilespmem:s14+$0xA770]  }
0x3b2: {  	[tilespmem:s15+$0x70] =	vst v9;
	v8 =	vadd.f32 v4, v7;
	v4 =	vld [tilespmem:s14+$0x2870]  }
0x3b3: {  	v7 =	vld [tilespmem:s14+$0xA870]  }
0x3b4: {  	v9 =	vld [tilespmem:s14+$0x2970]  }
0x3b5: {  	v10 =	vld [tilespmem:s14+$0xA970]  }
0x3b6: {  	v11 =	vld [tilespmem:s14+$0x2A70]  }
0x3b7: {  	v12 =	vld [tilespmem:s14+$0xAA70]  }
0x3b8: {  	v3 =	vadd.f32 v6, v3  }
0x3b9: {  	[tilespmem:s15+$0x270] =	vst v8;
	v2 =	vadd.f32 v5, v2  }
.Ltmp7:
0x3ba: {  	[tilespmem:s15+$0x470] =	vst v3;
	v3 =	vadd.f32 v7, v4;
	(pc) =	sbr.rel @p1 .LBB2_10-.Ltmp7, $4  }
0x3bb: {  	[tilespmem:s15+$0x670] =	vst v2;
	v2 =	vadd.f32 v10, v9  }
0x3bc: {  	[tilespmem:s15+$0x870] =	vst v3;
	v3 =	vadd.f32 v12, v11  }
0x3bd: {  	[tilespmem:s15+$0xA70] =	vst v2  }
0x3be: {  	[tilespmem:s15+$0xC70] =	vst v3  }
0x3bf: {  	v2 =	vld.msk [tilespmem:s8+$0xA], $0x3;
	_ =	sdelay $0x4  }
0x3c0: {  	v3 =	vshll.u32 v2, $0x3  }
0x3c1: {  	v2 =	vand.u32 $0x7, v2;
	v3 =	vand.u32 $0xFFFFFFC0, v3  }
0x3c2: {  	v2 =	vor.u32 v2, v3  }
0x3c3: {  	v2 =	vperm.xlane v2, v0;
	_ =	sdelay $0x1  }
0x3c4: {  	v2 =	vadd.s32 v1, v2;
	_ =	sdelay $0x3  }
0x3c5: {  	s12 =	simm.s32 $0x2400  }
0x3c6: {  	[tilespmem:s12], [sflag:$0x2] =	stream.indirect_vreg.gather [hbm4b:s1+s5], $0x80, v2, vm0, $0xb8;
	[tilespmem:$0x18400] =	vst v63  }
0x3c7: {  	v2 =	vld.msk [tilespmem:s8+$0x20A], $0x3;
	_ =	sdelay $0x4  }
0x3c8: {  	v3 =	vshll.u32 v2, $0x3  }
0x3c9: {  	v2 =	vand.u32 $0x7, v2;
	v3 =	vand.u32 $0xFFFFFFC0, v3  }
0x3ca: {  	v2 =	vor.u32 v2, v3  }
0x3cb: {  	v2 =	vperm.xlane v2, v0;
	_ =	sdelay $0x1  }
0x3cc: {  	v2 =	vadd.s32 v1, v2;
	_ =	sdelay $0x2  }
0x3cd: {  	s20 =	sadd.s32 $0xA, s8  }
0x3ce: {  	s14 =	simm.s32 $0xA400;
	s12 =	sand.u32 $0xFA, s20  }
0x3cf: {  	[tilespmem:s14], [sflag:$0x6] =	stream.indirect_vreg.gather [hbm4b:s3+s5], $0x80, v2, vm0, $0xb8;
	[tilespmem:$0x18400] =	vst v63  }
0x3d0: {  	v2 =	vld.msk [tilespmem:s12+$0x80], $0x3;
	_ =	sdelay $0x4  }
0x3d1: {  	v3 =	vshll.u32 v2, $0x3  }
0x3d2: {  	v2 =	vand.u32 $0x7, v2;
	v3 =	vand.u32 $0xFFFFFFC0, v3  }
0x3d3: {  	v2 =	vor.u32 v2, v3  }
0x3d4: {  	v2 =	vperm.xlane v2, v0;
	_ =	sdelay $0x1  }
0x3d5: {  	v2 =	vadd.s32 v1, v2;
	_ =	sdelay $0x3  }
0x3d6: {  	s15 =	simm.s32 $0x2C00  }
0x3d7: {  	[tilespmem:s15], [sflag:$0x2] =	stream.indirect_vreg.gather [hbm4b:s1+s5], $0x80, v2, vm0, $0xb8;
	[tilespmem:$0x18400] =	vst v63  }
0x3d8: {  	v2 =	vld.msk [tilespmem:s12+$0x280], $0x3;
	_ =	sdelay $0x4  }
0x3d9: {  	v3 =	vshll.u32 v2, $0x3  }
0x3da: {  	v2 =	vand.u32 $0x7, v2;
	v3 =	vand.u32 $0xFFFFFFC0, v3  }
0x3db: {  	v2 =	vor.u32 v2, v3  }
0x3dc: {  	v2 =	vperm.xlane v2, v0;
	_ =	sdelay $0x1  }
0x3dd: {  	v2 =	vadd.s32 v1, v2;
	_ =	sdelay $0x3  }
0x3de: {  	s16 =	simm.s32 $0xAC00  }
0x3df: {  	[tilespmem:s16], [sflag:$0x6] =	stream.indirect_vreg.gather [hbm4b:s3+s5], $0x80, v2, vm0, $0xb8;
	[tilespmem:$0x18400] =	vst v63  }
0x3e0: {  	v2 =	vld.msk [tilespmem:s8+$0x10A], $0x3;
	_ =	sdelay $0x4  }
0x3e1: {  	v3 =	vshll.u32 v2, $0x3  }
0x3e2: {  	v2 =	vand.u32 $0x7, v2;
	v3 =	vand.u32 $0xFFFFFFC0, v3  }
0x3e3: {  	v2 =	vor.u32 v2, v3  }
0x3e4: {  	v2 =	vperm.xlane v2, v0;
	_ =	sdelay $0x1  }
0x3e5: {  	v2 =	vadd.s32 v1, v2;
	_ =	sdelay $0x3  }
0x3e6: {  	s17 =	simm.s32 $0x3400  }
0x3e7: {  	[tilespmem:s17], [sflag:$0x2] =	stream.indirect_vreg.gather [hbm4b:s1+s5], $0x80, v2, vm0, $0xb8;
	[tilespmem:$0x18400] =	vst v63  }
0x3e8: {  	v2 =	vld.msk [tilespmem:s8+$0x30A], $0x3;
	_ =	sdelay $0x4  }
0x3e9: {  	v3 =	vshll.u32 v2, $0x3  }
0x3ea: {  	v2 =	vand.u32 $0x7, v2;
	v3 =	vand.u32 $0xFFFFFFC0, v3  }
0x3eb: {  	v2 =	vor.u32 v2, v3  }
0x3ec: {  	v2 =	vperm.xlane v2, v0;
	_ =	sdelay $0x1  }
0x3ed: {  	v2 =	vadd.s32 v1, v2;
	_ =	sdelay $0x3  }
0x3ee: {  	s18 =	simm.s32 $0xB400  }
0x3ef: {  	[tilespmem:s18], [sflag:$0x6] =	stream.indirect_vreg.gather [hbm4b:s3+s5], $0x80, v2, vm0, $0xb8;
	[tilespmem:$0x18400] =	vst v63  }
0x3f0: {  	v2 =	vld.msk [tilespmem:s12+$0x180], $0x3;
	_ =	sdelay $0x4  }
0x3f1: {  	v3 =	vshll.u32 v2, $0x3  }
0x3f2: {  	v2 =	vand.u32 $0x7, v2;
	v3 =	vand.u32 $0xFFFFFFC0, v3  }
0x3f3: {  	v2 =	vor.u32 v2, v3  }
0x3f4: {  	v2 =	vperm.xlane v2, v0;
	_ =	sdelay $0x1  }
0x3f5: {  	v2 =	vadd.s32 v1, v2;
	_ =	sdelay $0x3  }
0x3f6: {  	s19 =	simm.s32 $0x3C00  }
0x3f7: {  	[tilespmem:s19], [sflag:$0x2] =	stream.indirect_vreg.gather [hbm4b:s1+s5], $0x80, v2, vm0, $0xb8;
	[tilespmem:$0x18400] =	vst v63  }
0x3f8: {  	v2 =	vld.msk [tilespmem:s12+$0x380], $0x3;
	_ =	sdelay $0x4  }
0x3f9: {  	v3 =	vshll.u32 v2, $0x3  }
0x3fa: {  	v2 =	vand.u32 $0x7, v2;
	v3 =	vand.u32 $0xFFFFFFC0, v3  }
0x3fb: {  	v2 =	vor.u32 v2, v3  }
0x3fc: {  	v2 =	vperm.xlane v2, v0;
	_ =	sdelay $0x1  }
0x3fd: {  	v2 =	vadd.s32 v1, v2;
	_ =	sdelay $0x3  }
0x3fe: {  	s20 =	simm.s32 $0xBC00  }
0x3ff: {  	[tilespmem:s20], [sflag:$0x6] =	stream.indirect_vreg.gather [hbm4b:s3+s5], $0x80, v2, vm0, $0xb8;
	[tilespmem:$0x18400] =	vst v63  }
.LBB2_10:
0x400: {  	s12 =	sadd.s32 s8, s6  }
0x401: {  	s12 =	sshll.u32 s12, $0x9  }
0x402: {  	s12 =	sadd.s32 s4, s12  }
0x403: {  	s14 =	sadd.s32 $0x400, s12  }
0x404: {  	[hbm4b:s14+s5] =	stream.linear.scatter [tilespmem:s28], [sflag:$0xA], $0x2000, $0x38;
	[tilespmem:$0x18400] =	vst v63  }
0x405: {  	_ =	swait.ge [sflag:s29], $0x800  }
0x406: {  	[sflag:s29] =	ssyncset.done $0x0  }
0x407: {  	[sflag:s29] =	ssyncadd.s32 $0xFFFFF800  }
0x408: {  	_ =	swait.ge [sflag:s30], $0x800  }
0x409: {  	[sflag:s30] =	ssyncset.done $0x0  }
0x40a: {  	[sflag:s30] =	ssyncadd.s32 $0xFFFFF800  }
0x40b: {  	_ =	swait.ge [sflag:s29], $0x800  }
0x40c: {  	[sflag:s29] =	ssyncset.done $0x0  }
0x40d: {  	[sflag:s29] =	ssyncadd.s32 $0xFFFFF800  }
0x40e: {  	_ =	swait.ge [sflag:s30], $0x800  }
0x40f: {  	[sflag:s30] =	ssyncset.done $0x0  }
0x410: {  	[sflag:s30] =	ssyncadd.s32 $0xFFFFF800  }
0x411: {  	_ =	swait.ge [sflag:s29], $0x800  }
0x412: {  	[sflag:s29] =	ssyncset.done $0x0  }
0x413: {  	[sflag:s29] =	ssyncadd.s32 $0xFFFFF800  }
0x414: {  	_ =	swait.ge [sflag:s30], $0x800  }
0x415: {  	[sflag:s30] =	ssyncset.done $0x0  }
0x416: {  	[sflag:s30] =	ssyncadd.s32 $0xFFFFF800  }
0x417: {  	_ =	swait.ge [sflag:s29], $0x800  }
0x418: {  	[sflag:s29] =	ssyncset.done $0x0  }
0x419: {  	[sflag:s29] =	ssyncadd.s32 $0xFFFFF800  }
0x41a: {  	_ =	swait.ge [sflag:s30], $0x800  }
0x41b: {  	[sflag:s30] =	ssyncset.done $0x0  }
0x41c: {  	s15 =	simm.s32 @!p0 $0xB;
	s14 =	simm.s32 $0x0;
	[sflag:s30] =	ssyncadd.s32 $0xFFFFF800  }
0x41d: {  	s17 =	simm.s32 $0x0;
	s16 =	sand.u32 $0x1, s14;
	_ =	swait.ge @!p0 [sflag:s15], $0x2000  }
0x41e: {  	s17 =	sand.u32 $0xFFFFF800, s17;
	s18 =	sshll.u32 s16, $0x7;
	[sflag:s15] =	ssyncset.done @!p0 $0x0  }
0x41f: {  	[sflag:s15] =	ssyncadd.s32 @!p0 $0xFFFFE000;
	s15 =	sor.u32 s17, s18  }
0x420: {  	v2 =	vld [tilespmem:s15+$0x4B00]  }
0x421: {  	v3 =	vld [tilespmem:s15+$0xCB00]  }
0x422: {  	v4 =	vld [tilespmem:s15+$0x4400]  }
0x423: {  	v5 =	vld [tilespmem:s15+$0xC400]  }
0x424: {  	v6 =	vld [tilespmem:s15+$0x4500]  }
0x425: {  	v7 =	vld [tilespmem:s15+$0xC500]  }
0x426: {  	v8 =	vld [tilespmem:s15+$0x4600]  }
0x427: {  	v9 =	vld [tilespmem:s15+$0x4700]  }
0x428: {  	v11 =	vld [tilespmem:s15+$0xC700]  }
0x429: {  	s20 =	simm.s32 $0x0;
	v12 =	vld [tilespmem:s15+$0x4800]  }
0x42a: {  	s16 =	sshll.u32 s16, $0xC;
	s17 =	sand.u32 $0x3FFFFF80, s20;
	v13 =	vld [tilespmem:s15+$0xC800]  }
0x42b: {  	s17 =	sadd.s32 s17, s16;
	v14 =	vld [tilespmem:s15+$0x4900];
	v2 =	vadd.f32 v3, v2  }
0x42c: {  	s16 =	sadd.s32 $0x14400, s17;
	v3 =	vld [tilespmem:s15+$0xC600]  }
0x42d: {  	v15 =	vld [tilespmem:s15+$0xC900];
	[tilespmem:s16+$0xE00] =	vst v2  }
0x42e: {  	v4 =	vadd.f32 v5, v4;
	v2 =	vld [tilespmem:s15+$0x4B10]  }
0x42f: {  	v10 =	vld [tilespmem:s15+$0xCB10]  }
0x430: {  	v5 =	vld [tilespmem:s15+$0xCA00];
	[tilespmem:s17+$0x14400] =	vst v4;
	v4 =	vadd.f32 v7, v6  }
0x431: {  	v7 =	vld [tilespmem:s15+$0x4410];
	v3 =	vadd.f32 v3, v8  }
0x432: {  	[tilespmem:s16+$0x200] =	vst v4;
	v4 =	vld [tilespmem:s15+$0xC410]  }
0x433: {  	v8 =	vld [tilespmem:s15+$0x4510];
	[tilespmem:s16+$0x400] =	vst v3;
	v3 =	vadd.f32 v11, v9  }
0x434: {  	v9 =	vld [tilespmem:s15+$0xC510];
	v2 =	vadd.f32 v10, v2  }
0x435: {  	v11 =	vld [tilespmem:s15+$0x4610];
	[tilespmem:s16+$0x600] =	vst v3  }
0x436: {  	v3 =	vld [tilespmem:s15+$0xC610];
	[tilespmem:s16+$0xE10] =	vst v2  }
0x437: {  	v2 =	vld [tilespmem:s15+$0x4B20]  }
0x438: {  	v4 =	vadd.f32 v4, v7;
	v6 =	vld [tilespmem:s15+$0xCB20]  }
0x439: {  	v10 =	vld [tilespmem:s15+$0x4A00]  }
0x43a: {  	v36 =	vld [tilespmem:s15+$0xC710];
	[tilespmem:s16+$0x10] =	vst v4;
	v4 =	vadd.f32 v9, v8  }
0x43b: {  	v9 =	vld [tilespmem:s15+$0x4420]  }
0x43c: {  	[tilespmem:s16+$0x210] =	vst v4;
	v3 =	vadd.f32 v3, v11;
	v4 =	vld [tilespmem:s15+$0xC420]  }
0x43d: {  	v11 =	vld [tilespmem:s15+$0x4520];
	v2 =	vadd.f32 v6, v2  }
0x43e: {  	v6 =	vld [tilespmem:s15+$0x4710];
	[tilespmem:s16+$0x410] =	vst v3  }
0x43f: {  	v39 =	vld [tilespmem:s15+$0x4620];
	[tilespmem:s16+$0xE20] =	vst v2;
	v2 =	vadd.f32 v13, v12  }
0x440: {  	v34 =	vld [tilespmem:s15+$0x4B30]  }
0x441: {  	v35 =	vld [tilespmem:s15+$0xCB30];
	[tilespmem:s16+$0x800] =	vst v2  }
0x442: {  	v2 =	vadd.f32 v15, v14;
	v37 =	vld [tilespmem:s15+$0x4810]  }
0x443: {  	v3 =	vadd.f32 v36, v6;
	v6 =	vld [tilespmem:s15+$0xC520]  }
0x444: {  	[tilespmem:s16+$0xA00] =	vst v2;
	v2 =	vadd.f32 v5, v10;
	v5 =	vld [tilespmem:s15+$0xC810]  }
0x445: {  	v10 =	vld [tilespmem:s15+$0x4910]  }
0x446: {  	[tilespmem:s16+$0x610] =	vst v3;
	v3 =	vld [tilespmem:s15+$0xC620]  }
0x447: {  	[tilespmem:s16+$0xC00] =	vst v2;
	v2 =	vld [tilespmem:s15+$0xC910]  }
0x448: {  	v12 =	vadd.f32 v35, v34;
	v40 =	vld [tilespmem:s15+$0x4720]  }
0x449: {  	v38 =	vld [tilespmem:s15+$0x4A10]  }
0x44a: {  	v4 =	vadd.f32 v4, v9;
	v7 =	vld [tilespmem:s15+$0xCA10];
	[tilespmem:s16+$0xE30] =	vst v12  }
0x44b: {  	v12 =	vld [tilespmem:s15+$0x4B40]  }
0x44c: {  	[tilespmem:s16+$0x20] =	vst v4;
	v4 =	vadd.f32 v6, v11;
	v8 =	vld [tilespmem:s15+$0xCB40]  }
0x44d: {  	v11 =	vld [tilespmem:s15+$0x4430];
	v5 =	vadd.f32 v5, v37  }
0x44e: {  	[tilespmem:s16+$0x220] =	vst v4;
	v4 =	vld [tilespmem:s15+$0xC430];
	v2 =	vadd.f32 v2, v10  }
0x44f: {  	[tilespmem:s16+$0x810] =	vst v5;
	v5 =	vld [tilespmem:s15+$0xC720]  }
0x450: {  	v44 =	vld [tilespmem:s15+$0x4530];
	[tilespmem:s16+$0xA10] =	vst v2;
	v2 =	vadd.f32 v7, v38  }
0x451: {  	v10 =	vld [tilespmem:s15+$0x4820];
	v8 =	vadd.f32 v8, v12  }
0x452: {  	v42 =	vld [tilespmem:s15+$0x4920];
	[tilespmem:s16+$0xC10] =	vst v2  }
0x453: {  	v2 =	vld [tilespmem:s15+$0xC920];
	[tilespmem:s16+$0xE40] =	vst v8  }
0x454: {  	v8 =	vld [tilespmem:s15+$0x4B50]  }
0x455: {  	v41 =	vld [tilespmem:s15+$0xCB50]  }
0x456: {  	v3 =	vadd.f32 v3, v39;
	v7 =	vld [tilespmem:s15+$0xC820]  }
0x457: {  	v43 =	vld [tilespmem:s15+$0x4A20]  }
0x458: {  	[tilespmem:s16+$0x420] =	vst v3;
	v9 =	vld [tilespmem:s15+$0xCA20];
	v3 =	vadd.f32 v5, v40  }
0x459: {  	v45 =	vld [tilespmem:s15+$0x4630];
	v2 =	vadd.f32 v2, v42  }
0x45a: {  	v5 =	vld [tilespmem:s15+$0xC530];
	[tilespmem:s16+$0x620] =	vst v3;
	v8 =	vadd.f32 v41, v8  }
0x45b: {  	v3 =	vld [tilespmem:s15+$0xC630];
	[tilespmem:s16+$0xA20] =	vst v2  }
0x45c: {  	v47 =	vld [tilespmem:s15+$0x4930];
	[tilespmem:s16+$0xE50] =	vst v8  }
0x45d: {  	v2 =	vadd.f32 v9, v43;
	v8 =	vld [tilespmem:s15+$0x4B60]  }
0x45e: {  	v6 =	vld [tilespmem:s15+$0xCB60]  }
0x45f: {  	[tilespmem:s16+$0xC20] =	vst v2;
	v2 =	vadd.f32 v4, v11;
	v4 =	vld [tilespmem:s15+$0xC930]  }
0x460: {  	v11 =	vld [tilespmem:s15+$0x4A30]  }
0x461: {  	[tilespmem:s16+$0x30] =	vst v2;
	v2 =	vadd.f32 v5, v44;
	v5 =	vld [tilespmem:s15+$0xCA30]  }
0x462: {  	v48 =	vld [tilespmem:s15+$0x4440]  }
0x463: {  	[tilespmem:s16+$0x230] =	vst v2;
	v2 =	vadd.f32 v3, v45;
	v3 =	vld [tilespmem:s15+$0xC440];
	v6 =	vadd.f32 v6, v8  }
0x464: {  	v49 =	vld [tilespmem:s15+$0x4540]  }
0x465: {  	v8 =	vld [tilespmem:s15+$0x4730];
	[tilespmem:s16+$0xE60] =	vst v6;
	v6 =	vadd.f32 v7, v10  }
0x466: {  	v7 =	vld [tilespmem:s15+$0x4B70]  }
0x467: {  	[tilespmem:s16+$0x820] =	vst v6;
	v6 =	vld [tilespmem:s15+$0xC730]  }
0x468: {  	v3 =	vadd.f32 v3, v48;
	v46 =	vld [tilespmem:s15+$0x4830]  }
0x469: {  	v9 =	vld [tilespmem:s15+$0xC830]  }
0x46a: {  	v10 =	vld [tilespmem:s15+$0xCB70];
	[tilespmem:s16+$0x40] =	vst v3  }
0x46b: {  	v53 =	vld [tilespmem:s15+$0x4450]  }
0x46c: {  	[tilespmem:s16+$0x430] =	vst v2;
	v2 =	vadd.f32 v6, v8;
	v6 =	vld [tilespmem:s15+$0xC540]  }
0x46d: {  	v8 =	vld [tilespmem:s15+$0x4640]  }
0x46e: {  	[tilespmem:s16+$0x630] =	vst v2;
	v2 =	vadd.f32 v9, v46;
	v9 =	vld [tilespmem:s15+$0xC640]  }
0x46f: {  	v50 =	vld [tilespmem:s15+$0x4740]  }
0x470: {  	[tilespmem:s16+$0x830] =	vst v2;
	v2 =	vadd.f32 v4, v47;
	v4 =	vld [tilespmem:s15+$0xC740]  }
0x471: {  	v51 =	vld [tilespmem:s15+$0x4840]  }
0x472: {  	v3 =	vadd.f32 v6, v49;
	[tilespmem:s16+$0xA30] =	vst v2;
	v2 =	vadd.f32 v5, v11;
	v5 =	vld [tilespmem:s15+$0xC840]  }
0x473: {  	v11 =	vld [tilespmem:s15+$0x4940]  }
0x474: {  	[tilespmem:s16+$0x240] =	vst v3;
	v3 =	vadd.f32 v9, v8;
	v8 =	vld [tilespmem:s15+$0xC450]  }
0x475: {  	[tilespmem:s16+$0xC30] =	vst v2;
	v2 =	vld [tilespmem:s15+$0xC940]  }
0x476: {  	v9 =	vld [tilespmem:s15+$0x4550]  }
0x477: {  	v52 =	vld [tilespmem:s15+$0x4A40]  }
0x478: {  	v6 =	vld [tilespmem:s15+$0xCA40]  }
0x479: {  	[tilespmem:s16+$0x440] =	vst v3;
	v3 =	vadd.f32 v4, v50;
	v4 =	vld [tilespmem:s15+$0xC550]  }
0x47a: {  	v54 =	vld [tilespmem:s15+$0x4650]  }
0x47b: {  	[tilespmem:s16+$0x640] =	vst v3;
	v3 =	vadd.f32 v5, v51;
	v5 =	vld [tilespmem:s15+$0xC650]  }
0x47c: {  	v55 =	vld [tilespmem:s15+$0x4750];
	v8 =	vadd.f32 v8, v53  }
0x47d: {  	[tilespmem:s16+$0x840] =	vst v3;
	v2 =	vadd.f32 v2, v11;
	v3 =	vld [tilespmem:s15+$0xC750]  }
0x47e: {  	v11 =	vld [tilespmem:s15+$0x4850];
	[tilespmem:s16+$0x50] =	vst v8  }
0x47f: {  	[tilespmem:s16+$0xA40] =	vst v2;
	v2 =	vadd.f32 v6, v52;
	v6 =	vld [tilespmem:s15+$0xC850]  }
0x480: {  	v4 =	vadd.f32 v4, v9;
	v9 =	vld [tilespmem:s15+$0x4460]  }
0x481: {  	v56 =	vld [tilespmem:s15+$0x4950]  }
0x482: {  	[tilespmem:s16+$0x250] =	vst v4;
	v4 =	vadd.f32 v5, v54;
	v5 =	vld [tilespmem:s15+$0xC460]  }
0x483: {  	[tilespmem:s16+$0xC40] =	vst v2;
	v2 =	vld [tilespmem:s15+$0xC950]  }
0x484: {  	v58 =	vld [tilespmem:s15+$0x4560]  }
0x485: {  	v57 =	vld [tilespmem:s15+$0x4A50]  }
0x486: {  	v8 =	vld [tilespmem:s15+$0xCA50]  }
0x487: {  	[tilespmem:s16+$0x450] =	vst v4;
	v3 =	vadd.f32 v3, v55;
	v4 =	vld [tilespmem:s15+$0xC560]  }
0x488: {  	v59 =	vld [tilespmem:s15+$0x4660]  }
0x489: {  	[tilespmem:s16+$0x650] =	vst v3;
	v3 =	vadd.f32 v6, v11;
	v6 =	vld [tilespmem:s15+$0xC660]  }
0x48a: {  	v11 =	vld [tilespmem:s15+$0x4760];
	v5 =	vadd.f32 v5, v9  }
0x48b: {  	[tilespmem:s16+$0x850] =	vst v3;
	v2 =	vadd.f32 v2, v56;
	v3 =	vld [tilespmem:s15+$0xC760]  }
0x48c: {  	v60 =	vld [tilespmem:s15+$0x4860];
	[tilespmem:s16+$0x60] =	vst v5  }
0x48d: {  	[tilespmem:s16+$0xA50] =	vst v2;
	v2 =	vadd.f32 v8, v57;
	v8 =	vld [tilespmem:s15+$0xC860]  }
0x48e: {  	v62 =	vld [tilespmem:s15+$0x4470]  }
0x48f: {  	v63 =	vld [tilespmem:s15+$0xC470]  }
0x490: {  	v61 =	vld [tilespmem:s15+$0x4960]  }
0x491: {  	v4 =	vadd.f32 v4, v58;
	[tilespmem:s16+$0xC50] =	vst v2;
	v2 =	vld [tilespmem:s15+$0xC960]  }
0x492: {  	v9 =	vld [tilespmem:s15+$0x4A60]  }
0x493: {  	[tilespmem:s16+$0x260] =	vst v4;
	v4 =	vadd.f32 v6, v59;
	v5 =	vld [tilespmem:s15+$0xCA60]  }
0x494: {  	v6 =	vadd.f32 v10, v7;
	v7 =	vld [tilespmem:s15+$0x4570]  }
0x495: {  	v10 =	vld [tilespmem:s15+$0xC570];
	[tilespmem:s16+$0x460] =	vst v4;
	v4 =	vadd.f32 v3, v11  }
0x496: {  	[tilespmem:s16+$0xE70] =	vst v6;
	v3 =	vld [tilespmem:s15+$0x4670];
	v8 =	vadd.f32 v8, v60  }
0x497: {  	v6 =	vld [tilespmem:s15+$0xC670];
	[tilespmem:s16+$0x660] =	vst v4;
	v4 =	vadd.f32 v2, v61  }
0x498: {  	[tilespmem:s16+$0x860] =	vst v8;
	v2 =	vld [tilespmem:s15+$0x4770];
	v8 =	vadd.f32 v5, v9  }
0x499: {  	v9 =	vadd.f32 v63, v62;
	v5 =	vld [tilespmem:s15+$0xC770];
	[tilespmem:s16+$0xA60] =	vst v4  }
0x49a: {  	v4 =	vld [tilespmem:s15+$0x4870];
	[tilespmem:s16+$0xC60] =	vst v8;
	v8 =	vadd.f32 v10, v7  }
0x49b: {  	s17 =	simm.s32 $0x0;
	[tilespmem:s16+$0x70] =	vst v9;
	v7 =	vld [tilespmem:s15+$0xC870]  }
.LBB2_11:
0x49c: {  	s17 =	sadd.s32 $0x8, s17;
	[tilespmem:s16+$0x270] =	vst v8;
	v3 =	vadd.f32 v6, v3;
	v6 =	vld [tilespmem:s15+$0x4970];
	s14 =	sadd.s32 $0x1, s14  }
0x49d: {  	s18 =	sand.u32 $0x1, s14;
	s19 =	sshll.u32 s17, $0x7;
	p2 =	slt.u32 s17, $0x38;
	v8 =	vld [tilespmem:s15+$0xC970]  }
0x49e: {  	s19 =	sand.u32 $0xFFFFF800, s19;
	s20 =	sshll.u32 s18, $0x7;
	[tilespmem:s16+$0x470] =	vst v3;
	v2 =	vadd.f32 v5, v2;
	v3 =	vld [tilespmem:s15+$0x4A70]  }
0x49f: {  	v5 =	vld [tilespmem:s15+$0xCA70];
	s15 =	sor.u32 s19, s20  }
0x4a0: {  	v9 =	vld [tilespmem:s15+$0x4B00];
	[tilespmem:s16+$0x670] =	vst v2;
	v2 =	vadd.f32 v7, v4  }
0x4a1: {  	v4 =	vld [tilespmem:s15+$0xCB00]  }
0x4a2: {  	v7 =	vld [tilespmem:s15+$0x4400];
	[tilespmem:s16+$0x870] =	vst v2;
	v2 =	vadd.f32 v8, v6  }
0x4a3: {  	v6 =	vld [tilespmem:s15+$0xC400]  }
0x4a4: {  	s19 =	sshll.u32 s17, $0x3;
	v8 =	vld [tilespmem:s15+$0x4500];
	[tilespmem:s16+$0xA70] =	vst v2;
	v2 =	vadd.f32 v5, v3  }
0x4a5: {  	s18 =	sshll.u32 s18, $0xC;
	s19 =	sand.u32 $0x3FFFFF80, s19;
	v3 =	vld [tilespmem:s15+$0xC500]  }
0x4a6: {  	s18 =	sadd.s32 s19, s18;
	v5 =	vld [tilespmem:s15+$0x4600];
	v4 =	vadd.f32 v4, v9;
	[tilespmem:s16+$0xC70] =	vst v2  }
0x4a7: {  	s16 =	sadd.s32 $0x14400, s18;
	v2 =	vld [tilespmem:s15+$0xC600]  }
0x4a8: {  	v6 =	vadd.f32 v6, v7;
	v7 =	vld [tilespmem:s15+$0x4700];
	[tilespmem:s16+$0xE00] =	vst v4  }
0x4a9: {  	v4 =	vld [tilespmem:s15+$0x4B10]  }
0x4aa: {  	[tilespmem:s18+$0x14400] =	vst v6;
	v3 =	vadd.f32 v3, v8;
	v6 =	vld [tilespmem:s15+$0xCB10]  }
0x4ab: {  	v8 =	vld [tilespmem:s15+$0xC700]  }
0x4ac: {  	[tilespmem:s16+$0x200] =	vst v3;
	v2 =	vadd.f32 v2, v5;
	v3 =	vld [tilespmem:s15+$0x4800]  }
0x4ad: {  	v5 =	vld [tilespmem:s15+$0xC800]  }
0x4ae: {  	[tilespmem:s16+$0x400] =	vst v2;
	v2 =	vld [tilespmem:s15+$0x4900]  }
0x4af: {  	v9 =	vld [tilespmem:s15+$0xC900];
	v4 =	vadd.f32 v6, v4  }
0x4b0: {  	v6 =	vadd.f32 v8, v7;
	v7 =	vld [tilespmem:s15+$0x4A00]  }
0x4b1: {  	v8 =	vld [tilespmem:s15+$0xCA00];
	[tilespmem:s16+$0xE10] =	vst v4  }
0x4b2: {  	[tilespmem:s16+$0x600] =	vst v6;
	v3 =	vadd.f32 v5, v3;
	v4 =	vld [tilespmem:s15+$0x4B20]  }
0x4b3: {  	v5 =	vld [tilespmem:s15+$0xCB20]  }
0x4b4: {  	v6 =	vld [tilespmem:s15+$0x4410];
	[tilespmem:s16+$0x800] =	vst v3;
	v2 =	vadd.f32 v9, v2  }
0x4b5: {  	v3 =	vld [tilespmem:s15+$0xC410]  }
0x4b6: {  	v9 =	vld [tilespmem:s15+$0x4510];
	[tilespmem:s16+$0xA00] =	vst v2;
	v2 =	vadd.f32 v8, v7  }
0x4b7: {  	v7 =	vld [tilespmem:s15+$0xC510]  }
0x4b8: {  	v8 =	vld [tilespmem:s15+$0x4610];
	[tilespmem:s16+$0xC00] =	vst v2;
	v2 =	vadd.f32 v5, v4  }
0x4b9: {  	v4 =	vld [tilespmem:s15+$0xC610]  }
0x4ba: {  	v3 =	vadd.f32 v3, v6;
	v5 =	vld [tilespmem:s15+$0x4710];
	[tilespmem:s16+$0xE20] =	vst v2  }
0x4bb: {  	v2 =	vld [tilespmem:s15+$0x4B30]  }
0x4bc: {  	[tilespmem:s16+$0x10] =	vst v3;
	v3 =	vadd.f32 v7, v9;
	v6 =	vld [tilespmem:s15+$0xCB30]  }
0x4bd: {  	v7 =	vld [tilespmem:s15+$0xC710]  }
0x4be: {  	[tilespmem:s16+$0x210] =	vst v3;
	v3 =	vadd.f32 v4, v8;
	v4 =	vld [tilespmem:s15+$0x4810]  }
0x4bf: {  	v8 =	vld [tilespmem:s15+$0xC810]  }
0x4c0: {  	[tilespmem:s16+$0x410] =	vst v3;
	v3 =	vld [tilespmem:s15+$0x4910]  }
0x4c1: {  	v9 =	vld [tilespmem:s15+$0xC910];
	v2 =	vadd.f32 v6, v2  }
0x4c2: {  	v5 =	vadd.f32 v7, v5;
	v6 =	vld [tilespmem:s15+$0x4A10]  }
0x4c3: {  	v7 =	vld [tilespmem:s15+$0xCA10];
	[tilespmem:s16+$0xE30] =	vst v2  }
0x4c4: {  	[tilespmem:s16+$0x610] =	vst v5;
	v2 =	vadd.f32 v8, v4;
	v4 =	vld [tilespmem:s15+$0x4B40]  }
0x4c5: {  	v5 =	vld [tilespmem:s15+$0xCB40]  }
0x4c6: {  	v8 =	vld [tilespmem:s15+$0x4420];
	[tilespmem:s16+$0x810] =	vst v2;
	v2 =	vadd.f32 v9, v3  }
0x4c7: {  	v3 =	vld [tilespmem:s15+$0xC420]  }
0x4c8: {  	v9 =	vld [tilespmem:s15+$0x4520];
	[tilespmem:s16+$0xA10] =	vst v2;
	v2 =	vadd.f32 v7, v6  }
0x4c9: {  	v6 =	vld [tilespmem:s15+$0xC520]  }
0x4ca: {  	v7 =	vld [tilespmem:s15+$0x4620];
	[tilespmem:s16+$0xC10] =	vst v2;
	v2 =	vadd.f32 v5, v4  }
0x4cb: {  	v4 =	vld [tilespmem:s15+$0xC620]  }
0x4cc: {  	v3 =	vadd.f32 v3, v8;
	v5 =	vld [tilespmem:s15+$0x4720];
	[tilespmem:s16+$0xE40] =	vst v2  }
0x4cd: {  	v2 =	vld [tilespmem:s15+$0x4B50]  }
0x4ce: {  	[tilespmem:s16+$0x20] =	vst v3;
	v3 =	vadd.f32 v6, v9;
	v6 =	vld [tilespmem:s15+$0xCB50]  }
0x4cf: {  	v8 =	vld [tilespmem:s15+$0xC720]  }
0x4d0: {  	[tilespmem:s16+$0x220] =	vst v3;
	v3 =	vadd.f32 v4, v7;
	v4 =	vld [tilespmem:s15+$0x4820]  }
0x4d1: {  	v7 =	vld [tilespmem:s15+$0xC820]  }
0x4d2: {  	[tilespmem:s16+$0x420] =	vst v3;
	v3 =	vld [tilespmem:s15+$0x4920]  }
0x4d3: {  	v9 =	vld [tilespmem:s15+$0xC920];
	v2 =	vadd.f32 v6, v2  }
0x4d4: {  	v5 =	vadd.f32 v8, v5;
	v6 =	vld [tilespmem:s15+$0x4A20]  }
0x4d5: {  	v8 =	vld [tilespmem:s15+$0xCA20];
	[tilespmem:s16+$0xE50] =	vst v2  }
0x4d6: {  	[tilespmem:s16+$0x620] =	vst v5;
	v2 =	vadd.f32 v7, v4;
	v4 =	vld [tilespmem:s15+$0x4B60]  }
0x4d7: {  	v5 =	vld [tilespmem:s15+$0xCB60]  }
0x4d8: {  	v7 =	vld [tilespmem:s15+$0x4430];
	[tilespmem:s16+$0x820] =	vst v2;
	v2 =	vadd.f32 v9, v3  }
0x4d9: {  	v3 =	vld [tilespmem:s15+$0xC430]  }
0x4da: {  	v9 =	vld [tilespmem:s15+$0x4530];
	[tilespmem:s16+$0xA20] =	vst v2;
	v2 =	vadd.f32 v8, v6  }
0x4db: {  	v6 =	vld [tilespmem:s15+$0xC530]  }
0x4dc: {  	v8 =	vld [tilespmem:s15+$0x4630];
	[tilespmem:s16+$0xC20] =	vst v2;
	v2 =	vadd.f32 v5, v4  }
0x4dd: {  	v4 =	vld [tilespmem:s15+$0xC630]  }
0x4de: {  	v3 =	vadd.f32 v3, v7;
	v5 =	vld [tilespmem:s15+$0x4730];
	[tilespmem:s16+$0xE60] =	vst v2  }
0x4df: {  	v2 =	vld [tilespmem:s15+$0x4B70]  }
0x4e0: {  	[tilespmem:s16+$0x30] =	vst v3;
	v3 =	vadd.f32 v6, v9;
	v6 =	vld [tilespmem:s15+$0xCB70]  }
0x4e1: {  	v7 =	vld [tilespmem:s15+$0xC730]  }
0x4e2: {  	[tilespmem:s16+$0x230] =	vst v3;
	v3 =	vadd.f32 v4, v8;
	v4 =	vld [tilespmem:s15+$0x4830]  }
0x4e3: {  	v8 =	vld [tilespmem:s15+$0xC830]  }
0x4e4: {  	[tilespmem:s16+$0x430] =	vst v3;
	v3 =	vld [tilespmem:s15+$0x4930]  }
0x4e5: {  	v9 =	vld [tilespmem:s15+$0xC930];
	v2 =	vadd.f32 v6, v2  }
0x4e6: {  	v5 =	vadd.f32 v7, v5;
	v6 =	vld [tilespmem:s15+$0x4A30]  }
0x4e7: {  	v7 =	vld [tilespmem:s15+$0xCA30];
	[tilespmem:s16+$0xE70] =	vst v2  }
0x4e8: {  	v2 =	vld [tilespmem:s15+$0x4440];
	[tilespmem:s16+$0x630] =	vst v5;
	v4 =	vadd.f32 v8, v4  }
0x4e9: {  	v5 =	vld [tilespmem:s15+$0xC440]  }
0x4ea: {  	v8 =	vld [tilespmem:s15+$0x4540];
	[tilespmem:s16+$0x830] =	vst v4;
	v3 =	vadd.f32 v9, v3  }
0x4eb: {  	v4 =	vld [tilespmem:s15+$0xC540]  }
0x4ec: {  	v9 =	vld [tilespmem:s15+$0x4640];
	[tilespmem:s16+$0xA30] =	vst v3;
	v3 =	vadd.f32 v7, v6  }
0x4ed: {  	v6 =	vld [tilespmem:s15+$0xC640]  }
0x4ee: {  	v2 =	vadd.f32 v5, v2;
	v5 =	vld [tilespmem:s15+$0x4740];
	[tilespmem:s16+$0xC30] =	vst v3  }
0x4ef: {  	v3 =	vld [tilespmem:s15+$0xC740]  }
0x4f0: {  	[tilespmem:s16+$0x40] =	vst v2;
	v2 =	vadd.f32 v4, v8;
	v4 =	vld [tilespmem:s15+$0x4840]  }
0x4f1: {  	v7 =	vld [tilespmem:s15+$0xC840]  }
0x4f2: {  	[tilespmem:s16+$0x240] =	vst v2;
	v2 =	vadd.f32 v6, v9;
	v6 =	vld [tilespmem:s15+$0x4940]  }
0x4f3: {  	v8 =	vld [tilespmem:s15+$0xC940]  }
0x4f4: {  	[tilespmem:s16+$0x440] =	vst v2;
	v2 =	vadd.f32 v3, v5;
	v3 =	vld [tilespmem:s15+$0x4A40]  }
0x4f5: {  	v5 =	vld [tilespmem:s15+$0xCA40]  }
0x4f6: {  	v9 =	vld [tilespmem:s15+$0x4450];
	[tilespmem:s16+$0x640] =	vst v2;
	v2 =	vadd.f32 v7, v4  }
0x4f7: {  	v4 =	vld [tilespmem:s15+$0xC450]  }
0x4f8: {  	v7 =	vld [tilespmem:s15+$0x4550];
	[tilespmem:s16+$0x840] =	vst v2;
	v2 =	vadd.f32 v8, v6  }
0x4f9: {  	v6 =	vld [tilespmem:s15+$0xC550]  }
0x4fa: {  	v8 =	vld [tilespmem:s15+$0x4650];
	[tilespmem:s16+$0xA40] =	vst v2;
	v2 =	vadd.f32 v5, v3  }
0x4fb: {  	v3 =	vld [tilespmem:s15+$0xC650]  }
0x4fc: {  	v4 =	vadd.f32 v4, v9;
	v5 =	vld [tilespmem:s15+$0x4750];
	[tilespmem:s16+$0xC40] =	vst v2  }
0x4fd: {  	v2 =	vld [tilespmem:s15+$0xC750]  }
0x4fe: {  	[tilespmem:s16+$0x50] =	vst v4;
	v4 =	vadd.f32 v6, v7;
	v6 =	vld [tilespmem:s15+$0x4850]  }
0x4ff: {  	v7 =	vld [tilespmem:s15+$0xC850]  }
0x500: {  	[tilespmem:s16+$0x250] =	vst v4;
	v3 =	vadd.f32 v3, v8;
	v4 =	vld [tilespmem:s15+$0x4950]  }
0x501: {  	v8 =	vld [tilespmem:s15+$0xC950]  }
0x502: {  	[tilespmem:s16+$0x450] =	vst v3;
	v2 =	vadd.f32 v2, v5;
	v3 =	vld [tilespmem:s15+$0x4A50]  }
0x503: {  	v5 =	vld [tilespmem:s15+$0xCA50]  }
0x504: {  	v9 =	vld [tilespmem:s15+$0x4460];
	[tilespmem:s16+$0x650] =	vst v2;
	v2 =	vadd.f32 v7, v6  }
0x505: {  	v6 =	vld [tilespmem:s15+$0xC460]  }
0x506: {  	v7 =	vld [tilespmem:s15+$0x4560];
	[tilespmem:s16+$0x850] =	vst v2;
	v2 =	vadd.f32 v8, v4  }
0x507: {  	v4 =	vld [tilespmem:s15+$0xC560]  }
0x508: {  	v8 =	vld [tilespmem:s15+$0x4660];
	[tilespmem:s16+$0xA50] =	vst v2;
	v2 =	vadd.f32 v5, v3  }
0x509: {  	v3 =	vld [tilespmem:s15+$0xC660]  }
0x50a: {  	v5 =	vadd.f32 v6, v9;
	v6 =	vld [tilespmem:s15+$0x4760];
	[tilespmem:s16+$0xC50] =	vst v2  }
0x50b: {  	v2 =	vld [tilespmem:s15+$0xC760]  }
0x50c: {  	[tilespmem:s16+$0x60] =	vst v5;
	v4 =	vadd.f32 v4, v7;
	v5 =	vld [tilespmem:s15+$0x4860]  }
0x50d: {  	v7 =	vld [tilespmem:s15+$0xC860]  }
0x50e: {  	[tilespmem:s16+$0x260] =	vst v4;
	v3 =	vadd.f32 v3, v8;
	v4 =	vld [tilespmem:s15+$0x4960]  }
0x50f: {  	v8 =	vld [tilespmem:s15+$0xC960]  }
0x510: {  	[tilespmem:s16+$0x460] =	vst v3;
	v2 =	vadd.f32 v2, v6;
	v6 =	vld [tilespmem:s15+$0x4A60]  }
0x511: {  	v9 =	vld [tilespmem:s15+$0xCA60]  }
0x512: {  	v10 =	vld [tilespmem:s15+$0x4470];
	[tilespmem:s16+$0x660] =	vst v2;
	v2 =	vadd.f32 v7, v5  }
0x513: {  	v5 =	vld [tilespmem:s15+$0xC470]  }
0x514: {  	v7 =	vld [tilespmem:s15+$0x4570];
	[tilespmem:s16+$0x860] =	vst v2;
	v2 =	vadd.f32 v8, v4  }
0x515: {  	v4 =	vld [tilespmem:s15+$0xC570]  }
0x516: {  	v3 =	vld [tilespmem:s15+$0x4670];
	[tilespmem:s16+$0xA60] =	vst v2;
	v8 =	vadd.f32 v9, v6  }
.Ltmp8:
0x517: {  	v6 =	vld [tilespmem:s15+$0xC670];
	(pc) =	sbr.rel @p2 .LBB2_11-.Ltmp8, $4  }
0x518: {  	v9 =	vadd.f32 v5, v10;
	v2 =	vld [tilespmem:s15+$0x4770];
	[tilespmem:s16+$0xC60] =	vst v8  }
0x519: {  	v5 =	vld [tilespmem:s15+$0xC770]  }
0x51a: {  	[tilespmem:s16+$0x70] =	vst v9;
	v8 =	vadd.f32 v4, v7;
	v4 =	vld [tilespmem:s15+$0x4870]  }
0x51b: {  	v7 =	vld [tilespmem:s15+$0xC870]  }
0x51c: {  	v9 =	vld [tilespmem:s15+$0x4970]  }
0x51d: {  	v10 =	vld [tilespmem:s15+$0xC970]  }
0x51e: {  	v11 =	vld [tilespmem:s15+$0x4A70]  }
0x51f: {  	v12 =	vld [tilespmem:s15+$0xCA70]  }
0x520: {  	v3 =	vadd.f32 v6, v3  }
0x521: {  	[tilespmem:s16+$0x270] =	vst v8;
	v2 =	vadd.f32 v5, v2  }
.Ltmp9:
0x522: {  	[tilespmem:s16+$0x470] =	vst v3;
	v3 =	vadd.f32 v7, v4;
	(pc) =	sbr.rel @p1 .LBB2_14-.Ltmp9, $4  }
0x523: {  	[tilespmem:s16+$0x670] =	vst v2;
	v2 =	vadd.f32 v10, v9  }
0x524: {  	[tilespmem:s16+$0x870] =	vst v3;
	v3 =	vadd.f32 v12, v11  }
0x525: {  	[tilespmem:s16+$0xA70] =	vst v2  }
0x526: {  	[tilespmem:s16+$0xC70] =	vst v3  }
0x527: {  	v2 =	vld.msk [tilespmem:s8+$0xC], $0x3;
	_ =	sdelay $0x4  }
0x528: {  	v3 =	vshll.u32 v2, $0x3  }
0x529: {  	v2 =	vand.u32 $0x7, v2;
	v3 =	vand.u32 $0xFFFFFFC0, v3  }
0x52a: {  	v2 =	vor.u32 v2, v3  }
0x52b: {  	v2 =	vperm.xlane v2, v0;
	_ =	sdelay $0x1  }
0x52c: {  	v2 =	vadd.s32 v1, v2;
	_ =	sdelay $0x3  }
0x52d: {  	s14 =	simm.s32 $0x4400  }
0x52e: {  	[tilespmem:s14], [sflag:$0x3] =	stream.indirect_vreg.gather [hbm4b:s1+s5], $0x80, v2, vm0, $0xb8;
	[tilespmem:$0x18400] =	vst v63  }
0x52f: {  	v2 =	vld.msk [tilespmem:s8+$0x20C], $0x3;
	_ =	sdelay $0x4  }
0x530: {  	v3 =	vshll.u32 v2, $0x3  }
0x531: {  	v2 =	vand.u32 $0x7, v2;
	v3 =	vand.u32 $0xFFFFFFC0, v3  }
0x532: {  	v2 =	vor.u32 v2, v3  }
0x533: {  	v2 =	vperm.xlane v2, v0;
	_ =	sdelay $0x1  }
0x534: {  	v2 =	vadd.s32 v1, v2;
	_ =	sdelay $0x2  }
0x535: {  	s19 =	sadd.s32 $0xC, s8  }
0x536: {  	s15 =	simm.s32 $0xC400;
	s14 =	sand.u32 $0xFC, s19  }
0x537: {  	[tilespmem:s15], [sflag:$0x7] =	stream.indirect_vreg.gather [hbm4b:s3+s5], $0x80, v2, vm0, $0xb8;
	[tilespmem:$0x18400] =	vst v63  }
0x538: {  	v2 =	vld.msk [tilespmem:s14+$0x80], $0x3;
	_ =	sdelay $0x4  }
0x539: {  	v3 =	vshll.u32 v2, $0x3  }
0x53a: {  	v2 =	vand.u32 $0x7, v2;
	v3 =	vand.u32 $0xFFFFFFC0, v3  }
0x53b: {  	v2 =	vor.u32 v2, v3  }
0x53c: {  	v2 =	vperm.xlane v2, v0;
	_ =	sdelay $0x1  }
0x53d: {  	v2 =	vadd.s32 v1, v2;
	_ =	sdelay $0x3  }
0x53e: {  	s20 =	simm.s32 $0x4C00  }
0x53f: {  	[tilespmem:s20], [sflag:$0x3] =	stream.indirect_vreg.gather [hbm4b:s1+s5], $0x80, v2, vm0, $0xb8;
	[tilespmem:$0x18400] =	vst v63  }
0x540: {  	v2 =	vld.msk [tilespmem:s14+$0x280], $0x3;
	_ =	sdelay $0x4  }
0x541: {  	v3 =	vshll.u32 v2, $0x3  }
0x542: {  	v2 =	vand.u32 $0x7, v2;
	v3 =	vand.u32 $0xFFFFFFC0, v3  }
0x543: {  	v2 =	vor.u32 v2, v3  }
0x544: {  	v2 =	vperm.xlane v2, v0;
	_ =	sdelay $0x1  }
0x545: {  	v2 =	vadd.s32 v1, v2;
	_ =	sdelay $0x3  }
0x546: {  	s16 =	simm.s32 $0xCC00  }
0x547: {  	[tilespmem:s16], [sflag:$0x7] =	stream.indirect_vreg.gather [hbm4b:s3+s5], $0x80, v2, vm0, $0xb8;
	[tilespmem:$0x18400] =	vst v63  }
0x548: {  	v2 =	vld.msk [tilespmem:s8+$0x10C], $0x3;
	_ =	sdelay $0x4  }
0x549: {  	v3 =	vshll.u32 v2, $0x3  }
0x54a: {  	v2 =	vand.u32 $0x7, v2;
	v3 =	vand.u32 $0xFFFFFFC0, v3  }
0x54b: {  	v2 =	vor.u32 v2, v3  }
0x54c: {  	v2 =	vperm.xlane v2, v0;
	_ =	sdelay $0x1  }
0x54d: {  	v2 =	vadd.s32 v1, v2;
	_ =	sdelay $0x3  }
0x54e: {  	s17 =	simm.s32 $0x5400  }
0x54f: {  	[tilespmem:s17], [sflag:$0x3] =	stream.indirect_vreg.gather [hbm4b:s1+s5], $0x80, v2, vm0, $0xb8;
	[tilespmem:$0x18400] =	vst v63  }
0x550: {  	v2 =	vld.msk [tilespmem:s8+$0x30C], $0x3;
	_ =	sdelay $0x4  }
0x551: {  	v3 =	vshll.u32 v2, $0x3  }
0x552: {  	v2 =	vand.u32 $0x7, v2;
	v3 =	vand.u32 $0xFFFFFFC0, v3  }
0x553: {  	v2 =	vor.u32 v2, v3  }
0x554: {  	v2 =	vperm.xlane v2, v0;
	_ =	sdelay $0x1  }
0x555: {  	v2 =	vadd.s32 v1, v2;
	_ =	sdelay $0x3  }
0x556: {  	s18 =	simm.s32 $0xD400  }
0x557: {  	[tilespmem:s18], [sflag:$0x7] =	stream.indirect_vreg.gather [hbm4b:s3+s5], $0x80, v2, vm0, $0xb8;
	[tilespmem:$0x18400] =	vst v63  }
0x558: {  	v2 =	vld.msk [tilespmem:s14+$0x180], $0x3;
	_ =	sdelay $0x4  }
0x559: {  	v3 =	vshll.u32 v2, $0x3  }
0x55a: {  	v2 =	vand.u32 $0x7, v2;
	v3 =	vand.u32 $0xFFFFFFC0, v3  }
0x55b: {  	v2 =	vor.u32 v2, v3  }
0x55c: {  	v2 =	vperm.xlane v2, v0;
	_ =	sdelay $0x1  }
0x55d: {  	v2 =	vadd.s32 v1, v2;
	_ =	sdelay $0x3  }
0x55e: {  	s19 =	simm.s32 $0x5C00  }
0x55f: {  	[tilespmem:s19], [sflag:$0x3] =	stream.indirect_vreg.gather [hbm4b:s1+s5], $0x80, v2, vm0, $0xb8;
	[tilespmem:$0x18400] =	vst v63  }
0x560: {  	v2 =	vld.msk [tilespmem:s14+$0x380], $0x3;
	_ =	sdelay $0x4  }
0x561: {  	v3 =	vshll.u32 v2, $0x3  }
0x562: {  	v2 =	vand.u32 $0x7, v2;
	v3 =	vand.u32 $0xFFFFFFC0, v3  }
0x563: {  	v2 =	vor.u32 v2, v3  }
0x564: {  	v2 =	vperm.xlane v2, v0;
	_ =	sdelay $0x1  }
0x565: {  	v2 =	vadd.s32 v1, v2;
	_ =	sdelay $0x3  }
0x566: {  	s20 =	simm.s32 $0xDC00  }
0x567: {  	[tilespmem:s20], [sflag:$0x7] =	stream.indirect_vreg.gather [hbm4b:s3+s5], $0x80, v2, vm0, $0xb8;
	[tilespmem:$0x18400] =	vst v63  }
.LBB2_14:
0x568: {  	s11 =	sadd.s32 s11, s10  }
0x569: {  	[hbm4b:s11+s5] =	stream.linear.scatter [tilespmem:s31], [sflag:$0xB], $0x2000, $0x38;
	[tilespmem:$0x18400] =	vst v63  }
0x56a: {  	_ =	swait.ge [sflag:s0], $0x800  }
0x56b: {  	[sflag:s0] =	ssyncset.done $0x0  }
0x56c: {  	[sflag:s0] =	ssyncadd.s32 $0xFFFFF800  }
0x56d: {  	_ =	swait.ge [sflag:s2], $0x800  }
0x56e: {  	[sflag:s2] =	ssyncset.done $0x0  }
0x56f: {  	[sflag:s2] =	ssyncadd.s32 $0xFFFFF800  }
0x570: {  	_ =	swait.ge [sflag:s0], $0x800  }
0x571: {  	[sflag:s0] =	ssyncset.done $0x0  }
0x572: {  	[sflag:s0] =	ssyncadd.s32 $0xFFFFF800  }
0x573: {  	_ =	swait.ge [sflag:s2], $0x800  }
0x574: {  	[sflag:s2] =	ssyncset.done $0x0  }
0x575: {  	[sflag:s2] =	ssyncadd.s32 $0xFFFFF800  }
0x576: {  	_ =	swait.ge [sflag:s0], $0x800  }
0x577: {  	[sflag:s0] =	ssyncset.done $0x0  }
0x578: {  	[sflag:s0] =	ssyncadd.s32 $0xFFFFF800  }
0x579: {  	_ =	swait.ge [sflag:s2], $0x800  }
0x57a: {  	[sflag:s2] =	ssyncset.done $0x0  }
0x57b: {  	[sflag:s2] =	ssyncadd.s32 $0xFFFFF800  }
0x57c: {  	_ =	swait.ge [sflag:s0], $0x800  }
0x57d: {  	[sflag:s0] =	ssyncset.done $0x0  }
0x57e: {  	[sflag:s0] =	ssyncadd.s32 $0xFFFFF800  }
0x57f: {  	_ =	swait.ge [sflag:s2], $0x800  }
0x580: {  	[sflag:s2] =	ssyncset.done $0x0  }
0x581: {  	s14 =	simm.s32 @!p0 $0xC;
	s11 =	simm.s32 $0x0;
	[sflag:s2] =	ssyncadd.s32 $0xFFFFF800  }
0x582: {  	s16 =	simm.s32 $0x0;
	s15 =	sand.u32 $0x1, s11;
	_ =	swait.ge @!p0 [sflag:s14], $0x2000  }
0x583: {  	s16 =	sand.u32 $0xFFFFF800, s16;
	s17 =	sshll.u32 s15, $0x7;
	[sflag:s14] =	ssyncset.done @!p0 $0x0  }
0x584: {  	[sflag:s14] =	ssyncadd.s32 @!p0 $0xFFFFE000;
	s14 =	sor.u32 s16, s17  }
0x585: {  	v2 =	vld [tilespmem:s14+$0x6B00]  }
0x586: {  	v3 =	vld [tilespmem:s14+$0xEB00]  }
0x587: {  	v4 =	vld [tilespmem:s14+$0x6400]  }
0x588: {  	v5 =	vld [tilespmem:s14+$0xE400]  }
0x589: {  	v6 =	vld [tilespmem:s14+$0x6500]  }
0x58a: {  	v7 =	vld [tilespmem:s14+$0xE500]  }
0x58b: {  	v8 =	vld [tilespmem:s14+$0x6600]  }
0x58c: {  	v9 =	vld [tilespmem:s14+$0x6700]  }
0x58d: {  	v11 =	vld [tilespmem:s14+$0xE700]  }
0x58e: {  	s20 =	simm.s32 $0x0;
	v12 =	vld [tilespmem:s14+$0x6800]  }
0x58f: {  	s15 =	sshll.u32 s15, $0xC;
	s16 =	sand.u32 $0x3FFFFF80, s20;
	v13 =	vld [tilespmem:s14+$0xE800]  }
0x590: {  	s16 =	sadd.s32 s16, s15;
	v14 =	vld [tilespmem:s14+$0x6900];
	v2 =	vadd.f32 v3, v2  }
0x591: {  	s15 =	sadd.s32 $0x16400, s16;
	v3 =	vld [tilespmem:s14+$0xE600]  }
0x592: {  	v15 =	vld [tilespmem:s14+$0xE900];
	[tilespmem:s15+$0xE00] =	vst v2  }
0x593: {  	v4 =	vadd.f32 v5, v4;
	v2 =	vld [tilespmem:s14+$0x6B10]  }
0x594: {  	v10 =	vld [tilespmem:s14+$0xEB10]  }
0x595: {  	v5 =	vld [tilespmem:s14+$0xEA00];
	[tilespmem:s16+$0x16400] =	vst v4;
	v4 =	vadd.f32 v7, v6  }
0x596: {  	v7 =	vld [tilespmem:s14+$0x6410];
	v3 =	vadd.f32 v3, v8  }
0x597: {  	[tilespmem:s15+$0x200] =	vst v4;
	v4 =	vld [tilespmem:s14+$0xE410]  }
0x598: {  	v8 =	vld [tilespmem:s14+$0x6510];
	[tilespmem:s15+$0x400] =	vst v3;
	v3 =	vadd.f32 v11, v9  }
0x599: {  	v9 =	vld [tilespmem:s14+$0xE510];
	v2 =	vadd.f32 v10, v2  }
0x59a: {  	v11 =	vld [tilespmem:s14+$0x6610];
	[tilespmem:s15+$0x600] =	vst v3  }
0x59b: {  	v3 =	vld [tilespmem:s14+$0xE610];
	[tilespmem:s15+$0xE10] =	vst v2  }
0x59c: {  	v2 =	vld [tilespmem:s14+$0x6B20]  }
0x59d: {  	v4 =	vadd.f32 v4, v7;
	v6 =	vld [tilespmem:s14+$0xEB20]  }
0x59e: {  	v10 =	vld [tilespmem:s14+$0x6A00]  }
0x59f: {  	v36 =	vld [tilespmem:s14+$0xE710];
	[tilespmem:s15+$0x10] =	vst v4;
	v4 =	vadd.f32 v9, v8  }
0x5a0: {  	v9 =	vld [tilespmem:s14+$0x6420]  }
0x5a1: {  	[tilespmem:s15+$0x210] =	vst v4;
	v3 =	vadd.f32 v3, v11;
	v4 =	vld [tilespmem:s14+$0xE420]  }
0x5a2: {  	v11 =	vld [tilespmem:s14+$0x6520];
	v2 =	vadd.f32 v6, v2  }
0x5a3: {  	v6 =	vld [tilespmem:s14+$0x6710];
	[tilespmem:s15+$0x410] =	vst v3  }
0x5a4: {  	v39 =	vld [tilespmem:s14+$0x6620];
	[tilespmem:s15+$0xE20] =	vst v2;
	v2 =	vadd.f32 v13, v12  }
0x5a5: {  	v34 =	vld [tilespmem:s14+$0x6B30]  }
0x5a6: {  	v35 =	vld [tilespmem:s14+$0xEB30];
	[tilespmem:s15+$0x800] =	vst v2  }
0x5a7: {  	v2 =	vadd.f32 v15, v14;
	v37 =	vld [tilespmem:s14+$0x6810]  }
0x5a8: {  	v3 =	vadd.f32 v36, v6;
	v6 =	vld [tilespmem:s14+$0xE520]  }
0x5a9: {  	[tilespmem:s15+$0xA00] =	vst v2;
	v2 =	vadd.f32 v5, v10;
	v5 =	vld [tilespmem:s14+$0xE810]  }
0x5aa: {  	v10 =	vld [tilespmem:s14+$0x6910]  }
0x5ab: {  	[tilespmem:s15+$0x610] =	vst v3;
	v3 =	vld [tilespmem:s14+$0xE620]  }
0x5ac: {  	[tilespmem:s15+$0xC00] =	vst v2;
	v2 =	vld [tilespmem:s14+$0xE910]  }
0x5ad: {  	v12 =	vadd.f32 v35, v34;
	v40 =	vld [tilespmem:s14+$0x6720]  }
0x5ae: {  	v38 =	vld [tilespmem:s14+$0x6A10]  }
0x5af: {  	v4 =	vadd.f32 v4, v9;
	v7 =	vld [tilespmem:s14+$0xEA10];
	[tilespmem:s15+$0xE30] =	vst v12  }
0x5b0: {  	v12 =	vld [tilespmem:s14+$0x6B40]  }
0x5b1: {  	[tilespmem:s15+$0x20] =	vst v4;
	v4 =	vadd.f32 v6, v11;
	v8 =	vld [tilespmem:s14+$0xEB40]  }
0x5b2: {  	v11 =	vld [tilespmem:s14+$0x6430];
	v5 =	vadd.f32 v5, v37  }
0x5b3: {  	[tilespmem:s15+$0x220] =	vst v4;
	v4 =	vld [tilespmem:s14+$0xE430];
	v2 =	vadd.f32 v2, v10  }
0x5b4: {  	[tilespmem:s15+$0x810] =	vst v5;
	v5 =	vld [tilespmem:s14+$0xE720]  }
0x5b5: {  	v44 =	vld [tilespmem:s14+$0x6530];
	[tilespmem:s15+$0xA10] =	vst v2;
	v2 =	vadd.f32 v7, v38  }
0x5b6: {  	v10 =	vld [tilespmem:s14+$0x6820];
	v8 =	vadd.f32 v8, v12  }
0x5b7: {  	v42 =	vld [tilespmem:s14+$0x6920];
	[tilespmem:s15+$0xC10] =	vst v2  }
0x5b8: {  	v2 =	vld [tilespmem:s14+$0xE920];
	[tilespmem:s15+$0xE40] =	vst v8  }
0x5b9: {  	v8 =	vld [tilespmem:s14+$0x6B50]  }
0x5ba: {  	v41 =	vld [tilespmem:s14+$0xEB50]  }
0x5bb: {  	v3 =	vadd.f32 v3, v39;
	v7 =	vld [tilespmem:s14+$0xE820]  }
0x5bc: {  	v43 =	vld [tilespmem:s14+$0x6A20]  }
0x5bd: {  	[tilespmem:s15+$0x420] =	vst v3;
	v9 =	vld [tilespmem:s14+$0xEA20];
	v3 =	vadd.f32 v5, v40  }
0x5be: {  	v45 =	vld [tilespmem:s14+$0x6630];
	v2 =	vadd.f32 v2, v42  }
0x5bf: {  	v5 =	vld [tilespmem:s14+$0xE530];
	[tilespmem:s15+$0x620] =	vst v3;
	v8 =	vadd.f32 v41, v8  }
0x5c0: {  	v3 =	vld [tilespmem:s14+$0xE630];
	[tilespmem:s15+$0xA20] =	vst v2  }
0x5c1: {  	v47 =	vld [tilespmem:s14+$0x6930];
	[tilespmem:s15+$0xE50] =	vst v8  }
0x5c2: {  	v2 =	vadd.f32 v9, v43;
	v8 =	vld [tilespmem:s14+$0x6B60]  }
0x5c3: {  	v6 =	vld [tilespmem:s14+$0xEB60]  }
0x5c4: {  	[tilespmem:s15+$0xC20] =	vst v2;
	v2 =	vadd.f32 v4, v11;
	v4 =	vld [tilespmem:s14+$0xE930]  }
0x5c5: {  	v11 =	vld [tilespmem:s14+$0x6A30]  }
0x5c6: {  	[tilespmem:s15+$0x30] =	vst v2;
	v2 =	vadd.f32 v5, v44;
	v5 =	vld [tilespmem:s14+$0xEA30]  }
0x5c7: {  	v48 =	vld [tilespmem:s14+$0x6440]  }
0x5c8: {  	[tilespmem:s15+$0x230] =	vst v2;
	v2 =	vadd.f32 v3, v45;
	v3 =	vld [tilespmem:s14+$0xE440];
	v6 =	vadd.f32 v6, v8  }
0x5c9: {  	v49 =	vld [tilespmem:s14+$0x6540]  }
0x5ca: {  	v8 =	vld [tilespmem:s14+$0x6730];
	[tilespmem:s15+$0xE60] =	vst v6;
	v6 =	vadd.f32 v7, v10  }
0x5cb: {  	v7 =	vld [tilespmem:s14+$0x6B70]  }
0x5cc: {  	[tilespmem:s15+$0x820] =	vst v6;
	v6 =	vld [tilespmem:s14+$0xE730]  }
0x5cd: {  	v3 =	vadd.f32 v3, v48;
	v46 =	vld [tilespmem:s14+$0x6830]  }
0x5ce: {  	v9 =	vld [tilespmem:s14+$0xE830]  }
0x5cf: {  	v10 =	vld [tilespmem:s14+$0xEB70];
	[tilespmem:s15+$0x40] =	vst v3  }
0x5d0: {  	v53 =	vld [tilespmem:s14+$0x6450]  }
0x5d1: {  	[tilespmem:s15+$0x430] =	vst v2;
	v2 =	vadd.f32 v6, v8;
	v6 =	vld [tilespmem:s14+$0xE540]  }
0x5d2: {  	v8 =	vld [tilespmem:s14+$0x6640]  }
0x5d3: {  	[tilespmem:s15+$0x630] =	vst v2;
	v2 =	vadd.f32 v9, v46;
	v9 =	vld [tilespmem:s14+$0xE640]  }
0x5d4: {  	v50 =	vld [tilespmem:s14+$0x6740]  }
0x5d5: {  	[tilespmem:s15+$0x830] =	vst v2;
	v2 =	vadd.f32 v4, v47;
	v4 =	vld [tilespmem:s14+$0xE740]  }
0x5d6: {  	v51 =	vld [tilespmem:s14+$0x6840]  }
0x5d7: {  	v3 =	vadd.f32 v6, v49;
	[tilespmem:s15+$0xA30] =	vst v2;
	v2 =	vadd.f32 v5, v11;
	v5 =	vld [tilespmem:s14+$0xE840]  }
0x5d8: {  	v11 =	vld [tilespmem:s14+$0x6940]  }
0x5d9: {  	[tilespmem:s15+$0x240] =	vst v3;
	v3 =	vadd.f32 v9, v8;
	v8 =	vld [tilespmem:s14+$0xE450]  }
0x5da: {  	[tilespmem:s15+$0xC30] =	vst v2;
	v2 =	vld [tilespmem:s14+$0xE940]  }
0x5db: {  	v9 =	vld [tilespmem:s14+$0x6550]  }
0x5dc: {  	v52 =	vld [tilespmem:s14+$0x6A40]  }
0x5dd: {  	v6 =	vld [tilespmem:s14+$0xEA40]  }
0x5de: {  	[tilespmem:s15+$0x440] =	vst v3;
	v3 =	vadd.f32 v4, v50;
	v4 =	vld [tilespmem:s14+$0xE550]  }
0x5df: {  	v54 =	vld [tilespmem:s14+$0x6650]  }
0x5e0: {  	[tilespmem:s15+$0x640] =	vst v3;
	v3 =	vadd.f32 v5, v51;
	v5 =	vld [tilespmem:s14+$0xE650]  }
0x5e1: {  	v55 =	vld [tilespmem:s14+$0x6750];
	v8 =	vadd.f32 v8, v53  }
0x5e2: {  	[tilespmem:s15+$0x840] =	vst v3;
	v2 =	vadd.f32 v2, v11;
	v3 =	vld [tilespmem:s14+$0xE750]  }
0x5e3: {  	v11 =	vld [tilespmem:s14+$0x6850];
	[tilespmem:s15+$0x50] =	vst v8  }
0x5e4: {  	[tilespmem:s15+$0xA40] =	vst v2;
	v2 =	vadd.f32 v6, v52;
	v6 =	vld [tilespmem:s14+$0xE850]  }
0x5e5: {  	v4 =	vadd.f32 v4, v9;
	v9 =	vld [tilespmem:s14+$0x6460]  }
0x5e6: {  	v56 =	vld [tilespmem:s14+$0x6950]  }
0x5e7: {  	[tilespmem:s15+$0x250] =	vst v4;
	v4 =	vadd.f32 v5, v54;
	v5 =	vld [tilespmem:s14+$0xE460]  }
0x5e8: {  	[tilespmem:s15+$0xC40] =	vst v2;
	v2 =	vld [tilespmem:s14+$0xE950]  }
0x5e9: {  	v58 =	vld [tilespmem:s14+$0x6560]  }
0x5ea: {  	v57 =	vld [tilespmem:s14+$0x6A50]  }
0x5eb: {  	v8 =	vld [tilespmem:s14+$0xEA50]  }
0x5ec: {  	[tilespmem:s15+$0x450] =	vst v4;
	v3 =	vadd.f32 v3, v55;
	v4 =	vld [tilespmem:s14+$0xE560]  }
0x5ed: {  	v59 =	vld [tilespmem:s14+$0x6660]  }
0x5ee: {  	[tilespmem:s15+$0x650] =	vst v3;
	v3 =	vadd.f32 v6, v11;
	v6 =	vld [tilespmem:s14+$0xE660]  }
0x5ef: {  	v11 =	vld [tilespmem:s14+$0x6760];
	v5 =	vadd.f32 v5, v9  }
0x5f0: {  	[tilespmem:s15+$0x850] =	vst v3;
	v2 =	vadd.f32 v2, v56;
	v3 =	vld [tilespmem:s14+$0xE760]  }
0x5f1: {  	v60 =	vld [tilespmem:s14+$0x6860];
	[tilespmem:s15+$0x60] =	vst v5  }
0x5f2: {  	[tilespmem:s15+$0xA50] =	vst v2;
	v2 =	vadd.f32 v8, v57;
	v8 =	vld [tilespmem:s14+$0xE860]  }
0x5f3: {  	v62 =	vld [tilespmem:s14+$0x6470]  }
0x5f4: {  	v63 =	vld [tilespmem:s14+$0xE470]  }
0x5f5: {  	v61 =	vld [tilespmem:s14+$0x6960]  }
0x5f6: {  	v4 =	vadd.f32 v4, v58;
	[tilespmem:s15+$0xC50] =	vst v2;
	v2 =	vld [tilespmem:s14+$0xE960]  }
0x5f7: {  	v9 =	vld [tilespmem:s14+$0x6A60]  }
0x5f8: {  	[tilespmem:s15+$0x260] =	vst v4;
	v4 =	vadd.f32 v6, v59;
	v5 =	vld [tilespmem:s14+$0xEA60]  }
0x5f9: {  	v6 =	vadd.f32 v10, v7;
	v7 =	vld [tilespmem:s14+$0x6570]  }
0x5fa: {  	v10 =	vld [tilespmem:s14+$0xE570];
	[tilespmem:s15+$0x460] =	vst v4;
	v4 =	vadd.f32 v3, v11  }
0x5fb: {  	[tilespmem:s15+$0xE70] =	vst v6;
	v3 =	vld [tilespmem:s14+$0x6670];
	v8 =	vadd.f32 v8, v60  }
0x5fc: {  	v6 =	vld [tilespmem:s14+$0xE670];
	[tilespmem:s15+$0x660] =	vst v4;
	v4 =	vadd.f32 v2, v61  }
0x5fd: {  	[tilespmem:s15+$0x860] =	vst v8;
	v2 =	vld [tilespmem:s14+$0x6770];
	v8 =	vadd.f32 v5, v9  }
0x5fe: {  	v9 =	vadd.f32 v63, v62;
	v5 =	vld [tilespmem:s14+$0xE770];
	[tilespmem:s15+$0xA60] =	vst v4  }
0x5ff: {  	v4 =	vld [tilespmem:s14+$0x6870];
	[tilespmem:s15+$0xC60] =	vst v8;
	v8 =	vadd.f32 v10, v7  }
0x600: {  	s16 =	simm.s32 $0x0;
	[tilespmem:s15+$0x70] =	vst v9;
	v7 =	vld [tilespmem:s14+$0xE870]  }
.LBB2_15:
0x601: {  	s16 =	sadd.s32 $0x8, s16;
	[tilespmem:s15+$0x270] =	vst v8;
	v3 =	vadd.f32 v6, v3;
	v6 =	vld [tilespmem:s14+$0x6970];
	s11 =	sadd.s32 $0x1, s11  }
0x602: {  	s17 =	sand.u32 $0x1, s11;
	s18 =	sshll.u32 s16, $0x7;
	p0 =	slt.u32 s16, $0x38;
	v8 =	vld [tilespmem:s14+$0xE970]  }
0x603: {  	s18 =	sand.u32 $0xFFFFF800, s18;
	s19 =	sshll.u32 s17, $0x7;
	[tilespmem:s15+$0x470] =	vst v3;
	v2 =	vadd.f32 v5, v2;
	v3 =	vld [tilespmem:s14+$0x6A70]  }
0x604: {  	v5 =	vld [tilespmem:s14+$0xEA70];
	s14 =	sor.u32 s18, s19  }
0x605: {  	v9 =	vld [tilespmem:s14+$0x6B00];
	[tilespmem:s15+$0x670] =	vst v2;
	v2 =	vadd.f32 v7, v4  }
0x606: {  	v4 =	vld [tilespmem:s14+$0xEB00]  }
0x607: {  	v7 =	vld [tilespmem:s14+$0x6400];
	[tilespmem:s15+$0x870] =	vst v2;
	v2 =	vadd.f32 v8, v6  }
0x608: {  	v6 =	vld [tilespmem:s14+$0xE400]  }
0x609: {  	s18 =	sshll.u32 s16, $0x3;
	v8 =	vld [tilespmem:s14+$0x6500];
	[tilespmem:s15+$0xA70] =	vst v2;
	v2 =	vadd.f32 v5, v3  }
0x60a: {  	s17 =	sshll.u32 s17, $0xC;
	s18 =	sand.u32 $0x3FFFFF80, s18;
	v3 =	vld [tilespmem:s14+$0xE500]  }
0x60b: {  	s17 =	sadd.s32 s18, s17;
	v5 =	vld [tilespmem:s14+$0x6600];
	v4 =	vadd.f32 v4, v9;
	[tilespmem:s15+$0xC70] =	vst v2  }
0x60c: {  	s15 =	sadd.s32 $0x16400, s17;
	v2 =	vld [tilespmem:s14+$0xE600]  }
0x60d: {  	v6 =	vadd.f32 v6, v7;
	v7 =	vld [tilespmem:s14+$0x6700];
	[tilespmem:s15+$0xE00] =	vst v4  }
0x60e: {  	v4 =	vld [tilespmem:s14+$0x6B10]  }
0x60f: {  	[tilespmem:s17+$0x16400] =	vst v6;
	v3 =	vadd.f32 v3, v8;
	v6 =	vld [tilespmem:s14+$0xEB10]  }
0x610: {  	v8 =	vld [tilespmem:s14+$0xE700]  }
0x611: {  	[tilespmem:s15+$0x200] =	vst v3;
	v2 =	vadd.f32 v2, v5;
	v3 =	vld [tilespmem:s14+$0x6800]  }
0x612: {  	v5 =	vld [tilespmem:s14+$0xE800]  }
0x613: {  	[tilespmem:s15+$0x400] =	vst v2;
	v2 =	vld [tilespmem:s14+$0x6900]  }
0x614: {  	v9 =	vld [tilespmem:s14+$0xE900];
	v4 =	vadd.f32 v6, v4  }
0x615: {  	v6 =	vadd.f32 v8, v7;
	v7 =	vld [tilespmem:s14+$0x6A00]  }
0x616: {  	v8 =	vld [tilespmem:s14+$0xEA00];
	[tilespmem:s15+$0xE10] =	vst v4  }
0x617: {  	[tilespmem:s15+$0x600] =	vst v6;
	v3 =	vadd.f32 v5, v3;
	v4 =	vld [tilespmem:s14+$0x6B20]  }
0x618: {  	v5 =	vld [tilespmem:s14+$0xEB20]  }
0x619: {  	v6 =	vld [tilespmem:s14+$0x6410];
	[tilespmem:s15+$0x800] =	vst v3;
	v2 =	vadd.f32 v9, v2  }
0x61a: {  	v3 =	vld [tilespmem:s14+$0xE410]  }
0x61b: {  	v9 =	vld [tilespmem:s14+$0x6510];
	[tilespmem:s15+$0xA00] =	vst v2;
	v2 =	vadd.f32 v8, v7  }
0x61c: {  	v7 =	vld [tilespmem:s14+$0xE510]  }
0x61d: {  	v8 =	vld [tilespmem:s14+$0x6610];
	[tilespmem:s15+$0xC00] =	vst v2;
	v2 =	vadd.f32 v5, v4  }
0x61e: {  	v4 =	vld [tilespmem:s14+$0xE610]  }
0x61f: {  	v3 =	vadd.f32 v3, v6;
	v5 =	vld [tilespmem:s14+$0x6710];
	[tilespmem:s15+$0xE20] =	vst v2  }
0x620: {  	v2 =	vld [tilespmem:s14+$0x6B30]  }
0x621: {  	[tilespmem:s15+$0x10] =	vst v3;
	v3 =	vadd.f32 v7, v9;
	v6 =	vld [tilespmem:s14+$0xEB30]  }
0x622: {  	v7 =	vld [tilespmem:s14+$0xE710]  }
0x623: {  	[tilespmem:s15+$0x210] =	vst v3;
	v3 =	vadd.f32 v4, v8;
	v4 =	vld [tilespmem:s14+$0x6810]  }
0x624: {  	v8 =	vld [tilespmem:s14+$0xE810]  }
0x625: {  	[tilespmem:s15+$0x410] =	vst v3;
	v3 =	vld [tilespmem:s14+$0x6910]  }
0x626: {  	v9 =	vld [tilespmem:s14+$0xE910];
	v2 =	vadd.f32 v6, v2  }
0x627: {  	v5 =	vadd.f32 v7, v5;
	v6 =	vld [tilespmem:s14+$0x6A10]  }
0x628: {  	v7 =	vld [tilespmem:s14+$0xEA10];
	[tilespmem:s15+$0xE30] =	vst v2  }
0x629: {  	[tilespmem:s15+$0x610] =	vst v5;
	v2 =	vadd.f32 v8, v4;
	v4 =	vld [tilespmem:s14+$0x6B40]  }
0x62a: {  	v5 =	vld [tilespmem:s14+$0xEB40]  }
0x62b: {  	v8 =	vld [tilespmem:s14+$0x6420];
	[tilespmem:s15+$0x810] =	vst v2;
	v2 =	vadd.f32 v9, v3  }
0x62c: {  	v3 =	vld [tilespmem:s14+$0xE420]  }
0x62d: {  	v9 =	vld [tilespmem:s14+$0x6520];
	[tilespmem:s15+$0xA10] =	vst v2;
	v2 =	vadd.f32 v7, v6  }
0x62e: {  	v6 =	vld [tilespmem:s14+$0xE520]  }
0x62f: {  	v7 =	vld [tilespmem:s14+$0x6620];
	[tilespmem:s15+$0xC10] =	vst v2;
	v2 =	vadd.f32 v5, v4  }
0x630: {  	v4 =	vld [tilespmem:s14+$0xE620]  }
0x631: {  	v3 =	vadd.f32 v3, v8;
	v5 =	vld [tilespmem:s14+$0x6720];
	[tilespmem:s15+$0xE40] =	vst v2  }
0x632: {  	v2 =	vld [tilespmem:s14+$0x6B50]  }
0x633: {  	[tilespmem:s15+$0x20] =	vst v3;
	v3 =	vadd.f32 v6, v9;
	v6 =	vld [tilespmem:s14+$0xEB50]  }
0x634: {  	v8 =	vld [tilespmem:s14+$0xE720]  }
0x635: {  	[tilespmem:s15+$0x220] =	vst v3;
	v3 =	vadd.f32 v4, v7;
	v4 =	vld [tilespmem:s14+$0x6820]  }
0x636: {  	v7 =	vld [tilespmem:s14+$0xE820]  }
0x637: {  	[tilespmem:s15+$0x420] =	vst v3;
	v3 =	vld [tilespmem:s14+$0x6920]  }
0x638: {  	v9 =	vld [tilespmem:s14+$0xE920];
	v2 =	vadd.f32 v6, v2  }
0x639: {  	v5 =	vadd.f32 v8, v5;
	v6 =	vld [tilespmem:s14+$0x6A20]  }
0x63a: {  	v8 =	vld [tilespmem:s14+$0xEA20];
	[tilespmem:s15+$0xE50] =	vst v2  }
0x63b: {  	[tilespmem:s15+$0x620] =	vst v5;
	v2 =	vadd.f32 v7, v4;
	v4 =	vld [tilespmem:s14+$0x6B60]  }
0x63c: {  	v5 =	vld [tilespmem:s14+$0xEB60]  }
0x63d: {  	v7 =	vld [tilespmem:s14+$0x6430];
	[tilespmem:s15+$0x820] =	vst v2;
	v2 =	vadd.f32 v9, v3  }
0x63e: {  	v3 =	vld [tilespmem:s14+$0xE430]  }
0x63f: {  	v9 =	vld [tilespmem:s14+$0x6530];
	[tilespmem:s15+$0xA20] =	vst v2;
	v2 =	vadd.f32 v8, v6  }
0x640: {  	v6 =	vld [tilespmem:s14+$0xE530]  }
0x641: {  	v8 =	vld [tilespmem:s14+$0x6630];
	[tilespmem:s15+$0xC20] =	vst v2;
	v2 =	vadd.f32 v5, v4  }
0x642: {  	v4 =	vld [tilespmem:s14+$0xE630]  }
0x643: {  	v3 =	vadd.f32 v3, v7;
	v5 =	vld [tilespmem:s14+$0x6730];
	[tilespmem:s15+$0xE60] =	vst v2  }
0x644: {  	v2 =	vld [tilespmem:s14+$0x6B70]  }
0x645: {  	[tilespmem:s15+$0x30] =	vst v3;
	v3 =	vadd.f32 v6, v9;
	v6 =	vld [tilespmem:s14+$0xEB70]  }
0x646: {  	v7 =	vld [tilespmem:s14+$0xE730]  }
0x647: {  	[tilespmem:s15+$0x230] =	vst v3;
	v3 =	vadd.f32 v4, v8;
	v4 =	vld [tilespmem:s14+$0x6830]  }
0x648: {  	v8 =	vld [tilespmem:s14+$0xE830]  }
0x649: {  	[tilespmem:s15+$0x430] =	vst v3;
	v3 =	vld [tilespmem:s14+$0x6930]  }
0x64a: {  	v9 =	vld [tilespmem:s14+$0xE930];
	v2 =	vadd.f32 v6, v2  }
0x64b: {  	v5 =	vadd.f32 v7, v5;
	v6 =	vld [tilespmem:s14+$0x6A30]  }
0x64c: {  	v7 =	vld [tilespmem:s14+$0xEA30];
	[tilespmem:s15+$0xE70] =	vst v2  }
0x64d: {  	v2 =	vld [tilespmem:s14+$0x6440];
	[tilespmem:s15+$0x630] =	vst v5;
	v4 =	vadd.f32 v8, v4  }
0x64e: {  	v5 =	vld [tilespmem:s14+$0xE440]  }
0x64f: {  	v8 =	vld [tilespmem:s14+$0x6540];
	[tilespmem:s15+$0x830] =	vst v4;
	v3 =	vadd.f32 v9, v3  }
0x650: {  	v4 =	vld [tilespmem:s14+$0xE540]  }
0x651: {  	v9 =	vld [tilespmem:s14+$0x6640];
	[tilespmem:s15+$0xA30] =	vst v3;
	v3 =	vadd.f32 v7, v6  }
0x652: {  	v6 =	vld [tilespmem:s14+$0xE640]  }
0x653: {  	v2 =	vadd.f32 v5, v2;
	v5 =	vld [tilespmem:s14+$0x6740];
	[tilespmem:s15+$0xC30] =	vst v3  }
0x654: {  	v3 =	vld [tilespmem:s14+$0xE740]  }
0x655: {  	[tilespmem:s15+$0x40] =	vst v2;
	v2 =	vadd.f32 v4, v8;
	v4 =	vld [tilespmem:s14+$0x6840]  }
0x656: {  	v7 =	vld [tilespmem:s14+$0xE840]  }
0x657: {  	[tilespmem:s15+$0x240] =	vst v2;
	v2 =	vadd.f32 v6, v9;
	v6 =	vld [tilespmem:s14+$0x6940]  }
0x658: {  	v8 =	vld [tilespmem:s14+$0xE940]  }
0x659: {  	[tilespmem:s15+$0x440] =	vst v2;
	v2 =	vadd.f32 v3, v5;
	v3 =	vld [tilespmem:s14+$0x6A40]  }
0x65a: {  	v5 =	vld [tilespmem:s14+$0xEA40]  }
0x65b: {  	v9 =	vld [tilespmem:s14+$0x6450];
	[tilespmem:s15+$0x640] =	vst v2;
	v2 =	vadd.f32 v7, v4  }
0x65c: {  	v4 =	vld [tilespmem:s14+$0xE450]  }
0x65d: {  	v7 =	vld [tilespmem:s14+$0x6550];
	[tilespmem:s15+$0x840] =	vst v2;
	v2 =	vadd.f32 v8, v6  }
0x65e: {  	v6 =	vld [tilespmem:s14+$0xE550]  }
0x65f: {  	v8 =	vld [tilespmem:s14+$0x6650];
	[tilespmem:s15+$0xA40] =	vst v2;
	v2 =	vadd.f32 v5, v3  }
0x660: {  	v3 =	vld [tilespmem:s14+$0xE650]  }
0x661: {  	v4 =	vadd.f32 v4, v9;
	v5 =	vld [tilespmem:s14+$0x6750];
	[tilespmem:s15+$0xC40] =	vst v2  }
0x662: {  	v2 =	vld [tilespmem:s14+$0xE750]  }
0x663: {  	[tilespmem:s15+$0x50] =	vst v4;
	v4 =	vadd.f32 v6, v7;
	v6 =	vld [tilespmem:s14+$0x6850]  }
0x664: {  	v7 =	vld [tilespmem:s14+$0xE850]  }
0x665: {  	[tilespmem:s15+$0x250] =	vst v4;
	v3 =	vadd.f32 v3, v8;
	v4 =	vld [tilespmem:s14+$0x6950]  }
0x666: {  	v8 =	vld [tilespmem:s14+$0xE950]  }
0x667: {  	[tilespmem:s15+$0x450] =	vst v3;
	v2 =	vadd.f32 v2, v5;
	v3 =	vld [tilespmem:s14+$0x6A50]  }
0x668: {  	v5 =	vld [tilespmem:s14+$0xEA50]  }
0x669: {  	v9 =	vld [tilespmem:s14+$0x6460];
	[tilespmem:s15+$0x650] =	vst v2;
	v2 =	vadd.f32 v7, v6  }
0x66a: {  	v6 =	vld [tilespmem:s14+$0xE460]  }
0x66b: {  	v7 =	vld [tilespmem:s14+$0x6560];
	[tilespmem:s15+$0x850] =	vst v2;
	v2 =	vadd.f32 v8, v4  }
0x66c: {  	v4 =	vld [tilespmem:s14+$0xE560]  }
0x66d: {  	v8 =	vld [tilespmem:s14+$0x6660];
	[tilespmem:s15+$0xA50] =	vst v2;
	v2 =	vadd.f32 v5, v3  }
0x66e: {  	v3 =	vld [tilespmem:s14+$0xE660]  }
0x66f: {  	v5 =	vadd.f32 v6, v9;
	v6 =	vld [tilespmem:s14+$0x6760];
	[tilespmem:s15+$0xC50] =	vst v2  }
0x670: {  	v2 =	vld [tilespmem:s14+$0xE760]  }
0x671: {  	[tilespmem:s15+$0x60] =	vst v5;
	v4 =	vadd.f32 v4, v7;
	v5 =	vld [tilespmem:s14+$0x6860]  }
0x672: {  	v7 =	vld [tilespmem:s14+$0xE860]  }
0x673: {  	[tilespmem:s15+$0x260] =	vst v4;
	v3 =	vadd.f32 v3, v8;
	v4 =	vld [tilespmem:s14+$0x6960]  }
0x674: {  	v8 =	vld [tilespmem:s14+$0xE960]  }
0x675: {  	[tilespmem:s15+$0x460] =	vst v3;
	v2 =	vadd.f32 v2, v6;
	v6 =	vld [tilespmem:s14+$0x6A60]  }
0x676: {  	v9 =	vld [tilespmem:s14+$0xEA60]  }
0x677: {  	v10 =	vld [tilespmem:s14+$0x6470];
	[tilespmem:s15+$0x660] =	vst v2;
	v2 =	vadd.f32 v7, v5  }
0x678: {  	v5 =	vld [tilespmem:s14+$0xE470]  }
0x679: {  	v7 =	vld [tilespmem:s14+$0x6570];
	[tilespmem:s15+$0x860] =	vst v2;
	v2 =	vadd.f32 v8, v4  }
0x67a: {  	v4 =	vld [tilespmem:s14+$0xE570]  }
0x67b: {  	v3 =	vld [tilespmem:s14+$0x6670];
	[tilespmem:s15+$0xA60] =	vst v2;
	v8 =	vadd.f32 v9, v6  }
.Ltmp10:
0x67c: {  	v6 =	vld [tilespmem:s14+$0xE670];
	(pc) =	sbr.rel @p0 .LBB2_15-.Ltmp10, $4  }
0x67d: {  	v9 =	vadd.f32 v5, v10;
	v2 =	vld [tilespmem:s14+$0x6770];
	[tilespmem:s15+$0xC60] =	vst v8  }
0x67e: {  	v5 =	vld [tilespmem:s14+$0xE770]  }
0x67f: {  	[tilespmem:s15+$0x70] =	vst v9;
	v8 =	vadd.f32 v4, v7;
	v4 =	vld [tilespmem:s14+$0x6870]  }
0x680: {  	v7 =	vld [tilespmem:s14+$0xE870]  }
0x681: {  	v9 =	vld [tilespmem:s14+$0x6970]  }
0x682: {  	v10 =	vld [tilespmem:s14+$0xE970]  }
0x683: {  	v11 =	vld [tilespmem:s14+$0x6A70]  }
0x684: {  	v12 =	vld [tilespmem:s14+$0xEA70]  }
0x685: {  	v3 =	vadd.f32 v6, v3  }
0x686: {  	[tilespmem:s15+$0x270] =	vst v8;
	v2 =	vadd.f32 v5, v2  }
.Ltmp11:
0x687: {  	[tilespmem:s15+$0x470] =	vst v3;
	v3 =	vadd.f32 v7, v4;
	(pc) =	sbr.rel @p1 .LBB2_18-.Ltmp11, $4  }
0x688: {  	[tilespmem:s15+$0x670] =	vst v2;
	v2 =	vadd.f32 v10, v9  }
0x689: {  	[tilespmem:s15+$0x870] =	vst v3;
	v3 =	vadd.f32 v12, v11  }
0x68a: {  	[tilespmem:s15+$0xA70] =	vst v2  }
0x68b: {  	[tilespmem:s15+$0xC70] =	vst v3  }
0x68c: {  	v2 =	vld.msk [tilespmem:s8+$0xE], $0x3;
	_ =	sdelay $0x4  }
0x68d: {  	v3 =	vshll.u32 v2, $0x3  }
0x68e: {  	v2 =	vand.u32 $0x7, v2;
	v3 =	vand.u32 $0xFFFFFFC0, v3  }
0x68f: {  	v2 =	vor.u32 v2, v3  }
0x690: {  	v2 =	vperm.xlane v2, v0;
	_ =	sdelay $0x1  }
0x691: {  	v2 =	vadd.s32 v1, v2;
	_ =	sdelay $0x3  }
0x692: {  	s11 =	simm.s32 $0x6400  }
0x693: {  	[tilespmem:s11], [sflag:$0x4] =	stream.indirect_vreg.gather [hbm4b:s1+s5], $0x80, v2, vm0, $0xb8;
	[tilespmem:$0x18400] =	vst v63  }
0x694: {  	v2 =	vld.msk [tilespmem:s8+$0x20E], $0x3;
	_ =	sdelay $0x4  }
0x695: {  	v3 =	vshll.u32 v2, $0x3  }
0x696: {  	v2 =	vand.u32 $0x7, v2;
	v3 =	vand.u32 $0xFFFFFFC0, v3  }
0x697: {  	v2 =	vor.u32 v2, v3  }
0x698: {  	v2 =	vperm.xlane v2, v0;
	_ =	sdelay $0x1  }
0x699: {  	v2 =	vadd.s32 v1, v2;
	_ =	sdelay $0x2  }
0x69a: {  	s15 =	sadd.s32 $0xE, s8  }
0x69b: {  	s14 =	simm.s32 $0xE400;
	s11 =	sand.u32 $0xFE, s15  }
0x69c: {  	[tilespmem:s14], [sflag:$0x8] =	stream.indirect_vreg.gather [hbm4b:s3+s5], $0x80, v2, vm0, $0xb8;
	[tilespmem:$0x18400] =	vst v63  }
0x69d: {  	v2 =	vld.msk [tilespmem:s11+$0x80], $0x3;
	_ =	sdelay $0x4  }
0x69e: {  	v3 =	vshll.u32 v2, $0x3  }
0x69f: {  	v2 =	vand.u32 $0x7, v2;
	v3 =	vand.u32 $0xFFFFFFC0, v3  }
0x6a0: {  	v2 =	vor.u32 v2, v3  }
0x6a1: {  	v2 =	vperm.xlane v2, v0;
	_ =	sdelay $0x1  }
0x6a2: {  	v2 =	vadd.s32 v1, v2;
	_ =	sdelay $0x3  }
0x6a3: {  	s16 =	simm.s32 $0x6C00  }
0x6a4: {  	[tilespmem:s16], [sflag:$0x4] =	stream.indirect_vreg.gather [hbm4b:s1+s5], $0x80, v2, vm0, $0xb8;
	[tilespmem:$0x18400] =	vst v63  }
0x6a5: {  	v2 =	vld.msk [tilespmem:s11+$0x280], $0x3;
	_ =	sdelay $0x4  }
0x6a6: {  	v3 =	vshll.u32 v2, $0x3  }
0x6a7: {  	v2 =	vand.u32 $0x7, v2;
	v3 =	vand.u32 $0xFFFFFFC0, v3  }
0x6a8: {  	v2 =	vor.u32 v2, v3  }
0x6a9: {  	v2 =	vperm.xlane v2, v0;
	_ =	sdelay $0x1  }
0x6aa: {  	v2 =	vadd.s32 v1, v2;
	_ =	sdelay $0x3  }
0x6ab: {  	s17 =	simm.s32 $0xEC00  }
0x6ac: {  	[tilespmem:s17], [sflag:$0x8] =	stream.indirect_vreg.gather [hbm4b:s3+s5], $0x80, v2, vm0, $0xb8;
	[tilespmem:$0x18400] =	vst v63  }
0x6ad: {  	v2 =	vld.msk [tilespmem:s8+$0x10E], $0x3;
	_ =	sdelay $0x4  }
0x6ae: {  	v3 =	vshll.u32 v2, $0x3  }
0x6af: {  	v2 =	vand.u32 $0x7, v2;
	v3 =	vand.u32 $0xFFFFFFC0, v3  }
0x6b0: {  	v2 =	vor.u32 v2, v3  }
0x6b1: {  	v2 =	vperm.xlane v2, v0;
	_ =	sdelay $0x1  }
0x6b2: {  	v2 =	vadd.s32 v1, v2;
	_ =	sdelay $0x3  }
0x6b3: {  	s18 =	simm.s32 $0x7400  }
0x6b4: {  	[tilespmem:s18], [sflag:$0x4] =	stream.indirect_vreg.gather [hbm4b:s1+s5], $0x80, v2, vm0, $0xb8;
	[tilespmem:$0x18400] =	vst v63  }
0x6b5: {  	v2 =	vld.msk [tilespmem:s8+$0x30E], $0x3;
	_ =	sdelay $0x4  }
0x6b6: {  	v3 =	vshll.u32 v2, $0x3  }
0x6b7: {  	v2 =	vand.u32 $0x7, v2;
	v3 =	vand.u32 $0xFFFFFFC0, v3  }
0x6b8: {  	v2 =	vor.u32 v2, v3  }
0x6b9: {  	v2 =	vperm.xlane v2, v0;
	_ =	sdelay $0x1  }
0x6ba: {  	v2 =	vadd.s32 v1, v2;
	_ =	sdelay $0x3  }
0x6bb: {  	s19 =	simm.s32 $0xF400  }
0x6bc: {  	[tilespmem:s19], [sflag:$0x8] =	stream.indirect_vreg.gather [hbm4b:s3+s5], $0x80, v2, vm0, $0xb8;
	[tilespmem:$0x18400] =	vst v63  }
0x6bd: {  	v2 =	vld.msk [tilespmem:s11+$0x180], $0x3;
	_ =	sdelay $0x4  }
0x6be: {  	v3 =	vshll.u32 v2, $0x3  }
0x6bf: {  	v2 =	vand.u32 $0x7, v2;
	v3 =	vand.u32 $0xFFFFFFC0, v3  }
0x6c0: {  	v2 =	vor.u32 v2, v3  }
0x6c1: {  	v2 =	vperm.xlane v2, v0;
	_ =	sdelay $0x1  }
0x6c2: {  	v2 =	vadd.s32 v1, v2;
	_ =	sdelay $0x3  }
0x6c3: {  	s20 =	simm.s32 $0x7C00  }
0x6c4: {  	[tilespmem:s20], [sflag:$0x4] =	stream.indirect_vreg.gather [hbm4b:s1+s5], $0x80, v2, vm0, $0xb8;
	[tilespmem:$0x18400] =	vst v63  }
0x6c5: {  	v2 =	vld.msk [tilespmem:s11+$0x380], $0x3;
	_ =	sdelay $0x4  }
0x6c6: {  	v3 =	vshll.u32 v2, $0x3  }
0x6c7: {  	v2 =	vand.u32 $0x7, v2;
	v3 =	vand.u32 $0xFFFFFFC0, v3  }
0x6c8: {  	v2 =	vor.u32 v2, v3  }
0x6c9: {  	v2 =	vperm.xlane v2, v0;
	_ =	sdelay $0x1  }
0x6ca: {  	v2 =	vadd.s32 v1, v2  }
.Ltmp12:
0x6cb: {  	_ = 	snop;
	(pc) =	sbr.rel .LBB2_18-.Ltmp12, $2  }
0x6cc: {  	_ =	sdelay $0x2  }
0x6cd: {  	[tilespmem:s21], [sflag:$0x8] =	stream.indirect_vreg.gather [hbm4b:s3+s5], $0x80, v2, vm0, $0xb8;
	[tilespmem:$0x18400] =	vst v63  }
.LBB2_20:
0x6ce: {  	_ =	sfence.sel $0x180000  }
0x6cf: {  	[bflag:$0x0] =	sbarrier.arrive $0xFFFF  }
0x6d0: {  	_ =	strace $0x90000047  }
0x6d1: {  	s0 =	stileid.u32;
	[bflag:$0x2] =	sbarrier.arrive $0xFFFF  }
0x6d2: {  	p0 =	sne.s32 s0, $0x0;
	s0 =	rddreg [dreg:$0x5]  }
0x6d3: {  	s0 =	sadd.s32 @!p0 $0x100000, s0  }
0x6d4: {  	[sflag:s0] =	ssyncadd.tile.s32 @!p0 $0x1;
	_ =	shalt  }
.Lfunc_end2:
_tile_overlayer_lowered:
.L_overlay_start_2:
0x6d5: {  	(tag) =	ssettag $0x2  }
0x6d6: {  	s0 =	rddreg [dreg:$0x0];
	s2 =	stileid.u32  }
0x6d7: {  	s1 =	rddreg [dreg:$0x1];
	p0 =	sne.s32 s2, $0x0  }
0x6d8: {  	s3 =	rddreg [dreg:$0x2];
	[bflag:$0x3] =	sbarrier.arrive $0xFFFF;
	s2 =	simm.s32 @!p0 $0x1C0D  }
0x6d9: {  	[timem:s3], [sflag:s2] =	dma.local @!p0 [hbm:s0], s1  }
0x6da: {  	s0 =	simm.s32 @!p0 $0xD  }
0x6db: {  	_ =	swait.ge @!p0 [sflag:s0], s1  }
0x6dc: {  	s1 =	ssub.s32 @!p0 $0x0, s1;
	[sflag:s0] =	ssyncset.done @!p0 $0x0  }
0x6dd: {  	[sflag:s0] =	ssyncadd.s32 @!p0 s1  }
0x6de: {  	[bflag:$0x3] =	sbarrier.arrive $0xFFFF  }
0x6df: {  	_ =	shalt  }

</sc_bundles>
